<compile_context>
chip_gen: v7x
topology: tpu7x:2x2x1
jax: 0.10.2.dev20260603
libtpu: 0.0.44.dev20260713+nightly
codegen_flags: <defaults>
</compile_context>

<pallas_src>
import functools

import jax
import jax.numpy as jnp
from jax import lax
from jax.experimental import pallas as pl
from jax.experimental.pallas import tpu as pltpu
from jax.experimental.pallas import tpu_sc as plsc

NN = 100000
NP = 100352
NROW = NP // 128
NP16 = NP // 16
EE = 6400000
NC, NS = 2, 16
NWK = NC * NS
NG = EE // 1024
GPW = NG // NWK
EXTRA = NG - GPW * NWK

_MESH = plsc.VectorSubcoreMesh(core_axis_name="c", subcore_axis_name="s")
_F32 = jnp.float32


def _worker():
    cid = lax.axis_index("c")
    sid = lax.axis_index("s")
    return cid, sid, sid * NC + cid


def _group_range(wid):
    base = wid * GPW + jnp.minimum(wid, EXTRA)
    ng = GPW + jnp.where(wid < EXTRA, 1, 0)
    return base, ng


def _zero_slice(stage, dst_shared, slc):
    def zb(i, carry):
        stage[pl.ds(i * 16, 16)] = jnp.zeros((16,), _F32)
        return carry
    lax.fori_loop(0, NP16 // 16, zb, 0)
    pltpu.sync_copy(stage, dst_shared.at[slc])


def _stage_in(src_hbm, dst_shared, stage, slc):
    pltpu.sync_copy(src_hbm.at[slc], stage)
    pltpu.sync_copy(stage, dst_shared.at[slc])


def _stage_out(src_shared, dst_hbm, stage, slc, cid):
    pltpu.sync_copy(src_shared.at[slc], stage)
    pltpu.sync_copy(stage, dst_hbm.at[cid].at[slc])


def _deg_body(dst_rows, out, acc, dst_idx, ones_v, stage, sem):
    cid, sid, wid = _worker()
    slc = pl.ds(sid * NP16, NP16)
    _zero_slice(stage, acc, slc)
    for i in range(8):
        ones_v[pl.ds(i * 16, 16)] = jnp.full((16,), 1.0, _F32)
    plsc.subcore_barrier()
    base, ng = _group_range(wid)

    def grp(g, carry):
        pltpu.sync_copy(dst_rows.at[base + g], dst_idx)
        descs = [
            pltpu.async_copy(ones_v, acc.at[dst_idx.at[j]], sem, add=True)
            for j in range(8)
        ]
        for d in descs:
            d.wait()
        return carry

    lax.fori_loop(0, ng, grp, 0)
    plsc.subcore_barrier()
    _stage_out(acc, out, stage, slc, cid)


_deg_pass = functools.partial(
    pl.kernel,
    _deg_body,
    out_type=jax.ShapeDtypeStruct((NC, NP), _F32),
    mesh=_MESH,
    scratch_types=[
        pltpu.VMEM_SHARED((NP,), _F32),
        pltpu.VMEM((8, 128), jnp.int32),
        pltpu.VMEM((128,), _F32),
        pltpu.VMEM((NP16,), _F32),
        pltpu.SemaphoreType.DMA,
    ],
)()


def _seg1_body(src_rows, dst_rows, u_hbm, out, tbl, acc, src_idx, dst_idx,
               vals, stage, sem_g, sem_s):
    cid, sid, wid = _worker()
    slc = pl.ds(sid * NP16, NP16)
    _zero_slice(stage, acc, slc)
    _stage_in(u_hbm, tbl, stage, slc)
    plsc.subcore_barrier()
    base, ng = _group_range(wid)

    def grp(g, carry):
        pltpu.sync_copy(src_rows.at[base + g], src_idx)
        pltpu.sync_copy(dst_rows.at[base + g], dst_idx)
        gd = [
            pltpu.async_copy(tbl.at[src_idx.at[j]], vals.at[j], sem_g)
            for j in range(8)
        ]
        for d in gd:
            d.wait()
        sd = [
            pltpu.async_copy(vals.at[j], acc.at[dst_idx.at[j]], sem_s, add=True)
            for j in range(8)
        ]
        for d in sd:
            d.wait()
        return carry

    lax.fori_loop(0, ng, grp, 0)
    plsc.subcore_barrier()
    _stage_out(acc, out, stage, slc, cid)


_seg1_pass = functools.partial(
    pl.kernel,
    _seg1_body,
    out_type=jax.ShapeDtypeStruct((NC, NP), _F32),
    mesh=_MESH,
    scratch_types=[
        pltpu.VMEM_SHARED((NP,), _F32),
        pltpu.VMEM_SHARED((NP,), _F32),
        pltpu.VMEM((8, 128), jnp.int32),
        pltpu.VMEM((8, 128), jnp.int32),
        pltpu.VMEM((8, 128), _F32),
        pltpu.VMEM((NP16,), _F32),
        pltpu.SemaphoreType.DMA,
        pltpu.SemaphoreType.DMA,
    ],
)()


def _seg2_body(src_rows, dst_rows, v0_hbm, v1_hbm, out0, out1, tbl0, tbl1,
               acc0, acc1, src_idx, dst_idx, vals0, vals1, stage,
               sem_g, sem_s):
    cid, sid, wid = _worker()
    slc = pl.ds(sid * NP16, NP16)
    _zero_slice(stage, acc0, slc)
    _zero_slice(stage, acc1, slc)
    _stage_in(v0_hbm, tbl0, stage, slc)
    _stage_in(v1_hbm, tbl1, stage, slc)
    plsc.subcore_barrier()
    base, ng = _group_range(wid)

    def grp(g, carry):
        pltpu.sync_copy(src_rows.at[base + g], src_idx)
        pltpu.sync_copy(dst_rows.at[base + g], dst_idx)
        gd = [
            pltpu.async_copy(tbl0.at[src_idx.at[j]], vals0.at[j], sem_g)
            for j in range(8)
        ] + [
            pltpu.async_copy(tbl1.at[src_idx.at[j]], vals1.at[j], sem_g)
            for j in range(8)
        ]
        for d in gd:
            d.wait()
        sd = [
            pltpu.async_copy(vals0.at[j], acc0.at[dst_idx.at[j]], sem_s, add=True)
            for j in range(8)
        ] + [
            pltpu.async_copy(vals1.at[j], acc1.at[dst_idx.at[j]], sem_s, add=True)
            for j in range(8)
        ]
        for d in sd:
            d.wait()
        return carry

    lax.fori_loop(0, ng, grp, 0)
    plsc.subcore_barrier()
    _stage_out(acc0, out0, stage, slc, cid)
    _stage_out(acc1, out1, stage, slc, cid)


_seg2_pass = functools.partial(
    pl.kernel,
    _seg2_body,
    out_type=(jax.ShapeDtypeStruct((NC, NP), _F32),
              jax.ShapeDtypeStruct((NC, NP), _F32)),
    mesh=_MESH,
    scratch_types=[
        pltpu.VMEM_SHARED((NP,), _F32),
        pltpu.VMEM_SHARED((NP,), _F32),
        pltpu.VMEM_SHARED((NP,), _F32),
        pltpu.VMEM_SHARED((NP,), _F32),
        pltpu.VMEM((8, 128), jnp.int32),
        pltpu.VMEM((8, 128), jnp.int32),
        pltpu.VMEM((8, 128), _F32),
        pltpu.VMEM((8, 128), _F32),
        pltpu.VMEM((NP16,), _F32),
        pltpu.SemaphoreType.DMA,
        pltpu.SemaphoreType.DMA,
    ],
)()



_VSPEC = pl.BlockSpec(memory_space=pltpu.MemorySpace.VMEM)
_SSPEC = pl.BlockSpec(memory_space=pltpu.MemorySpace.SMEM)


def _tc1_body(degp, xp, dinv, u):
    d = degp[0] + degp[1] + 1.0
    r = lax.rsqrt(d)
    dinv[...] = r
    u[...] = xp[...] * r


def _tc1(degp, xp):
    return pl.pallas_call(
        _tc1_body,
        out_shape=(jax.ShapeDtypeStruct((NROW, 128), _F32),
                   jax.ShapeDtypeStruct((NROW, 128), _F32)),
        in_specs=[_VSPEC, _VSPEC],
        out_specs=(_VSPEC, _VSPEC),
    )(degp, xp)


def _tc2_body(dinv_r, u_r, sp_r, w1_r, b1_r, w2_r, v0_r, v1_r):
    dinv = dinv_r[...]
    s = dinv * (sp_r[0] + sp_r[1] + u_r[...])
    g0 = jnp.zeros_like(s)
    g1 = jnp.zeros_like(s)
    for j in range(16):
        h = jnp.maximum(s * w1_r[0, j] + b1_r[0, j], 0.0)
        g0 = g0 + h * w2_r[j, 0]
        g1 = g1 + h * w2_r[j, 1]
    v0_r[...] = g0 * dinv
    v1_r[...] = g1 * dinv


def _tc2(dinv, u, sp, w1, b1, w2):
    return pl.pallas_call(
        _tc2_body,
        out_shape=(jax.ShapeDtypeStruct((NROW, 128), _F32),
                   jax.ShapeDtypeStruct((NROW, 128), _F32)),
        in_specs=[_VSPEC, _VSPEC, _VSPEC, _SSPEC, _SSPEC, _SSPEC],
        out_specs=(_VSPEC, _VSPEC),
    )(dinv, u, sp, w1, b1, w2)


def _tc3_body(dinv_r, v0_r, v1_r, t0_r, t1_r, b2_r, o0_r, o1_r):
    dinv = dinv_r[...]
    o0_r[...] = dinv * (t0_r[0] + t0_r[1] + v0_r[...]) + b2_r[0, 0]
    o1_r[...] = dinv * (t1_r[0] + t1_r[1] + v1_r[...]) + b2_r[0, 1]


def _tc3(dinv, v0, v1, t0, t1, b2):
    return pl.pallas_call(
        _tc3_body,
        out_shape=(jax.ShapeDtypeStruct((NROW, 128), _F32),
                   jax.ShapeDtypeStruct((NROW, 128), _F32)),
        in_specs=[_VSPEC, _VSPEC, _VSPEC, _VSPEC, _VSPEC, _SSPEC],
        out_specs=(_VSPEC, _VSPEC),
    )(dinv, v0, v1, t0, t1, b2)


def kernel(x, edge_index, W1, b1, W2, b2):
    src_rows = edge_index[0].reshape(NG, 8, 128)
    dst_rows = edge_index[1].reshape(NG, 8, 128)
    xp = jnp.pad(x[:, 0], (0, NP - NN)).reshape(NROW, 128)

    degp = _deg_pass(dst_rows).reshape(NC, NROW, 128)
    dinv, u = _tc1(degp, xp)

    sp = _seg1_pass(src_rows, dst_rows, u.reshape(NP)).reshape(NC, NROW, 128)
    v0, v1 = _tc2(dinv, u, sp, W1, b1.reshape(1, 16), W2)

    t0, t1 = _seg2_pass(src_rows, dst_rows, v0.reshape(NP), v1.reshape(NP))
    o0, o1 = _tc3(dinv, v0, v1, t0.reshape(NC, NROW, 128),
                  t1.reshape(NC, NROW, 128), b2.reshape(1, 2))

    return jnp.stack([o0.reshape(NP)[:NN], o1.reshape(NP)[:NN]], axis=1)

# --- scband reference (transcript-rebuilt; emitter-appended) ---
"""Pipeline reference for scband-gnn-52896817217884 (READ-ONLY COPY).

The authoritative reference and input builder live on the scoring server;
editing this copy changes nothing except your own understanding.
"""

import jax, jax.numpy as jnp
import numpy as np

N_NODES = 100000


def gcn_conv(x, edge_index, W, b, num_nodes):
    # x: [N, in], W: [in, out], b: [out]
    src = edge_index[0]
    dst = edge_index[1]
    # add self-loops (PyG GCNConv default add_self_loops=True)
    loop = jnp.arange(num_nodes, dtype=edge_index.dtype)
    src = jnp.concatenate([src, loop])
    dst = jnp.concatenate([dst, loop])
    # linear transform
    h = x @ W
    # symmetric normalization: deg from edge weights (all ones) scattered at dst
    deg = jnp.zeros((num_nodes,), dtype=h.dtype).at[dst].add(1.0)
    deg_inv_sqrt = jnp.where(deg > 0, deg ** -0.5, 0.0)
    norm = deg_inv_sqrt[src] * deg_inv_sqrt[dst]
    # gather, scale, scatter-add
    msg = h[src] * norm[:, None]
    out = jax.ops.segment_sum(msg, dst, num_segments=num_nodes)
    return out + b


def setup_inputs(seed: int = 0) -> dict:
    key = jax.random.key(seed)
    k1, k2, k3, k4, k5, k6 = jax.random.split(key, 6)
    x = jax.random.normal(k1, (N_NODES, 1), dtype=jnp.float32)
    edge_index = jax.random.randint(k2, (2, 6400000), 0, N_NODES, dtype=jnp.int64)
    # GCNConv(1, 16) params (glorot-ish init)
    W1 = jax.random.normal(k3, (1, 16), dtype=jnp.float32) * (1.0 / np.sqrt(1))
    b1 = jnp.zeros((16,), dtype=jnp.float32)
    # GCNConv(16, 2) params
    W2 = jax.random.normal(k4, (16, 2), dtype=jnp.float32) * (1.0 / np.sqrt(16))
    b2 = jnp.zeros((2,), dtype=jnp.float32)
    return {"x": x, "edge_index": edge_index, "W1": W1, "b1": b1, "W2": W2, "b2": b2}


def reference(x, edge_index, W1, b1, W2, b2):
    h = gcn_conv(x, edge_index, W1, b1, N_NODES)
    h = jax.nn.relu(h)
    out = gcn_conv(h, edge_index, W2, b2, N_NODES)
    return out

if __name__ == "__main__":
    import jax
    _d = setup_inputs()
    print(jax.jit(kernel)(*tuple(_d.values())))

</pallas_src>

<mosaic_0001>
#map = affine_map<(d0, d1) -> (0, 0, 0)>
#map1 = affine_map<(d0, d1) -> (0)>
#map2 = affine_map<(d0, d1) -> (0, 0)>
module attributes {stable_mosaic.version = 14 : i64} {
  func.func @_seg1_body(%arg0: i32, %arg1: i32, %arg2: memref<6250x8x128xi32, #tpu.memory_space<hbm>>, %arg3: memref<6250x8x128xi32, #tpu.memory_space<hbm>>, %arg4: memref<100352xf32, #tpu.memory_space<hbm>>, %arg5: memref<2x100352xf32, #tpu.memory_space<hbm>>, %arg6: memref<100352xf32, #tpu.memory_space<vmem_shared>>, %arg7: memref<100352xf32, #tpu.memory_space<vmem_shared>>, %arg8: memref<8x128xi32, #tpu.memory_space<vmem>>, %arg9: memref<8x128xi32, #tpu.memory_space<vmem>>, %arg10: memref<8x128xf32, #tpu.memory_space<vmem>>, %arg11: memref<6272xf32, #tpu.memory_space<vmem>>, %arg12: memref<!tpu.dma_semaphore, #tpu.memory_space<semaphore_mem>>, %arg13: memref<!tpu.dma_semaphore, #tpu.memory_space<semaphore_mem>>) attributes {dimension_semantics = [#tpu.dimension_semantics<core_parallel>, #tpu.dimension_semantics<subcore_parallel>], iteration_bounds = array<i64: 2, 16>, scalar_prefetch = 0 : i64, scratch_operands = 8 : i64, tpu.core_type = #tpu.core_type<sc_vector_subcore>, window_params = [{transform_indices = #map}, {transform_indices = #map}, {transform_indices = #map1}, {transform_indices = #map2}]} {
    %mul3A = arith.constant 2 : i32
    %mul3A_0 = arith.muli %arg1, %mul3A : i32
    %add3A = arith.addi %mul3A_0, %arg0 : i32
    %mul3A_1 = arith.constant 6272 : i32
    %mul3A_2 = arith.muli %arg1, %mul3A_1 : i32
    %scan3A = arith.constant 0 : i32
    %scan3A_3 = arith.constant 0 : i32
    %scan3A_4 = arith.constant 392 : i32
    %scan3A_5 = arith.addi %scan3A_3, %scan3A_4 : i32
    %scan3A_6 = arith.constant 1 : i32
    scf.for %scan3A_26 = %scan3A_3 to %scan3A_5 step %scan3A_6  : i32 {
      %broadcast_in_dim3A = arith.constant 0.000000e+00 : f32
      %broadcast_in_dim3A_27 = vector.broadcast %broadcast_in_dim3A : f32 to vector<16xf32>
      %mul3A_28 = arith.constant 16 : i32
      %mul3A_29 = arith.muli %scan3A_26, %mul3A_28 : i32
      %swap3A = arith.index_cast %mul3A_29 : i32 to index
      %swap3A_30 = tpu.vector_load %arg11[%swap3A] {strides = array<i32>} : memref<6272xf32, #tpu.memory_space<vmem>>, vector<16xf32>,
      %swap3A_31 = vector.shape_cast %swap3A_30 : vector<16xf32> to vector<16xf32>
      %swap3A_32 = vector.shape_cast %broadcast_in_dim3A_27 : vector<16xf32> to vector<16xf32>
      tpu.vector_store %arg11[%swap3A], %swap3A_32 {strides = array<i32>} : memref<6272xf32, #tpu.memory_space<vmem>>, vector<16xf32>,
    }
    %scan3A_7 = arith.constant 392 : i32
    "tpu.region"() ({
      %run_scoped3A = tpu.sem_alloc : memref<!tpu.dma_semaphore, #tpu.memory_space<semaphore_mem>>
      %dma_start3A = tpu.memref_slice %arg7[%mul3A_2] : memref<100352xf32, #tpu.memory_space<vmem_shared>> -> memref<6272xf32, #tpu.memory_space<vmem_shared>>
      %dma_start3A_26 = tpu.memref_slice %arg7[%mul3A_2] : memref<100352xf32, #tpu.memory_space<vmem_shared>> -> memref<6272xf32, #tpu.memory_space<vmem_shared>>
      tpu.enqueue_dma source(%arg11 : memref<6272xf32, #tpu.memory_space<vmem>>) target(%dma_start3A_26 : memref<6272xf32, #tpu.memory_space<vmem_shared>>) target_semaphore(%run_scoped3A : memref<!tpu.dma_semaphore, #tpu.memory_space<semaphore_mem>>)
      %dma_wait3A = tpu.memref_slice %arg7[%mul3A_2] : memref<100352xf32, #tpu.memory_space<vmem_shared>> -> memref<6272xf32, #tpu.memory_space<vmem_shared>>
      %dma_wait3A_27 = tpu.memref_slice %arg7[%mul3A_2] : memref<100352xf32, #tpu.memory_space<vmem_shared>> -> memref<6272xf32, #tpu.memory_space<vmem_shared>>
      tpu.wait_dma2 semaphore(%run_scoped3A : memref<!tpu.dma_semaphore, #tpu.memory_space<semaphore_mem>>) src(%arg11 : memref<6272xf32, #tpu.memory_space<vmem>>) dst(%dma_wait3A_27 : memref<6272xf32, #tpu.memory_space<vmem_shared>>)
      tpu.yield
    }) : () -> ()
    "tpu.region"() ({
      %run_scoped3A = tpu.sem_alloc : memref<!tpu.dma_semaphore, #tpu.memory_space<semaphore_mem>>
      %dma_start3A = tpu.memref_slice %arg4[%mul3A_2] : memref<100352xf32, #tpu.memory_space<hbm>> -> memref<6272xf32, #tpu.memory_space<hbm>>
      %dma_start3A_26 = tpu.memref_slice %arg4[%mul3A_2] : memref<100352xf32, #tpu.memory_space<hbm>> -> memref<6272xf32, #tpu.memory_space<hbm>>
      tpu.enqueue_dma source(%dma_start3A_26 : memref<6272xf32, #tpu.memory_space<hbm>>) target(%arg11 : memref<6272xf32, #tpu.memory_space<vmem>>) target_semaphore(%run_scoped3A : memref<!tpu.dma_semaphore, #tpu.memory_space<semaphore_mem>>)
      %dma_wait3A = tpu.memref_slice %arg4[%mul3A_2] : memref<100352xf32, #tpu.memory_space<hbm>> -> memref<6272xf32, #tpu.memory_space<hbm>>
      %dma_wait3A_27 = tpu.memref_slice %arg4[%mul3A_2] : memref<100352xf32, #tpu.memory_space<hbm>> -> memref<6272xf32, #tpu.memory_space<hbm>>
      tpu.wait_dma2 semaphore(%run_scoped3A : memref<!tpu.dma_semaphore, #tpu.memory_space<semaphore_mem>>) src(%dma_wait3A_27 : memref<6272xf32, #tpu.memory_space<hbm>>) dst(%arg11 : memref<6272xf32, #tpu.memory_space<vmem>>)
      tpu.yield
    }) : () -> ()
    "tpu.region"() ({
      %run_scoped3A = tpu.sem_alloc : memref<!tpu.dma_semaphore, #tpu.memory_space<semaphore_mem>>
      %dma_start3A = tpu.memref_slice %arg6[%mul3A_2] : memref<100352xf32, #tpu.memory_space<vmem_shared>> -> memref<6272xf32, #tpu.memory_space<vmem_shared>>
      %dma_start3A_26 = tpu.memref_slice %arg6[%mul3A_2] : memref<100352xf32, #tpu.memory_space<vmem_shared>> -> memref<6272xf32, #tpu.memory_space<vmem_shared>>
      tpu.enqueue_dma source(%arg11 : memref<6272xf32, #tpu.memory_space<vmem>>) target(%dma_start3A_26 : memref<6272xf32, #tpu.memory_space<vmem_shared>>) target_semaphore(%run_scoped3A : memref<!tpu.dma_semaphore, #tpu.memory_space<semaphore_mem>>)
      %dma_wait3A = tpu.memref_slice %arg6[%mul3A_2] : memref<100352xf32, #tpu.memory_space<vmem_shared>> -> memref<6272xf32, #tpu.memory_space<vmem_shared>>
      %dma_wait3A_27 = tpu.memref_slice %arg6[%mul3A_2] : memref<100352xf32, #tpu.memory_space<vmem_shared>> -> memref<6272xf32, #tpu.memory_space<vmem_shared>>
      tpu.wait_dma2 semaphore(%run_scoped3A : memref<!tpu.dma_semaphore, #tpu.memory_space<semaphore_mem>>) src(%arg11 : memref<6272xf32, #tpu.memory_space<vmem>>) dst(%dma_wait3A_27 : memref<6272xf32, #tpu.memory_space<vmem_shared>>)
      tpu.yield
    }) : () -> ()
    %barrier3A = arith.constant 0 : index
    tpu.barrier barrier_id(%barrier3A)
    %mul3A_8 = arith.constant 195 : i32
    %mul3A_9 = arith.muli %add3A, %mul3A_8 : i32
    %min3A = arith.constant 10 : i32
    %min3A_10 = arith.minsi %add3A, %min3A : i32
    %add3A_11 = arith.addi %mul3A_9, %min3A_10 : i32
    %lt3A = arith.constant 10 : i32
    %lt3A_12 = arith.cmpi slt, %add3A, %lt3A : i32
    %jit3A = arith.constant 1 : i32
    %jit3A_13 = arith.constant 0 : i32
    %select_n3A = arith.select %lt3A_12, %jit3A, %jit3A_13 : i32
    %add3A_14 = arith.constant 195 : i32
    %add3A_15 = arith.addi %add3A_14, %select_n3A : i32
    %while3A = arith.constant 0 : i32
    %while3A_16 = arith.constant 0 : i32
    %while3A_17 = arith.subi %add3A_15, %while3A_16 : i32
    %while3A_18 = arith.addi %while3A_16, %while3A_17 : i32
    %while3A_19 = arith.constant 1 : i32
    %while3A_20 = arith.divsi %while3A_17, %while3A_19 : i32
    %while3A_21 = arith.muli %while3A_20, %while3A_19 : i32
    %while3A_22 = arith.addi %while3A_16, %while3A_21 : i32
    %while3A_23 = arith.constant 1 : i32
    scf.for %while3A_26 = %while3A_16 to %while3A_22 step %while3A_23  : i32 {
      %add3A_27 = arith.addi %add3A_11, %while3A_26 : i32
      "tpu.region"() ({
        %run_scoped3A = tpu.sem_alloc : memref<!tpu.dma_semaphore, #tpu.memory_space<semaphore_mem>>
        %dma_start3A_347 = arith.constant 0 : i32
        %dma_start3A_348 = arith.constant 0 : i32
        %dma_start3A_349 = tpu.memref_slice %arg2[%add3A_27, %dma_start3A_347, %dma_start3A_348] : memref<6250x8x128xi32, #tpu.memory_space<hbm>> -> memref<1x8x128xi32, #tpu.memory_space<hbm>>
        %dma_start3A_350 = tpu.memref_squeeze %dma_start3A_349 : memref<1x8x128xi32, #tpu.memory_space<hbm>> -> memref<8x128xi32, #tpu.memory_space<hbm>>
        %dma_start3A_351 = arith.constant 0 : i32
        %dma_start3A_352 = arith.constant 0 : i32
        %dma_start3A_353 = tpu.memref_slice %arg2[%add3A_27, %dma_start3A_351, %dma_start3A_352] : memref<6250x8x128xi32, #tpu.memory_space<hbm>> -> memref<1x8x128xi32, #tpu.memory_space<hbm>>
        %dma_start3A_354 = tpu.memref_squeeze %dma_start3A_353 : memref<1x8x128xi32, #tpu.memory_space<hbm>> -> memref<8x128xi32, #tpu.memory_space<hbm>>
        tpu.enqueue_dma source(%dma_start3A_354 : memref<8x128xi32, #tpu.memory_space<hbm>>) target(%arg8 : memref<8x128xi32, #tpu.memory_space<vmem>>) target_semaphore(%run_scoped3A : memref<!tpu.dma_semaphore, #tpu.memory_space<semaphore_mem>>)
        %dma_wait3A_355 = arith.constant 0 : i32
        %dma_wait3A_356 = arith.constant 0 : i32
        %dma_wait3A_357 = tpu.memref_slice %arg2[%add3A_27, %dma_wait3A_355, %dma_wait3A_356] : memref<6250x8x128xi32, #tpu.memory_space<hbm>> -> memref<1x8x128xi32, #tpu.memory_space<hbm>>
        %dma_wait3A_358 = tpu.memref_squeeze %dma_wait3A_357 : memref<1x8x128xi32, #tpu.memory_space<hbm>> -> memref<8x128xi32, #tpu.memory_space<hbm>>
        %dma_wait3A_359 = arith.constant 0 : i32
        %dma_wait3A_360 = arith.constant 0 : i32
        %dma_wait3A_361 = tpu.memref_slice %arg2[%add3A_27, %dma_wait3A_359, %dma_wait3A_360] : memref<6250x8x128xi32, #tpu.memory_space<hbm>> -> memref<1x8x128xi32, #tpu.memory_space<hbm>>
        %dma_wait3A_362 = tpu.memref_squeeze %dma_wait3A_361 : memref<1x8x128xi32, #tpu.memory_space<hbm>> -> memref<8x128xi32, #tpu.memory_space<hbm>>
        tpu.wait_dma2 semaphore(%run_scoped3A : memref<!tpu.dma_semaphore, #tpu.memory_space<semaphore_mem>>) src(%dma_wait3A_362 : memref<8x128xi32, #tpu.memory_space<hbm>>) dst(%arg8 : memref<8x128xi32, #tpu.memory_space<vmem>>)
        tpu.yield
      }) : () -> ()
      %add3A_28 = arith.addi %add3A_11, %while3A_26 : i32
      "tpu.region"() ({
        %run_scoped3A = tpu.sem_alloc : memref<!tpu.dma_semaphore, #tpu.memory_space<semaphore_mem>>
        %dma_start3A_347 = arith.constant 0 : i32
        %dma_start3A_348 = arith.constant 0 : i32
        %dma_start3A_349 = tpu.memref_slice %arg3[%add3A_28, %dma_start3A_347, %dma_start3A_348] : memref<6250x8x128xi32, #tpu.memory_space<hbm>> -> memref<1x8x128xi32, #tpu.memory_space<hbm>>
        %dma_start3A_350 = tpu.memref_squeeze %dma_start3A_349 : memref<1x8x128xi32, #tpu.memory_space<hbm>> -> memref<8x128xi32, #tpu.memory_space<hbm>>
        %dma_start3A_351 = arith.constant 0 : i32
        %dma_start3A_352 = arith.constant 0 : i32
        %dma_start3A_353 = tpu.memref_slice %arg3[%add3A_28, %dma_start3A_351, %dma_start3A_352] : memref<6250x8x128xi32, #tpu.memory_space<hbm>> -> memref<1x8x128xi32, #tpu.memory_space<hbm>>
        %dma_start3A_354 = tpu.memref_squeeze %dma_start3A_353 : memref<1x8x128xi32, #tpu.memory_space<hbm>> -> memref<8x128xi32, #tpu.memory_space<hbm>>
        tpu.enqueue_dma source(%dma_start3A_354 : memref<8x128xi32, #tpu.memory_space<hbm>>) target(%arg9 : memref<8x128xi32, #tpu.memory_space<vmem>>) target_semaphore(%run_scoped3A : memref<!tpu.dma_semaphore, #tpu.memory_space<semaphore_mem>>)
        %dma_wait3A_355 = arith.constant 0 : i32
        %dma_wait3A_356 = arith.constant 0 : i32
        %dma_wait3A_357 = tpu.memref_slice %arg3[%add3A_28, %dma_wait3A_355, %dma_wait3A_356] : memref<6250x8x128xi32, #tpu.memory_space<hbm>> -> memref<1x8x128xi32, #tpu.memory_space<hbm>>
        %dma_wait3A_358 = tpu.memref_squeeze %dma_wait3A_357 : memref<1x8x128xi32, #tpu.memory_space<hbm>> -> memref<8x128xi32, #tpu.memory_space<hbm>>
        %dma_wait3A_359 = arith.constant 0 : i32
        %dma_wait3A_360 = arith.constant 0 : i32
        %dma_wait3A_361 = tpu.memref_slice %arg3[%add3A_28, %dma_wait3A_359, %dma_wait3A_360] : memref<6250x8x128xi32, #tpu.memory_space<hbm>> -> memref<1x8x128xi32, #tpu.memory_space<hbm>>
        %dma_wait3A_362 = tpu.memref_squeeze %dma_wait3A_361 : memref<1x8x128xi32, #tpu.memory_space<hbm>> -> memref<8x128xi32, #tpu.memory_space<hbm>>
        tpu.wait_dma2 semaphore(%run_scoped3A : memref<!tpu.dma_semaphore, #tpu.memory_space<semaphore_mem>>) src(%dma_wait3A_362 : memref<8x128xi32, #tpu.memory_space<hbm>>) dst(%arg9 : memref<8x128xi32, #tpu.memory_space<vmem>>)
        tpu.yield
      }) : () -> ()
      %dma_start3A = arith.constant 0 : i32
      %dma_start3A_29 = arith.constant 0 : i32
      %dma_start3A_30 = arith.constant 0 : i32
      %dma_start3A_31 = tpu.memref_slice %arg10[%dma_start3A_29, %dma_start3A_30] : memref<8x128xf32, #tpu.memory_space<vmem>> -> memref<1x128xf32, #tpu.memory_space<vmem>>
      %dma_start3A_32 = tpu.memref_squeeze %dma_start3A_31 : memref<1x128xf32, #tpu.memory_space<vmem>> -> memref<128xf32, #tpu.memory_space<vmem>>
      %dma_start3A_33 = arith.constant 0 : i32
      %dma_start3A_34 = tpu.memref_slice %arg8[%dma_start3A, %dma_start3A_33] : memref<8x128xi32, #tpu.memory_space<vmem>> -> memref<1x128xi32, #tpu.memory_space<vmem>>
      %dma_start3A_35 = tpu.memref_squeeze %dma_start3A_34 : memref<1x128xi32, #tpu.memory_space<vmem>> -> memref<128xi32, #tpu.memory_space<vmem>>
      %dma_start3A_36 = arith.constant 0 : i32
      %dma_start3A_37 = tpu.memref_slice %arg6[%dma_start3A_36] : memref<100352xf32, #tpu.memory_space<vmem_shared>> -> memref<100352xf32, #tpu.memory_space<vmem_shared>>
      tpu.enqueue_indirect_dma source(%dma_start3A_37 : memref<100352xf32, #tpu.memory_space<vmem_shared>>) target(%dma_start3A_32 : memref<128xf32, #tpu.memory_space<vmem>>) offsets(%dma_start3A_35 : memref<128xi32, #tpu.memory_space<vmem>>) semaphore(%arg12 : memref<!tpu.dma_semaphore, #tpu.memory_space<semaphore_mem>>)
      %dma_start3A_38 = arith.constant 1 : i32
      %dma_start3A_39 = arith.constant 1 : i32
      %dma_start3A_40 = arith.constant 0 : i32
      %dma_start3A_41 = tpu.memref_slice %arg10[%dma_start3A_39, %dma_start3A_40] : memref<8x128xf32, #tpu.memory_space<vmem>> -> memref<1x128xf32, #tpu.memory_space<vmem>>
      %dma_start3A_42 = tpu.memref_squeeze %dma_start3A_41 : memref<1x128xf32, #tpu.memory_space<vmem>> -> memref<128xf32, #tpu.memory_space<vmem>>
      %dma_start3A_43 = arith.constant 0 : i32
      %dma_start3A_44 = tpu.memref_slice %arg8[%dma_start3A_38, %dma_start3A_43] : memref<8x128xi32, #tpu.memory_space<vmem>> -> memref<1x128xi32, #tpu.memory_space<vmem>>
      %dma_start3A_45 = tpu.memref_squeeze %dma_start3A_44 : memref<1x128xi32, #tpu.memory_space<vmem>> -> memref<128xi32, #tpu.memory_space<vmem>>
      %dma_start3A_46 = arith.constant 0 : i32
      %dma_start3A_47 = tpu.memref_slice %arg6[%dma_start3A_46] : memref<100352xf32, #tpu.memory_space<vmem_shared>> -> memref<100352xf32, #tpu.memory_space<vmem_shared>>
      tpu.enqueue_indirect_dma source(%dma_start3A_47 : memref<100352xf32, #tpu.memory_space<vmem_shared>>) target(%dma_start3A_42 : memref<128xf32, #tpu.memory_space<vmem>>) offsets(%dma_start3A_45 : memref<128xi32, #tpu.memory_space<vmem>>) semaphore(%arg12 : memref<!tpu.dma_semaphore, #tpu.memory_space<semaphore_mem>>)
      %dma_start3A_48 = arith.constant 2 : i32
      %dma_start3A_49 = arith.constant 2 : i32
      %dma_start3A_50 = arith.constant 0 : i32
      %dma_start3A_51 = tpu.memref_slice %arg10[%dma_start3A_49, %dma_start3A_50] : memref<8x128xf32, #tpu.memory_space<vmem>> -> memref<1x128xf32, #tpu.memory_space<vmem>>
      %dma_start3A_52 = tpu.memref_squeeze %dma_start3A_51 : memref<1x128xf32, #tpu.memory_space<vmem>> -> memref<128xf32, #tpu.memory_space<vmem>>
      %dma_start3A_53 = arith.constant 0 : i32
      %dma_start3A_54 = tpu.memref_slice %arg8[%dma_start3A_48, %dma_start3A_53] : memref<8x128xi32, #tpu.memory_space<vmem>> -> memref<1x128xi32, #tpu.memory_space<vmem>>
      %dma_start3A_55 = tpu.memref_squeeze %dma_start3A_54 : memref<1x128xi32, #tpu.memory_space<vmem>> -> memref<128xi32, #tpu.memory_space<vmem>>
      %dma_start3A_56 = arith.constant 0 : i32
      %dma_start3A_57 = tpu.memref_slice %arg6[%dma_start3A_56] : memref<100352xf32, #tpu.memory_space<vmem_shared>> -> memref<100352xf32, #tpu.memory_space<vmem_shared>>
      tpu.enqueue_indirect_dma source(%dma_start3A_57 : memref<100352xf32, #tpu.memory_space<vmem_shared>>) target(%dma_start3A_52 : memref<128xf32, #tpu.memory_space<vmem>>) offsets(%dma_start3A_55 : memref<128xi32, #tpu.memory_space<vmem>>) semaphore(%arg12 : memref<!tpu.dma_semaphore, #tpu.memory_space<semaphore_mem>>)
      %dma_start3A_58 = arith.constant 3 : i32
      %dma_start3A_59 = arith.constant 3 : i32
      %dma_start3A_60 = arith.constant 0 : i32
      %dma_start3A_61 = tpu.memref_slice %arg10[%dma_start3A_59, %dma_start3A_60] : memref<8x128xf32, #tpu.memory_space<vmem>> -> memref<1x128xf32, #tpu.memory_space<vmem>>
      %dma_start3A_62 = tpu.memref_squeeze %dma_start3A_61 : memref<1x128xf32, #tpu.memory_space<vmem>> -> memref<128xf32, #tpu.memory_space<vmem>>
      %dma_start3A_63 = arith.constant 0 : i32
      %dma_start3A_64 = tpu.memref_slice %arg8[%dma_start3A_58, %dma_start3A_63] : memref<8x128xi32, #tpu.memory_space<vmem>> -> memref<1x128xi32, #tpu.memory_space<vmem>>
      %dma_start3A_65 = tpu.memref_squeeze %dma_start3A_64 : memref<1x128xi32, #tpu.memory_space<vmem>> -> memref<128xi32, #tpu.memory_space<vmem>>
      %dma_start3A_66 = arith.constant 0 : i32
      %dma_start3A_67 = tpu.memref_slice %arg6[%dma_start3A_66] : memref<100352xf32, #tpu.memory_space<vmem_shared>> -> memref<100352xf32, #tpu.memory_space<vmem_shared>>
      tpu.enqueue_indirect_dma source(%dma_start3A_67 : memref<100352xf32, #tpu.memory_space<vmem_shared>>) target(%dma_start3A_62 : memref<128xf32, #tpu.memory_space<vmem>>) offsets(%dma_start3A_65 : memref<128xi32, #tpu.memory_space<vmem>>) semaphore(%arg12 : memref<!tpu.dma_semaphore, #tpu.memory_space<semaphore_mem>>)
      %dma_start3A_68 = arith.constant 4 : i32
      %dma_start3A_69 = arith.constant 4 : i32
      %dma_start3A_70 = arith.constant 0 : i32
      %dma_start3A_71 = tpu.memref_slice %arg10[%dma_start3A_69, %dma_start3A_70] : memref<8x128xf32, #tpu.memory_space<vmem>> -> memref<1x128xf32, #tpu.memory_space<vmem>>
      %dma_start3A_72 = tpu.memref_squeeze %dma_start3A_71 : memref<1x128xf32, #tpu.memory_space<vmem>> -> memref<128xf32, #tpu.memory_space<vmem>>
      %dma_start3A_73 = arith.constant 0 : i32
      %dma_start3A_74 = tpu.memref_slice %arg8[%dma_start3A_68, %dma_start3A_73] : memref<8x128xi32, #tpu.memory_space<vmem>> -> memref<1x128xi32, #tpu.memory_space<vmem>>
      %dma_start3A_75 = tpu.memref_squeeze %dma_start3A_74 : memref<1x128xi32, #tpu.memory_space<vmem>> -> memref<128xi32, #tpu.memory_space<vmem>>
      %dma_start3A_76 = arith.constant 0 : i32
      %dma_start3A_77 = tpu.memref_slice %arg6[%dma_start3A_76] : memref<100352xf32, #tpu.memory_space<vmem_shared>> -> memref<100352xf32, #tpu.memory_space<vmem_shared>>
      tpu.enqueue_indirect_dma source(%dma_start3A_77 : memref<100352xf32, #tpu.memory_space<vmem_shared>>) target(%dma_start3A_72 : memref<128xf32, #tpu.memory_space<vmem>>) offsets(%dma_start3A_75 : memref<128xi32, #tpu.memory_space<vmem>>) semaphore(%arg12 : memref<!tpu.dma_semaphore, #tpu.memory_space<semaphore_mem>>)
      %dma_start3A_78 = arith.constant 5 : i32
      %dma_start3A_79 = arith.constant 5 : i32
      %dma_start3A_80 = arith.constant 0 : i32
      %dma_start3A_81 = tpu.memref_slice %arg10[%dma_start3A_79, %dma_start3A_80] : memref<8x128xf32, #tpu.memory_space<vmem>> -> memref<1x128xf32, #tpu.memory_space<vmem>>
      %dma_start3A_82 = tpu.memref_squeeze %dma_start3A_81 : memref<1x128xf32, #tpu.memory_space<vmem>> -> memref<128xf32, #tpu.memory_space<vmem>>
      %dma_start3A_83 = arith.constant 0 : i32
      %dma_start3A_84 = tpu.memref_slice %arg8[%dma_start3A_78, %dma_start3A_83] : memref<8x128xi32, #tpu.memory_space<vmem>> -> memref<1x128xi32, #tpu.memory_space<vmem>>
      %dma_start3A_85 = tpu.memref_squeeze %dma_start3A_84 : memref<1x128xi32, #tpu.memory_space<vmem>> -> memref<128xi32, #tpu.memory_space<vmem>>
      %dma_start3A_86 = arith.constant 0 : i32
      %dma_start3A_87 = tpu.memref_slice %arg6[%dma_start3A_86] : memref<100352xf32, #tpu.memory_space<vmem_shared>> -> memref<100352xf32, #tpu.memory_space<vmem_shared>>
      tpu.enqueue_indirect_dma source(%dma_start3A_87 : memref<100352xf32, #tpu.memory_space<vmem_shared>>) target(%dma_start3A_82 : memref<128xf32, #tpu.memory_space<vmem>>) offsets(%dma_start3A_85 : memref<128xi32, #tpu.memory_space<vmem>>) semaphore(%arg12 : memref<!tpu.dma_semaphore, #tpu.memory_space<semaphore_mem>>)
      %dma_start3A_88 = arith.constant 6 : i32
      %dma_start3A_89 = arith.constant 6 : i32
      %dma_start3A_90 = arith.constant 0 : i32
      %dma_start3A_91 = tpu.memref_slice %arg10[%dma_start3A_89, %dma_start3A_90] : memref<8x128xf32, #tpu.memory_space<vmem>> -> memref<1x128xf32, #tpu.memory_space<vmem>>
      %dma_start3A_92 = tpu.memref_squeeze %dma_start3A_91 : memref<1x128xf32, #tpu.memory_space<vmem>> -> memref<128xf32, #tpu.memory_space<vmem>>
      %dma_start3A_93 = arith.constant 0 : i32
      %dma_start3A_94 = tpu.memref_slice %arg8[%dma_start3A_88, %dma_start3A_93] : memref<8x128xi32, #tpu.memory_space<vmem>> -> memref<1x128xi32, #tpu.memory_space<vmem>>
      %dma_start3A_95 = tpu.memref_squeeze %dma_start3A_94 : memref<1x128xi32, #tpu.memory_space<vmem>> -> memref<128xi32, #tpu.memory_space<vmem>>
      %dma_start3A_96 = arith.constant 0 : i32
      %dma_start3A_97 = tpu.memref_slice %arg6[%dma_start3A_96] : memref<100352xf32, #tpu.memory_space<vmem_shared>> -> memref<100352xf32, #tpu.memory_space<vmem_shared>>
      tpu.enqueue_indirect_dma source(%dma_start3A_97 : memref<100352xf32, #tpu.memory_space<vmem_shared>>) target(%dma_start3A_92 : memref<128xf32, #tpu.memory_space<vmem>>) offsets(%dma_start3A_95 : memref<128xi32, #tpu.memory_space<vmem>>) semaphore(%arg12 : memref<!tpu.dma_semaphore, #tpu.memory_space<semaphore_mem>>)
      %dma_start3A_98 = arith.constant 7 : i32
      %dma_start3A_99 = arith.constant 7 : i32
      %dma_start3A_100 = arith.constant 0 : i32
      %dma_start3A_101 = tpu.memref_slice %arg10[%dma_start3A_99, %dma_start3A_100] : memref<8x128xf32, #tpu.memory_space<vmem>> -> memref<1x128xf32, #tpu.memory_space<vmem>>
      %dma_start3A_102 = tpu.memref_squeeze %dma_start3A_101 : memref<1x128xf32, #tpu.memory_space<vmem>> -> memref<128xf32, #tpu.memory_space<vmem>>
      %dma_start3A_103 = arith.constant 0 : i32
      %dma_start3A_104 = tpu.memref_slice %arg8[%dma_start3A_98, %dma_start3A_103] : memref<8x128xi32, #tpu.memory_space<vmem>> -> memref<1x128xi32, #tpu.memory_space<vmem>>
      %dma_start3A_105 = tpu.memref_squeeze %dma_start3A_104 : memref<1x128xi32, #tpu.memory_space<vmem>> -> memref<128xi32, #tpu.memory_space<vmem>>
      %dma_start3A_106 = arith.constant 0 : i32
      %dma_start3A_107 = tpu.memref_slice %arg6[%dma_start3A_106] : memref<100352xf32, #tpu.memory_space<vmem_shared>> -> memref<100352xf32, #tpu.memory_space<vmem_shared>>
      tpu.enqueue_indirect_dma source(%dma_start3A_107 : memref<100352xf32, #tpu.memory_space<vmem_shared>>) target(%dma_start3A_102 : memref<128xf32, #tpu.memory_space<vmem>>) offsets(%dma_start3A_105 : memref<128xi32, #tpu.memory_space<vmem>>) semaphore(%arg12 : memref<!tpu.dma_semaphore, #tpu.memory_space<semaphore_mem>>)
      %dma_wait3A = arith.constant 0 : i32
      %dma_wait3A_108 = arith.constant 0 : i32
      %dma_wait3A_109 = arith.constant 0 : i32
      %dma_wait3A_110 = tpu.memref_slice %arg10[%dma_wait3A_108, %dma_wait3A_109] : memref<8x128xf32, #tpu.memory_space<vmem>> -> memref<1x128xf32, #tpu.memory_space<vmem>>
      %dma_wait3A_111 = tpu.memref_squeeze %dma_wait3A_110 : memref<1x128xf32, #tpu.memory_space<vmem>> -> memref<128xf32, #tpu.memory_space<vmem>>
      %dma_wait3A_112 = arith.constant 0 : i32
      %dma_wait3A_113 = tpu.memref_slice %arg8[%dma_wait3A, %dma_wait3A_112] : memref<8x128xi32, #tpu.memory_space<vmem>> -> memref<1x128xi32, #tpu.memory_space<vmem>>
      %dma_wait3A_114 = tpu.memref_squeeze %dma_wait3A_113 : memref<1x128xi32, #tpu.memory_space<vmem>> -> memref<128xi32, #tpu.memory_space<vmem>>
      %dma_wait3A_115 = arith.constant 0 : i32
      %dma_wait3A_116 = tpu.memref_slice %arg6[%dma_wait3A_115] : memref<100352xf32, #tpu.memory_space<vmem_shared>> -> memref<100352xf32, #tpu.memory_space<vmem_shared>>
      tpu.wait_indirect_dma semaphore(%arg12 : memref<!tpu.dma_semaphore, #tpu.memory_space<semaphore_mem>>) src(%dma_wait3A_116 : memref<100352xf32, #tpu.memory_space<vmem_shared>>) dst(%dma_wait3A_111 : memref<128xf32, #tpu.memory_space<vmem>>)
      %dma_wait3A_117 = arith.constant 1 : i32
      %dma_wait3A_118 = arith.constant 1 : i32
      %dma_wait3A_119 = arith.constant 0 : i32
      %dma_wait3A_120 = tpu.memref_slice %arg10[%dma_wait3A_118, %dma_wait3A_119] : memref<8x128xf32, #tpu.memory_space<vmem>> -> memref<1x128xf32, #tpu.memory_space<vmem>>
      %dma_wait3A_121 = tpu.memref_squeeze %dma_wait3A_120 : memref<1x128xf32, #tpu.memory_space<vmem>> -> memref<128xf32, #tpu.memory_space<vmem>>
      %dma_wait3A_122 = arith.constant 0 : i32
      %dma_wait3A_123 = tpu.memref_slice %arg8[%dma_wait3A_117, %dma_wait3A_122] : memref<8x128xi32, #tpu.memory_space<vmem>> -> memref<1x128xi32, #tpu.memory_space<vmem>>
      %dma_wait3A_124 = tpu.memref_squeeze %dma_wait3A_123 : memref<1x128xi32, #tpu.memory_space<vmem>> -> memref<128xi32, #tpu.memory_space<vmem>>
      %dma_wait3A_125 = arith.constant 0 : i32
      %dma_wait3A_126 = tpu.memref_slice %arg6[%dma_wait3A_125] : memref<100352xf32, #tpu.memory_space<vmem_shared>> -> memref<100352xf32, #tpu.memory_space<vmem_shared>>
      tpu.wait_indirect_dma semaphore(%arg12 : memref<!tpu.dma_semaphore, #tpu.memory_space<semaphore_mem>>) src(%dma_wait3A_126 : memref<100352xf32, #tpu.memory_space<vmem_shared>>) dst(%dma_wait3A_121 : memref<128xf32, #tpu.memory_space<vmem>>)
      %dma_wait3A_127 = arith.constant 2 : i32
      %dma_wait3A_128 = arith.constant 2 : i32
      %dma_wait3A_129 = arith.constant 0 : i32
      %dma_wait3A_130 = tpu.memref_slice %arg10[%dma_wait3A_128, %dma_wait3A_129] : memref<8x128xf32, #tpu.memory_space<vmem>> -> memref<1x128xf32, #tpu.memory_space<vmem>>
      %dma_wait3A_131 = tpu.memref_squeeze %dma_wait3A_130 : memref<1x128xf32, #tpu.memory_space<vmem>> -> memref<128xf32, #tpu.memory_space<vmem>>
      %dma_wait3A_132 = arith.constant 0 : i32
      %dma_wait3A_133 = tpu.memref_slice %arg8[%dma_wait3A_127, %dma_wait3A_132] : memref<8x128xi32, #tpu.memory_space<vmem>> -> memref<1x128xi32, #tpu.memory_space<vmem>>
      %dma_wait3A_134 = tpu.memref_squeeze %dma_wait3A_133 : memref<1x128xi32, #tpu.memory_space<vmem>> -> memref<128xi32, #tpu.memory_space<vmem>>
      %dma_wait3A_135 = arith.constant 0 : i32
      %dma_wait3A_136 = tpu.memref_slice %arg6[%dma_wait3A_135] : memref<100352xf32, #tpu.memory_space<vmem_shared>> -> memref<100352xf32, #tpu.memory_space<vmem_shared>>
      tpu.wait_indirect_dma semaphore(%arg12 : memref<!tpu.dma_semaphore, #tpu.memory_space<semaphore_mem>>) src(%dma_wait3A_136 : memref<100352xf32, #tpu.memory_space<vmem_shared>>) dst(%dma_wait3A_131 : memref<128xf32, #tpu.memory_space<vmem>>)
      %dma_wait3A_137 = arith.constant 3 : i32
      %dma_wait3A_138 = arith.constant 3 : i32
      %dma_wait3A_139 = arith.constant 0 : i32
      %dma_wait3A_140 = tpu.memref_slice %arg10[%dma_wait3A_138, %dma_wait3A_139] : memref<8x128xf32, #tpu.memory_space<vmem>> -> memref<1x128xf32, #tpu.memory_space<vmem>>
      %dma_wait3A_141 = tpu.memref_squeeze %dma_wait3A_140 : memref<1x128xf32, #tpu.memory_space<vmem>> -> memref<128xf32, #tpu.memory_space<vmem>>
      %dma_wait3A_142 = arith.constant 0 : i32
      %dma_wait3A_143 = tpu.memref_slice %arg8[%dma_wait3A_137, %dma_wait3A_142] : memref<8x128xi32, #tpu.memory_space<vmem>> -> memref<1x128xi32, #tpu.memory_space<vmem>>
      %dma_wait3A_144 = tpu.memref_squeeze %dma_wait3A_143 : memref<1x128xi32, #tpu.memory_space<vmem>> -> memref<128xi32, #tpu.memory_space<vmem>>
      %dma_wait3A_145 = arith.constant 0 : i32
      %dma_wait3A_146 = tpu.memref_slice %arg6[%dma_wait3A_145] : memref<100352xf32, #tpu.memory_space<vmem_shared>> -> memref<100352xf32, #tpu.memory_space<vmem_shared>>
      tpu.wait_indirect_dma semaphore(%arg12 : memref<!tpu.dma_semaphore, #tpu.memory_space<semaphore_mem>>) src(%dma_wait3A_146 : memref<100352xf32, #tpu.memory_space<vmem_shared>>) dst(%dma_wait3A_141 : memref<128xf32, #tpu.memory_space<vmem>>)
      %dma_wait3A_147 = arith.constant 4 : i32
      %dma_wait3A_148 = arith.constant 4 : i32
      %dma_wait3A_149 = arith.constant 0 : i32
      %dma_wait3A_150 = tpu.memref_slice %arg10[%dma_wait3A_148, %dma_wait3A_149] : memref<8x128xf32, #tpu.memory_space<vmem>> -> memref<1x128xf32, #tpu.memory_space<vmem>>
      %dma_wait3A_151 = tpu.memref_squeeze %dma_wait3A_150 : memref<1x128xf32, #tpu.memory_space<vmem>> -> memref<128xf32, #tpu.memory_space<vmem>>
      %dma_wait3A_152 = arith.constant 0 : i32
      %dma_wait3A_153 = tpu.memref_slice %arg8[%dma_wait3A_147, %dma_wait3A_152] : memref<8x128xi32, #tpu.memory_space<vmem>> -> memref<1x128xi32, #tpu.memory_space<vmem>>
      %dma_wait3A_154 = tpu.memref_squeeze %dma_wait3A_153 : memref<1x128xi32, #tpu.memory_space<vmem>> -> memref<128xi32, #tpu.memory_space<vmem>>
      %dma_wait3A_155 = arith.constant 0 : i32
      %dma_wait3A_156 = tpu.memref_slice %arg6[%dma_wait3A_155] : memref<100352xf32, #tpu.memory_space<vmem_shared>> -> memref<100352xf32, #tpu.memory_space<vmem_shared>>
      tpu.wait_indirect_dma semaphore(%arg12 : memref<!tpu.dma_semaphore, #tpu.memory_space<semaphore_mem>>) src(%dma_wait3A_156 : memref<100352xf32, #tpu.memory_space<vmem_shared>>) dst(%dma_wait3A_151 : memref<128xf32, #tpu.memory_space<vmem>>)
      %dma_wait3A_157 = arith.constant 5 : i32
      %dma_wait3A_158 = arith.constant 5 : i32
      %dma_wait3A_159 = arith.constant 0 : i32
      %dma_wait3A_160 = tpu.memref_slice %arg10[%dma_wait3A_158, %dma_wait3A_159] : memref<8x128xf32, #tpu.memory_space<vmem>> -> memref<1x128xf32, #tpu.memory_space<vmem>>
      %dma_wait3A_161 = tpu.memref_squeeze %dma_wait3A_160 : memref<1x128xf32, #tpu.memory_space<vmem>> -> memref<128xf32, #tpu.memory_space<vmem>>
      %dma_wait3A_162 = arith.constant 0 : i32
      %dma_wait3A_163 = tpu.memref_slice %arg8[%dma_wait3A_157, %dma_wait3A_162] : memref<8x128xi32, #tpu.memory_space<vmem>> -> memref<1x128xi32, #tpu.memory_space<vmem>>
      %dma_wait3A_164 = tpu.memref_squeeze %dma_wait3A_163 : memref<1x128xi32, #tpu.memory_space<vmem>> -> memref<128xi32, #tpu.memory_space<vmem>>
      %dma_wait3A_165 = arith.constant 0 : i32
      %dma_wait3A_166 = tpu.memref_slice %arg6[%dma_wait3A_165] : memref<100352xf32, #tpu.memory_space<vmem_shared>> -> memref<100352xf32, #tpu.memory_space<vmem_shared>>
      tpu.wait_indirect_dma semaphore(%arg12 : memref<!tpu.dma_semaphore, #tpu.memory_space<semaphore_mem>>) src(%dma_wait3A_166 : memref<100352xf32, #tpu.memory_space<vmem_shared>>) dst(%dma_wait3A_161 : memref<128xf32, #tpu.memory_space<vmem>>)
      %dma_wait3A_167 = arith.constant 6 : i32
      %dma_wait3A_168 = arith.constant 6 : i32
      %dma_wait3A_169 = arith.constant 0 : i32
      %dma_wait3A_170 = tpu.memref_slice %arg10[%dma_wait3A_168, %dma_wait3A_169] : memref<8x128xf32, #tpu.memory_space<vmem>> -> memref<1x128xf32, #tpu.memory_space<vmem>>
      %dma_wait3A_171 = tpu.memref_squeeze %dma_wait3A_170 : memref<1x128xf32, #tpu.memory_space<vmem>> -> memref<128xf32, #tpu.memory_space<vmem>>
      %dma_wait3A_172 = arith.constant 0 : i32
      %dma_wait3A_173 = tpu.memref_slice %arg8[%dma_wait3A_167, %dma_wait3A_172] : memref<8x128xi32, #tpu.memory_space<vmem>> -> memref<1x128xi32, #tpu.memory_space<vmem>>
      %dma_wait3A_174 = tpu.memref_squeeze %dma_wait3A_173 : memref<1x128xi32, #tpu.memory_space<vmem>> -> memref<128xi32, #tpu.memory_space<vmem>>
      %dma_wait3A_175 = arith.constant 0 : i32
      %dma_wait3A_176 = tpu.memref_slice %arg6[%dma_wait3A_175] : memref<100352xf32, #tpu.memory_space<vmem_shared>> -> memref<100352xf32, #tpu.memory_space<vmem_shared>>
      tpu.wait_indirect_dma semaphore(%arg12 : memref<!tpu.dma_semaphore, #tpu.memory_space<semaphore_mem>>) src(%dma_wait3A_176 : memref<100352xf32, #tpu.memory_space<vmem_shared>>) dst(%dma_wait3A_171 : memref<128xf32, #tpu.memory_space<vmem>>)
      %dma_wait3A_177 = arith.constant 7 : i32
      %dma_wait3A_178 = arith.constant 7 : i32
      %dma_wait3A_179 = arith.constant 0 : i32
      %dma_wait3A_180 = tpu.memref_slice %arg10[%dma_wait3A_178, %dma_wait3A_179] : memref<8x128xf32, #tpu.memory_space<vmem>> -> memref<1x128xf32, #tpu.memory_space<vmem>>
      %dma_wait3A_181 = tpu.memref_squeeze %dma_wait3A_180 : memref<1x128xf32, #tpu.memory_space<vmem>> -> memref<128xf32, #tpu.memory_space<vmem>>
      %dma_wait3A_182 = arith.constant 0 : i32
      %dma_wait3A_183 = tpu.memref_slice %arg8[%dma_wait3A_177, %dma_wait3A_182] : memref<8x128xi32, #tpu.memory_space<vmem>> -> memref<1x128xi32, #tpu.memory_space<vmem>>
      %dma_wait3A_184 = tpu.memref_squeeze %dma_wait3A_183 : memref<1x128xi32, #tpu.memory_space<vmem>> -> memref<128xi32, #tpu.memory_space<vmem>>
      %dma_wait3A_185 = arith.constant 0 : i32
      %dma_wait3A_186 = tpu.memref_slice %arg6[%dma_wait3A_185] : memref<100352xf32, #tpu.memory_space<vmem_shared>> -> memref<100352xf32, #tpu.memory_space<vmem_shared>>
      tpu.wait_indirect_dma semaphore(%arg12 : memref<!tpu.dma_semaphore, #tpu.memory_space<semaphore_mem>>) src(%dma_wait3A_186 : memref<100352xf32, #tpu.memory_space<vmem_shared>>) dst(%dma_wait3A_181 : memref<128xf32, #tpu.memory_space<vmem>>)
      %dma_start3A_187 = arith.constant 0 : i32
      %dma_start3A_188 = arith.constant 0 : i32
      %dma_start3A_189 = arith.constant 0 : i32
      %dma_start3A_190 = tpu.memref_slice %arg10[%dma_start3A_187, %dma_start3A_189] : memref<8x128xf32, #tpu.memory_space<vmem>> -> memref<1x128xf32, #tpu.memory_space<vmem>>
      %dma_start3A_191 = tpu.memref_squeeze %dma_start3A_190 : memref<1x128xf32, #tpu.memory_space<vmem>> -> memref<128xf32, #tpu.memory_space<vmem>>
      %dma_start3A_192 = arith.constant 0 : i32
      %dma_start3A_193 = tpu.memref_slice %arg9[%dma_start3A_188, %dma_start3A_192] : memref<8x128xi32, #tpu.memory_space<vmem>> -> memref<1x128xi32, #tpu.memory_space<vmem>>
      %dma_start3A_194 = tpu.memref_squeeze %dma_start3A_193 : memref<1x128xi32, #tpu.memory_space<vmem>> -> memref<128xi32, #tpu.memory_space<vmem>>
      %dma_start3A_195 = arith.constant 0 : i32
      %dma_start3A_196 = tpu.memref_slice %arg7[%dma_start3A_195] : memref<100352xf32, #tpu.memory_space<vmem_shared>> -> memref<100352xf32, #tpu.memory_space<vmem_shared>>
      tpu.enqueue_indirect_dma source(%dma_start3A_191 : memref<128xf32, #tpu.memory_space<vmem>>) target(%dma_start3A_196 : memref<100352xf32, #tpu.memory_space<vmem_shared>>) offsets(%dma_start3A_194 : memref<128xi32, #tpu.memory_space<vmem>>) semaphore(%arg13 : memref<!tpu.dma_semaphore, #tpu.memory_space<semaphore_mem>>) {add = true}
      %dma_start3A_197 = arith.constant 1 : i32
      %dma_start3A_198 = arith.constant 1 : i32
      %dma_start3A_199 = arith.constant 0 : i32
      %dma_start3A_200 = tpu.memref_slice %arg10[%dma_start3A_197, %dma_start3A_199] : memref<8x128xf32, #tpu.memory_space<vmem>> -> memref<1x128xf32, #tpu.memory_space<vmem>>
      %dma_start3A_201 = tpu.memref_squeeze %dma_start3A_200 : memref<1x128xf32, #tpu.memory_space<vmem>> -> memref<128xf32, #tpu.memory_space<vmem>>
      %dma_start3A_202 = arith.constant 0 : i32
      %dma_start3A_203 = tpu.memref_slice %arg9[%dma_start3A_198, %dma_start3A_202] : memref<8x128xi32, #tpu.memory_space<vmem>> -> memref<1x128xi32, #tpu.memory_space<vmem>>
      %dma_start3A_204 = tpu.memref_squeeze %dma_start3A_203 : memref<1x128xi32, #tpu.memory_space<vmem>> -> memref<128xi32, #tpu.memory_space<vmem>>
      %dma_start3A_205 = arith.constant 0 : i32
      %dma_start3A_206 = tpu.memref_slice %arg7[%dma_start3A_205] : memref<100352xf32, #tpu.memory_space<vmem_shared>> -> memref<100352xf32, #tpu.memory_space<vmem_shared>>
      tpu.enqueue_indirect_dma source(%dma_start3A_201 : memref<128xf32, #tpu.memory_space<vmem>>) target(%dma_start3A_206 : memref<100352xf32, #tpu.memory_space<vmem_shared>>) offsets(%dma_start3A_204 : memref<128xi32, #tpu.memory_space<vmem>>) semaphore(%arg13 : memref<!tpu.dma_semaphore, #tpu.memory_space<semaphore_mem>>) {add = true}
      %dma_start3A_207 = arith.constant 2 : i32
      %dma_start3A_208 = arith.constant 2 : i32
      %dma_start3A_209 = arith.constant 0 : i32
      %dma_start3A_210 = tpu.memref_slice %arg10[%dma_start3A_207, %dma_start3A_209] : memref<8x128xf32, #tpu.memory_space<vmem>> -> memref<1x128xf32, #tpu.memory_space<vmem>>
      %dma_start3A_211 = tpu.memref_squeeze %dma_start3A_210 : memref<1x128xf32, #tpu.memory_space<vmem>> -> memref<128xf32, #tpu.memory_space<vmem>>
      %dma_start3A_212 = arith.constant 0 : i32
      %dma_start3A_213 = tpu.memref_slice %arg9[%dma_start3A_208, %dma_start3A_212] : memref<8x128xi32, #tpu.memory_space<vmem>> -> memref<1x128xi32, #tpu.memory_space<vmem>>
      %dma_start3A_214 = tpu.memref_squeeze %dma_start3A_213 : memref<1x128xi32, #tpu.memory_space<vmem>> -> memref<128xi32, #tpu.memory_space<vmem>>
      %dma_start3A_215 = arith.constant 0 : i32
      %dma_start3A_216 = tpu.memref_slice %arg7[%dma_start3A_215] : memref<100352xf32, #tpu.memory_space<vmem_shared>> -> memref<100352xf32, #tpu.memory_space<vmem_shared>>
      tpu.enqueue_indirect_dma source(%dma_start3A_211 : memref<128xf32, #tpu.memory_space<vmem>>) target(%dma_start3A_216 : memref<100352xf32, #tpu.memory_space<vmem_shared>>) offsets(%dma_start3A_214 : memref<128xi32, #tpu.memory_space<vmem>>) semaphore(%arg13 : memref<!tpu.dma_semaphore, #tpu.memory_space<semaphore_mem>>) {add = true}
      %dma_start3A_217 = arith.constant 3 : i32
      %dma_start3A_218 = arith.constant 3 : i32
      %dma_start3A_219 = arith.constant 0 : i32
      %dma_start3A_220 = tpu.memref_slice %arg10[%dma_start3A_217, %dma_start3A_219] : memref<8x128xf32, #tpu.memory_space<vmem>> -> memref<1x128xf32, #tpu.memory_space<vmem>>
      %dma_start3A_221 = tpu.memref_squeeze %dma_start3A_220 : memref<1x128xf32, #tpu.memory_space<vmem>> -> memref<128xf32, #tpu.memory_space<vmem>>
      %dma_start3A_222 = arith.constant 0 : i32
      %dma_start3A_223 = tpu.memref_slice %arg9[%dma_start3A_218, %dma_start3A_222] : memref<8x128xi32, #tpu.memory_space<vmem>> -> memref<1x128xi32, #tpu.memory_space<vmem>>
      %dma_start3A_224 = tpu.memref_squeeze %dma_start3A_223 : memref<1x128xi32, #tpu.memory_space<vmem>> -> memref<128xi32, #tpu.memory_space<vmem>>
      %dma_start3A_225 = arith.constant 0 : i32
      %dma_start3A_226 = tpu.memref_slice %arg7[%dma_start3A_225] : memref<100352xf32, #tpu.memory_space<vmem_shared>> -> memref<100352xf32, #tpu.memory_space<vmem_shared>>
      tpu.enqueue_indirect_dma source(%dma_start3A_221 : memref<128xf32, #tpu.memory_space<vmem>>) target(%dma_start3A_226 : memref<100352xf32, #tpu.memory_space<vmem_shared>>) offsets(%dma_start3A_224 : memref<128xi32, #tpu.memory_space<vmem>>) semaphore(%arg13 : memref<!tpu.dma_semaphore, #tpu.memory_space<semaphore_mem>>) {add = true}
      %dma_start3A_227 = arith.constant 4 : i32
      %dma_start3A_228 = arith.constant 4 : i32
      %dma_start3A_229 = arith.constant 0 : i32
      %dma_start3A_230 = tpu.memref_slice %arg10[%dma_start3A_227, %dma_start3A_229] : memref<8x128xf32, #tpu.memory_space<vmem>> -> memref<1x128xf32, #tpu.memory_space<vmem>>
      %dma_start3A_231 = tpu.memref_squeeze %dma_start3A_230 : memref<1x128xf32, #tpu.memory_space<vmem>> -> memref<128xf32, #tpu.memory_space<vmem>>
      %dma_start3A_232 = arith.constant 0 : i32
      %dma_start3A_233 = tpu.memref_slice %arg9[%dma_start3A_228, %dma_start3A_232] : memref<8x128xi32, #tpu.memory_space<vmem>> -> memref<1x128xi32, #tpu.memory_space<vmem>>
      %dma_start3A_234 = tpu.memref_squeeze %dma_start3A_233 : memref<1x128xi32, #tpu.memory_space<vmem>> -> memref<128xi32, #tpu.memory_space<vmem>>
      %dma_start3A_235 = arith.constant 0 : i32
      %dma_start3A_236 = tpu.memref_slice %arg7[%dma_start3A_235] : memref<100352xf32, #tpu.memory_space<vmem_shared>> -> memref<100352xf32, #tpu.memory_space<vmem_shared>>
      tpu.enqueue_indirect_dma source(%dma_start3A_231 : memref<128xf32, #tpu.memory_space<vmem>>) target(%dma_start3A_236 : memref<100352xf32, #tpu.memory_space<vmem_shared>>) offsets(%dma_start3A_234 : memref<128xi32, #tpu.memory_space<vmem>>) semaphore(%arg13 : memref<!tpu.dma_semaphore, #tpu.memory_space<semaphore_mem>>) {add = true}
      %dma_start3A_237 = arith.constant 5 : i32
      %dma_start3A_238 = arith.constant 5 : i32
      %dma_start3A_239 = arith.constant 0 : i32
      %dma_start3A_240 = tpu.memref_slice %arg10[%dma_start3A_237, %dma_start3A_239] : memref<8x128xf32, #tpu.memory_space<vmem>> -> memref<1x128xf32, #tpu.memory_space<vmem>>
      %dma_start3A_241 = tpu.memref_squeeze %dma_start3A_240 : memref<1x128xf32, #tpu.memory_space<vmem>> -> memref<128xf32, #tpu.memory_space<vmem>>
      %dma_start3A_242 = arith.constant 0 : i32
      %dma_start3A_243 = tpu.memref_slice %arg9[%dma_start3A_238, %dma_start3A_242] : memref<8x128xi32, #tpu.memory_space<vmem>> -> memref<1x128xi32, #tpu.memory_space<vmem>>
      %dma_start3A_244 = tpu.memref_squeeze %dma_start3A_243 : memref<1x128xi32, #tpu.memory_space<vmem>> -> memref<128xi32, #tpu.memory_space<vmem>>
      %dma_start3A_245 = arith.constant 0 : i32
      %dma_start3A_246 = tpu.memref_slice %arg7[%dma_start3A_245] : memref<100352xf32, #tpu.memory_space<vmem_shared>> -> memref<100352xf32, #tpu.memory_space<vmem_shared>>
      tpu.enqueue_indirect_dma source(%dma_start3A_241 : memref<128xf32, #tpu.memory_space<vmem>>) target(%dma_start3A_246 : memref<100352xf32, #tpu.memory_space<vmem_shared>>) offsets(%dma_start3A_244 : memref<128xi32, #tpu.memory_space<vmem>>) semaphore(%arg13 : memref<!tpu.dma_semaphore, #tpu.memory_space<semaphore_mem>>) {add = true}
      %dma_start3A_247 = arith.constant 6 : i32
      %dma_start3A_248 = arith.constant 6 : i32
      %dma_start3A_249 = arith.constant 0 : i32
      %dma_start3A_250 = tpu.memref_slice %arg10[%dma_start3A_247, %dma_start3A_249] : memref<8x128xf32, #tpu.memory_space<vmem>> -> memref<1x128xf32, #tpu.memory_space<vmem>>
      %dma_start3A_251 = tpu.memref_squeeze %dma_start3A_250 : memref<1x128xf32, #tpu.memory_space<vmem>> -> memref<128xf32, #tpu.memory_space<vmem>>
      %dma_start3A_252 = arith.constant 0 : i32
      %dma_start3A_253 = tpu.memref_slice %arg9[%dma_start3A_248, %dma_start3A_252] : memref<8x128xi32, #tpu.memory_space<vmem>> -> memref<1x128xi32, #tpu.memory_space<vmem>>
      %dma_start3A_254 = tpu.memref_squeeze %dma_start3A_253 : memref<1x128xi32, #tpu.memory_space<vmem>> -> memref<128xi32, #tpu.memory_space<vmem>>
      %dma_start3A_255 = arith.constant 0 : i32
      %dma_start3A_256 = tpu.memref_slice %arg7[%dma_start3A_255] : memref<100352xf32, #tpu.memory_space<vmem_shared>> -> memref<100352xf32, #tpu.memory_space<vmem_shared>>
      tpu.enqueue_indirect_dma source(%dma_start3A_251 : memref<128xf32, #tpu.memory_space<vmem>>) target(%dma_start3A_256 : memref<100352xf32, #tpu.memory_space<vmem_shared>>) offsets(%dma_start3A_254 : memref<128xi32, #tpu.memory_space<vmem>>) semaphore(%arg13 : memref<!tpu.dma_semaphore, #tpu.memory_space<semaphore_mem>>) {add = true}
      %dma_start3A_257 = arith.constant 7 : i32
      %dma_start3A_258 = arith.constant 7 : i32
      %dma_start3A_259 = arith.constant 0 : i32
      %dma_start3A_260 = tpu.memref_slice %arg10[%dma_start3A_257, %dma_start3A_259] : memref<8x128xf32, #tpu.memory_space<vmem>> -> memref<1x128xf32, #tpu.memory_space<vmem>>
      %dma_start3A_261 = tpu.memref_squeeze %dma_start3A_260 : memref<1x128xf32, #tpu.memory_space<vmem>> -> memref<128xf32, #tpu.memory_space<vmem>>
      %dma_start3A_262 = arith.constant 0 : i32
      %dma_start3A_263 = tpu.memref_slice %arg9[%dma_start3A_258, %dma_start3A_262] : memref<8x128xi32, #tpu.memory_space<vmem>> -> memref<1x128xi32, #tpu.memory_space<vmem>>
      %dma_start3A_264 = tpu.memref_squeeze %dma_start3A_263 : memref<1x128xi32, #tpu.memory_space<vmem>> -> memref<128xi32, #tpu.memory_space<vmem>>
      %dma_start3A_265 = arith.constant 0 : i32
      %dma_start3A_266 = tpu.memref_slice %arg7[%dma_start3A_265] : memref<100352xf32, #tpu.memory_space<vmem_shared>> -> memref<100352xf32, #tpu.memory_space<vmem_shared>>
      tpu.enqueue_indirect_dma source(%dma_start3A_261 : memref<128xf32, #tpu.memory_space<vmem>>) target(%dma_start3A_266 : memref<100352xf32, #tpu.memory_space<vmem_shared>>) offsets(%dma_start3A_264 : memref<128xi32, #tpu.memory_space<vmem>>) semaphore(%arg13 : memref<!tpu.dma_semaphore, #tpu.memory_space<semaphore_mem>>) {add = true}
      %dma_wait3A_267 = arith.constant 0 : i32
      %dma_wait3A_268 = arith.constant 0 : i32
      %dma_wait3A_269 = arith.constant 0 : i32
      %dma_wait3A_270 = tpu.memref_slice %arg10[%dma_wait3A_267, %dma_wait3A_269] : memref<8x128xf32, #tpu.memory_space<vmem>> -> memref<1x128xf32, #tpu.memory_space<vmem>>
      %dma_wait3A_271 = tpu.memref_squeeze %dma_wait3A_270 : memref<1x128xf32, #tpu.memory_space<vmem>> -> memref<128xf32, #tpu.memory_space<vmem>>
      %dma_wait3A_272 = arith.constant 0 : i32
      %dma_wait3A_273 = tpu.memref_slice %arg9[%dma_wait3A_268, %dma_wait3A_272] : memref<8x128xi32, #tpu.memory_space<vmem>> -> memref<1x128xi32, #tpu.memory_space<vmem>>
      %dma_wait3A_274 = tpu.memref_squeeze %dma_wait3A_273 : memref<1x128xi32, #tpu.memory_space<vmem>> -> memref<128xi32, #tpu.memory_space<vmem>>
      %dma_wait3A_275 = arith.constant 0 : i32
      %dma_wait3A_276 = tpu.memref_slice %arg7[%dma_wait3A_275] : memref<100352xf32, #tpu.memory_space<vmem_shared>> -> memref<100352xf32, #tpu.memory_space<vmem_shared>>
      tpu.wait_indirect_dma semaphore(%arg13 : memref<!tpu.dma_semaphore, #tpu.memory_space<semaphore_mem>>) src(%dma_wait3A_271 : memref<128xf32, #tpu.memory_space<vmem>>) dst(%dma_wait3A_276 : memref<100352xf32, #tpu.memory_space<vmem_shared>>)
      %dma_wait3A_277 = arith.constant 1 : i32
      %dma_wait3A_278 = arith.constant 1 : i32
      %dma_wait3A_279 = arith.constant 0 : i32
      %dma_wait3A_280 = tpu.memref_slice %arg10[%dma_wait3A_277, %dma_wait3A_279] : memref<8x128xf32, #tpu.memory_space<vmem>> -> memref<1x128xf32, #tpu.memory_space<vmem>>
      %dma_wait3A_281 = tpu.memref_squeeze %dma_wait3A_280 : memref<1x128xf32, #tpu.memory_space<vmem>> -> memref<128xf32, #tpu.memory_space<vmem>>
      %dma_wait3A_282 = arith.constant 0 : i32
      %dma_wait3A_283 = tpu.memref_slice %arg9[%dma_wait3A_278, %dma_wait3A_282] : memref<8x128xi32, #tpu.memory_space<vmem>> -> memref<1x128xi32, #tpu.memory_space<vmem>>
      %dma_wait3A_284 = tpu.memref_squeeze %dma_wait3A_283 : memref<1x128xi32, #tpu.memory_space<vmem>> -> memref<128xi32, #tpu.memory_space<vmem>>
      %dma_wait3A_285 = arith.constant 0 : i32
      %dma_wait3A_286 = tpu.memref_slice %arg7[%dma_wait3A_285] : memref<100352xf32, #tpu.memory_space<vmem_shared>> -> memref<100352xf32, #tpu.memory_space<vmem_shared>>
      tpu.wait_indirect_dma semaphore(%arg13 : memref<!tpu.dma_semaphore, #tpu.memory_space<semaphore_mem>>) src(%dma_wait3A_281 : memref<128xf32, #tpu.memory_space<vmem>>) dst(%dma_wait3A_286 : memref<100352xf32, #tpu.memory_space<vmem_shared>>)
      %dma_wait3A_287 = arith.constant 2 : i32
      %dma_wait3A_288 = arith.constant 2 : i32
      %dma_wait3A_289 = arith.constant 0 : i32
      %dma_wait3A_290 = tpu.memref_slice %arg10[%dma_wait3A_287, %dma_wait3A_289] : memref<8x128xf32, #tpu.memory_space<vmem>> -> memref<1x128xf32, #tpu.memory_space<vmem>>
      %dma_wait3A_291 = tpu.memref_squeeze %dma_wait3A_290 : memref<1x128xf32, #tpu.memory_space<vmem>> -> memref<128xf32, #tpu.memory_space<vmem>>
      %dma_wait3A_292 = arith.constant 0 : i32
      %dma_wait3A_293 = tpu.memref_slice %arg9[%dma_wait3A_288, %dma_wait3A_292] : memref<8x128xi32, #tpu.memory_space<vmem>> -> memref<1x128xi32, #tpu.memory_space<vmem>>
      %dma_wait3A_294 = tpu.memref_squeeze %dma_wait3A_293 : memref<1x128xi32, #tpu.memory_space<vmem>> -> memref<128xi32, #tpu.memory_space<vmem>>
      %dma_wait3A_295 = arith.constant 0 : i32
      %dma_wait3A_296 = tpu.memref_slice %arg7[%dma_wait3A_295] : memref<100352xf32, #tpu.memory_space<vmem_shared>> -> memref<100352xf32, #tpu.memory_space<vmem_shared>>
      tpu.wait_indirect_dma semaphore(%arg13 : memref<!tpu.dma_semaphore, #tpu.memory_space<semaphore_mem>>) src(%dma_wait3A_291 : memref<128xf32, #tpu.memory_space<vmem>>) dst(%dma_wait3A_296 : memref<100352xf32, #tpu.memory_space<vmem_shared>>)
      %dma_wait3A_297 = arith.constant 3 : i32
      %dma_wait3A_298 = arith.constant 3 : i32
      %dma_wait3A_299 = arith.constant 0 : i32
      %dma_wait3A_300 = tpu.memref_slice %arg10[%dma_wait3A_297, %dma_wait3A_299] : memref<8x128xf32, #tpu.memory_space<vmem>> -> memref<1x128xf32, #tpu.memory_space<vmem>>
      %dma_wait3A_301 = tpu.memref_squeeze %dma_wait3A_300 : memref<1x128xf32, #tpu.memory_space<vmem>> -> memref<128xf32, #tpu.memory_space<vmem>>
      %dma_wait3A_302 = arith.constant 0 : i32
      %dma_wait3A_303 = tpu.memref_slice %arg9[%dma_wait3A_298, %dma_wait3A_302] : memref<8x128xi32, #tpu.memory_space<vmem>> -> memref<1x128xi32, #tpu.memory_space<vmem>>
      %dma_wait3A_304 = tpu.memref_squeeze %dma_wait3A_303 : memref<1x128xi32, #tpu.memory_space<vmem>> -> memref<128xi32, #tpu.memory_space<vmem>>
      %dma_wait3A_305 = arith.constant 0 : i32
      %dma_wait3A_306 = tpu.memref_slice %arg7[%dma_wait3A_305] : memref<100352xf32, #tpu.memory_space<vmem_shared>> -> memref<100352xf32, #tpu.memory_space<vmem_shared>>
      tpu.wait_indirect_dma semaphore(%arg13 : memref<!tpu.dma_semaphore, #tpu.memory_space<semaphore_mem>>) src(%dma_wait3A_301 : memref<128xf32, #tpu.memory_space<vmem>>) dst(%dma_wait3A_306 : memref<100352xf32, #tpu.memory_space<vmem_shared>>)
      %dma_wait3A_307 = arith.constant 4 : i32
      %dma_wait3A_308 = arith.constant 4 : i32
      %dma_wait3A_309 = arith.constant 0 : i32
      %dma_wait3A_310 = tpu.memref_slice %arg10[%dma_wait3A_307, %dma_wait3A_309] : memref<8x128xf32, #tpu.memory_space<vmem>> -> memref<1x128xf32, #tpu.memory_space<vmem>>
      %dma_wait3A_311 = tpu.memref_squeeze %dma_wait3A_310 : memref<1x128xf32, #tpu.memory_space<vmem>> -> memref<128xf32, #tpu.memory_space<vmem>>
      %dma_wait3A_312 = arith.constant 0 : i32
      %dma_wait3A_313 = tpu.memref_slice %arg9[%dma_wait3A_308, %dma_wait3A_312] : memref<8x128xi32, #tpu.memory_space<vmem>> -> memref<1x128xi32, #tpu.memory_space<vmem>>
      %dma_wait3A_314 = tpu.memref_squeeze %dma_wait3A_313 : memref<1x128xi32, #tpu.memory_space<vmem>> -> memref<128xi32, #tpu.memory_space<vmem>>
      %dma_wait3A_315 = arith.constant 0 : i32
      %dma_wait3A_316 = tpu.memref_slice %arg7[%dma_wait3A_315] : memref<100352xf32, #tpu.memory_space<vmem_shared>> -> memref<100352xf32, #tpu.memory_space<vmem_shared>>
      tpu.wait_indirect_dma semaphore(%arg13 : memref<!tpu.dma_semaphore, #tpu.memory_space<semaphore_mem>>) src(%dma_wait3A_311 : memref<128xf32, #tpu.memory_space<vmem>>) dst(%dma_wait3A_316 : memref<100352xf32, #tpu.memory_space<vmem_shared>>)
      %dma_wait3A_317 = arith.constant 5 : i32
      %dma_wait3A_318 = arith.constant 5 : i32
      %dma_wait3A_319 = arith.constant 0 : i32
      %dma_wait3A_320 = tpu.memref_slice %arg10[%dma_wait3A_317, %dma_wait3A_319] : memref<8x128xf32, #tpu.memory_space<vmem>> -> memref<1x128xf32, #tpu.memory_space<vmem>>
      %dma_wait3A_321 = tpu.memref_squeeze %dma_wait3A_320 : memref<1x128xf32, #tpu.memory_space<vmem>> -> memref<128xf32, #tpu.memory_space<vmem>>
      %dma_wait3A_322 = arith.constant 0 : i32
      %dma_wait3A_323 = tpu.memref_slice %arg9[%dma_wait3A_318, %dma_wait3A_322] : memref<8x128xi32, #tpu.memory_space<vmem>> -> memref<1x128xi32, #tpu.memory_space<vmem>>
      %dma_wait3A_324 = tpu.memref_squeeze %dma_wait3A_323 : memref<1x128xi32, #tpu.memory_space<vmem>> -> memref<128xi32, #tpu.memory_space<vmem>>
      %dma_wait3A_325 = arith.constant 0 : i32
      %dma_wait3A_326 = tpu.memref_slice %arg7[%dma_wait3A_325] : memref<100352xf32, #tpu.memory_space<vmem_shared>> -> memref<100352xf32, #tpu.memory_space<vmem_shared>>
      tpu.wait_indirect_dma semaphore(%arg13 : memref<!tpu.dma_semaphore, #tpu.memory_space<semaphore_mem>>) src(%dma_wait3A_321 : memref<128xf32, #tpu.memory_space<vmem>>) dst(%dma_wait3A_326 : memref<100352xf32, #tpu.memory_space<vmem_shared>>)
      %dma_wait3A_327 = arith.constant 6 : i32
      %dma_wait3A_328 = arith.constant 6 : i32
      %dma_wait3A_329 = arith.constant 0 : i32
      %dma_wait3A_330 = tpu.memref_slice %arg10[%dma_wait3A_327, %dma_wait3A_329] : memref<8x128xf32, #tpu.memory_space<vmem>> -> memref<1x128xf32, #tpu.memory_space<vmem>>
      %dma_wait3A_331 = tpu.memref_squeeze %dma_wait3A_330 : memref<1x128xf32, #tpu.memory_space<vmem>> -> memref<128xf32, #tpu.memory_space<vmem>>
      %dma_wait3A_332 = arith.constant 0 : i32
      %dma_wait3A_333 = tpu.memref_slice %arg9[%dma_wait3A_328, %dma_wait3A_332] : memref<8x128xi32, #tpu.memory_space<vmem>> -> memref<1x128xi32, #tpu.memory_space<vmem>>
      %dma_wait3A_334 = tpu.memref_squeeze %dma_wait3A_333 : memref<1x128xi32, #tpu.memory_space<vmem>> -> memref<128xi32, #tpu.memory_space<vmem>>
      %dma_wait3A_335 = arith.constant 0 : i32
      %dma_wait3A_336 = tpu.memref_slice %arg7[%dma_wait3A_335] : memref<100352xf32, #tpu.memory_space<vmem_shared>> -> memref<100352xf32, #tpu.memory_space<vmem_shared>>
      tpu.wait_indirect_dma semaphore(%arg13 : memref<!tpu.dma_semaphore, #tpu.memory_space<semaphore_mem>>) src(%dma_wait3A_331 : memref<128xf32, #tpu.memory_space<vmem>>) dst(%dma_wait3A_336 : memref<100352xf32, #tpu.memory_space<vmem_shared>>)
      %dma_wait3A_337 = arith.constant 7 : i32
      %dma_wait3A_338 = arith.constant 7 : i32
      %dma_wait3A_339 = arith.constant 0 : i32
      %dma_wait3A_340 = tpu.memref_slice %arg10[%dma_wait3A_337, %dma_wait3A_339] : memref<8x128xf32, #tpu.memory_space<vmem>> -> memref<1x128xf32, #tpu.memory_space<vmem>>
      %dma_wait3A_341 = tpu.memref_squeeze %dma_wait3A_340 : memref<1x128xf32, #tpu.memory_space<vmem>> -> memref<128xf32, #tpu.memory_space<vmem>>
      %dma_wait3A_342 = arith.constant 0 : i32
      %dma_wait3A_343 = tpu.memref_slice %arg9[%dma_wait3A_338, %dma_wait3A_342] : memref<8x128xi32, #tpu.memory_space<vmem>> -> memref<1x128xi32, #tpu.memory_space<vmem>>
      %dma_wait3A_344 = tpu.memref_squeeze %dma_wait3A_343 : memref<1x128xi32, #tpu.memory_space<vmem>> -> memref<128xi32, #tpu.memory_space<vmem>>
      %dma_wait3A_345 = arith.constant 0 : i32
      %dma_wait3A_346 = tpu.memref_slice %arg7[%dma_wait3A_345] : memref<100352xf32, #tpu.memory_space<vmem_shared>> -> memref<100352xf32, #tpu.memory_space<vmem_shared>>
      tpu.wait_indirect_dma semaphore(%arg13 : memref<!tpu.dma_semaphore, #tpu.memory_space<semaphore_mem>>) src(%dma_wait3A_341 : memref<128xf32, #tpu.memory_space<vmem>>) dst(%dma_wait3A_346 : memref<100352xf32, #tpu.memory_space<vmem_shared>>)
    }
    %while3A_24 = arith.constant 1 : i32
    scf.for %while3A_26 = %while3A_22 to %while3A_18 step %while3A_24  : i32 {
      %add3A_27 = arith.addi %add3A_11, %while3A_26 : i32
      "tpu.region"() ({
        %run_scoped3A = tpu.sem_alloc : memref<!tpu.dma_semaphore, #tpu.memory_space<semaphore_mem>>
        %dma_start3A_347 = arith.constant 0 : i32
        %dma_start3A_348 = arith.constant 0 : i32
        %dma_start3A_349 = tpu.memref_slice %arg2[%add3A_27, %dma_start3A_347, %dma_start3A_348] : memref<6250x8x128xi32, #tpu.memory_space<hbm>> -> memref<1x8x128xi32, #tpu.memory_space<hbm>>
        %dma_start3A_350 = tpu.memref_squeeze %dma_start3A_349 : memref<1x8x128xi32, #tpu.memory_space<hbm>> -> memref<8x128xi32, #tpu.memory_space<hbm>>
        %dma_start3A_351 = arith.constant 0 : i32
        %dma_start3A_352 = arith.constant 0 : i32
        %dma_start3A_353 = tpu.memref_slice %arg2[%add3A_27, %dma_start3A_351, %dma_start3A_352] : memref<6250x8x128xi32, #tpu.memory_space<hbm>> -> memref<1x8x128xi32, #tpu.memory_space<hbm>>
        %dma_start3A_354 = tpu.memref_squeeze %dma_start3A_353 : memref<1x8x128xi32, #tpu.memory_space<hbm>> -> memref<8x128xi32, #tpu.memory_space<hbm>>
        tpu.enqueue_dma source(%dma_start3A_354 : memref<8x128xi32, #tpu.memory_space<hbm>>) target(%arg8 : memref<8x128xi32, #tpu.memory_space<vmem>>) target_semaphore(%run_scoped3A : memref<!tpu.dma_semaphore, #tpu.memory_space<semaphore_mem>>)
        %dma_wait3A_355 = arith.constant 0 : i32
        %dma_wait3A_356 = arith.constant 0 : i32
        %dma_wait3A_357 = tpu.memref_slice %arg2[%add3A_27, %dma_wait3A_355, %dma_wait3A_356] : memref<6250x8x128xi32, #tpu.memory_space<hbm>> -> memref<1x8x128xi32, #tpu.memory_space<hbm>>
        %dma_wait3A_358 = tpu.memref_squeeze %dma_wait3A_357 : memref<1x8x128xi32, #tpu.memory_space<hbm>> -> memref<8x128xi32, #tpu.memory_space<hbm>>
        %dma_wait3A_359 = arith.constant 0 : i32
        %dma_wait3A_360 = arith.constant 0 : i32
        %dma_wait3A_361 = tpu.memref_slice %arg2[%add3A_27, %dma_wait3A_359, %dma_wait3A_360] : memref<6250x8x128xi32, #tpu.memory_space<hbm>> -> memref<1x8x128xi32, #tpu.memory_space<hbm>>
        %dma_wait3A_362 = tpu.memref_squeeze %dma_wait3A_361 : memref<1x8x128xi32, #tpu.memory_space<hbm>> -> memref<8x128xi32, #tpu.memory_space<hbm>>
        tpu.wait_dma2 semaphore(%run_scoped3A : memref<!tpu.dma_semaphore, #tpu.memory_space<semaphore_mem>>) src(%dma_wait3A_362 : memref<8x128xi32, #tpu.memory_space<hbm>>) dst(%arg8 : memref<8x128xi32, #tpu.memory_space<vmem>>)
        tpu.yield
      }) : () -> ()
      %add3A_28 = arith.addi %add3A_11, %while3A_26 : i32
      "tpu.region"() ({
        %run_scoped3A = tpu.sem_alloc : memref<!tpu.dma_semaphore, #tpu.memory_space<semaphore_mem>>
        %dma_start3A_347 = arith.constant 0 : i32
        %dma_start3A_348 = arith.constant 0 : i32
        %dma_start3A_349 = tpu.memref_slice %arg3[%add3A_28, %dma_start3A_347, %dma_start3A_348] : memref<6250x8x128xi32, #tpu.memory_space<hbm>> -> memref<1x8x128xi32, #tpu.memory_space<hbm>>
        %dma_start3A_350 = tpu.memref_squeeze %dma_start3A_349 : memref<1x8x128xi32, #tpu.memory_space<hbm>> -> memref<8x128xi32, #tpu.memory_space<hbm>>
        %dma_start3A_351 = arith.constant 0 : i32
        %dma_start3A_352 = arith.constant 0 : i32
        %dma_start3A_353 = tpu.memref_slice %arg3[%add3A_28, %dma_start3A_351, %dma_start3A_352] : memref<6250x8x128xi32, #tpu.memory_space<hbm>> -> memref<1x8x128xi32, #tpu.memory_space<hbm>>
        %dma_start3A_354 = tpu.memref_squeeze %dma_start3A_353 : memref<1x8x128xi32, #tpu.memory_space<hbm>> -> memref<8x128xi32, #tpu.memory_space<hbm>>
        tpu.enqueue_dma source(%dma_start3A_354 : memref<8x128xi32, #tpu.memory_space<hbm>>) target(%arg9 : memref<8x128xi32, #tpu.memory_space<vmem>>) target_semaphore(%run_scoped3A : memref<!tpu.dma_semaphore, #tpu.memory_space<semaphore_mem>>)
        %dma_wait3A_355 = arith.constant 0 : i32
        %dma_wait3A_356 = arith.constant 0 : i32
        %dma_wait3A_357 = tpu.memref_slice %arg3[%add3A_28, %dma_wait3A_355, %dma_wait3A_356] : memref<6250x8x128xi32, #tpu.memory_space<hbm>> -> memref<1x8x128xi32, #tpu.memory_space<hbm>>
        %dma_wait3A_358 = tpu.memref_squeeze %dma_wait3A_357 : memref<1x8x128xi32, #tpu.memory_space<hbm>> -> memref<8x128xi32, #tpu.memory_space<hbm>>
        %dma_wait3A_359 = arith.constant 0 : i32
        %dma_wait3A_360 = arith.constant 0 : i32
        %dma_wait3A_361 = tpu.memref_slice %arg3[%add3A_28, %dma_wait3A_359, %dma_wait3A_360] : memref<6250x8x128xi32, #tpu.memory_space<hbm>> -> memref<1x8x128xi32, #tpu.memory_space<hbm>>
        %dma_wait3A_362 = tpu.memref_squeeze %dma_wait3A_361 : memref<1x8x128xi32, #tpu.memory_space<hbm>> -> memref<8x128xi32, #tpu.memory_space<hbm>>
        tpu.wait_dma2 semaphore(%run_scoped3A : memref<!tpu.dma_semaphore, #tpu.memory_space<semaphore_mem>>) src(%dma_wait3A_362 : memref<8x128xi32, #tpu.memory_space<hbm>>) dst(%arg9 : memref<8x128xi32, #tpu.memory_space<vmem>>)
        tpu.yield
      }) : () -> ()
      %dma_start3A = arith.constant 0 : i32
      %dma_start3A_29 = arith.constant 0 : i32
      %dma_start3A_30 = arith.constant 0 : i32
      %dma_start3A_31 = tpu.memref_slice %arg10[%dma_start3A_29, %dma_start3A_30] : memref<8x128xf32, #tpu.memory_space<vmem>> -> memref<1x128xf32, #tpu.memory_space<vmem>>
      %dma_start3A_32 = tpu.memref_squeeze %dma_start3A_31 : memref<1x128xf32, #tpu.memory_space<vmem>> -> memref<128xf32, #tpu.memory_space<vmem>>
      %dma_start3A_33 = arith.constant 0 : i32
      %dma_start3A_34 = tpu.memref_slice %arg8[%dma_start3A, %dma_start3A_33] : memref<8x128xi32, #tpu.memory_space<vmem>> -> memref<1x128xi32, #tpu.memory_space<vmem>>
      %dma_start3A_35 = tpu.memref_squeeze %dma_start3A_34 : memref<1x128xi32, #tpu.memory_space<vmem>> -> memref<128xi32, #tpu.memory_space<vmem>>
      %dma_start3A_36 = arith.constant 0 : i32
      %dma_start3A_37 = tpu.memref_slice %arg6[%dma_start3A_36] : memref<100352xf32, #tpu.memory_space<vmem_shared>> -> memref<100352xf32, #tpu.memory_space<vmem_shared>>
      tpu.enqueue_indirect_dma source(%dma_start3A_37 : memref<100352xf32, #tpu.memory_space<vmem_shared>>) target(%dma_start3A_32 : memref<128xf32, #tpu.memory_space<vmem>>) offsets(%dma_start3A_35 : memref<128xi32, #tpu.memory_space<vmem>>) semaphore(%arg12 : memref<!tpu.dma_semaphore, #tpu.memory_space<semaphore_mem>>)
      %dma_start3A_38 = arith.constant 1 : i32
      %dma_start3A_39 = arith.constant 1 : i32
      %dma_start3A_40 = arith.constant 0 : i32
      %dma_start3A_41 = tpu.memref_slice %arg10[%dma_start3A_39, %dma_start3A_40] : memref<8x128xf32, #tpu.memory_space<vmem>> -> memref<1x128xf32, #tpu.memory_space<vmem>>
      %dma_start3A_42 = tpu.memref_squeeze %dma_start3A_41 : memref<1x128xf32, #tpu.memory_space<vmem>> -> memref<128xf32, #tpu.memory_space<vmem>>
      %dma_start3A_43 = arith.constant 0 : i32
      %dma_start3A_44 = tpu.memref_slice %arg8[%dma_start3A_38, %dma_start3A_43] : memref<8x128xi32, #tpu.memory_space<vmem>> -> memref<1x128xi32, #tpu.memory_space<vmem>>
      %dma_start3A_45 = tpu.memref_squeeze %dma_start3A_44 : memref<1x128xi32, #tpu.memory_space<vmem>> -> memref<128xi32, #tpu.memory_space<vmem>>
      %dma_start3A_46 = arith.constant 0 : i32
      %dma_start3A_47 = tpu.memref_slice %arg6[%dma_start3A_46] : memref<100352xf32, #tpu.memory_space<vmem_shared>> -> memref<100352xf32, #tpu.memory_space<vmem_shared>>
      tpu.enqueue_indirect_dma source(%dma_start3A_47 : memref<100352xf32, #tpu.memory_space<vmem_shared>>) target(%dma_start3A_42 : memref<128xf32, #tpu.memory_space<vmem>>) offsets(%dma_start3A_45 : memref<128xi32, #tpu.memory_space<vmem>>) semaphore(%arg12 : memref<!tpu.dma_semaphore, #tpu.memory_space<semaphore_mem>>)
      %dma_start3A_48 = arith.constant 2 : i32
      %dma_start3A_49 = arith.constant 2 : i32
      %dma_start3A_50 = arith.constant 0 : i32
      %dma_start3A_51 = tpu.memref_slice %arg10[%dma_start3A_49, %dma_start3A_50] : memref<8x128xf32, #tpu.memory_space<vmem>> -> memref<1x128xf32, #tpu.memory_space<vmem>>
      %dma_start3A_52 = tpu.memref_squeeze %dma_start3A_51 : memref<1x128xf32, #tpu.memory_space<vmem>> -> memref<128xf32, #tpu.memory_space<vmem>>
      %dma_start3A_53 = arith.constant 0 : i32
      %dma_start3A_54 = tpu.memref_slice %arg8[%dma_start3A_48, %dma_start3A_53] : memref<8x128xi32, #tpu.memory_space<vmem>> -> memref<1x128xi32, #tpu.memory_space<vmem>>
      %dma_start3A_55 = tpu.memref_squeeze %dma_start3A_54 : memref<1x128xi32, #tpu.memory_space<vmem>> -> memref<128xi32, #tpu.memory_space<vmem>>
      %dma_start3A_56 = arith.constant 0 : i32
      %dma_start3A_57 = tpu.memref_slice %arg6[%dma_start3A_56] : memref<100352xf32, #tpu.memory_space<vmem_shared>> -> memref<100352xf32, #tpu.memory_space<vmem_shared>>
      tpu.enqueue_indirect_dma source(%dma_start3A_57 : memref<100352xf32, #tpu.memory_space<vmem_shared>>) target(%dma_start3A_52 : memref<128xf32, #tpu.memory_space<vmem>>) offsets(%dma_start3A_55 : memref<128xi32, #tpu.memory_space<vmem>>) semaphore(%arg12 : memref<!tpu.dma_semaphore, #tpu.memory_space<semaphore_mem>>)
      %dma_start3A_58 = arith.constant 3 : i32
      %dma_start3A_59 = arith.constant 3 : i32
      %dma_start3A_60 = arith.constant 0 : i32
      %dma_start3A_61 = tpu.memref_slice %arg10[%dma_start3A_59, %dma_start3A_60] : memref<8x128xf32, #tpu.memory_space<vmem>> -> memref<1x128xf32, #tpu.memory_space<vmem>>
      %dma_start3A_62 = tpu.memref_squeeze %dma_start3A_61 : memref<1x128xf32, #tpu.memory_space<vmem>> -> memref<128xf32, #tpu.memory_space<vmem>>
      %dma_start3A_63 = arith.constant 0 : i32
      %dma_start3A_64 = tpu.memref_slice %arg8[%dma_start3A_58, %dma_start3A_63] : memref<8x128xi32, #tpu.memory_space<vmem>> -> memref<1x128xi32, #tpu.memory_space<vmem>>
      %dma_start3A_65 = tpu.memref_squeeze %dma_start3A_64 : memref<1x128xi32, #tpu.memory_space<vmem>> -> memref<128xi32, #tpu.memory_space<vmem>>
      %dma_start3A_66 = arith.constant 0 : i32
      %dma_start3A_67 = tpu.memref_slice %arg6[%dma_start3A_66] : memref<100352xf32, #tpu.memory_space<vmem_shared>> -> memref<100352xf32, #tpu.memory_space<vmem_shared>>
      tpu.enqueue_indirect_dma source(%dma_start3A_67 : memref<100352xf32, #tpu.memory_space<vmem_shared>>) target(%dma_start3A_62 : memref<128xf32, #tpu.memory_space<vmem>>) offsets(%dma_start3A_65 : memref<128xi32, #tpu.memory_space<vmem>>) semaphore(%arg12 : memref<!tpu.dma_semaphore, #tpu.memory_space<semaphore_mem>>)
      %dma_start3A_68 = arith.constant 4 : i32
      %dma_start3A_69 = arith.constant 4 : i32
      %dma_start3A_70 = arith.constant 0 : i32
      %dma_start3A_71 = tpu.memref_slice %arg10[%dma_start3A_69, %dma_start3A_70] : memref<8x128xf32, #tpu.memory_space<vmem>> -> memref<1x128xf32, #tpu.memory_space<vmem>>
      %dma_start3A_72 = tpu.memref_squeeze %dma_start3A_71 : memref<1x128xf32, #tpu.memory_space<vmem>> -> memref<128xf32, #tpu.memory_space<vmem>>
      %dma_start3A_73 = arith.constant 0 : i32
      %dma_start3A_74 = tpu.memref_slice %arg8[%dma_start3A_68, %dma_start3A_73] : memref<8x128xi32, #tpu.memory_space<vmem>> -> memref<1x128xi32, #tpu.memory_space<vmem>>
      %dma_start3A_75 = tpu.memref_squeeze %dma_start3A_74 : memref<1x128xi32, #tpu.memory_space<vmem>> -> memref<128xi32, #tpu.memory_space<vmem>>
      %dma_start3A_76 = arith.constant 0 : i32
      %dma_start3A_77 = tpu.memref_slice %arg6[%dma_start3A_76] : memref<100352xf32, #tpu.memory_space<vmem_shared>> -> memref<100352xf32, #tpu.memory_space<vmem_shared>>
      tpu.enqueue_indirect_dma source(%dma_start3A_77 : memref<100352xf32, #tpu.memory_space<vmem_shared>>) target(%dma_start3A_72 : memref<128xf32, #tpu.memory_space<vmem>>) offsets(%dma_start3A_75 : memref<128xi32, #tpu.memory_space<vmem>>) semaphore(%arg12 : memref<!tpu.dma_semaphore, #tpu.memory_space<semaphore_mem>>)
      %dma_start3A_78 = arith.constant 5 : i32
      %dma_start3A_79 = arith.constant 5 : i32
      %dma_start3A_80 = arith.constant 0 : i32
      %dma_start3A_81 = tpu.memref_slice %arg10[%dma_start3A_79, %dma_start3A_80] : memref<8x128xf32, #tpu.memory_space<vmem>> -> memref<1x128xf32, #tpu.memory_space<vmem>>
      %dma_start3A_82 = tpu.memref_squeeze %dma_start3A_81 : memref<1x128xf32, #tpu.memory_space<vmem>> -> memref<128xf32, #tpu.memory_space<vmem>>
      %dma_start3A_83 = arith.constant 0 : i32
      %dma_start3A_84 = tpu.memref_slice %arg8[%dma_start3A_78, %dma_start3A_83] : memref<8x128xi32, #tpu.memory_space<vmem>> -> memref<1x128xi32, #tpu.memory_space<vmem>>
      %dma_start3A_85 = tpu.memref_squeeze %dma_start3A_84 : memref<1x128xi32, #tpu.memory_space<vmem>> -> memref<128xi32, #tpu.memory_space<vmem>>
      %dma_start3A_86 = arith.constant 0 : i32
      %dma_start3A_87 = tpu.memref_slice %arg6[%dma_start3A_86] : memref<100352xf32, #tpu.memory_space<vmem_shared>> -> memref<100352xf32, #tpu.memory_space<vmem_shared>>
      tpu.enqueue_indirect_dma source(%dma_start3A_87 : memref<100352xf32, #tpu.memory_space<vmem_shared>>) target(%dma_start3A_82 : memref<128xf32, #tpu.memory_space<vmem>>) offsets(%dma_start3A_85 : memref<128xi32, #tpu.memory_space<vmem>>) semaphore(%arg12 : memref<!tpu.dma_semaphore, #tpu.memory_space<semaphore_mem>>)
      %dma_start3A_88 = arith.constant 6 : i32
      %dma_start3A_89 = arith.constant 6 : i32
      %dma_start3A_90 = arith.constant 0 : i32
      %dma_start3A_91 = tpu.memref_slice %arg10[%dma_start3A_89, %dma_start3A_90] : memref<8x128xf32, #tpu.memory_space<vmem>> -> memref<1x128xf32, #tpu.memory_space<vmem>>
      %dma_start3A_92 = tpu.memref_squeeze %dma_start3A_91 : memref<1x128xf32, #tpu.memory_space<vmem>> -> memref<128xf32, #tpu.memory_space<vmem>>
      %dma_start3A_93 = arith.constant 0 : i32
      %dma_start3A_94 = tpu.memref_slice %arg8[%dma_start3A_88, %dma_start3A_93] : memref<8x128xi32, #tpu.memory_space<vmem>> -> memref<1x128xi32, #tpu.memory_space<vmem>>
      %dma_start3A_95 = tpu.memref_squeeze %dma_start3A_94 : memref<1x128xi32, #tpu.memory_space<vmem>> -> memref<128xi32, #tpu.memory_space<vmem>>
      %dma_start3A_96 = arith.constant 0 : i32
      %dma_start3A_97 = tpu.memref_slice %arg6[%dma_start3A_96] : memref<100352xf32, #tpu.memory_space<vmem_shared>> -> memref<100352xf32, #tpu.memory_space<vmem_shared>>
      tpu.enqueue_indirect_dma source(%dma_start3A_97 : memref<100352xf32, #tpu.memory_space<vmem_shared>>) target(%dma_start3A_92 : memref<128xf32, #tpu.memory_space<vmem>>) offsets(%dma_start3A_95 : memref<128xi32, #tpu.memory_space<vmem>>) semaphore(%arg12 : memref<!tpu.dma_semaphore, #tpu.memory_space<semaphore_mem>>)
      %dma_start3A_98 = arith.constant 7 : i32
      %dma_start3A_99 = arith.constant 7 : i32
      %dma_start3A_100 = arith.constant 0 : i32
      %dma_start3A_101 = tpu.memref_slice %arg10[%dma_start3A_99, %dma_start3A_100] : memref<8x128xf32, #tpu.memory_space<vmem>> -> memref<1x128xf32, #tpu.memory_space<vmem>>
      %dma_start3A_102 = tpu.memref_squeeze %dma_start3A_101 : memref<1x128xf32, #tpu.memory_space<vmem>> -> memref<128xf32, #tpu.memory_space<vmem>>
      %dma_start3A_103 = arith.constant 0 : i32
      %dma_start3A_104 = tpu.memref_slice %arg8[%dma_start3A_98, %dma_start3A_103] : memref<8x128xi32, #tpu.memory_space<vmem>> -> memref<1x128xi32, #tpu.memory_space<vmem>>
      %dma_start3A_105 = tpu.memref_squeeze %dma_start3A_104 : memref<1x128xi32, #tpu.memory_space<vmem>> -> memref<128xi32, #tpu.memory_space<vmem>>
      %dma_start3A_106 = arith.constant 0 : i32
      %dma_start3A_107 = tpu.memref_slice %arg6[%dma_start3A_106] : memref<100352xf32, #tpu.memory_space<vmem_shared>> -> memref<100352xf32, #tpu.memory_space<vmem_shared>>
      tpu.enqueue_indirect_dma source(%dma_start3A_107 : memref<100352xf32, #tpu.memory_space<vmem_shared>>) target(%dma_start3A_102 : memref<128xf32, #tpu.memory_space<vmem>>) offsets(%dma_start3A_105 : memref<128xi32, #tpu.memory_space<vmem>>) semaphore(%arg12 : memref<!tpu.dma_semaphore, #tpu.memory_space<semaphore_mem>>)
      %dma_wait3A = arith.constant 0 : i32
      %dma_wait3A_108 = arith.constant 0 : i32
      %dma_wait3A_109 = arith.constant 0 : i32
      %dma_wait3A_110 = tpu.memref_slice %arg10[%dma_wait3A_108, %dma_wait3A_109] : memref<8x128xf32, #tpu.memory_space<vmem>> -> memref<1x128xf32, #tpu.memory_space<vmem>>
      %dma_wait3A_111 = tpu.memref_squeeze %dma_wait3A_110 : memref<1x128xf32, #tpu.memory_space<vmem>> -> memref<128xf32, #tpu.memory_space<vmem>>
      %dma_wait3A_112 = arith.constant 0 : i32
      %dma_wait3A_113 = tpu.memref_slice %arg8[%dma_wait3A, %dma_wait3A_112] : memref<8x128xi32, #tpu.memory_space<vmem>> -> memref<1x128xi32, #tpu.memory_space<vmem>>
      %dma_wait3A_114 = tpu.memref_squeeze %dma_wait3A_113 : memref<1x128xi32, #tpu.memory_space<vmem>> -> memref<128xi32, #tpu.memory_space<vmem>>
      %dma_wait3A_115 = arith.constant 0 : i32
      %dma_wait3A_116 = tpu.memref_slice %arg6[%dma_wait3A_115] : memref<100352xf32, #tpu.memory_space<vmem_shared>> -> memref<100352xf32, #tpu.memory_space<vmem_shared>>
      tpu.wait_indirect_dma semaphore(%arg12 : memref<!tpu.dma_semaphore, #tpu.memory_space<semaphore_mem>>) src(%dma_wait3A_116 : memref<100352xf32, #tpu.memory_space<vmem_shared>>) dst(%dma_wait3A_111 : memref<128xf32, #tpu.memory_space<vmem>>)
      %dma_wait3A_117 = arith.constant 1 : i32
      %dma_wait3A_118 = arith.constant 1 : i32
      %dma_wait3A_119 = arith.constant 0 : i32
      %dma_wait3A_120 = tpu.memref_slice %arg10[%dma_wait3A_118, %dma_wait3A_119] : memref<8x128xf32, #tpu.memory_space<vmem>> -> memref<1x128xf32, #tpu.memory_space<vmem>>
      %dma_wait3A_121 = tpu.memref_squeeze %dma_wait3A_120 : memref<1x128xf32, #tpu.memory_space<vmem>> -> memref<128xf32, #tpu.memory_space<vmem>>
      %dma_wait3A_122 = arith.constant 0 : i32
      %dma_wait3A_123 = tpu.memref_slice %arg8[%dma_wait3A_117, %dma_wait3A_122] : memref<8x128xi32, #tpu.memory_space<vmem>> -> memref<1x128xi32, #tpu.memory_space<vmem>>
      %dma_wait3A_124 = tpu.memref_squeeze %dma_wait3A_123 : memref<1x128xi32, #tpu.memory_space<vmem>> -> memref<128xi32, #tpu.memory_space<vmem>>
      %dma_wait3A_125 = arith.constant 0 : i32
      %dma_wait3A_126 = tpu.memref_slice %arg6[%dma_wait3A_125] : memref<100352xf32, #tpu.memory_space<vmem_shared>> -> memref<100352xf32, #tpu.memory_space<vmem_shared>>
      tpu.wait_indirect_dma semaphore(%arg12 : memref<!tpu.dma_semaphore, #tpu.memory_space<semaphore_mem>>) src(%dma_wait3A_126 : memref<100352xf32, #tpu.memory_space<vmem_shared>>) dst(%dma_wait3A_121 : memref<128xf32, #tpu.memory_space<vmem>>)
      %dma_wait3A_127 = arith.constant 2 : i32
      %dma_wait3A_128 = arith.constant 2 : i32
      %dma_wait3A_129 = arith.constant 0 : i32
      %dma_wait3A_130 = tpu.memref_slice %arg10[%dma_wait3A_128, %dma_wait3A_129] : memref<8x128xf32, #tpu.memory_space<vmem>> -> memref<1x128xf32, #tpu.memory_space<vmem>>
      %dma_wait3A_131 = tpu.memref_squeeze %dma_wait3A_130 : memref<1x128xf32, #tpu.memory_space<vmem>> -> memref<128xf32, #tpu.memory_space<vmem>>
      %dma_wait3A_132 = arith.constant 0 : i32
      %dma_wait3A_133 = tpu.memref_slice %arg8[%dma_wait3A_127, %dma_wait3A_132] : memref<8x128xi32, #tpu.memory_space<vmem>> -> memref<1x128xi32, #tpu.memory_space<vmem>>
      %dma_wait3A_134 = tpu.memref_squeeze %dma_wait3A_133 : memref<1x128xi32, #tpu.memory_space<vmem>> -> memref<128xi32, #tpu.memory_space<vmem>>
      %dma_wait3A_135 = arith.constant 0 : i32
      %dma_wait3A_136 = tpu.memref_slice %arg6[%dma_wait3A_135] : memref<100352xf32, #tpu.memory_space<vmem_shared>> -> memref<100352xf32, #tpu.memory_space<vmem_shared>>
      tpu.wait_indirect_dma semaphore(%arg12 : memref<!tpu.dma_semaphore, #tpu.memory_space<semaphore_mem>>) src(%dma_wait3A_136 : memref<100352xf32, #tpu.memory_space<vmem_shared>>) dst(%dma_wait3A_131 : memref<128xf32, #tpu.memory_space<vmem>>)
      %dma_wait3A_137 = arith.constant 3 : i32
      %dma_wait3A_138 = arith.constant 3 : i32
      %dma_wait3A_139 = arith.constant 0 : i32
      %dma_wait3A_140 = tpu.memref_slice %arg10[%dma_wait3A_138, %dma_wait3A_139] : memref<8x128xf32, #tpu.memory_space<vmem>> -> memref<1x128xf32, #tpu.memory_space<vmem>>
      %dma_wait3A_141 = tpu.memref_squeeze %dma_wait3A_140 : memref<1x128xf32, #tpu.memory_space<vmem>> -> memref<128xf32, #tpu.memory_space<vmem>>
      %dma_wait3A_142 = arith.constant 0 : i32
      %dma_wait3A_143 = tpu.memref_slice %arg8[%dma_wait3A_137, %dma_wait3A_142] : memref<8x128xi32, #tpu.memory_space<vmem>> -> memref<1x128xi32, #tpu.memory_space<vmem>>
      %dma_wait3A_144 = tpu.memref_squeeze %dma_wait3A_143 : memref<1x128xi32, #tpu.memory_space<vmem>> -> memref<128xi32, #tpu.memory_space<vmem>>
      %dma_wait3A_145 = arith.constant 0 : i32
      %dma_wait3A_146 = tpu.memref_slice %arg6[%dma_wait3A_145] : memref<100352xf32, #tpu.memory_space<vmem_shared>> -> memref<100352xf32, #tpu.memory_space<vmem_shared>>
      tpu.wait_indirect_dma semaphore(%arg12 : memref<!tpu.dma_semaphore, #tpu.memory_space<semaphore_mem>>) src(%dma_wait3A_146 : memref<100352xf32, #tpu.memory_space<vmem_shared>>) dst(%dma_wait3A_141 : memref<128xf32, #tpu.memory_space<vmem>>)
      %dma_wait3A_147 = arith.constant 4 : i32
      %dma_wait3A_148 = arith.constant 4 : i32
      %dma_wait3A_149 = arith.constant 0 : i32
      %dma_wait3A_150 = tpu.memref_slice %arg10[%dma_wait3A_148, %dma_wait3A_149] : memref<8x128xf32, #tpu.memory_space<vmem>> -> memref<1x128xf32, #tpu.memory_space<vmem>>
      %dma_wait3A_151 = tpu.memref_squeeze %dma_wait3A_150 : memref<1x128xf32, #tpu.memory_space<vmem>> -> memref<128xf32, #tpu.memory_space<vmem>>
      %dma_wait3A_152 = arith.constant 0 : i32
      %dma_wait3A_153 = tpu.memref_slice %arg8[%dma_wait3A_147, %dma_wait3A_152] : memref<8x128xi32, #tpu.memory_space<vmem>> -> memref<1x128xi32, #tpu.memory_space<vmem>>
      %dma_wait3A_154 = tpu.memref_squeeze %dma_wait3A_153 : memref<1x128xi32, #tpu.memory_space<vmem>> -> memref<128xi32, #tpu.memory_space<vmem>>
      %dma_wait3A_155 = arith.constant 0 : i32
      %dma_wait3A_156 = tpu.memref_slice %arg6[%dma_wait3A_155] : memref<100352xf32, #tpu.memory_space<vmem_shared>> -> memref<100352xf32, #tpu.memory_space<vmem_shared>>
      tpu.wait_indirect_dma semaphore(%arg12 : memref<!tpu.dma_semaphore, #tpu.memory_space<semaphore_mem>>) src(%dma_wait3A_156 : memref<100352xf32, #tpu.memory_space<vmem_shared>>) dst(%dma_wait3A_151 : memref<128xf32, #tpu.memory_space<vmem>>)
      %dma_wait3A_157 = arith.constant 5 : i32
      %dma_wait3A_158 = arith.constant 5 : i32
      %dma_wait3A_159 = arith.constant 0 : i32
      %dma_wait3A_160 = tpu.memref_slice %arg10[%dma_wait3A_158, %dma_wait3A_159] : memref<8x128xf32, #tpu.memory_space<vmem>> -> memref<1x128xf32, #tpu.memory_space<vmem>>
      %dma_wait3A_161 = tpu.memref_squeeze %dma_wait3A_160 : memref<1x128xf32, #tpu.memory_space<vmem>> -> memref<128xf32, #tpu.memory_space<vmem>>
      %dma_wait3A_162 = arith.constant 0 : i32
      %dma_wait3A_163 = tpu.memref_slice %arg8[%dma_wait3A_157, %dma_wait3A_162] : memref<8x128xi32, #tpu.memory_space<vmem>> -> memref<1x128xi32, #tpu.memory_space<vmem>>
      %dma_wait3A_164 = tpu.memref_squeeze %dma_wait3A_163 : memref<1x128xi32, #tpu.memory_space<vmem>> -> memref<128xi32, #tpu.memory_space<vmem>>
      %dma_wait3A_165 = arith.constant 0 : i32
      %dma_wait3A_166 = tpu.memref_slice %arg6[%dma_wait3A_165] : memref<100352xf32, #tpu.memory_space<vmem_shared>> -> memref<100352xf32, #tpu.memory_space<vmem_shared>>
      tpu.wait_indirect_dma semaphore(%arg12 : memref<!tpu.dma_semaphore, #tpu.memory_space<semaphore_mem>>) src(%dma_wait3A_166 : memref<100352xf32, #tpu.memory_space<vmem_shared>>) dst(%dma_wait3A_161 : memref<128xf32, #tpu.memory_space<vmem>>)
      %dma_wait3A_167 = arith.constant 6 : i32
      %dma_wait3A_168 = arith.constant 6 : i32
      %dma_wait3A_169 = arith.constant 0 : i32
      %dma_wait3A_170 = tpu.memref_slice %arg10[%dma_wait3A_168, %dma_wait3A_169] : memref<8x128xf32, #tpu.memory_space<vmem>> -> memref<1x128xf32, #tpu.memory_space<vmem>>
      %dma_wait3A_171 = tpu.memref_squeeze %dma_wait3A_170 : memref<1x128xf32, #tpu.memory_space<vmem>> -> memref<128xf32, #tpu.memory_space<vmem>>
      %dma_wait3A_172 = arith.constant 0 : i32
      %dma_wait3A_173 = tpu.memref_slice %arg8[%dma_wait3A_167, %dma_wait3A_172] : memref<8x128xi32, #tpu.memory_space<vmem>> -> memref<1x128xi32, #tpu.memory_space<vmem>>
      %dma_wait3A_174 = tpu.memref_squeeze %dma_wait3A_173 : memref<1x128xi32, #tpu.memory_space<vmem>> -> memref<128xi32, #tpu.memory_space<vmem>>
      %dma_wait3A_175 = arith.constant 0 : i32
      %dma_wait3A_176 = tpu.memref_slice %arg6[%dma_wait3A_175] : memref<100352xf32, #tpu.memory_space<vmem_shared>> -> memref<100352xf32, #tpu.memory_space<vmem_shared>>
      tpu.wait_indirect_dma semaphore(%arg12 : memref<!tpu.dma_semaphore, #tpu.memory_space<semaphore_mem>>) src(%dma_wait3A_176 : memref<100352xf32, #tpu.memory_space<vmem_shared>>) dst(%dma_wait3A_171 : memref<128xf32, #tpu.memory_space<vmem>>)
      %dma_wait3A_177 = arith.constant 7 : i32
      %dma_wait3A_178 = arith.constant 7 : i32
      %dma_wait3A_179 = arith.constant 0 : i32
      %dma_wait3A_180 = tpu.memref_slice %arg10[%dma_wait3A_178, %dma_wait3A_179] : memref<8x128xf32, #tpu.memory_space<vmem>> -> memref<1x128xf32, #tpu.memory_space<vmem>>
      %dma_wait3A_181 = tpu.memref_squeeze %dma_wait3A_180 : memref<1x128xf32, #tpu.memory_space<vmem>> -> memref<128xf32, #tpu.memory_space<vmem>>
      %dma_wait3A_182 = arith.constant 0 : i32
      %dma_wait3A_183 = tpu.memref_slice %arg8[%dma_wait3A_177, %dma_wait3A_182] : memref<8x128xi32, #tpu.memory_space<vmem>> -> memref<1x128xi32, #tpu.memory_space<vmem>>
      %dma_wait3A_184 = tpu.memref_squeeze %dma_wait3A_183 : memref<1x128xi32, #tpu.memory_space<vmem>> -> memref<128xi32, #tpu.memory_space<vmem>>
      %dma_wait3A_185 = arith.constant 0 : i32
      %dma_wait3A_186 = tpu.memref_slice %arg6[%dma_wait3A_185] : memref<100352xf32, #tpu.memory_space<vmem_shared>> -> memref<100352xf32, #tpu.memory_space<vmem_shared>>
      tpu.wait_indirect_dma semaphore(%arg12 : memref<!tpu.dma_semaphore, #tpu.memory_space<semaphore_mem>>) src(%dma_wait3A_186 : memref<100352xf32, #tpu.memory_space<vmem_shared>>) dst(%dma_wait3A_181 : memref<128xf32, #tpu.memory_space<vmem>>)
      %dma_start3A_187 = arith.constant 0 : i32
      %dma_start3A_188 = arith.constant 0 : i32
      %dma_start3A_189 = arith.constant 0 : i32
      %dma_start3A_190 = tpu.memref_slice %arg10[%dma_start3A_187, %dma_start3A_189] : memref<8x128xf32, #tpu.memory_space<vmem>> -> memref<1x128xf32, #tpu.memory_space<vmem>>
      %dma_start3A_191 = tpu.memref_squeeze %dma_start3A_190 : memref<1x128xf32, #tpu.memory_space<vmem>> -> memref<128xf32, #tpu.memory_space<vmem>>
      %dma_start3A_192 = arith.constant 0 : i32
      %dma_start3A_193 = tpu.memref_slice %arg9[%dma_start3A_188, %dma_start3A_192] : memref<8x128xi32, #tpu.memory_space<vmem>> -> memref<1x128xi32, #tpu.memory_space<vmem>>
      %dma_start3A_194 = tpu.memref_squeeze %dma_start3A_193 : memref<1x128xi32, #tpu.memory_space<vmem>> -> memref<128xi32, #tpu.memory_space<vmem>>
      %dma_start3A_195 = arith.constant 0 : i32
      %dma_start3A_196 = tpu.memref_slice %arg7[%dma_start3A_195] : memref<100352xf32, #tpu.memory_space<vmem_shared>> -> memref<100352xf32, #tpu.memory_space<vmem_shared>>
      tpu.enqueue_indirect_dma source(%dma_start3A_191 : memref<128xf32, #tpu.memory_space<vmem>>) target(%dma_start3A_196 : memref<100352xf32, #tpu.memory_space<vmem_shared>>) offsets(%dma_start3A_194 : memref<128xi32, #tpu.memory_space<vmem>>) semaphore(%arg13 : memref<!tpu.dma_semaphore, #tpu.memory_space<semaphore_mem>>) {add = true}
      %dma_start3A_197 = arith.constant 1 : i32
      %dma_start3A_198 = arith.constant 1 : i32
      %dma_start3A_199 = arith.constant 0 : i32
      %dma_start3A_200 = tpu.memref_slice %arg10[%dma_start3A_197, %dma_start3A_199] : memref<8x128xf32, #tpu.memory_space<vmem>> -> memref<1x128xf32, #tpu.memory_space<vmem>>
      %dma_start3A_201 = tpu.memref_squeeze %dma_start3A_200 : memref<1x128xf32, #tpu.memory_space<vmem>> -> memref<128xf32, #tpu.memory_space<vmem>>
      %dma_start3A_202 = arith.constant 0 : i32
      %dma_start3A_203 = tpu.memref_slice %arg9[%dma_start3A_198, %dma_start3A_202] : memref<8x128xi32, #tpu.memory_space<vmem>> -> memref<1x128xi32, #tpu.memory_space<vmem>>
      %dma_start3A_204 = tpu.memref_squeeze %dma_start3A_203 : memref<1x128xi32, #tpu.memory_space<vmem>> -> memref<128xi32, #tpu.memory_space<vmem>>
      %dma_start3A_205 = arith.constant 0 : i32
      %dma_start3A_206 = tpu.memref_slice %arg7[%dma_start3A_205] : memref<100352xf32, #tpu.memory_space<vmem_shared>> -> memref<100352xf32, #tpu.memory_space<vmem_shared>>
      tpu.enqueue_indirect_dma source(%dma_start3A_201 : memref<128xf32, #tpu.memory_space<vmem>>) target(%dma_start3A_206 : memref<100352xf32, #tpu.memory_space<vmem_shared>>) offsets(%dma_start3A_204 : memref<128xi32, #tpu.memory_space<vmem>>) semaphore(%arg13 : memref<!tpu.dma_semaphore, #tpu.memory_space<semaphore_mem>>) {add = true}
      %dma_start3A_207 = arith.constant 2 : i32
      %dma_start3A_208 = arith.constant 2 : i32
      %dma_start3A_209 = arith.constant 0 : i32
      %dma_start3A_210 = tpu.memref_slice %arg10[%dma_start3A_207, %dma_start3A_209] : memref<8x128xf32, #tpu.memory_space<vmem>> -> memref<1x128xf32, #tpu.memory_space<vmem>>
      %dma_start3A_211 = tpu.memref_squeeze %dma_start3A_210 : memref<1x128xf32, #tpu.memory_space<vmem>> -> memref<128xf32, #tpu.memory_space<vmem>>
      %dma_start3A_212 = arith.constant 0 : i32
      %dma_start3A_213 = tpu.memref_slice %arg9[%dma_start3A_208, %dma_start3A_212] : memref<8x128xi32, #tpu.memory_space<vmem>> -> memref<1x128xi32, #tpu.memory_space<vmem>>
      %dma_start3A_214 = tpu.memref_squeeze %dma_start3A_213 : memref<1x128xi32, #tpu.memory_space<vmem>> -> memref<128xi32, #tpu.memory_space<vmem>>
      %dma_start3A_215 = arith.constant 0 : i32
      %dma_start3A_216 = tpu.memref_slice %arg7[%dma_start3A_215] : memref<100352xf32, #tpu.memory_space<vmem_shared>> -> memref<100352xf32, #tpu.memory_space<vmem_shared>>
      tpu.enqueue_indirect_dma source(%dma_start3A_211 : memref<128xf32, #tpu.memory_space<vmem>>) target(%dma_start3A_216 : memref<100352xf32, #tpu.memory_space<vmem_shared>>) offsets(%dma_start3A_214 : memref<128xi32, #tpu.memory_space<vmem>>) semaphore(%arg13 : memref<!tpu.dma_semaphore, #tpu.memory_space<semaphore_mem>>) {add = true}
      %dma_start3A_217 = arith.constant 3 : i32
      %dma_start3A_218 = arith.constant 3 : i32
      %dma_start3A_219 = arith.constant 0 : i32
      %dma_start3A_220 = tpu.memref_slice %arg10[%dma_start3A_217, %dma_start3A_219] : memref<8x128xf32, #tpu.memory_space<vmem>> -> memref<1x128xf32, #tpu.memory_space<vmem>>
      %dma_start3A_221 = tpu.memref_squeeze %dma_start3A_220 : memref<1x128xf32, #tpu.memory_space<vmem>> -> memref<128xf32, #tpu.memory_space<vmem>>
      %dma_start3A_222 = arith.constant 0 : i32
      %dma_start3A_223 = tpu.memref_slice %arg9[%dma_start3A_218, %dma_start3A_222] : memref<8x128xi32, #tpu.memory_space<vmem>> -> memref<1x128xi32, #tpu.memory_space<vmem>>
      %dma_start3A_224 = tpu.memref_squeeze %dma_start3A_223 : memref<1x128xi32, #tpu.memory_space<vmem>> -> memref<128xi32, #tpu.memory_space<vmem>>
      %dma_start3A_225 = arith.constant 0 : i32
      %dma_start3A_226 = tpu.memref_slice %arg7[%dma_start3A_225] : memref<100352xf32, #tpu.memory_space<vmem_shared>> -> memref<100352xf32, #tpu.memory_space<vmem_shared>>
      tpu.enqueue_indirect_dma source(%dma_start3A_221 : memref<128xf32, #tpu.memory_space<vmem>>) target(%dma_start3A_226 : memref<100352xf32, #tpu.memory_space<vmem_shared>>) offsets(%dma_start3A_224 : memref<128xi32, #tpu.memory_space<vmem>>) semaphore(%arg13 : memref<!tpu.dma_semaphore, #tpu.memory_space<semaphore_mem>>) {add = true}
      %dma_start3A_227 = arith.constant 4 : i32
      %dma_start3A_228 = arith.constant 4 : i32
      %dma_start3A_229 = arith.constant 0 : i32
      %dma_start3A_230 = tpu.memref_slice %arg10[%dma_start3A_227, %dma_start3A_229] : memref<8x128xf32, #tpu.memory_space<vmem>> -> memref<1x128xf32, #tpu.memory_space<vmem>>
      %dma_start3A_231 = tpu.memref_squeeze %dma_start3A_230 : memref<1x128xf32, #tpu.memory_space<vmem>> -> memref<128xf32, #tpu.memory_space<vmem>>
      %dma_start3A_232 = arith.constant 0 : i32
      %dma_start3A_233 = tpu.memref_slice %arg9[%dma_start3A_228, %dma_start3A_232] : memref<8x128xi32, #tpu.memory_space<vmem>> -> memref<1x128xi32, #tpu.memory_space<vmem>>
      %dma_start3A_234 = tpu.memref_squeeze %dma_start3A_233 : memref<1x128xi32, #tpu.memory_space<vmem>> -> memref<128xi32, #tpu.memory_space<vmem>>
      %dma_start3A_235 = arith.constant 0 : i32
      %dma_start3A_236 = tpu.memref_slice %arg7[%dma_start3A_235] : memref<100352xf32, #tpu.memory_space<vmem_shared>> -> memref<100352xf32, #tpu.memory_space<vmem_shared>>
      tpu.enqueue_indirect_dma source(%dma_start3A_231 : memref<128xf32, #tpu.memory_space<vmem>>) target(%dma_start3A_236 : memref<100352xf32, #tpu.memory_space<vmem_shared>>) offsets(%dma_start3A_234 : memref<128xi32, #tpu.memory_space<vmem>>) semaphore(%arg13 : memref<!tpu.dma_semaphore, #tpu.memory_space<semaphore_mem>>) {add = true}
      %dma_start3A_237 = arith.constant 5 : i32
      %dma_start3A_238 = arith.constant 5 : i32
      %dma_start3A_239 = arith.constant 0 : i32
      %dma_start3A_240 = tpu.memref_slice %arg10[%dma_start3A_237, %dma_start3A_239] : memref<8x128xf32, #tpu.memory_space<vmem>> -> memref<1x128xf32, #tpu.memory_space<vmem>>
      %dma_start3A_241 = tpu.memref_squeeze %dma_start3A_240 : memref<1x128xf32, #tpu.memory_space<vmem>> -> memref<128xf32, #tpu.memory_space<vmem>>
      %dma_start3A_242 = arith.constant 0 : i32
      %dma_start3A_243 = tpu.memref_slice %arg9[%dma_start3A_238, %dma_start3A_242] : memref<8x128xi32, #tpu.memory_space<vmem>> -> memref<1x128xi32, #tpu.memory_space<vmem>>
      %dma_start3A_244 = tpu.memref_squeeze %dma_start3A_243 : memref<1x128xi32, #tpu.memory_space<vmem>> -> memref<128xi32, #tpu.memory_space<vmem>>
      %dma_start3A_245 = arith.constant 0 : i32
      %dma_start3A_246 = tpu.memref_slice %arg7[%dma_start3A_245] : memref<100352xf32, #tpu.memory_space<vmem_shared>> -> memref<100352xf32, #tpu.memory_space<vmem_shared>>
      tpu.enqueue_indirect_dma source(%dma_start3A_241 : memref<128xf32, #tpu.memory_space<vmem>>) target(%dma_start3A_246 : memref<100352xf32, #tpu.memory_space<vmem_shared>>) offsets(%dma_start3A_244 : memref<128xi32, #tpu.memory_space<vmem>>) semaphore(%arg13 : memref<!tpu.dma_semaphore, #tpu.memory_space<semaphore_mem>>) {add = true}
      %dma_start3A_247 = arith.constant 6 : i32
      %dma_start3A_248 = arith.constant 6 : i32
      %dma_start3A_249 = arith.constant 0 : i32
      %dma_start3A_250 = tpu.memref_slice %arg10[%dma_start3A_247, %dma_start3A_249] : memref<8x128xf32, #tpu.memory_space<vmem>> -> memref<1x128xf32, #tpu.memory_space<vmem>>
      %dma_start3A_251 = tpu.memref_squeeze %dma_start3A_250 : memref<1x128xf32, #tpu.memory_space<vmem>> -> memref<128xf32, #tpu.memory_space<vmem>>
      %dma_start3A_252 = arith.constant 0 : i32
      %dma_start3A_253 = tpu.memref_slice %arg9[%dma_start3A_248, %dma_start3A_252] : memref<8x128xi32, #tpu.memory_space<vmem>> -> memref<1x128xi32, #tpu.memory_space<vmem>>
      %dma_start3A_254 = tpu.memref_squeeze %dma_start3A_253 : memref<1x128xi32, #tpu.memory_space<vmem>> -> memref<128xi32, #tpu.memory_space<vmem>>
      %dma_start3A_255 = arith.constant 0 : i32
      %dma_start3A_256 = tpu.memref_slice %arg7[%dma_start3A_255] : memref<100352xf32, #tpu.memory_space<vmem_shared>> -> memref<100352xf32, #tpu.memory_space<vmem_shared>>
      tpu.enqueue_indirect_dma source(%dma_start3A_251 : memref<128xf32, #tpu.memory_space<vmem>>) target(%dma_start3A_256 : memref<100352xf32, #tpu.memory_space<vmem_shared>>) offsets(%dma_start3A_254 : memref<128xi32, #tpu.memory_space<vmem>>) semaphore(%arg13 : memref<!tpu.dma_semaphore, #tpu.memory_space<semaphore_mem>>) {add = true}
      %dma_start3A_257 = arith.constant 7 : i32
      %dma_start3A_258 = arith.constant 7 : i32
      %dma_start3A_259 = arith.constant 0 : i32
      %dma_start3A_260 = tpu.memref_slice %arg10[%dma_start3A_257, %dma_start3A_259] : memref<8x128xf32, #tpu.memory_space<vmem>> -> memref<1x128xf32, #tpu.memory_space<vmem>>
      %dma_start3A_261 = tpu.memref_squeeze %dma_start3A_260 : memref<1x128xf32, #tpu.memory_space<vmem>> -> memref<128xf32, #tpu.memory_space<vmem>>
      %dma_start3A_262 = arith.constant 0 : i32
      %dma_start3A_263 = tpu.memref_slice %arg9[%dma_start3A_258, %dma_start3A_262] : memref<8x128xi32, #tpu.memory_space<vmem>> -> memref<1x128xi32, #tpu.memory_space<vmem>>
      %dma_start3A_264 = tpu.memref_squeeze %dma_start3A_263 : memref<1x128xi32, #tpu.memory_space<vmem>> -> memref<128xi32, #tpu.memory_space<vmem>>
      %dma_start3A_265 = arith.constant 0 : i32
      %dma_start3A_266 = tpu.memref_slice %arg7[%dma_start3A_265] : memref<100352xf32, #tpu.memory_space<vmem_shared>> -> memref<100352xf32, #tpu.memory_space<vmem_shared>>
      tpu.enqueue_indirect_dma source(%dma_start3A_261 : memref<128xf32, #tpu.memory_space<vmem>>) target(%dma_start3A_266 : memref<100352xf32, #tpu.memory_space<vmem_shared>>) offsets(%dma_start3A_264 : memref<128xi32, #tpu.memory_space<vmem>>) semaphore(%arg13 : memref<!tpu.dma_semaphore, #tpu.memory_space<semaphore_mem>>) {add = true}
      %dma_wait3A_267 = arith.constant 0 : i32
      %dma_wait3A_268 = arith.constant 0 : i32
      %dma_wait3A_269 = arith.constant 0 : i32
      %dma_wait3A_270 = tpu.memref_slice %arg10[%dma_wait3A_267, %dma_wait3A_269] : memref<8x128xf32, #tpu.memory_space<vmem>> -> memref<1x128xf32, #tpu.memory_space<vmem>>
      %dma_wait3A_271 = tpu.memref_squeeze %dma_wait3A_270 : memref<1x128xf32, #tpu.memory_space<vmem>> -> memref<128xf32, #tpu.memory_space<vmem>>
      %dma_wait3A_272 = arith.constant 0 : i32
      %dma_wait3A_273 = tpu.memref_slice %arg9[%dma_wait3A_268, %dma_wait3A_272] : memref<8x128xi32, #tpu.memory_space<vmem>> -> memref<1x128xi32, #tpu.memory_space<vmem>>
      %dma_wait3A_274 = tpu.memref_squeeze %dma_wait3A_273 : memref<1x128xi32, #tpu.memory_space<vmem>> -> memref<128xi32, #tpu.memory_space<vmem>>
      %dma_wait3A_275 = arith.constant 0 : i32
      %dma_wait3A_276 = tpu.memref_slice %arg7[%dma_wait3A_275] : memref<100352xf32, #tpu.memory_space<vmem_shared>> -> memref<100352xf32, #tpu.memory_space<vmem_shared>>
      tpu.wait_indirect_dma semaphore(%arg13 : memref<!tpu.dma_semaphore, #tpu.memory_space<semaphore_mem>>) src(%dma_wait3A_271 : memref<128xf32, #tpu.memory_space<vmem>>) dst(%dma_wait3A_276 : memref<100352xf32, #tpu.memory_space<vmem_shared>>)
      %dma_wait3A_277 = arith.constant 1 : i32
      %dma_wait3A_278 = arith.constant 1 : i32
      %dma_wait3A_279 = arith.constant 0 : i32
      %dma_wait3A_280 = tpu.memref_slice %arg10[%dma_wait3A_277, %dma_wait3A_279] : memref<8x128xf32, #tpu.memory_space<vmem>> -> memref<1x128xf32, #tpu.memory_space<vmem>>
      %dma_wait3A_281 = tpu.memref_squeeze %dma_wait3A_280 : memref<1x128xf32, #tpu.memory_space<vmem>> -> memref<128xf32, #tpu.memory_space<vmem>>
      %dma_wait3A_282 = arith.constant 0 : i32
      %dma_wait3A_283 = tpu.memref_slice %arg9[%dma_wait3A_278, %dma_wait3A_282] : memref<8x128xi32, #tpu.memory_space<vmem>> -> memref<1x128xi32, #tpu.memory_space<vmem>>
      %dma_wait3A_284 = tpu.memref_squeeze %dma_wait3A_283 : memref<1x128xi32, #tpu.memory_space<vmem>> -> memref<128xi32, #tpu.memory_space<vmem>>
      %dma_wait3A_285 = arith.constant 0 : i32
      %dma_wait3A_286 = tpu.memref_slice %arg7[%dma_wait3A_285] : memref<100352xf32, #tpu.memory_space<vmem_shared>> -> memref<100352xf32, #tpu.memory_space<vmem_shared>>
      tpu.wait_indirect_dma semaphore(%arg13 : memref<!tpu.dma_semaphore, #tpu.memory_space<semaphore_mem>>) src(%dma_wait3A_281 : memref<128xf32, #tpu.memory_space<vmem>>) dst(%dma_wait3A_286 : memref<100352xf32, #tpu.memory_space<vmem_shared>>)
      %dma_wait3A_287 = arith.constant 2 : i32
      %dma_wait3A_288 = arith.constant 2 : i32
      %dma_wait3A_289 = arith.constant 0 : i32
      %dma_wait3A_290 = tpu.memref_slice %arg10[%dma_wait3A_287, %dma_wait3A_289] : memref<8x128xf32, #tpu.memory_space<vmem>> -> memref<1x128xf32, #tpu.memory_space<vmem>>
      %dma_wait3A_291 = tpu.memref_squeeze %dma_wait3A_290 : memref<1x128xf32, #tpu.memory_space<vmem>> -> memref<128xf32, #tpu.memory_space<vmem>>
      %dma_wait3A_292 = arith.constant 0 : i32
      %dma_wait3A_293 = tpu.memref_slice %arg9[%dma_wait3A_288, %dma_wait3A_292] : memref<8x128xi32, #tpu.memory_space<vmem>> -> memref<1x128xi32, #tpu.memory_space<vmem>>
      %dma_wait3A_294 = tpu.memref_squeeze %dma_wait3A_293 : memref<1x128xi32, #tpu.memory_space<vmem>> -> memref<128xi32, #tpu.memory_space<vmem>>
      %dma_wait3A_295 = arith.constant 0 : i32
      %dma_wait3A_296 = tpu.memref_slice %arg7[%dma_wait3A_295] : memref<100352xf32, #tpu.memory_space<vmem_shared>> -> memref<100352xf32, #tpu.memory_space<vmem_shared>>
      tpu.wait_indirect_dma semaphore(%arg13 : memref<!tpu.dma_semaphore, #tpu.memory_space<semaphore_mem>>) src(%dma_wait3A_291 : memref<128xf32, #tpu.memory_space<vmem>>) dst(%dma_wait3A_296 : memref<100352xf32, #tpu.memory_space<vmem_shared>>)
      %dma_wait3A_297 = arith.constant 3 : i32
      %dma_wait3A_298 = arith.constant 3 : i32
      %dma_wait3A_299 = arith.constant 0 : i32
      %dma_wait3A_300 = tpu.memref_slice %arg10[%dma_wait3A_297, %dma_wait3A_299] : memref<8x128xf32, #tpu.memory_space<vmem>> -> memref<1x128xf32, #tpu.memory_space<vmem>>
      %dma_wait3A_301 = tpu.memref_squeeze %dma_wait3A_300 : memref<1x128xf32, #tpu.memory_space<vmem>> -> memref<128xf32, #tpu.memory_space<vmem>>
      %dma_wait3A_302 = arith.constant 0 : i32
      %dma_wait3A_303 = tpu.memref_slice %arg9[%dma_wait3A_298, %dma_wait3A_302] : memref<8x128xi32, #tpu.memory_space<vmem>> -> memref<1x128xi32, #tpu.memory_space<vmem>>
      %dma_wait3A_304 = tpu.memref_squeeze %dma_wait3A_303 : memref<1x128xi32, #tpu.memory_space<vmem>> -> memref<128xi32, #tpu.memory_space<vmem>>
      %dma_wait3A_305 = arith.constant 0 : i32
      %dma_wait3A_306 = tpu.memref_slice %arg7[%dma_wait3A_305] : memref<100352xf32, #tpu.memory_space<vmem_shared>> -> memref<100352xf32, #tpu.memory_space<vmem_shared>>
      tpu.wait_indirect_dma semaphore(%arg13 : memref<!tpu.dma_semaphore, #tpu.memory_space<semaphore_mem>>) src(%dma_wait3A_301 : memref<128xf32, #tpu.memory_space<vmem>>) dst(%dma_wait3A_306 : memref<100352xf32, #tpu.memory_space<vmem_shared>>)
      %dma_wait3A_307 = arith.constant 4 : i32
      %dma_wait3A_308 = arith.constant 4 : i32
      %dma_wait3A_309 = arith.constant 0 : i32
      %dma_wait3A_310 = tpu.memref_slice %arg10[%dma_wait3A_307, %dma_wait3A_309] : memref<8x128xf32, #tpu.memory_space<vmem>> -> memref<1x128xf32, #tpu.memory_space<vmem>>
      %dma_wait3A_311 = tpu.memref_squeeze %dma_wait3A_310 : memref<1x128xf32, #tpu.memory_space<vmem>> -> memref<128xf32, #tpu.memory_space<vmem>>
      %dma_wait3A_312 = arith.constant 0 : i32
      %dma_wait3A_313 = tpu.memref_slice %arg9[%dma_wait3A_308, %dma_wait3A_312] : memref<8x128xi32, #tpu.memory_space<vmem>> -> memref<1x128xi32, #tpu.memory_space<vmem>>
      %dma_wait3A_314 = tpu.memref_squeeze %dma_wait3A_313 : memref<1x128xi32, #tpu.memory_space<vmem>> -> memref<128xi32, #tpu.memory_space<vmem>>
      %dma_wait3A_315 = arith.constant 0 : i32
      %dma_wait3A_316 = tpu.memref_slice %arg7[%dma_wait3A_315] : memref<100352xf32, #tpu.memory_space<vmem_shared>> -> memref<100352xf32, #tpu.memory_space<vmem_shared>>
      tpu.wait_indirect_dma semaphore(%arg13 : memref<!tpu.dma_semaphore, #tpu.memory_space<semaphore_mem>>) src(%dma_wait3A_311 : memref<128xf32, #tpu.memory_space<vmem>>) dst(%dma_wait3A_316 : memref<100352xf32, #tpu.memory_space<vmem_shared>>)
      %dma_wait3A_317 = arith.constant 5 : i32
      %dma_wait3A_318 = arith.constant 5 : i32
      %dma_wait3A_319 = arith.constant 0 : i32
      %dma_wait3A_320 = tpu.memref_slice %arg10[%dma_wait3A_317, %dma_wait3A_319] : memref<8x128xf32, #tpu.memory_space<vmem>> -> memref<1x128xf32, #tpu.memory_space<vmem>>
      %dma_wait3A_321 = tpu.memref_squeeze %dma_wait3A_320 : memref<1x128xf32, #tpu.memory_space<vmem>> -> memref<128xf32, #tpu.memory_space<vmem>>
      %dma_wait3A_322 = arith.constant 0 : i32
      %dma_wait3A_323 = tpu.memref_slice %arg9[%dma_wait3A_318, %dma_wait3A_322] : memref<8x128xi32, #tpu.memory_space<vmem>> -> memref<1x128xi32, #tpu.memory_space<vmem>>
      %dma_wait3A_324 = tpu.memref_squeeze %dma_wait3A_323 : memref<1x128xi32, #tpu.memory_space<vmem>> -> memref<128xi32, #tpu.memory_space<vmem>>
      %dma_wait3A_325 = arith.constant 0 : i32
      %dma_wait3A_326 = tpu.memref_slice %arg7[%dma_wait3A_325] : memref<100352xf32, #tpu.memory_space<vmem_shared>> -> memref<100352xf32, #tpu.memory_space<vmem_shared>>
      tpu.wait_indirect_dma semaphore(%arg13 : memref<!tpu.dma_semaphore, #tpu.memory_space<semaphore_mem>>) src(%dma_wait3A_321 : memref<128xf32, #tpu.memory_space<vmem>>) dst(%dma_wait3A_326 : memref<100352xf32, #tpu.memory_space<vmem_shared>>)
      %dma_wait3A_327 = arith.constant 6 : i32
      %dma_wait3A_328 = arith.constant 6 : i32
      %dma_wait3A_329 = arith.constant 0 : i32
      %dma_wait3A_330 = tpu.memref_slice %arg10[%dma_wait3A_327, %dma_wait3A_329] : memref<8x128xf32, #tpu.memory_space<vmem>> -> memref<1x128xf32, #tpu.memory_space<vmem>>
      %dma_wait3A_331 = tpu.memref_squeeze %dma_wait3A_330 : memref<1x128xf32, #tpu.memory_space<vmem>> -> memref<128xf32, #tpu.memory_space<vmem>>
      %dma_wait3A_332 = arith.constant 0 : i32
      %dma_wait3A_333 = tpu.memref_slice %arg9[%dma_wait3A_328, %dma_wait3A_332] : memref<8x128xi32, #tpu.memory_space<vmem>> -> memref<1x128xi32, #tpu.memory_space<vmem>>
      %dma_wait3A_334 = tpu.memref_squeeze %dma_wait3A_333 : memref<1x128xi32, #tpu.memory_space<vmem>> -> memref<128xi32, #tpu.memory_space<vmem>>
      %dma_wait3A_335 = arith.constant 0 : i32
      %dma_wait3A_336 = tpu.memref_slice %arg7[%dma_wait3A_335] : memref<100352xf32, #tpu.memory_space<vmem_shared>> -> memref<100352xf32, #tpu.memory_space<vmem_shared>>
      tpu.wait_indirect_dma semaphore(%arg13 : memref<!tpu.dma_semaphore, #tpu.memory_space<semaphore_mem>>) src(%dma_wait3A_331 : memref<128xf32, #tpu.memory_space<vmem>>) dst(%dma_wait3A_336 : memref<100352xf32, #tpu.memory_space<vmem_shared>>)
      %dma_wait3A_337 = arith.constant 7 : i32
      %dma_wait3A_338 = arith.constant 7 : i32
      %dma_wait3A_339 = arith.constant 0 : i32
      %dma_wait3A_340 = tpu.memref_slice %arg10[%dma_wait3A_337, %dma_wait3A_339] : memref<8x128xf32, #tpu.memory_space<vmem>> -> memref<1x128xf32, #tpu.memory_space<vmem>>
      %dma_wait3A_341 = tpu.memref_squeeze %dma_wait3A_340 : memref<1x128xf32, #tpu.memory_space<vmem>> -> memref<128xf32, #tpu.memory_space<vmem>>
      %dma_wait3A_342 = arith.constant 0 : i32
      %dma_wait3A_343 = tpu.memref_slice %arg9[%dma_wait3A_338, %dma_wait3A_342] : memref<8x128xi32, #tpu.memory_space<vmem>> -> memref<1x128xi32, #tpu.memory_space<vmem>>
      %dma_wait3A_344 = tpu.memref_squeeze %dma_wait3A_343 : memref<1x128xi32, #tpu.memory_space<vmem>> -> memref<128xi32, #tpu.memory_space<vmem>>
      %dma_wait3A_345 = arith.constant 0 : i32
      %dma_wait3A_346 = tpu.memref_slice %arg7[%dma_wait3A_345] : memref<100352xf32, #tpu.memory_space<vmem_shared>> -> memref<100352xf32, #tpu.memory_space<vmem_shared>>
      tpu.wait_indirect_dma semaphore(%arg13 : memref<!tpu.dma_semaphore, #tpu.memory_space<semaphore_mem>>) src(%dma_wait3A_341 : memref<128xf32, #tpu.memory_space<vmem>>) dst(%dma_wait3A_346 : memref<100352xf32, #tpu.memory_space<vmem_shared>>)
    }
    %barrier3A_25 = arith.constant 0 : index
    tpu.barrier barrier_id(%barrier3A_25)
    "tpu.region"() ({
      %run_scoped3A = tpu.sem_alloc : memref<!tpu.dma_semaphore, #tpu.memory_space<semaphore_mem>>
      %dma_start3A = tpu.memref_slice %arg7[%mul3A_2] : memref<100352xf32, #tpu.memory_space<vmem_shared>> -> memref<6272xf32, #tpu.memory_space<vmem_shared>>
      %dma_start3A_26 = tpu.memref_slice %arg7[%mul3A_2] : memref<100352xf32, #tpu.memory_space<vmem_shared>> -> memref<6272xf32, #tpu.memory_space<vmem_shared>>
      tpu.enqueue_dma source(%dma_start3A_26 : memref<6272xf32, #tpu.memory_space<vmem_shared>>) target(%arg11 : memref<6272xf32, #tpu.memory_space<vmem>>) target_semaphore(%run_scoped3A : memref<!tpu.dma_semaphore, #tpu.memory_space<semaphore_mem>>)
      %dma_wait3A = tpu.memref_slice %arg7[%mul3A_2] : memref<100352xf32, #tpu.memory_space<vmem_shared>> -> memref<6272xf32, #tpu.memory_space<vmem_shared>>
      %dma_wait3A_27 = tpu.memref_slice %arg7[%mul3A_2] : memref<100352xf32, #tpu.memory_space<vmem_shared>> -> memref<6272xf32, #tpu.memory_space<vmem_shared>>
      tpu.wait_dma2 semaphore(%run_scoped3A : memref<!tpu.dma_semaphore, #tpu.memory_space<semaphore_mem>>) src(%dma_wait3A_27 : memref<6272xf32, #tpu.memory_space<vmem_shared>>) dst(%arg11 : memref<6272xf32, #tpu.memory_space<vmem>>)
      tpu.yield
    }) : () -> ()
    "tpu.region"() ({
      %run_scoped3A = tpu.sem_alloc : memref<!tpu.dma_semaphore, #tpu.memory_space<semaphore_mem>>
      %dma_start3A = arith.constant 0 : i32
      %dma_start3A_26 = tpu.memref_slice %arg5[%arg0, %dma_start3A] : memref<2x100352xf32, #tpu.memory_space<hbm>> -> memref<1x100352xf32, #tpu.memory_space<hbm>>
      %dma_start3A_27 = tpu.memref_squeeze %dma_start3A_26 : memref<1x100352xf32, #tpu.memory_space<hbm>> -> memref<100352xf32, #tpu.memory_space<hbm>>
      %dma_start3A_28 = tpu.memref_slice %dma_start3A_27[%mul3A_2] : memref<100352xf32, #tpu.memory_space<hbm>> -> memref<6272xf32, #tpu.memory_space<hbm>>
      %dma_start3A_29 = arith.constant 0 : i32
      %dma_start3A_30 = tpu.memref_slice %arg5[%arg0, %dma_start3A_29] : memref<2x100352xf32, #tpu.memory_space<hbm>> -> memref<1x100352xf32, #tpu.memory_space<hbm>>
      %dma_start3A_31 = tpu.memref_squeeze %dma_start3A_30 : memref<1x100352xf32, #tpu.memory_space<hbm>> -> memref<100352xf32, #tpu.memory_space<hbm>>
      %dma_start3A_32 = tpu.memref_slice %dma_start3A_31[%mul3A_2] : memref<100352xf32, #tpu.memory_space<hbm>> -> memref<6272xf32, #tpu.memory_space<hbm>>
      tpu.enqueue_dma source(%arg11 : memref<6272xf32, #tpu.memory_space<vmem>>) target(%dma_start3A_32 : memref<6272xf32, #tpu.memory_space<hbm>>) target_semaphore(%run_scoped3A : memref<!tpu.dma_semaphore, #tpu.memory_space<semaphore_mem>>)
      %dma_wait3A = arith.constant 0 : i32
      %dma_wait3A_33 = tpu.memref_slice %arg5[%arg0, %dma_wait3A] : memref<2x100352xf32, #tpu.memory_space<hbm>> -> memref<1x100352xf32, #tpu.memory_space<hbm>>
      %dma_wait3A_34 = tpu.memref_squeeze %dma_wait3A_33 : memref<1x100352xf32, #tpu.memory_space<hbm>> -> memref<100352xf32, #tpu.memory_space<hbm>>
      %dma_wait3A_35 = tpu.memref_slice %dma_wait3A_34[%mul3A_2] : memref<100352xf32, #tpu.memory_space<hbm>> -> memref<6272xf32, #tpu.memory_space<hbm>>
      %dma_wait3A_36 = arith.constant 0 : i32
      %dma_wait3A_37 = tpu.memref_slice %arg5[%arg0, %dma_wait3A_36] : memref<2x100352xf32, #tpu.memory_space<hbm>> -> memref<1x100352xf32, #tpu.memory_space<hbm>>
      %dma_wait3A_38 = tpu.memref_squeeze %dma_wait3A_37 : memref<1x100352xf32, #tpu.memory_space<hbm>> -> memref<100352xf32, #tpu.memory_space<hbm>>
      %dma_wait3A_39 = tpu.memref_slice %dma_wait3A_38[%mul3A_2] : memref<100352xf32, #tpu.memory_space<hbm>> -> memref<6272xf32, #tpu.memory_space<hbm>>
      tpu.wait_dma2 semaphore(%run_scoped3A : memref<!tpu.dma_semaphore, #tpu.memory_space<semaphore_mem>>) src(%arg11 : memref<6272xf32, #tpu.memory_space<vmem>>) dst(%dma_wait3A_39 : memref<6272xf32, #tpu.memory_space<hbm>>)
      tpu.yield
    }) : () -> ()
    return
  }
}

#map = affine_map<(d0, d1) -> (0, 0, 0)>
#map1 = affine_map<(d0, d1) -> (0)>
#map2 = affine_map<(d0, d1) -> (0, 0)>
module attributes {stable_mosaic.version = 14 : i64} {
  func.func @_seg2_body(%arg0: i32, %arg1: i32, %arg2: memref<6250x8x128xi32, #tpu.memory_space<hbm>>, %arg3: memref<6250x8x128xi32, #tpu.memory_space<hbm>>, %arg4: memref<100352xf32, #tpu.memory_space<hbm>>, %arg5: memref<100352xf32, #tpu.memory_space<hbm>>, %arg6: memref<2x100352xf32, #tpu.memory_space<hbm>>, %arg7: memref<2x100352xf32, #tpu.memory_space<hbm>>, %arg8: memref<100352xf32, #tpu.memory_space<vmem_shared>>, %arg9: memref<100352xf32, #tpu.memory_space<vmem_shared>>, %arg10: memref<100352xf32, #tpu.memory_space<vmem_shared>>, %arg11: memref<100352xf32, #tpu.memory_space<vmem_shared>>, %arg12: memref<8x128xi32, #tpu.memory_space<vmem>>, %arg13: memref<8x128xi32, #tpu.memory_space<vmem>>, %arg14: memref<8x128xf32, #tpu.memory_space<vmem>>, %arg15: memref<8x128xf32, #tpu.memory_space<vmem>>, %arg16: memref<6272xf32, #tpu.memory_space<vmem>>, %arg17: memref<!tpu.dma_semaphore, #tpu.memory_space<semaphore_mem>>, %arg18: memref<!tpu.dma_semaphore, #tpu.memory_space<semaphore_mem>>) attributes {dimension_semantics = [#tpu.dimension_semantics<core_parallel>, #tpu.dimension_semantics<subcore_parallel>], iteration_bounds = array<i64: 2, 16>, scalar_prefetch = 0 : i64, scratch_operands = 11 : i64, tpu.core_type = #tpu.core_type<sc_vector_subcore>, window_params = [{transform_indices = #map}, {transform_indices = #map}, {transform_indices = #map1}, {transform_indices = #map1}, {transform_indices = #map2}, {transform_indices = #map2}]} {
    %mul3A = arith.constant 2 : i32
    %mul3A_0 = arith.muli %arg1, %mul3A : i32
    %add3A = arith.addi %mul3A_0, %arg0 : i32
    %mul3A_1 = arith.constant 6272 : i32
    %mul3A_2 = arith.muli %arg1, %mul3A_1 : i32
    %scan3A = arith.constant 0 : i32
    %scan3A_3 = arith.constant 0 : i32
    %scan3A_4 = arith.constant 392 : i32
    %scan3A_5 = arith.addi %scan3A_3, %scan3A_4 : i32
    %scan3A_6 = arith.constant 1 : i32
    scf.for %scan3A_32 = %scan3A_3 to %scan3A_5 step %scan3A_6  : i32 {
      %broadcast_in_dim3A = arith.constant 0.000000e+00 : f32
      %broadcast_in_dim3A_33 = vector.broadcast %broadcast_in_dim3A : f32 to vector<16xf32>
      %mul3A_34 = arith.constant 16 : i32
      %mul3A_35 = arith.muli %scan3A_32, %mul3A_34 : i32
      %swap3A = arith.index_cast %mul3A_35 : i32 to index
      %swap3A_36 = tpu.vector_load %arg16[%swap3A] {strides = array<i32>} : memref<6272xf32, #tpu.memory_space<vmem>>, vector<16xf32>,
      %swap3A_37 = vector.shape_cast %swap3A_36 : vector<16xf32> to vector<16xf32>
      %swap3A_38 = vector.shape_cast %broadcast_in_dim3A_33 : vector<16xf32> to vector<16xf32>
      tpu.vector_store %arg16[%swap3A], %swap3A_38 {strides = array<i32>} : memref<6272xf32, #tpu.memory_space<vmem>>, vector<16xf32>,
    }
    %scan3A_7 = arith.constant 392 : i32
    "tpu.region"() ({
      %run_scoped3A = tpu.sem_alloc : memref<!tpu.dma_semaphore, #tpu.memory_space<semaphore_mem>>
      %dma_start3A = tpu.memref_slice %arg10[%mul3A_2] : memref<100352xf32, #tpu.memory_space<vmem_shared>> -> memref<6272xf32, #tpu.memory_space<vmem_shared>>
      %dma_start3A_32 = tpu.memref_slice %arg10[%mul3A_2] : memref<100352xf32, #tpu.memory_space<vmem_shared>> -> memref<6272xf32, #tpu.memory_space<vmem_shared>>
      tpu.enqueue_dma source(%arg16 : memref<6272xf32, #tpu.memory_space<vmem>>) target(%dma_start3A_32 : memref<6272xf32, #tpu.memory_space<vmem_shared>>) target_semaphore(%run_scoped3A : memref<!tpu.dma_semaphore, #tpu.memory_space<semaphore_mem>>)
      %dma_wait3A = tpu.memref_slice %arg10[%mul3A_2] : memref<100352xf32, #tpu.memory_space<vmem_shared>> -> memref<6272xf32, #tpu.memory_space<vmem_shared>>
      %dma_wait3A_33 = tpu.memref_slice %arg10[%mul3A_2] : memref<100352xf32, #tpu.memory_space<vmem_shared>> -> memref<6272xf32, #tpu.memory_space<vmem_shared>>
      tpu.wait_dma2 semaphore(%run_scoped3A : memref<!tpu.dma_semaphore, #tpu.memory_space<semaphore_mem>>) src(%arg16 : memref<6272xf32, #tpu.memory_space<vmem>>) dst(%dma_wait3A_33 : memref<6272xf32, #tpu.memory_space<vmem_shared>>)
      tpu.yield
    }) : () -> ()
    %scan3A_8 = arith.constant 0 : i32
    %scan3A_9 = arith.constant 0 : i32
    %scan3A_10 = arith.constant 392 : i32
    %scan3A_11 = arith.addi %scan3A_9, %scan3A_10 : i32
    %scan3A_12 = arith.constant 1 : i32
    scf.for %scan3A_32 = %scan3A_9 to %scan3A_11 step %scan3A_12  : i32 {
      %broadcast_in_dim3A = arith.constant 0.000000e+00 : f32
      %broadcast_in_dim3A_33 = vector.broadcast %broadcast_in_dim3A : f32 to vector<16xf32>
      %mul3A_34 = arith.constant 16 : i32
      %mul3A_35 = arith.muli %scan3A_32, %mul3A_34 : i32
      %swap3A = arith.index_cast %mul3A_35 : i32 to index
      %swap3A_36 = tpu.vector_load %arg16[%swap3A] {strides = array<i32>} : memref<6272xf32, #tpu.memory_space<vmem>>, vector<16xf32>,
      %swap3A_37 = vector.shape_cast %swap3A_36 : vector<16xf32> to vector<16xf32>
      %swap3A_38 = vector.shape_cast %broadcast_in_dim3A_33 : vector<16xf32> to vector<16xf32>
      tpu.vector_store %arg16[%swap3A], %swap3A_38 {strides = array<i32>} : memref<6272xf32, #tpu.memory_space<vmem>>, vector<16xf32>,
    }
    %scan3A_13 = arith.constant 392 : i32
    "tpu.region"() ({
      %run_scoped3A = tpu.sem_alloc : memref<!tpu.dma_semaphore, #tpu.memory_space<semaphore_mem>>
      %dma_start3A = tpu.memref_slice %arg11[%mul3A_2] : memref<100352xf32, #tpu.memory_space<vmem_shared>> -> memref<6272xf32, #tpu.memory_space<vmem_shared>>
      %dma_start3A_32 = tpu.memref_slice %arg11[%mul3A_2] : memref<100352xf32, #tpu.memory_space<vmem_shared>> -> memref<6272xf32, #tpu.memory_space<vmem_shared>>
      tpu.enqueue_dma source(%arg16 : memref<6272xf32, #tpu.memory_space<vmem>>) target(%dma_start3A_32 : memref<6272xf32, #tpu.memory_space<vmem_shared>>) target_semaphore(%run_scoped3A : memref<!tpu.dma_semaphore, #tpu.memory_space<semaphore_mem>>)
      %dma_wait3A = tpu.memref_slice %arg11[%mul3A_2] : memref<100352xf32, #tpu.memory_space<vmem_shared>> -> memref<6272xf32, #tpu.memory_space<vmem_shared>>
      %dma_wait3A_33 = tpu.memref_slice %arg11[%mul3A_2] : memref<100352xf32, #tpu.memory_space<vmem_shared>> -> memref<6272xf32, #tpu.memory_space<vmem_shared>>
      tpu.wait_dma2 semaphore(%run_scoped3A : memref<!tpu.dma_semaphore, #tpu.memory_space<semaphore_mem>>) src(%arg16 : memref<6272xf32, #tpu.memory_space<vmem>>) dst(%dma_wait3A_33 : memref<6272xf32, #tpu.memory_space<vmem_shared>>)
      tpu.yield
    }) : () -> ()
    "tpu.region"() ({
      %run_scoped3A = tpu.sem_alloc : memref<!tpu.dma_semaphore, #tpu.memory_space<semaphore_mem>>
      %dma_start3A = tpu.memref_slice %arg4[%mul3A_2] : memref<100352xf32, #tpu.memory_space<hbm>> -> memref<6272xf32, #tpu.memory_space<hbm>>
      %dma_start3A_32 = tpu.memref_slice %arg4[%mul3A_2] : memref<100352xf32, #tpu.memory_space<hbm>> -> memref<6272xf32, #tpu.memory_space<hbm>>
      tpu.enqueue_dma source(%dma_start3A_32 : memref<6272xf32, #tpu.memory_space<hbm>>) target(%arg16 : memref<6272xf32, #tpu.memory_space<vmem>>) target_semaphore(%run_scoped3A : memref<!tpu.dma_semaphore, #tpu.memory_space<semaphore_mem>>)
      %dma_wait3A = tpu.memref_slice %arg4[%mul3A_2] : memref<100352xf32, #tpu.memory_space<hbm>> -> memref<6272xf32, #tpu.memory_space<hbm>>
      %dma_wait3A_33 = tpu.memref_slice %arg4[%mul3A_2] : memref<100352xf32, #tpu.memory_space<hbm>> -> memref<6272xf32, #tpu.memory_space<hbm>>
      tpu.wait_dma2 semaphore(%run_scoped3A : memref<!tpu.dma_semaphore, #tpu.memory_space<semaphore_mem>>) src(%dma_wait3A_33 : memref<6272xf32, #tpu.memory_space<hbm>>) dst(%arg16 : memref<6272xf32, #tpu.memory_space<vmem>>)
      tpu.yield
    }) : () -> ()
    "tpu.region"() ({
      %run_scoped3A = tpu.sem_alloc : memref<!tpu.dma_semaphore, #tpu.memory_space<semaphore_mem>>
      %dma_start3A = tpu.memref_slice %arg8[%mul3A_2] : memref<100352xf32, #tpu.memory_space<vmem_shared>> -> memref<6272xf32, #tpu.memory_space<vmem_shared>>
      %dma_start3A_32 = tpu.memref_slice %arg8[%mul3A_2] : memref<100352xf32, #tpu.memory_space<vmem_shared>> -> memref<6272xf32, #tpu.memory_space<vmem_shared>>
      tpu.enqueue_dma source(%arg16 : memref<6272xf32, #tpu.memory_space<vmem>>) target(%dma_start3A_32 : memref<6272xf32, #tpu.memory_space<vmem_shared>>) target_semaphore(%run_scoped3A : memref<!tpu.dma_semaphore, #tpu.memory_space<semaphore_mem>>)
      %dma_wait3A = tpu.memref_slice %arg8[%mul3A_2] : memref<100352xf32, #tpu.memory_space<vmem_shared>> -> memref<6272xf32, #tpu.memory_space<vmem_shared>>
      %dma_wait3A_33 = tpu.memref_slice %arg8[%mul3A_2] : memref<100352xf32, #tpu.memory_space<vmem_shared>> -> memref<6272xf32, #tpu.memory_space<vmem_shared>>
      tpu.wait_dma2 semaphore(%run_scoped3A : memref<!tpu.dma_semaphore, #tpu.memory_space<semaphore_mem>>) src(%arg16 : memref<6272xf32, #tpu.memory_space<vmem>>) dst(%dma_wait3A_33 : memref<6272xf32, #tpu.memory_space<vmem_shared>>)
      tpu.yield
    }) : () -> ()
    "tpu.region"() ({
      %run_scoped3A = tpu.sem_alloc : memref<!tpu.dma_semaphore, #tpu.memory_space<semaphore_mem>>
      %dma_start3A = tpu.memref_slice %arg5[%mul3A_2] : memref<100352xf32, #tpu.memory_space<hbm>> -> memref<6272xf32, #tpu.memory_space<hbm>>
      %dma_start3A_32 = tpu.memref_slice %arg5[%mul3A_2] : memref<100352xf32, #tpu.memory_space<hbm>> -> memref<6272xf32, #tpu.memory_space<hbm>>
      tpu.enqueue_dma source(%dma_start3A_32 : memref<6272xf32, #tpu.memory_space<hbm>>) target(%arg16 : memref<6272xf32, #tpu.memory_space<vmem>>) target_semaphore(%run_scoped3A : memref<!tpu.dma_semaphore, #tpu.memory_space<semaphore_mem>>)
      %dma_wait3A = tpu.memref_slice %arg5[%mul3A_2] : memref<100352xf32, #tpu.memory_space<hbm>> -> memref<6272xf32, #tpu.memory_space<hbm>>
      %dma_wait3A_33 = tpu.memref_slice %arg5[%mul3A_2] : memref<100352xf32, #tpu.memory_space<hbm>> -> memref<6272xf32, #tpu.memory_space<hbm>>
      tpu.wait_dma2 semaphore(%run_scoped3A : memref<!tpu.dma_semaphore, #tpu.memory_space<semaphore_mem>>) src(%dma_wait3A_33 : memref<6272xf32, #tpu.memory_space<hbm>>) dst(%arg16 : memref<6272xf32, #tpu.memory_space<vmem>>)
      tpu.yield
    }) : () -> ()
    "tpu.region"() ({
      %run_scoped3A = tpu.sem_alloc : memref<!tpu.dma_semaphore, #tpu.memory_space<semaphore_mem>>
      %dma_start3A = tpu.memref_slice %arg9[%mul3A_2] : memref<100352xf32, #tpu.memory_space<vmem_shared>> -> memref<6272xf32, #tpu.memory_space<vmem_shared>>
      %dma_start3A_32 = tpu.memref_slice %arg9[%mul3A_2] : memref<100352xf32, #tpu.memory_space<vmem_shared>> -> memref<6272xf32, #tpu.memory_space<vmem_shared>>
      tpu.enqueue_dma source(%arg16 : memref<6272xf32, #tpu.memory_space<vmem>>) target(%dma_start3A_32 : memref<6272xf32, #tpu.memory_space<vmem_shared>>) target_semaphore(%run_scoped3A : memref<!tpu.dma_semaphore, #tpu.memory_space<semaphore_mem>>)
      %dma_wait3A = tpu.memref_slice %arg9[%mul3A_2] : memref<100352xf32, #tpu.memory_space<vmem_shared>> -> memref<6272xf32, #tpu.memory_space<vmem_shared>>
      %dma_wait3A_33 = tpu.memref_slice %arg9[%mul3A_2] : memref<100352xf32, #tpu.memory_space<vmem_shared>> -> memref<6272xf32, #tpu.memory_space<vmem_shared>>
      tpu.wait_dma2 semaphore(%run_scoped3A : memref<!tpu.dma_semaphore, #tpu.memory_space<semaphore_mem>>) src(%arg16 : memref<6272xf32, #tpu.memory_space<vmem>>) dst(%dma_wait3A_33 : memref<6272xf32, #tpu.memory_space<vmem_shared>>)
      tpu.yield
    }) : () -> ()
    %barrier3A = arith.constant 0 : index
    tpu.barrier barrier_id(%barrier3A)
    %mul3A_14 = arith.constant 195 : i32
    %mul3A_15 = arith.muli %add3A, %mul3A_14 : i32
    %min3A = arith.constant 10 : i32
    %min3A_16 = arith.minsi %add3A, %min3A : i32
    %add3A_17 = arith.addi %mul3A_15, %min3A_16 : i32
    %lt3A = arith.constant 10 : i32
    %lt3A_18 = arith.cmpi slt, %add3A, %lt3A : i32
    %jit3A = arith.constant 1 : i32
    %jit3A_19 = arith.constant 0 : i32
    %select_n3A = arith.select %lt3A_18, %jit3A, %jit3A_19 : i32
    %add3A_20 = arith.constant 195 : i32
    %add3A_21 = arith.addi %add3A_20, %select_n3A : i32
    %while3A = arith.constant 0 : i32
    %while3A_22 = arith.constant 0 : i32
    %while3A_23 = arith.subi %add3A_21, %while3A_22 : i32
    %while3A_24 = arith.addi %while3A_22, %while3A_23 : i32
    %while3A_25 = arith.constant 1 : i32
    %while3A_26 = arith.divsi %while3A_23, %while3A_25 : i32
    %while3A_27 = arith.muli %while3A_26, %while3A_25 : i32
    %while3A_28 = arith.addi %while3A_22, %while3A_27 : i32
    %while3A_29 = arith.constant 1 : i32
    scf.for %while3A_32 = %while3A_22 to %while3A_28 step %while3A_29  : i32 {
      %add3A_33 = arith.addi %add3A_17, %while3A_32 : i32
      "tpu.region"() ({
        %run_scoped3A = tpu.sem_alloc : memref<!tpu.dma_semaphore, #tpu.memory_space<semaphore_mem>>
        %dma_start3A_673 = arith.constant 0 : i32
        %dma_start3A_674 = arith.constant 0 : i32
        %dma_start3A_675 = tpu.memref_slice %arg2[%add3A_33, %dma_start3A_673, %dma_start3A_674] : memref<6250x8x128xi32, #tpu.memory_space<hbm>> -> memref<1x8x128xi32, #tpu.memory_space<hbm>>
        %dma_start3A_676 = tpu.memref_squeeze %dma_start3A_675 : memref<1x8x128xi32, #tpu.memory_space<hbm>> -> memref<8x128xi32, #tpu.memory_space<hbm>>
        %dma_start3A_677 = arith.constant 0 : i32
        %dma_start3A_678 = arith.constant 0 : i32
        %dma_start3A_679 = tpu.memref_slice %arg2[%add3A_33, %dma_start3A_677, %dma_start3A_678] : memref<6250x8x128xi32, #tpu.memory_space<hbm>> -> memref<1x8x128xi32, #tpu.memory_space<hbm>>
        %dma_start3A_680 = tpu.memref_squeeze %dma_start3A_679 : memref<1x8x128xi32, #tpu.memory_space<hbm>> -> memref<8x128xi32, #tpu.memory_space<hbm>>
        tpu.enqueue_dma source(%dma_start3A_680 : memref<8x128xi32, #tpu.memory_space<hbm>>) target(%arg12 : memref<8x128xi32, #tpu.memory_space<vmem>>) target_semaphore(%run_scoped3A : memref<!tpu.dma_semaphore, #tpu.memory_space<semaphore_mem>>)
        %dma_wait3A_681 = arith.constant 0 : i32
        %dma_wait3A_682 = arith.constant 0 : i32
        %dma_wait3A_683 = tpu.memref_slice %arg2[%add3A_33, %dma_wait3A_681, %dma_wait3A_682] : memref<6250x8x128xi32, #tpu.memory_space<hbm>> -> memref<1x8x128xi32, #tpu.memory_space<hbm>>
        %dma_wait3A_684 = tpu.memref_squeeze %dma_wait3A_683 : memref<1x8x128xi32, #tpu.memory_space<hbm>> -> memref<8x128xi32, #tpu.memory_space<hbm>>
        %dma_wait3A_685 = arith.constant 0 : i32
        %dma_wait3A_686 = arith.constant 0 : i32
        %dma_wait3A_687 = tpu.memref_slice %arg2[%add3A_33, %dma_wait3A_685, %dma_wait3A_686] : memref<6250x8x128xi32, #tpu.memory_space<hbm>> -> memref<1x8x128xi32, #tpu.memory_space<hbm>>
        %dma_wait3A_688 = tpu.memref_squeeze %dma_wait3A_687 : memref<1x8x128xi32, #tpu.memory_space<hbm>> -> memref<8x128xi32, #tpu.memory_space<hbm>>
        tpu.wait_dma2 semaphore(%run_scoped3A : memref<!tpu.dma_semaphore, #tpu.memory_space<semaphore_mem>>) src(%dma_wait3A_688 : memref<8x128xi32, #tpu.memory_space<hbm>>) dst(%arg12 : memref<8x128xi32, #tpu.memory_space<vmem>>)
        tpu.yield
      }) : () -> ()
      %add3A_34 = arith.addi %add3A_17, %while3A_32 : i32
      "tpu.region"() ({
        %run_scoped3A = tpu.sem_alloc : memref<!tpu.dma_semaphore, #tpu.memory_space<semaphore_mem>>
        %dma_start3A_673 = arith.constant 0 : i32
        %dma_start3A_674 = arith.constant 0 : i32
        %dma_start3A_675 = tpu.memref_slice %arg3[%add3A_34, %dma_start3A_673, %dma_start3A_674] : memref<6250x8x128xi32, #tpu.memory_space<hbm>> -> memref<1x8x128xi32, #tpu.memory_space<hbm>>
        %dma_start3A_676 = tpu.memref_squeeze %dma_start3A_675 : memref<1x8x128xi32, #tpu.memory_space<hbm>> -> memref<8x128xi32, #tpu.memory_space<hbm>>
        %dma_start3A_677 = arith.constant 0 : i32
        %dma_start3A_678 = arith.constant 0 : i32
        %dma_start3A_679 = tpu.memref_slice %arg3[%add3A_34, %dma_start3A_677, %dma_start3A_678] : memref<6250x8x128xi32, #tpu.memory_space<hbm>> -> memref<1x8x128xi32, #tpu.memory_space<hbm>>
        %dma_start3A_680 = tpu.memref_squeeze %dma_start3A_679 : memref<1x8x128xi32, #tpu.memory_space<hbm>> -> memref<8x128xi32, #tpu.memory_space<hbm>>
        tpu.enqueue_dma source(%dma_start3A_680 : memref<8x128xi32, #tpu.memory_space<hbm>>) target(%arg13 : memref<8x128xi32, #tpu.memory_space<vmem>>) target_semaphore(%run_scoped3A : memref<!tpu.dma_semaphore, #tpu.memory_space<semaphore_mem>>)
        %dma_wait3A_681 = arith.constant 0 : i32
        %dma_wait3A_682 = arith.constant 0 : i32
        %dma_wait3A_683 = tpu.memref_slice %arg3[%add3A_34, %dma_wait3A_681, %dma_wait3A_682] : memref<6250x8x128xi32, #tpu.memory_space<hbm>> -> memref<1x8x128xi32, #tpu.memory_space<hbm>>
        %dma_wait3A_684 = tpu.memref_squeeze %dma_wait3A_683 : memref<1x8x128xi32, #tpu.memory_space<hbm>> -> memref<8x128xi32, #tpu.memory_space<hbm>>
        %dma_wait3A_685 = arith.constant 0 : i32
        %dma_wait3A_686 = arith.constant 0 : i32
        %dma_wait3A_687 = tpu.memref_slice %arg3[%add3A_34, %dma_wait3A_685, %dma_wait3A_686] : memref<6250x8x128xi32, #tpu.memory_space<hbm>> -> memref<1x8x128xi32, #tpu.memory_space<hbm>>
        %dma_wait3A_688 = tpu.memref_squeeze %dma_wait3A_687 : memref<1x8x128xi32, #tpu.memory_space<hbm>> -> memref<8x128xi32, #tpu.memory_space<hbm>>
        tpu.wait_dma2 semaphore(%run_scoped3A : memref<!tpu.dma_semaphore, #tpu.memory_space<semaphore_mem>>) src(%dma_wait3A_688 : memref<8x128xi32, #tpu.memory_space<hbm>>) dst(%arg13 : memref<8x128xi32, #tpu.memory_space<vmem>>)
        tpu.yield
      }) : () -> ()
      %dma_start3A = arith.constant 0 : i32
      %dma_start3A_35 = arith.constant 0 : i32
      %dma_start3A_36 = arith.constant 0 : i32
      %dma_start3A_37 = tpu.memref_slice %arg14[%dma_start3A_35, %dma_start3A_36] : memref<8x128xf32, #tpu.memory_space<vmem>> -> memref<1x128xf32, #tpu.memory_space<vmem>>
      %dma_start3A_38 = tpu.memref_squeeze %dma_start3A_37 : memref<1x128xf32, #tpu.memory_space<vmem>> -> memref<128xf32, #tpu.memory_space<vmem>>
      %dma_start3A_39 = arith.constant 0 : i32
      %dma_start3A_40 = tpu.memref_slice %arg12[%dma_start3A, %dma_start3A_39] : memref<8x128xi32, #tpu.memory_space<vmem>> -> memref<1x128xi32, #tpu.memory_space<vmem>>
      %dma_start3A_41 = tpu.memref_squeeze %dma_start3A_40 : memref<1x128xi32, #tpu.memory_space<vmem>> -> memref<128xi32, #tpu.memory_space<vmem>>
      %dma_start3A_42 = arith.constant 0 : i32
      %dma_start3A_43 = tpu.memref_slice %arg8[%dma_start3A_42] : memref<100352xf32, #tpu.memory_space<vmem_shared>> -> memref<100352xf32, #tpu.memory_space<vmem_shared>>
      tpu.enqueue_indirect_dma source(%dma_start3A_43 : memref<100352xf32, #tpu.memory_space<vmem_shared>>) target(%dma_start3A_38 : memref<128xf32, #tpu.memory_space<vmem>>) offsets(%dma_start3A_41 : memref<128xi32, #tpu.memory_space<vmem>>) semaphore(%arg17 : memref<!tpu.dma_semaphore, #tpu.memory_space<semaphore_mem>>)
      %dma_start3A_44 = arith.constant 1 : i32
      %dma_start3A_45 = arith.constant 1 : i32
      %dma_start3A_46 = arith.constant 0 : i32
      %dma_start3A_47 = tpu.memref_slice %arg14[%dma_start3A_45, %dma_start3A_46] : memref<8x128xf32, #tpu.memory_space<vmem>> -> memref<1x128xf32, #tpu.memory_space<vmem>>
      %dma_start3A_48 = tpu.memref_squeeze %dma_start3A_47 : memref<1x128xf32, #tpu.memory_space<vmem>> -> memref<128xf32, #tpu.memory_space<vmem>>
      %dma_start3A_49 = arith.constant 0 : i32
      %dma_start3A_50 = tpu.memref_slice %arg12[%dma_start3A_44, %dma_start3A_49] : memref<8x128xi32, #tpu.memory_space<vmem>> -> memref<1x128xi32, #tpu.memory_space<vmem>>
      %dma_start3A_51 = tpu.memref_squeeze %dma_start3A_50 : memref<1x128xi32, #tpu.memory_space<vmem>> -> memref<128xi32, #tpu.memory_space<vmem>>
      %dma_start3A_52 = arith.constant 0 : i32
      %dma_start3A_53 = tpu.memref_slice %arg8[%dma_start3A_52] : memref<100352xf32, #tpu.memory_space<vmem_shared>> -> memref<100352xf32, #tpu.memory_space<vmem_shared>>
      tpu.enqueue_indirect_dma source(%dma_start3A_53 : memref<100352xf32, #tpu.memory_space<vmem_shared>>) target(%dma_start3A_48 : memref<128xf32, #tpu.memory_space<vmem>>) offsets(%dma_start3A_51 : memref<128xi32, #tpu.memory_space<vmem>>) semaphore(%arg17 : memref<!tpu.dma_semaphore, #tpu.memory_space<semaphore_mem>>)
      %dma_start3A_54 = arith.constant 2 : i32
      %dma_start3A_55 = arith.constant 2 : i32
      %dma_start3A_56 = arith.constant 0 : i32
      %dma_start3A_57 = tpu.memref_slice %arg14[%dma_start3A_55, %dma_start3A_56] : memref<8x128xf32, #tpu.memory_space<vmem>> -> memref<1x128xf32, #tpu.memory_space<vmem>>
      %dma_start3A_58 = tpu.memref_squeeze %dma_start3A_57 : memref<1x128xf32, #tpu.memory_space<vmem>> -> memref<128xf32, #tpu.memory_space<vmem>>
      %dma_start3A_59 = arith.constant 0 : i32
      %dma_start3A_60 = tpu.memref_slice %arg12[%dma_start3A_54, %dma_start3A_59] : memref<8x128xi32, #tpu.memory_space<vmem>> -> memref<1x128xi32, #tpu.memory_space<vmem>>
      %dma_start3A_61 = tpu.memref_squeeze %dma_start3A_60 : memref<1x128xi32, #tpu.memory_space<vmem>> -> memref<128xi32, #tpu.memory_space<vmem>>
      %dma_start3A_62 = arith.constant 0 : i32
      %dma_start3A_63 = tpu.memref_slice %arg8[%dma_start3A_62] : memref<100352xf32, #tpu.memory_space<vmem_shared>> -> memref<100352xf32, #tpu.memory_space<vmem_shared>>
      tpu.enqueue_indirect_dma source(%dma_start3A_63 : memref<100352xf32, #tpu.memory_space<vmem_shared>>) target(%dma_start3A_58 : memref<128xf32, #tpu.memory_space<vmem>>) offsets(%dma_start3A_61 : memref<128xi32, #tpu.memory_space<vmem>>) semaphore(%arg17 : memref<!tpu.dma_semaphore, #tpu.memory_space<semaphore_mem>>)
      %dma_start3A_64 = arith.constant 3 : i32
      %dma_start3A_65 = arith.constant 3 : i32
      %dma_start3A_66 = arith.constant 0 : i32
      %dma_start3A_67 = tpu.memref_slice %arg14[%dma_start3A_65, %dma_start3A_66] : memref<8x128xf32, #tpu.memory_space<vmem>> -> memref<1x128xf32, #tpu.memory_space<vmem>>
      %dma_start3A_68 = tpu.memref_squeeze %dma_start3A_67 : memref<1x128xf32, #tpu.memory_space<vmem>> -> memref<128xf32, #tpu.memory_space<vmem>>
      %dma_start3A_69 = arith.constant 0 : i32
      %dma_start3A_70 = tpu.memref_slice %arg12[%dma_start3A_64, %dma_start3A_69] : memref<8x128xi32, #tpu.memory_space<vmem>> -> memref<1x128xi32, #tpu.memory_space<vmem>>
      %dma_start3A_71 = tpu.memref_squeeze %dma_start3A_70 : memref<1x128xi32, #tpu.memory_space<vmem>> -> memref<128xi32, #tpu.memory_space<vmem>>
      %dma_start3A_72 = arith.constant 0 : i32
      %dma_start3A_73 = tpu.memref_slice %arg8[%dma_start3A_72] : memref<100352xf32, #tpu.memory_space<vmem_shared>> -> memref<100352xf32, #tpu.memory_space<vmem_shared>>
      tpu.enqueue_indirect_dma source(%dma_start3A_73 : memref<100352xf32, #tpu.memory_space<vmem_shared>>) target(%dma_start3A_68 : memref<128xf32, #tpu.memory_space<vmem>>) offsets(%dma_start3A_71 : memref<128xi32, #tpu.memory_space<vmem>>) semaphore(%arg17 : memref<!tpu.dma_semaphore, #tpu.memory_space<semaphore_mem>>)
      %dma_start3A_74 = arith.constant 4 : i32
      %dma_start3A_75 = arith.constant 4 : i32
      %dma_start3A_76 = arith.constant 0 : i32
      %dma_start3A_77 = tpu.memref_slice %arg14[%dma_start3A_75, %dma_start3A_76] : memref<8x128xf32, #tpu.memory_space<vmem>> -> memref<1x128xf32, #tpu.memory_space<vmem>>
      %dma_start3A_78 = tpu.memref_squeeze %dma_start3A_77 : memref<1x128xf32, #tpu.memory_space<vmem>> -> memref<128xf32, #tpu.memory_space<vmem>>
      %dma_start3A_79 = arith.constant 0 : i32
      %dma_start3A_80 = tpu.memref_slice %arg12[%dma_start3A_74, %dma_start3A_79] : memref<8x128xi32, #tpu.memory_space<vmem>> -> memref<1x128xi32, #tpu.memory_space<vmem>>
      %dma_start3A_81 = tpu.memref_squeeze %dma_start3A_80 : memref<1x128xi32, #tpu.memory_space<vmem>> -> memref<128xi32, #tpu.memory_space<vmem>>
      %dma_start3A_82 = arith.constant 0 : i32
      %dma_start3A_83 = tpu.memref_slice %arg8[%dma_start3A_82] : memref<100352xf32, #tpu.memory_space<vmem_shared>> -> memref<100352xf32, #tpu.memory_space<vmem_shared>>
      tpu.enqueue_indirect_dma source(%dma_start3A_83 : memref<100352xf32, #tpu.memory_space<vmem_shared>>) target(%dma_start3A_78 : memref<128xf32, #tpu.memory_space<vmem>>) offsets(%dma_start3A_81 : memref<128xi32, #tpu.memory_space<vmem>>) semaphore(%arg17 : memref<!tpu.dma_semaphore, #tpu.memory_space<semaphore_mem>>)
      %dma_start3A_84 = arith.constant 5 : i32
      %dma_start3A_85 = arith.constant 5 : i32
      %dma_start3A_86 = arith.constant 0 : i32
      %dma_start3A_87 = tpu.memref_slice %arg14[%dma_start3A_85, %dma_start3A_86] : memref<8x128xf32, #tpu.memory_space<vmem>> -> memref<1x128xf32, #tpu.memory_space<vmem>>
      %dma_start3A_88 = tpu.memref_squeeze %dma_start3A_87 : memref<1x128xf32, #tpu.memory_space<vmem>> -> memref<128xf32, #tpu.memory_space<vmem>>
      %dma_start3A_89 = arith.constant 0 : i32
      %dma_start3A_90 = tpu.memref_slice %arg12[%dma_start3A_84, %dma_start3A_89] : memref<8x128xi32, #tpu.memory_space<vmem>> -> memref<1x128xi32, #tpu.memory_space<vmem>>
      %dma_start3A_91 = tpu.memref_squeeze %dma_start3A_90 : memref<1x128xi32, #tpu.memory_space<vmem>> -> memref<128xi32, #tpu.memory_space<vmem>>
      %dma_start3A_92 = arith.constant 0 : i32
      %dma_start3A_93 = tpu.memref_slice %arg8[%dma_start3A_92] : memref<100352xf32, #tpu.memory_space<vmem_shared>> -> memref<100352xf32, #tpu.memory_space<vmem_shared>>
      tpu.enqueue_indirect_dma source(%dma_start3A_93 : memref<100352xf32, #tpu.memory_space<vmem_shared>>) target(%dma_start3A_88 : memref<128xf32, #tpu.memory_space<vmem>>) offsets(%dma_start3A_91 : memref<128xi32, #tpu.memory_space<vmem>>) semaphore(%arg17 : memref<!tpu.dma_semaphore, #tpu.memory_space<semaphore_mem>>)
      %dma_start3A_94 = arith.constant 6 : i32
      %dma_start3A_95 = arith.constant 6 : i32
      %dma_start3A_96 = arith.constant 0 : i32
      %dma_start3A_97 = tpu.memref_slice %arg14[%dma_start3A_95, %dma_start3A_96] : memref<8x128xf32, #tpu.memory_space<vmem>> -> memref<1x128xf32, #tpu.memory_space<vmem>>
      %dma_start3A_98 = tpu.memref_squeeze %dma_start3A_97 : memref<1x128xf32, #tpu.memory_space<vmem>> -> memref<128xf32, #tpu.memory_space<vmem>>
      %dma_start3A_99 = arith.constant 0 : i32
      %dma_start3A_100 = tpu.memref_slice %arg12[%dma_start3A_94, %dma_start3A_99] : memref<8x128xi32, #tpu.memory_space<vmem>> -> memref<1x128xi32, #tpu.memory_space<vmem>>
      %dma_start3A_101 = tpu.memref_squeeze %dma_start3A_100 : memref<1x128xi32, #tpu.memory_space<vmem>> -> memref<128xi32, #tpu.memory_space<vmem>>
      %dma_start3A_102 = arith.constant 0 : i32
      %dma_start3A_103 = tpu.memref_slice %arg8[%dma_start3A_102] : memref<100352xf32, #tpu.memory_space<vmem_shared>> -> memref<100352xf32, #tpu.memory_space<vmem_shared>>
      tpu.enqueue_indirect_dma source(%dma_start3A_103 : memref<100352xf32, #tpu.memory_space<vmem_shared>>) target(%dma_start3A_98 : memref<128xf32, #tpu.memory_space<vmem>>) offsets(%dma_start3A_101 : memref<128xi32, #tpu.memory_space<vmem>>) semaphore(%arg17 : memref<!tpu.dma_semaphore, #tpu.memory_space<semaphore_mem>>)
      %dma_start3A_104 = arith.constant 7 : i32
      %dma_start3A_105 = arith.constant 7 : i32
      %dma_start3A_106 = arith.constant 0 : i32
      %dma_start3A_107 = tpu.memref_slice %arg14[%dma_start3A_105, %dma_start3A_106] : memref<8x128xf32, #tpu.memory_space<vmem>> -> memref<1x128xf32, #tpu.memory_space<vmem>>
      %dma_start3A_108 = tpu.memref_squeeze %dma_start3A_107 : memref<1x128xf32, #tpu.memory_space<vmem>> -> memref<128xf32, #tpu.memory_space<vmem>>
      %dma_start3A_109 = arith.constant 0 : i32
      %dma_start3A_110 = tpu.memref_slice %arg12[%dma_start3A_104, %dma_start3A_109] : memref<8x128xi32, #tpu.memory_space<vmem>> -> memref<1x128xi32, #tpu.memory_space<vmem>>
      %dma_start3A_111 = tpu.memref_squeeze %dma_start3A_110 : memref<1x128xi32, #tpu.memory_space<vmem>> -> memref<128xi32, #tpu.memory_space<vmem>>
      %dma_start3A_112 = arith.constant 0 : i32
      %dma_start3A_113 = tpu.memref_slice %arg8[%dma_start3A_112] : memref<100352xf32, #tpu.memory_space<vmem_shared>> -> memref<100352xf32, #tpu.memory_space<vmem_shared>>
      tpu.enqueue_indirect_dma source(%dma_start3A_113 : memref<100352xf32, #tpu.memory_space<vmem_shared>>) target(%dma_start3A_108 : memref<128xf32, #tpu.memory_space<vmem>>) offsets(%dma_start3A_111 : memref<128xi32, #tpu.memory_space<vmem>>) semaphore(%arg17 : memref<!tpu.dma_semaphore, #tpu.memory_space<semaphore_mem>>)
      %dma_start3A_114 = arith.constant 0 : i32
      %dma_start3A_115 = arith.constant 0 : i32
      %dma_start3A_116 = arith.constant 0 : i32
      %dma_start3A_117 = tpu.memref_slice %arg15[%dma_start3A_115, %dma_start3A_116] : memref<8x128xf32, #tpu.memory_space<vmem>> -> memref<1x128xf32, #tpu.memory_space<vmem>>
      %dma_start3A_118 = tpu.memref_squeeze %dma_start3A_117 : memref<1x128xf32, #tpu.memory_space<vmem>> -> memref<128xf32, #tpu.memory_space<vmem>>
      %dma_start3A_119 = arith.constant 0 : i32
      %dma_start3A_120 = tpu.memref_slice %arg12[%dma_start3A_114, %dma_start3A_119] : memref<8x128xi32, #tpu.memory_space<vmem>> -> memref<1x128xi32, #tpu.memory_space<vmem>>
      %dma_start3A_121 = tpu.memref_squeeze %dma_start3A_120 : memref<1x128xi32, #tpu.memory_space<vmem>> -> memref<128xi32, #tpu.memory_space<vmem>>
      %dma_start3A_122 = arith.constant 0 : i32
      %dma_start3A_123 = tpu.memref_slice %arg9[%dma_start3A_122] : memref<100352xf32, #tpu.memory_space<vmem_shared>> -> memref<100352xf32, #tpu.memory_space<vmem_shared>>
      tpu.enqueue_indirect_dma source(%dma_start3A_123 : memref<100352xf32, #tpu.memory_space<vmem_shared>>) target(%dma_start3A_118 : memref<128xf32, #tpu.memory_space<vmem>>) offsets(%dma_start3A_121 : memref<128xi32, #tpu.memory_space<vmem>>) semaphore(%arg17 : memref<!tpu.dma_semaphore, #tpu.memory_space<semaphore_mem>>)
      %dma_start3A_124 = arith.constant 1 : i32
      %dma_start3A_125 = arith.constant 1 : i32
      %dma_start3A_126 = arith.constant 0 : i32
      %dma_start3A_127 = tpu.memref_slice %arg15[%dma_start3A_125, %dma_start3A_126] : memref<8x128xf32, #tpu.memory_space<vmem>> -> memref<1x128xf32, #tpu.memory_space<vmem>>
      %dma_start3A_128 = tpu.memref_squeeze %dma_start3A_127 : memref<1x128xf32, #tpu.memory_space<vmem>> -> memref<128xf32, #tpu.memory_space<vmem>>
      %dma_start3A_129 = arith.constant 0 : i32
      %dma_start3A_130 = tpu.memref_slice %arg12[%dma_start3A_124, %dma_start3A_129] : memref<8x128xi32, #tpu.memory_space<vmem>> -> memref<1x128xi32, #tpu.memory_space<vmem>>
      %dma_start3A_131 = tpu.memref_squeeze %dma_start3A_130 : memref<1x128xi32, #tpu.memory_space<vmem>> -> memref<128xi32, #tpu.memory_space<vmem>>
      %dma_start3A_132 = arith.constant 0 : i32
      %dma_start3A_133 = tpu.memref_slice %arg9[%dma_start3A_132] : memref<100352xf32, #tpu.memory_space<vmem_shared>> -> memref<100352xf32, #tpu.memory_space<vmem_shared>>
      tpu.enqueue_indirect_dma source(%dma_start3A_133 : memref<100352xf32, #tpu.memory_space<vmem_shared>>) target(%dma_start3A_128 : memref<128xf32, #tpu.memory_space<vmem>>) offsets(%dma_start3A_131 : memref<128xi32, #tpu.memory_space<vmem>>) semaphore(%arg17 : memref<!tpu.dma_semaphore, #tpu.memory_space<semaphore_mem>>)
      %dma_start3A_134 = arith.constant 2 : i32
      %dma_start3A_135 = arith.constant 2 : i32
      %dma_start3A_136 = arith.constant 0 : i32
      %dma_start3A_137 = tpu.memref_slice %arg15[%dma_start3A_135, %dma_start3A_136] : memref<8x128xf32, #tpu.memory_space<vmem>> -> memref<1x128xf32, #tpu.memory_space<vmem>>
      %dma_start3A_138 = tpu.memref_squeeze %dma_start3A_137 : memref<1x128xf32, #tpu.memory_space<vmem>> -> memref<128xf32, #tpu.memory_space<vmem>>
      %dma_start3A_139 = arith.constant 0 : i32
      %dma_start3A_140 = tpu.memref_slice %arg12[%dma_start3A_134, %dma_start3A_139] : memref<8x128xi32, #tpu.memory_space<vmem>> -> memref<1x128xi32, #tpu.memory_space<vmem>>
      %dma_start3A_141 = tpu.memref_squeeze %dma_start3A_140 : memref<1x128xi32, #tpu.memory_space<vmem>> -> memref<128xi32, #tpu.memory_space<vmem>>
      %dma_start3A_142 = arith.constant 0 : i32
      %dma_start3A_143 = tpu.memref_slice %arg9[%dma_start3A_142] : memref<100352xf32, #tpu.memory_space<vmem_shared>> -> memref<100352xf32, #tpu.memory_space<vmem_shared>>
      tpu.enqueue_indirect_dma source(%dma_start3A_143 : memref<100352xf32, #tpu.memory_space<vmem_shared>>) target(%dma_start3A_138 : memref<128xf32, #tpu.memory_space<vmem>>) offsets(%dma_start3A_141 : memref<128xi32, #tpu.memory_space<vmem>>) semaphore(%arg17 : memref<!tpu.dma_semaphore, #tpu.memory_space<semaphore_mem>>)
      %dma_start3A_144 = arith.constant 3 : i32
      %dma_start3A_145 = arith.constant 3 : i32
      %dma_start3A_146 = arith.constant 0 : i32
      %dma_start3A_147 = tpu.memref_slice %arg15[%dma_start3A_145, %dma_start3A_146] : memref<8x128xf32, #tpu.memory_space<vmem>> -> memref<1x128xf32, #tpu.memory_space<vmem>>
      %dma_start3A_148 = tpu.memref_squeeze %dma_start3A_147 : memref<1x128xf32, #tpu.memory_space<vmem>> -> memref<128xf32, #tpu.memory_space<vmem>>
      %dma_start3A_149 = arith.constant 0 : i32
      %dma_start3A_150 = tpu.memref_slice %arg12[%dma_start3A_144, %dma_start3A_149] : memref<8x128xi32, #tpu.memory_space<vmem>> -> memref<1x128xi32, #tpu.memory_space<vmem>>
      %dma_start3A_151 = tpu.memref_squeeze %dma_start3A_150 : memref<1x128xi32, #tpu.memory_space<vmem>> -> memref<128xi32, #tpu.memory_space<vmem>>
      %dma_start3A_152 = arith.constant 0 : i32
      %dma_start3A_153 = tpu.memref_slice %arg9[%dma_start3A_152] : memref<100352xf32, #tpu.memory_space<vmem_shared>> -> memref<100352xf32, #tpu.memory_space<vmem_shared>>
      tpu.enqueue_indirect_dma source(%dma_start3A_153 : memref<100352xf32, #tpu.memory_space<vmem_shared>>) target(%dma_start3A_148 : memref<128xf32, #tpu.memory_space<vmem>>) offsets(%dma_start3A_151 : memref<128xi32, #tpu.memory_space<vmem>>) semaphore(%arg17 : memref<!tpu.dma_semaphore, #tpu.memory_space<semaphore_mem>>)
      %dma_start3A_154 = arith.constant 4 : i32
      %dma_start3A_155 = arith.constant 4 : i32
      %dma_start3A_156 = arith.constant 0 : i32
      %dma_start3A_157 = tpu.memref_slice %arg15[%dma_start3A_155, %dma_start3A_156] : memref<8x128xf32, #tpu.memory_space<vmem>> -> memref<1x128xf32, #tpu.memory_space<vmem>>
      %dma_start3A_158 = tpu.memref_squeeze %dma_start3A_157 : memref<1x128xf32, #tpu.memory_space<vmem>> -> memref<128xf32, #tpu.memory_space<vmem>>
      %dma_start3A_159 = arith.constant 0 : i32
      %dma_start3A_160 = tpu.memref_slice %arg12[%dma_start3A_154, %dma_start3A_159] : memref<8x128xi32, #tpu.memory_space<vmem>> -> memref<1x128xi32, #tpu.memory_space<vmem>>
      %dma_start3A_161 = tpu.memref_squeeze %dma_start3A_160 : memref<1x128xi32, #tpu.memory_space<vmem>> -> memref<128xi32, #tpu.memory_space<vmem>>
      %dma_start3A_162 = arith.constant 0 : i32
      %dma_start3A_163 = tpu.memref_slice %arg9[%dma_start3A_162] : memref<100352xf32, #tpu.memory_space<vmem_shared>> -> memref<100352xf32, #tpu.memory_space<vmem_shared>>
      tpu.enqueue_indirect_dma source(%dma_start3A_163 : memref<100352xf32, #tpu.memory_space<vmem_shared>>) target(%dma_start3A_158 : memref<128xf32, #tpu.memory_space<vmem>>) offsets(%dma_start3A_161 : memref<128xi32, #tpu.memory_space<vmem>>) semaphore(%arg17 : memref<!tpu.dma_semaphore, #tpu.memory_space<semaphore_mem>>)
      %dma_start3A_164 = arith.constant 5 : i32
      %dma_start3A_165 = arith.constant 5 : i32
      %dma_start3A_166 = arith.constant 0 : i32
      %dma_start3A_167 = tpu.memref_slice %arg15[%dma_start3A_165, %dma_start3A_166] : memref<8x128xf32, #tpu.memory_space<vmem>> -> memref<1x128xf32, #tpu.memory_space<vmem>>
      %dma_start3A_168 = tpu.memref_squeeze %dma_start3A_167 : memref<1x128xf32, #tpu.memory_space<vmem>> -> memref<128xf32, #tpu.memory_space<vmem>>
      %dma_start3A_169 = arith.constant 0 : i32
      %dma_start3A_170 = tpu.memref_slice %arg12[%dma_start3A_164, %dma_start3A_169] : memref<8x128xi32, #tpu.memory_space<vmem>> -> memref<1x128xi32, #tpu.memory_space<vmem>>
      %dma_start3A_171 = tpu.memref_squeeze %dma_start3A_170 : memref<1x128xi32, #tpu.memory_space<vmem>> -> memref<128xi32, #tpu.memory_space<vmem>>
      %dma_start3A_172 = arith.constant 0 : i32
      %dma_start3A_173 = tpu.memref_slice %arg9[%dma_start3A_172] : memref<100352xf32, #tpu.memory_space<vmem_shared>> -> memref<100352xf32, #tpu.memory_space<vmem_shared>>
      tpu.enqueue_indirect_dma source(%dma_start3A_173 : memref<100352xf32, #tpu.memory_space<vmem_shared>>) target(%dma_start3A_168 : memref<128xf32, #tpu.memory_space<vmem>>) offsets(%dma_start3A_171 : memref<128xi32, #tpu.memory_space<vmem>>) semaphore(%arg17 : memref<!tpu.dma_semaphore, #tpu.memory_space<semaphore_mem>>)
      %dma_start3A_174 = arith.constant 6 : i32
      %dma_start3A_175 = arith.constant 6 : i32
      %dma_start3A_176 = arith.constant 0 : i32
      %dma_start3A_177 = tpu.memref_slice %arg15[%dma_start3A_175, %dma_start3A_176] : memref<8x128xf32, #tpu.memory_space<vmem>> -> memref<1x128xf32, #tpu.memory_space<vmem>>
      %dma_start3A_178 = tpu.memref_squeeze %dma_start3A_177 : memref<1x128xf32, #tpu.memory_space<vmem>> -> memref<128xf32, #tpu.memory_space<vmem>>
      %dma_start3A_179 = arith.constant 0 : i32
      %dma_start3A_180 = tpu.memref_slice %arg12[%dma_start3A_174, %dma_start3A_179] : memref<8x128xi32, #tpu.memory_space<vmem>> -> memref<1x128xi32, #tpu.memory_space<vmem>>
      %dma_start3A_181 = tpu.memref_squeeze %dma_start3A_180 : memref<1x128xi32, #tpu.memory_space<vmem>> -> memref<128xi32, #tpu.memory_space<vmem>>
      %dma_start3A_182 = arith.constant 0 : i32
      %dma_start3A_183 = tpu.memref_slice %arg9[%dma_start3A_182] : memref<100352xf32, #tpu.memory_space<vmem_shared>> -> memref<100352xf32, #tpu.memory_space<vmem_shared>>
      tpu.enqueue_indirect_dma source(%dma_start3A_183 : memref<100352xf32, #tpu.memory_space<vmem_shared>>) target(%dma_start3A_178 : memref<128xf32, #tpu.memory_space<vmem>>) offsets(%dma_start3A_181 : memref<128xi32, #tpu.memory_space<vmem>>) semaphore(%arg17 : memref<!tpu.dma_semaphore, #tpu.memory_space<semaphore_mem>>)
      %dma_start3A_184 = arith.constant 7 : i32
      %dma_start3A_185 = arith.constant 7 : i32
      %dma_start3A_186 = arith.constant 0 : i32
      %dma_start3A_187 = tpu.memref_slice %arg15[%dma_start3A_185, %dma_start3A_186] : memref<8x128xf32, #tpu.memory_space<vmem>> -> memref<1x128xf32, #tpu.memory_space<vmem>>
      %dma_start3A_188 = tpu.memref_squeeze %dma_start3A_187 : memref<1x128xf32, #tpu.memory_space<vmem>> -> memref<128xf32, #tpu.memory_space<vmem>>
      %dma_start3A_189 = arith.constant 0 : i32
      %dma_start3A_190 = tpu.memref_slice %arg12[%dma_start3A_184, %dma_start3A_189] : memref<8x128xi32, #tpu.memory_space<vmem>> -> memref<1x128xi32, #tpu.memory_space<vmem>>
      %dma_start3A_191 = tpu.memref_squeeze %dma_start3A_190 : memref<1x128xi32, #tpu.memory_space<vmem>> -> memref<128xi32, #tpu.memory_space<vmem>>
      %dma_start3A_192 = arith.constant 0 : i32
      %dma_start3A_193 = tpu.memref_slice %arg9[%dma_start3A_192] : memref<100352xf32, #tpu.memory_space<vmem_shared>> -> memref<100352xf32, #tpu.memory_space<vmem_shared>>
      tpu.enqueue_indirect_dma source(%dma_start3A_193 : memref<100352xf32, #tpu.memory_space<vmem_shared>>) target(%dma_start3A_188 : memref<128xf32, #tpu.memory_space<vmem>>) offsets(%dma_start3A_191 : memref<128xi32, #tpu.memory_space<vmem>>) semaphore(%arg17 : memref<!tpu.dma_semaphore, #tpu.memory_space<semaphore_mem>>)
      %dma_wait3A = arith.constant 0 : i32
      %dma_wait3A_194 = arith.constant 0 : i32
      %dma_wait3A_195 = arith.constant 0 : i32
      %dma_wait3A_196 = tpu.memref_slice %arg14[%dma_wait3A_194, %dma_wait3A_195] : memref<8x128xf32, #tpu.memory_space<vmem>> -> memref<1x128xf32, #tpu.memory_space<vmem>>
      %dma_wait3A_197 = tpu.memref_squeeze %dma_wait3A_196 : memref<1x128xf32, #tpu.memory_space<vmem>> -> memref<128xf32, #tpu.memory_space<vmem>>
      %dma_wait3A_198 = arith.constant 0 : i32
      %dma_wait3A_199 = tpu.memref_slice %arg12[%dma_wait3A, %dma_wait3A_198] : memref<8x128xi32, #tpu.memory_space<vmem>> -> memref<1x128xi32, #tpu.memory_space<vmem>>
      %dma_wait3A_200 = tpu.memref_squeeze %dma_wait3A_199 : memref<1x128xi32, #tpu.memory_space<vmem>> -> memref<128xi32, #tpu.memory_space<vmem>>
      %dma_wait3A_201 = arith.constant 0 : i32
      %dma_wait3A_202 = tpu.memref_slice %arg8[%dma_wait3A_201] : memref<100352xf32, #tpu.memory_space<vmem_shared>> -> memref<100352xf32, #tpu.memory_space<vmem_shared>>
      tpu.wait_indirect_dma semaphore(%arg17 : memref<!tpu.dma_semaphore, #tpu.memory_space<semaphore_mem>>) src(%dma_wait3A_202 : memref<100352xf32, #tpu.memory_space<vmem_shared>>) dst(%dma_wait3A_197 : memref<128xf32, #tpu.memory_space<vmem>>)
      %dma_wait3A_203 = arith.constant 1 : i32
      %dma_wait3A_204 = arith.constant 1 : i32
      %dma_wait3A_205 = arith.constant 0 : i32
      %dma_wait3A_206 = tpu.memref_slice %arg14[%dma_wait3A_204, %dma_wait3A_205] : memref<8x128xf32, #tpu.memory_space<vmem>> -> memref<1x128xf32, #tpu.memory_space<vmem>>
      %dma_wait3A_207 = tpu.memref_squeeze %dma_wait3A_206 : memref<1x128xf32, #tpu.memory_space<vmem>> -> memref<128xf32, #tpu.memory_space<vmem>>
      %dma_wait3A_208 = arith.constant 0 : i32
      %dma_wait3A_209 = tpu.memref_slice %arg12[%dma_wait3A_203, %dma_wait3A_208] : memref<8x128xi32, #tpu.memory_space<vmem>> -> memref<1x128xi32, #tpu.memory_space<vmem>>
      %dma_wait3A_210 = tpu.memref_squeeze %dma_wait3A_209 : memref<1x128xi32, #tpu.memory_space<vmem>> -> memref<128xi32, #tpu.memory_space<vmem>>
      %dma_wait3A_211 = arith.constant 0 : i32
      %dma_wait3A_212 = tpu.memref_slice %arg8[%dma_wait3A_211] : memref<100352xf32, #tpu.memory_space<vmem_shared>> -> memref<100352xf32, #tpu.memory_space<vmem_shared>>
      tpu.wait_indirect_dma semaphore(%arg17 : memref<!tpu.dma_semaphore, #tpu.memory_space<semaphore_mem>>) src(%dma_wait3A_212 : memref<100352xf32, #tpu.memory_space<vmem_shared>>) dst(%dma_wait3A_207 : memref<128xf32, #tpu.memory_space<vmem>>)
      %dma_wait3A_213 = arith.constant 2 : i32
      %dma_wait3A_214 = arith.constant 2 : i32
      %dma_wait3A_215 = arith.constant 0 : i32
      %dma_wait3A_216 = tpu.memref_slice %arg14[%dma_wait3A_214, %dma_wait3A_215] : memref<8x128xf32, #tpu.memory_space<vmem>> -> memref<1x128xf32, #tpu.memory_space<vmem>>
      %dma_wait3A_217 = tpu.memref_squeeze %dma_wait3A_216 : memref<1x128xf32, #tpu.memory_space<vmem>> -> memref<128xf32, #tpu.memory_space<vmem>>
      %dma_wait3A_218 = arith.constant 0 : i32
      %dma_wait3A_219 = tpu.memref_slice %arg12[%dma_wait3A_213, %dma_wait3A_218] : memref<8x128xi32, #tpu.memory_space<vmem>> -> memref<1x128xi32, #tpu.memory_space<vmem>>
      %dma_wait3A_220 = tpu.memref_squeeze %dma_wait3A_219 : memref<1x128xi32, #tpu.memory_space<vmem>> -> memref<128xi32, #tpu.memory_space<vmem>>
      %dma_wait3A_221 = arith.constant 0 : i32
      %dma_wait3A_222 = tpu.memref_slice %arg8[%dma_wait3A_221] : memref<100352xf32, #tpu.memory_space<vmem_shared>> -> memref<100352xf32, #tpu.memory_space<vmem_shared>>
      tpu.wait_indirect_dma semaphore(%arg17 : memref<!tpu.dma_semaphore, #tpu.memory_space<semaphore_mem>>) src(%dma_wait3A_222 : memref<100352xf32, #tpu.memory_space<vmem_shared>>) dst(%dma_wait3A_217 : memref<128xf32, #tpu.memory_space<vmem>>)
      %dma_wait3A_223 = arith.constant 3 : i32
      %dma_wait3A_224 = arith.constant 3 : i32
      %dma_wait3A_225 = arith.constant 0 : i32
      %dma_wait3A_226 = tpu.memref_slice %arg14[%dma_wait3A_224, %dma_wait3A_225] : memref<8x128xf32, #tpu.memory_space<vmem>> -> memref<1x128xf32, #tpu.memory_space<vmem>>
      %dma_wait3A_227 = tpu.memref_squeeze %dma_wait3A_226 : memref<1x128xf32, #tpu.memory_space<vmem>> -> memref<128xf32, #tpu.memory_space<vmem>>
      %dma_wait3A_228 = arith.constant 0 : i32
      %dma_wait3A_229 = tpu.memref_slice %arg12[%dma_wait3A_223, %dma_wait3A_228] : memref<8x128xi32, #tpu.memory_space<vmem>> -> memref<1x128xi32, #tpu.memory_space<vmem>>
      %dma_wait3A_230 = tpu.memref_squeeze %dma_wait3A_229 : memref<1x128xi32, #tpu.memory_space<vmem>> -> memref<128xi32, #tpu.memory_space<vmem>>
      %dma_wait3A_231 = arith.constant 0 : i32
      %dma_wait3A_232 = tpu.memref_slice %arg8[%dma_wait3A_231] : memref<100352xf32, #tpu.memory_space<vmem_shared>> -> memref<100352xf32, #tpu.memory_space<vmem_shared>>
      tpu.wait_indirect_dma semaphore(%arg17 : memref<!tpu.dma_semaphore, #tpu.memory_space<semaphore_mem>>) src(%dma_wait3A_232 : memref<100352xf32, #tpu.memory_space<vmem_shared>>) dst(%dma_wait3A_227 : memref<128xf32, #tpu.memory_space<vmem>>)
      %dma_wait3A_233 = arith.constant 4 : i32
      %dma_wait3A_234 = arith.constant 4 : i32
      %dma_wait3A_235 = arith.constant 0 : i32
      %dma_wait3A_236 = tpu.memref_slice %arg14[%dma_wait3A_234, %dma_wait3A_235] : memref<8x128xf32, #tpu.memory_space<vmem>> -> memref<1x128xf32, #tpu.memory_space<vmem>>
      %dma_wait3A_237 = tpu.memref_squeeze %dma_wait3A_236 : memref<1x128xf32, #tpu.memory_space<vmem>> -> memref<128xf32, #tpu.memory_space<vmem>>
      %dma_wait3A_238 = arith.constant 0 : i32
      %dma_wait3A_239 = tpu.memref_slice %arg12[%dma_wait3A_233, %dma_wait3A_238] : memref<8x128xi32, #tpu.memory_space<vmem>> -> memref<1x128xi32, #tpu.memory_space<vmem>>
      %dma_wait3A_240 = tpu.memref_squeeze %dma_wait3A_239 : memref<1x128xi32, #tpu.memory_space<vmem>> -> memref<128xi32, #tpu.memory_space<vmem>>
      %dma_wait3A_241 = arith.constant 0 : i32
      %dma_wait3A_242 = tpu.memref_slice %arg8[%dma_wait3A_241] : memref<100352xf32, #tpu.memory_space<vmem_shared>> -> memref<100352xf32, #tpu.memory_space<vmem_shared>>
      tpu.wait_indirect_dma semaphore(%arg17 : memref<!tpu.dma_semaphore, #tpu.memory_space<semaphore_mem>>) src(%dma_wait3A_242 : memref<100352xf32, #tpu.memory_space<vmem_shared>>) dst(%dma_wait3A_237 : memref<128xf32, #tpu.memory_space<vmem>>)
      %dma_wait3A_243 = arith.constant 5 : i32
      %dma_wait3A_244 = arith.constant 5 : i32
      %dma_wait3A_245 = arith.constant 0 : i32
      %dma_wait3A_246 = tpu.memref_slice %arg14[%dma_wait3A_244, %dma_wait3A_245] : memref<8x128xf32, #tpu.memory_space<vmem>> -> memref<1x128xf32, #tpu.memory_space<vmem>>
      %dma_wait3A_247 = tpu.memref_squeeze %dma_wait3A_246 : memref<1x128xf32, #tpu.memory_space<vmem>> -> memref<128xf32, #tpu.memory_space<vmem>>
      %dma_wait3A_248 = arith.constant 0 : i32
      %dma_wait3A_249 = tpu.memref_slice %arg12[%dma_wait3A_243, %dma_wait3A_248] : memref<8x128xi32, #tpu.memory_space<vmem>> -> memref<1x128xi32, #tpu.memory_space<vmem>>
      %dma_wait3A_250 = tpu.memref_squeeze %dma_wait3A_249 : memref<1x128xi32, #tpu.memory_space<vmem>> -> memref<128xi32, #tpu.memory_space<vmem>>
      %dma_wait3A_251 = arith.constant 0 : i32
      %dma_wait3A_252 = tpu.memref_slice %arg8[%dma_wait3A_251] : memref<100352xf32, #tpu.memory_space<vmem_shared>> -> memref<100352xf32, #tpu.memory_space<vmem_shared>>
      tpu.wait_indirect_dma semaphore(%arg17 : memref<!tpu.dma_semaphore, #tpu.memory_space<semaphore_mem>>) src(%dma_wait3A_252 : memref<100352xf32, #tpu.memory_space<vmem_shared>>) dst(%dma_wait3A_247 : memref<128xf32, #tpu.memory_space<vmem>>)
      %dma_wait3A_253 = arith.constant 6 : i32
      %dma_wait3A_254 = arith.constant 6 : i32
      %dma_wait3A_255 = arith.constant 0 : i32
      %dma_wait3A_256 = tpu.memref_slice %arg14[%dma_wait3A_254, %dma_wait3A_255] : memref<8x128xf32, #tpu.memory_space<vmem>> -> memref<1x128xf32, #tpu.memory_space<vmem>>
      %dma_wait3A_257 = tpu.memref_squeeze %dma_wait3A_256 : memref<1x128xf32, #tpu.memory_space<vmem>> -> memref<128xf32, #tpu.memory_space<vmem>>
      %dma_wait3A_258 = arith.constant 0 : i32
      %dma_wait3A_259 = tpu.memref_slice %arg12[%dma_wait3A_253, %dma_wait3A_258] : memref<8x128xi32, #tpu.memory_space<vmem>> -> memref<1x128xi32, #tpu.memory_space<vmem>>
      %dma_wait3A_260 = tpu.memref_squeeze %dma_wait3A_259 : memref<1x128xi32, #tpu.memory_space<vmem>> -> memref<128xi32, #tpu.memory_space<vmem>>
      %dma_wait3A_261 = arith.constant 0 : i32
      %dma_wait3A_262 = tpu.memref_slice %arg8[%dma_wait3A_261] : memref<100352xf32, #tpu.memory_space<vmem_shared>> -> memref<100352xf32, #tpu.memory_space<vmem_shared>>
      tpu.wait_indirect_dma semaphore(%arg17 : memref<!tpu.dma_semaphore, #tpu.memory_space<semaphore_mem>>) src(%dma_wait3A_262 : memref<100352xf32, #tpu.memory_space<vmem_shared>>) dst(%dma_wait3A_257 : memref<128xf32, #tpu.memory_space<vmem>>)
      %dma_wait3A_263 = arith.constant 7 : i32
      %dma_wait3A_264 = arith.constant 7 : i32
      %dma_wait3A_265 = arith.constant 0 : i32
      %dma_wait3A_266 = tpu.memref_slice %arg14[%dma_wait3A_264, %dma_wait3A_265] : memref<8x128xf32, #tpu.memory_space<vmem>> -> memref<1x128xf32, #tpu.memory_space<vmem>>
      %dma_wait3A_267 = tpu.memref_squeeze %dma_wait3A_266 : memref<1x128xf32, #tpu.memory_space<vmem>> -> memref<128xf32, #tpu.memory_space<vmem>>
      %dma_wait3A_268 = arith.constant 0 : i32
      %dma_wait3A_269 = tpu.memref_slice %arg12[%dma_wait3A_263, %dma_wait3A_268] : memref<8x128xi32, #tpu.memory_space<vmem>> -> memref<1x128xi32, #tpu.memory_space<vmem>>
      %dma_wait3A_270 = tpu.memref_squeeze %dma_wait3A_269 : memref<1x128xi32, #tpu.memory_space<vmem>> -> memref<128xi32, #tpu.memory_space<vmem>>
      %dma_wait3A_271 = arith.constant 0 : i32
      %dma_wait3A_272 = tpu.memref_slice %arg8[%dma_wait3A_271] : memref<100352xf32, #tpu.memory_space<vmem_shared>> -> memref<100352xf32, #tpu.memory_space<vmem_shared>>
      tpu.wait_indirect_dma semaphore(%arg17 : memref<!tpu.dma_semaphore, #tpu.memory_space<semaphore_mem>>) src(%dma_wait3A_272 : memref<100352xf32, #tpu.memory_space<vmem_shared>>) dst(%dma_wait3A_267 : memref<128xf32, #tpu.memory_space<vmem>>)
      %dma_wait3A_273 = arith.constant 0 : i32
      %dma_wait3A_274 = arith.constant 0 : i32
      %dma_wait3A_275 = arith.constant 0 : i32
      %dma_wait3A_276 = tpu.memref_slice %arg15[%dma_wait3A_274, %dma_wait3A_275] : memref<8x128xf32, #tpu.memory_space<vmem>> -> memref<1x128xf32, #tpu.memory_space<vmem>>
      %dma_wait3A_277 = tpu.memref_squeeze %dma_wait3A_276 : memref<1x128xf32, #tpu.memory_space<vmem>> -> memref<128xf32, #tpu.memory_space<vmem>>
      %dma_wait3A_278 = arith.constant 0 : i32
      %dma_wait3A_279 = tpu.memref_slice %arg12[%dma_wait3A_273, %dma_wait3A_278] : memref<8x128xi32, #tpu.memory_space<vmem>> -> memref<1x128xi32, #tpu.memory_space<vmem>>
      %dma_wait3A_280 = tpu.memref_squeeze %dma_wait3A_279 : memref<1x128xi32, #tpu.memory_space<vmem>> -> memref<128xi32, #tpu.memory_space<vmem>>
      %dma_wait3A_281 = arith.constant 0 : i32
      %dma_wait3A_282 = tpu.memref_slice %arg9[%dma_wait3A_281] : memref<100352xf32, #tpu.memory_space<vmem_shared>> -> memref<100352xf32, #tpu.memory_space<vmem_shared>>
      tpu.wait_indirect_dma semaphore(%arg17 : memref<!tpu.dma_semaphore, #tpu.memory_space<semaphore_mem>>) src(%dma_wait3A_282 : memref<100352xf32, #tpu.memory_space<vmem_shared>>) dst(%dma_wait3A_277 : memref<128xf32, #tpu.memory_space<vmem>>)
      %dma_wait3A_283 = arith.constant 1 : i32
      %dma_wait3A_284 = arith.constant 1 : i32
      %dma_wait3A_285 = arith.constant 0 : i32
      %dma_wait3A_286 = tpu.memref_slice %arg15[%dma_wait3A_284, %dma_wait3A_285] : memref<8x128xf32, #tpu.memory_space<vmem>> -> memref<1x128xf32, #tpu.memory_space<vmem>>
      %dma_wait3A_287 = tpu.memref_squeeze %dma_wait3A_286 : memref<1x128xf32, #tpu.memory_space<vmem>> -> memref<128xf32, #tpu.memory_space<vmem>>
      %dma_wait3A_288 = arith.constant 0 : i32
      %dma_wait3A_289 = tpu.memref_slice %arg12[%dma_wait3A_283, %dma_wait3A_288] : memref<8x128xi32, #tpu.memory_space<vmem>> -> memref<1x128xi32, #tpu.memory_space<vmem>>
      %dma_wait3A_290 = tpu.memref_squeeze %dma_wait3A_289 : memref<1x128xi32, #tpu.memory_space<vmem>> -> memref<128xi32, #tpu.memory_space<vmem>>
      %dma_wait3A_291 = arith.constant 0 : i32
      %dma_wait3A_292 = tpu.memref_slice %arg9[%dma_wait3A_291] : memref<100352xf32, #tpu.memory_space<vmem_shared>> -> memref<100352xf32, #tpu.memory_space<vmem_shared>>
      tpu.wait_indirect_dma semaphore(%arg17 : memref<!tpu.dma_semaphore, #tpu.memory_space<semaphore_mem>>) src(%dma_wait3A_292 : memref<100352xf32, #tpu.memory_space<vmem_shared>>) dst(%dma_wait3A_287 : memref<128xf32, #tpu.memory_space<vmem>>)
      %dma_wait3A_293 = arith.constant 2 : i32
      %dma_wait3A_294 = arith.constant 2 : i32
      %dma_wait3A_295 = arith.constant 0 : i32
      %dma_wait3A_296 = tpu.memref_slice %arg15[%dma_wait3A_294, %dma_wait3A_295] : memref<8x128xf32, #tpu.memory_space<vmem>> -> memref<1x128xf32, #tpu.memory_space<vmem>>
      %dma_wait3A_297 = tpu.memref_squeeze %dma_wait3A_296 : memref<1x128xf32, #tpu.memory_space<vmem>> -> memref<128xf32, #tpu.memory_space<vmem>>
      %dma_wait3A_298 = arith.constant 0 : i32
      %dma_wait3A_299 = tpu.memref_slice %arg12[%dma_wait3A_293, %dma_wait3A_298] : memref<8x128xi32, #tpu.memory_space<vmem>> -> memref<1x128xi32, #tpu.memory_space<vmem>>
      %dma_wait3A_300 = tpu.memref_squeeze %dma_wait3A_299 : memref<1x128xi32, #tpu.memory_space<vmem>> -> memref<128xi32, #tpu.memory_space<vmem>>
      %dma_wait3A_301 = arith.constant 0 : i32
      %dma_wait3A_302 = tpu.memref_slice %arg9[%dma_wait3A_301] : memref<100352xf32, #tpu.memory_space<vmem_shared>> -> memref<100352xf32, #tpu.memory_space<vmem_shared>>
      tpu.wait_indirect_dma semaphore(%arg17 : memref<!tpu.dma_semaphore, #tpu.memory_space<semaphore_mem>>) src(%dma_wait3A_302 : memref<100352xf32, #tpu.memory_space<vmem_shared>>) dst(%dma_wait3A_297 : memref<128xf32, #tpu.memory_space<vmem>>)
      %dma_wait3A_303 = arith.constant 3 : i32
      %dma_wait3A_304 = arith.constant 3 : i32
      %dma_wait3A_305 = arith.constant 0 : i32
      %dma_wait3A_306 = tpu.memref_slice %arg15[%dma_wait3A_304, %dma_wait3A_305] : memref<8x128xf32, #tpu.memory_space<vmem>> -> memref<1x128xf32, #tpu.memory_space<vmem>>
      %dma_wait3A_307 = tpu.memref_squeeze %dma_wait3A_306 : memref<1x128xf32, #tpu.memory_space<vmem>> -> memref<128xf32, #tpu.memory_space<vmem>>
      %dma_wait3A_308 = arith.constant 0 : i32
      %dma_wait3A_309 = tpu.memref_slice %arg12[%dma_wait3A_303, %dma_wait3A_308] : memref<8x128xi32, #tpu.memory_space<vmem>> -> memref<1x128xi32, #tpu.memory_space<vmem>>
      %dma_wait3A_310 = tpu.memref_squeeze %dma_wait3A_309 : memref<1x128xi32, #tpu.memory_space<vmem>> -> memref<128xi32, #tpu.memory_space<vmem>>
      %dma_wait3A_311 = arith.constant 0 : i32
      %dma_wait3A_312 = tpu.memref_slice %arg9[%dma_wait3A_311] : memref<100352xf32, #tpu.memory_space<vmem_shared>> -> memref<100352xf32, #tpu.memory_space<vmem_shared>>
      tpu.wait_indirect_dma semaphore(%arg17 : memref<!tpu.dma_semaphore, #tpu.memory_space<semaphore_mem>>) src(%dma_wait3A_312 : memref<100352xf32, #tpu.memory_space<vmem_shared>>) dst(%dma_wait3A_307 : memref<128xf32, #tpu.memory_space<vmem>>)
      %dma_wait3A_313 = arith.constant 4 : i32
      %dma_wait3A_314 = arith.constant 4 : i32
      %dma_wait3A_315 = arith.constant 0 : i32
      %dma_wait3A_316 = tpu.memref_slice %arg15[%dma_wait3A_314, %dma_wait3A_315] : memref<8x128xf32, #tpu.memory_space<vmem>> -> memref<1x128xf32, #tpu.memory_space<vmem>>
      %dma_wait3A_317 = tpu.memref_squeeze %dma_wait3A_316 : memref<1x128xf32, #tpu.memory_space<vmem>> -> memref<128xf32, #tpu.memory_space<vmem>>
      %dma_wait3A_318 = arith.constant 0 : i32
      %dma_wait3A_319 = tpu.memref_slice %arg12[%dma_wait3A_313, %dma_wait3A_318] : memref<8x128xi32, #tpu.memory_space<vmem>> -> memref<1x128xi32, #tpu.memory_space<vmem>>
      %dma_wait3A_320 = tpu.memref_squeeze %dma_wait3A_319 : memref<1x128xi32, #tpu.memory_space<vmem>> -> memref<128xi32, #tpu.memory_space<vmem>>
      %dma_wait3A_321 = arith.constant 0 : i32
      %dma_wait3A_322 = tpu.memref_slice %arg9[%dma_wait3A_321] : memref<100352xf32, #tpu.memory_space<vmem_shared>> -> memref<100352xf32, #tpu.memory_space<vmem_shared>>
      tpu.wait_indirect_dma semaphore(%arg17 : memref<!tpu.dma_semaphore, #tpu.memory_space<semaphore_mem>>) src(%dma_wait3A_322 : memref<100352xf32, #tpu.memory_space<vmem_shared>>) dst(%dma_wait3A_317 : memref<128xf32, #tpu.memory_space<vmem>>)
      %dma_wait3A_323 = arith.constant 5 : i32
      %dma_wait3A_324 = arith.constant 5 : i32
      %dma_wait3A_325 = arith.constant 0 : i32
      %dma_wait3A_326 = tpu.memref_slice %arg15[%dma_wait3A_324, %dma_wait3A_325] : memref<8x128xf32, #tpu.memory_space<vmem>> -> memref<1x128xf32, #tpu.memory_space<vmem>>
      %dma_wait3A_327 = tpu.memref_squeeze %dma_wait3A_326 : memref<1x128xf32, #tpu.memory_space<vmem>> -> memref<128xf32, #tpu.memory_space<vmem>>
      %dma_wait3A_328 = arith.constant 0 : i32
      %dma_wait3A_329 = tpu.memref_slice %arg12[%dma_wait3A_323, %dma_wait3A_328] : memref<8x128xi32, #tpu.memory_space<vmem>> -> memref<1x128xi32, #tpu.memory_space<vmem>>
      %dma_wait3A_330 = tpu.memref_squeeze %dma_wait3A_329 : memref<1x128xi32, #tpu.memory_space<vmem>> -> memref<128xi32, #tpu.memory_space<vmem>>
      %dma_wait3A_331 = arith.constant 0 : i32
      %dma_wait3A_332 = tpu.memref_slice %arg9[%dma_wait3A_331] : memref<100352xf32, #tpu.memory_space<vmem_shared>> -> memref<100352xf32, #tpu.memory_space<vmem_shared>>
      tpu.wait_indirect_dma semaphore(%arg17 : memref<!tpu.dma_semaphore, #tpu.memory_space<semaphore_mem>>) src(%dma_wait3A_332 : memref<100352xf32, #tpu.memory_space<vmem_shared>>) dst(%dma_wait3A_327 : memref<128xf32, #tpu.memory_space<vmem>>)
      %dma_wait3A_333 = arith.constant 6 : i32
      %dma_wait3A_334 = arith.constant 6 : i32
      %dma_wait3A_335 = arith.constant 0 : i32
      %dma_wait3A_336 = tpu.memref_slice %arg15[%dma_wait3A_334, %dma_wait3A_335] : memref<8x128xf32, #tpu.memory_space<vmem>> -> memref<1x128xf32, #tpu.memory_space<vmem>>
      %dma_wait3A_337 = tpu.memref_squeeze %dma_wait3A_336 : memref<1x128xf32, #tpu.memory_space<vmem>> -> memref<128xf32, #tpu.memory_space<vmem>>
      %dma_wait3A_338 = arith.constant 0 : i32
      %dma_wait3A_339 = tpu.memref_slice %arg12[%dma_wait3A_333, %dma_wait3A_338] : memref<8x128xi32, #tpu.memory_space<vmem>> -> memref<1x128xi32, #tpu.memory_space<vmem>>
      %dma_wait3A_340 = tpu.memref_squeeze %dma_wait3A_339 : memref<1x128xi32, #tpu.memory_space<vmem>> -> memref<128xi32, #tpu.memory_space<vmem>>
      %dma_wait3A_341 = arith.constant 0 : i32
      %dma_wait3A_342 = tpu.memref_slice %arg9[%dma_wait3A_341] : memref<100352xf32, #tpu.memory_space<vmem_shared>> -> memref<100352xf32, #tpu.memory_space<vmem_shared>>
      tpu.wait_indirect_dma semaphore(%arg17 : memref<!tpu.dma_semaphore, #tpu.memory_space<semaphore_mem>>) src(%dma_wait3A_342 : memref<100352xf32, #tpu.memory_space<vmem_shared>>) dst(%dma_wait3A_337 : memref<128xf32, #tpu.memory_space<vmem>>)
      %dma_wait3A_343 = arith.constant 7 : i32
      %dma_wait3A_344 = arith.constant 7 : i32
      %dma_wait3A_345 = arith.constant 0 : i32
      %dma_wait3A_346 = tpu.memref_slice %arg15[%dma_wait3A_344, %dma_wait3A_345] : memref<8x128xf32, #tpu.memory_space<vmem>> -> memref<1x128xf32, #tpu.memory_space<vmem>>
      %dma_wait3A_347 = tpu.memref_squeeze %dma_wait3A_346 : memref<1x128xf32, #tpu.memory_space<vmem>> -> memref<128xf32, #tpu.memory_space<vmem>>
      %dma_wait3A_348 = arith.constant 0 : i32
      %dma_wait3A_349 = tpu.memref_slice %arg12[%dma_wait3A_343, %dma_wait3A_348] : memref<8x128xi32, #tpu.memory_space<vmem>> -> memref<1x128xi32, #tpu.memory_space<vmem>>
      %dma_wait3A_350 = tpu.memref_squeeze %dma_wait3A_349 : memref<1x128xi32, #tpu.memory_space<vmem>> -> memref<128xi32, #tpu.memory_space<vmem>>
      %dma_wait3A_351 = arith.constant 0 : i32
      %dma_wait3A_352 = tpu.memref_slice %arg9[%dma_wait3A_351] : memref<100352xf32, #tpu.memory_space<vmem_shared>> -> memref<100352xf32, #tpu.memory_space<vmem_shared>>
      tpu.wait_indirect_dma semaphore(%arg17 : memref<!tpu.dma_semaphore, #tpu.memory_space<semaphore_mem>>) src(%dma_wait3A_352 : memref<100352xf32, #tpu.memory_space<vmem_shared>>) dst(%dma_wait3A_347 : memref<128xf32, #tpu.memory_space<vmem>>)
      %dma_start3A_353 = arith.constant 0 : i32
      %dma_start3A_354 = arith.constant 0 : i32
      %dma_start3A_355 = arith.constant 0 : i32
      %dma_start3A_356 = tpu.memref_slice %arg14[%dma_start3A_353, %dma_start3A_355] : memref<8x128xf32, #tpu.memory_space<vmem>> -> memref<1x128xf32, #tpu.memory_space<vmem>>
      %dma_start3A_357 = tpu.memref_squeeze %dma_start3A_356 : memref<1x128xf32, #tpu.memory_space<vmem>> -> memref<128xf32, #tpu.memory_space<vmem>>
      %dma_start3A_358 = arith.constant 0 : i32
      %dma_start3A_359 = tpu.memref_slice %arg13[%dma_start3A_354, %dma_start3A_358] : memref<8x128xi32, #tpu.memory_space<vmem>> -> memref<1x128xi32, #tpu.memory_space<vmem>>
      %dma_start3A_360 = tpu.memref_squeeze %dma_start3A_359 : memref<1x128xi32, #tpu.memory_space<vmem>> -> memref<128xi32, #tpu.memory_space<vmem>>
      %dma_start3A_361 = arith.constant 0 : i32
      %dma_start3A_362 = tpu.memref_slice %arg10[%dma_start3A_361] : memref<100352xf32, #tpu.memory_space<vmem_shared>> -> memref<100352xf32, #tpu.memory_space<vmem_shared>>
      tpu.enqueue_indirect_dma source(%dma_start3A_357 : memref<128xf32, #tpu.memory_space<vmem>>) target(%dma_start3A_362 : memref<100352xf32, #tpu.memory_space<vmem_shared>>) offsets(%dma_start3A_360 : memref<128xi32, #tpu.memory_space<vmem>>) semaphore(%arg18 : memref<!tpu.dma_semaphore, #tpu.memory_space<semaphore_mem>>) {add = true}
      %dma_start3A_363 = arith.constant 1 : i32
      %dma_start3A_364 = arith.constant 1 : i32
      %dma_start3A_365 = arith.constant 0 : i32
      %dma_start3A_366 = tpu.memref_slice %arg14[%dma_start3A_363, %dma_start3A_365] : memref<8x128xf32, #tpu.memory_space<vmem>> -> memref<1x128xf32, #tpu.memory_space<vmem>>
      %dma_start3A_367 = tpu.memref_squeeze %dma_start3A_366 : memref<1x128xf32, #tpu.memory_space<vmem>> -> memref<128xf32, #tpu.memory_space<vmem>>
      %dma_start3A_368 = arith.constant 0 : i32
      %dma_start3A_369 = tpu.memref_slice %arg13[%dma_start3A_364, %dma_start3A_368] : memref<8x128xi32, #tpu.memory_space<vmem>> -> memref<1x128xi32, #tpu.memory_space<vmem>>
      %dma_start3A_370 = tpu.memref_squeeze %dma_start3A_369 : memref<1x128xi32, #tpu.memory_space<vmem>> -> memref<128xi32, #tpu.memory_space<vmem>>
      %dma_start3A_371 = arith.constant 0 : i32
      %dma_start3A_372 = tpu.memref_slice %arg10[%dma_start3A_371] : memref<100352xf32, #tpu.memory_space<vmem_shared>> -> memref<100352xf32, #tpu.memory_space<vmem_shared>>
      tpu.enqueue_indirect_dma source(%dma_start3A_367 : memref<128xf32, #tpu.memory_space<vmem>>) target(%dma_start3A_372 : memref<100352xf32, #tpu.memory_space<vmem_shared>>) offsets(%dma_start3A_370 : memref<128xi32, #tpu.memory_space<vmem>>) semaphore(%arg18 : memref<!tpu.dma_semaphore, #tpu.memory_space<semaphore_mem>>) {add = true}
      %dma_start3A_373 = arith.constant 2 : i32
      %dma_start3A_374 = arith.constant 2 : i32
      %dma_start3A_375 = arith.constant 0 : i32
      %dma_start3A_376 = tpu.memref_slice %arg14[%dma_start3A_373, %dma_start3A_375] : memref<8x128xf32, #tpu.memory_space<vmem>> -> memref<1x128xf32, #tpu.memory_space<vmem>>
      %dma_start3A_377 = tpu.memref_squeeze %dma_start3A_376 : memref<1x128xf32, #tpu.memory_space<vmem>> -> memref<128xf32, #tpu.memory_space<vmem>>
      %dma_start3A_378 = arith.constant 0 : i32
      %dma_start3A_379 = tpu.memref_slice %arg13[%dma_start3A_374, %dma_start3A_378] : memref<8x128xi32, #tpu.memory_space<vmem>> -> memref<1x128xi32, #tpu.memory_space<vmem>>
      %dma_start3A_380 = tpu.memref_squeeze %dma_start3A_379 : memref<1x128xi32, #tpu.memory_space<vmem>> -> memref<128xi32, #tpu.memory_space<vmem>>
      %dma_start3A_381 = arith.constant 0 : i32
      %dma_start3A_382 = tpu.memref_slice %arg10[%dma_start3A_381] : memref<100352xf32, #tpu.memory_space<vmem_shared>> -> memref<100352xf32, #tpu.memory_space<vmem_shared>>
      tpu.enqueue_indirect_dma source(%dma_start3A_377 : memref<128xf32, #tpu.memory_space<vmem>>) target(%dma_start3A_382 : memref<100352xf32, #tpu.memory_space<vmem_shared>>) offsets(%dma_start3A_380 : memref<128xi32, #tpu.memory_space<vmem>>) semaphore(%arg18 : memref<!tpu.dma_semaphore, #tpu.memory_space<semaphore_mem>>) {add = true}
      %dma_start3A_383 = arith.constant 3 : i32
      %dma_start3A_384 = arith.constant 3 : i32
      %dma_start3A_385 = arith.constant 0 : i32
      %dma_start3A_386 = tpu.memref_slice %arg14[%dma_start3A_383, %dma_start3A_385] : memref<8x128xf32, #tpu.memory_space<vmem>> -> memref<1x128xf32, #tpu.memory_space<vmem>>
      %dma_start3A_387 = tpu.memref_squeeze %dma_start3A_386 : memref<1x128xf32, #tpu.memory_space<vmem>> -> memref<128xf32, #tpu.memory_space<vmem>>
      %dma_start3A_388 = arith.constant 0 : i32
      %dma_start3A_389 = tpu.memref_slice %arg13[%dma_start3A_384, %dma_start3A_388] : memref<8x128xi32, #tpu.memory_space<vmem>> -> memref<1x128xi32, #tpu.memory_space<vmem>>
      %dma_start3A_390 = tpu.memref_squeeze %dma_start3A_389 : memref<1x128xi32, #tpu.memory_space<vmem>> -> memref<128xi32, #tpu.memory_space<vmem>>
      %dma_start3A_391 = arith.constant 0 : i32
      %dma_start3A_392 = tpu.memref_slice %arg10[%dma_start3A_391] : memref<100352xf32, #tpu.memory_space<vmem_shared>> -> memref<100352xf32, #tpu.memory_space<vmem_shared>>
      tpu.enqueue_indirect_dma source(%dma_start3A_387 : memref<128xf32, #tpu.memory_space<vmem>>) target(%dma_start3A_392 : memref<100352xf32, #tpu.memory_space<vmem_shared>>) offsets(%dma_start3A_390 : memref<128xi32, #tpu.memory_space<vmem>>) semaphore(%arg18 : memref<!tpu.dma_semaphore, #tpu.memory_space<semaphore_mem>>) {add = true}
      %dma_start3A_393 = arith.constant 4 : i32
      %dma_start3A_394 = arith.constant 4 : i32
      %dma_start3A_395 = arith.constant 0 : i32
      %dma_start3A_396 = tpu.memref_slice %arg14[%dma_start3A_393, %dma_start3A_395] : memref<8x128xf32, #tpu.memory_space<vmem>> -> memref<1x128xf32, #tpu.memory_space<vmem>>
      %dma_start3A_397 = tpu.memref_squeeze %dma_start3A_396 : memref<1x128xf32, #tpu.memory_space<vmem>> -> memref<128xf32, #tpu.memory_space<vmem>>
      %dma_start3A_398 = arith.constant 0 : i32
      %dma_start3A_399 = tpu.memref_slice %arg13[%dma_start3A_394, %dma_start3A_398] : memref<8x128xi32, #tpu.memory_space<vmem>> -> memref<1x128xi32, #tpu.memory_space<vmem>>
      %dma_start3A_400 = tpu.memref_squeeze %dma_start3A_399 : memref<1x128xi32, #tpu.memory_space<vmem>> -> memref<128xi32, #tpu.memory_space<vmem>>
      %dma_start3A_401 = arith.constant 0 : i32
      %dma_start3A_402 = tpu.memref_slice %arg10[%dma_start3A_401] : memref<100352xf32, #tpu.memory_space<vmem_shared>> -> memref<100352xf32, #tpu.memory_space<vmem_shared>>
      tpu.enqueue_indirect_dma source(%dma_start3A_397 : memref<128xf32, #tpu.memory_space<vmem>>) target(%dma_start3A_402 : memref<100352xf32, #tpu.memory_space<vmem_shared>>) offsets(%dma_start3A_400 : memref<128xi32, #tpu.memory_space<vmem>>) semaphore(%arg18 : memref<!tpu.dma_semaphore, #tpu.memory_space<semaphore_mem>>) {add = true}
      %dma_start3A_403 = arith.constant 5 : i32
      %dma_start3A_404 = arith.constant 5 : i32
      %dma_start3A_405 = arith.constant 0 : i32
      %dma_start3A_406 = tpu.memref_slice %arg14[%dma_start3A_403, %dma_start3A_405] : memref<8x128xf32, #tpu.memory_space<vmem>> -> memref<1x128xf32, #tpu.memory_space<vmem>>
      %dma_start3A_407 = tpu.memref_squeeze %dma_start3A_406 : memref<1x128xf32, #tpu.memory_space<vmem>> -> memref<128xf32, #tpu.memory_space<vmem>>
      %dma_start3A_408 = arith.constant 0 : i32
      %dma_start3A_409 = tpu.memref_slice %arg13[%dma_start3A_404, %dma_start3A_408] : memref<8x128xi32, #tpu.memory_space<vmem>> -> memref<1x128xi32, #tpu.memory_space<vmem>>
      %dma_start3A_410 = tpu.memref_squeeze %dma_start3A_409 : memref<1x128xi32, #tpu.memory_space<vmem>> -> memref<128xi32, #tpu.memory_space<vmem>>
      %dma_start3A_411 = arith.constant 0 : i32
      %dma_start3A_412 = tpu.memref_slice %arg10[%dma_start3A_411] : memref<100352xf32, #tpu.memory_space<vmem_shared>> -> memref<100352xf32, #tpu.memory_space<vmem_shared>>
      tpu.enqueue_indirect_dma source(%dma_start3A_407 : memref<128xf32, #tpu.memory_space<vmem>>) target(%dma_start3A_412 : memref<100352xf32, #tpu.memory_space<vmem_shared>>) offsets(%dma_start3A_410 : memref<128xi32, #tpu.memory_space<vmem>>) semaphore(%arg18 : memref<!tpu.dma_semaphore, #tpu.memory_space<semaphore_mem>>) {add = true}
      %dma_start3A_413 = arith.constant 6 : i32
      %dma_start3A_414 = arith.constant 6 : i32
      %dma_start3A_415 = arith.constant 0 : i32
      %dma_start3A_416 = tpu.memref_slice %arg14[%dma_start3A_413, %dma_start3A_415] : memref<8x128xf32, #tpu.memory_space<vmem>> -> memref<1x128xf32, #tpu.memory_space<vmem>>
      %dma_start3A_417 = tpu.memref_squeeze %dma_start3A_416 : memref<1x128xf32, #tpu.memory_space<vmem>> -> memref<128xf32, #tpu.memory_space<vmem>>
      %dma_start3A_418 = arith.constant 0 : i32
      %dma_start3A_419 = tpu.memref_slice %arg13[%dma_start3A_414, %dma_start3A_418] : memref<8x128xi32, #tpu.memory_space<vmem>> -> memref<1x128xi32, #tpu.memory_space<vmem>>
      %dma_start3A_420 = tpu.memref_squeeze %dma_start3A_419 : memref<1x128xi32, #tpu.memory_space<vmem>> -> memref<128xi32, #tpu.memory_space<vmem>>
      %dma_start3A_421 = arith.constant 0 : i32
      %dma_start3A_422 = tpu.memref_slice %arg10[%dma_start3A_421] : memref<100352xf32, #tpu.memory_space<vmem_shared>> -> memref<100352xf32, #tpu.memory_space<vmem_shared>>
      tpu.enqueue_indirect_dma source(%dma_start3A_417 : memref<128xf32, #tpu.memory_space<vmem>>) target(%dma_start3A_422 : memref<100352xf32, #tpu.memory_space<vmem_shared>>) offsets(%dma_start3A_420 : memref<128xi32, #tpu.memory_space<vmem>>) semaphore(%arg18 : memref<!tpu.dma_semaphore, #tpu.memory_space<semaphore_mem>>) {add = true}
      %dma_start3A_423 = arith.constant 7 : i32
      %dma_start3A_424 = arith.constant 7 : i32
      %dma_start3A_425 = arith.constant 0 : i32
      %dma_start3A_426 = tpu.memref_slice %arg14[%dma_start3A_423, %dma_start3A_425] : memref<8x128xf32, #tpu.memory_space<vmem>> -> memref<1x128xf32, #tpu.memory_space<vmem>>
      %dma_start3A_427 = tpu.memref_squeeze %dma_start3A_426 : memref<1x128xf32, #tpu.memory_space<vmem>> -> memref<128xf32, #tpu.memory_space<vmem>>
      %dma_start3A_428 = arith.constant 0 : i32
      %dma_start3A_429 = tpu.memref_slice %arg13[%dma_start3A_424, %dma_start3A_428] : memref<8x128xi32, #tpu.memory_space<vmem>> -> memref<1x128xi32, #tpu.memory_space<vmem>>
      %dma_start3A_430 = tpu.memref_squeeze %dma_start3A_429 : memref<1x128xi32, #tpu.memory_space<vmem>> -> memref<128xi32, #tpu.memory_space<vmem>>
      %dma_start3A_431 = arith.constant 0 : i32
      %dma_start3A_432 = tpu.memref_slice %arg10[%dma_start3A_431] : memref<100352xf32, #tpu.memory_space<vmem_shared>> -> memref<100352xf32, #tpu.memory_space<vmem_shared>>
      tpu.enqueue_indirect_dma source(%dma_start3A_427 : memref<128xf32, #tpu.memory_space<vmem>>) target(%dma_start3A_432 : memref<100352xf32, #tpu.memory_space<vmem_shared>>) offsets(%dma_start3A_430 : memref<128xi32, #tpu.memory_space<vmem>>) semaphore(%arg18 : memref<!tpu.dma_semaphore, #tpu.memory_space<semaphore_mem>>) {add = true}
      %dma_start3A_433 = arith.constant 0 : i32
      %dma_start3A_434 = arith.constant 0 : i32
      %dma_start3A_435 = arith.constant 0 : i32
      %dma_start3A_436 = tpu.memref_slice %arg15[%dma_start3A_433, %dma_start3A_435] : memref<8x128xf32, #tpu.memory_space<vmem>> -> memref<1x128xf32, #tpu.memory_space<vmem>>
      %dma_start3A_437 = tpu.memref_squeeze %dma_start3A_436 : memref<1x128xf32, #tpu.memory_space<vmem>> -> memref<128xf32, #tpu.memory_space<vmem>>
      %dma_start3A_438 = arith.constant 0 : i32
      %dma_start3A_439 = tpu.memref_slice %arg13[%dma_start3A_434, %dma_start3A_438] : memref<8x128xi32, #tpu.memory_space<vmem>> -> memref<1x128xi32, #tpu.memory_space<vmem>>
      %dma_start3A_440 = tpu.memref_squeeze %dma_start3A_439 : memref<1x128xi32, #tpu.memory_space<vmem>> -> memref<128xi32, #tpu.memory_space<vmem>>
      %dma_start3A_441 = arith.constant 0 : i32
      %dma_start3A_442 = tpu.memref_slice %arg11[%dma_start3A_441] : memref<100352xf32, #tpu.memory_space<vmem_shared>> -> memref<100352xf32, #tpu.memory_space<vmem_shared>>
      tpu.enqueue_indirect_dma source(%dma_start3A_437 : memref<128xf32, #tpu.memory_space<vmem>>) target(%dma_start3A_442 : memref<100352xf32, #tpu.memory_space<vmem_shared>>) offsets(%dma_start3A_440 : memref<128xi32, #tpu.memory_space<vmem>>) semaphore(%arg18 : memref<!tpu.dma_semaphore, #tpu.memory_space<semaphore_mem>>) {add = true}
      %dma_start3A_443 = arith.constant 1 : i32
      %dma_start3A_444 = arith.constant 1 : i32
      %dma_start3A_445 = arith.constant 0 : i32
      %dma_start3A_446 = tpu.memref_slice %arg15[%dma_start3A_443, %dma_start3A_445] : memref<8x128xf32, #tpu.memory_space<vmem>> -> memref<1x128xf32, #tpu.memory_space<vmem>>
      %dma_start3A_447 = tpu.memref_squeeze %dma_start3A_446 : memref<1x128xf32, #tpu.memory_space<vmem>> -> memref<128xf32, #tpu.memory_space<vmem>>
      %dma_start3A_448 = arith.constant 0 : i32
      %dma_start3A_449 = tpu.memref_slice %arg13[%dma_start3A_444, %dma_start3A_448] : memref<8x128xi32, #tpu.memory_space<vmem>> -> memref<1x128xi32, #tpu.memory_space<vmem>>
      %dma_start3A_450 = tpu.memref_squeeze %dma_start3A_449 : memref<1x128xi32, #tpu.memory_space<vmem>> -> memref<128xi32, #tpu.memory_space<vmem>>
      %dma_start3A_451 = arith.constant 0 : i32
      %dma_start3A_452 = tpu.memref_slice %arg11[%dma_start3A_451] : memref<100352xf32, #tpu.memory_space<vmem_shared>> -> memref<100352xf32, #tpu.memory_space<vmem_shared>>
      tpu.enqueue_indirect_dma source(%dma_start3A_447 : memref<128xf32, #tpu.memory_space<vmem>>) target(%dma_start3A_452 : memref<100352xf32, #tpu.memory_space<vmem_shared>>) offsets(%dma_start3A_450 : memref<128xi32, #tpu.memory_space<vmem>>) semaphore(%arg18 : memref<!tpu.dma_semaphore, #tpu.memory_space<semaphore_mem>>) {add = true}
      %dma_start3A_453 = arith.constant 2 : i32
      %dma_start3A_454 = arith.constant 2 : i32
      %dma_start3A_455 = arith.constant 0 : i32
      %dma_start3A_456 = tpu.memref_slice %arg15[%dma_start3A_453, %dma_start3A_455] : memref<8x128xf32, #tpu.memory_space<vmem>> -> memref<1x128xf32, #tpu.memory_space<vmem>>
      %dma_start3A_457 = tpu.memref_squeeze %dma_start3A_456 : memref<1x128xf32, #tpu.memory_space<vmem>> -> memref<128xf32, #tpu.memory_space<vmem>>
      %dma_start3A_458 = arith.constant 0 : i32
      %dma_start3A_459 = tpu.memref_slice %arg13[%dma_start3A_454, %dma_start3A_458] : memref<8x128xi32, #tpu.memory_space<vmem>> -> memref<1x128xi32, #tpu.memory_space<vmem>>
      %dma_start3A_460 = tpu.memref_squeeze %dma_start3A_459 : memref<1x128xi32, #tpu.memory_space<vmem>> -> memref<128xi32, #tpu.memory_space<vmem>>
      %dma_start3A_461 = arith.constant 0 : i32
      %dma_start3A_462 = tpu.memref_slice %arg11[%dma_start3A_461] : memref<100352xf32, #tpu.memory_space<vmem_shared>> -> memref<100352xf32, #tpu.memory_space<vmem_shared>>
      tpu.enqueue_indirect_dma source(%dma_start3A_457 : memref<128xf32, #tpu.memory_space<vmem>>) target(%dma_start3A_462 : memref<100352xf32, #tpu.memory_space<vmem_shared>>) offsets(%dma_start3A_460 : memref<128xi32, #tpu.memory_space<vmem>>) semaphore(%arg18 : memref<!tpu.dma_semaphore, #tpu.memory_space<semaphore_mem>>) {add = true}
      %dma_start3A_463 = arith.constant 3 : i32
      %dma_start3A_464 = arith.constant 3 : i32
      %dma_start3A_465 = arith.constant 0 : i32
      %dma_start3A_466 = tpu.memref_slice %arg15[%dma_start3A_463, %dma_start3A_465] : memref<8x128xf32, #tpu.memory_space<vmem>> -> memref<1x128xf32, #tpu.memory_space<vmem>>
      %dma_start3A_467 = tpu.memref_squeeze %dma_start3A_466 : memref<1x128xf32, #tpu.memory_space<vmem>> -> memref<128xf32, #tpu.memory_space<vmem>>
      %dma_start3A_468 = arith.constant 0 : i32
      %dma_start3A_469 = tpu.memref_slice %arg13[%dma_start3A_464, %dma_start3A_468] : memref<8x128xi32, #tpu.memory_space<vmem>> -> memref<1x128xi32, #tpu.memory_space<vmem>>
      %dma_start3A_470 = tpu.memref_squeeze %dma_start3A_469 : memref<1x128xi32, #tpu.memory_space<vmem>> -> memref<128xi32, #tpu.memory_space<vmem>>
      %dma_start3A_471 = arith.constant 0 : i32
      %dma_start3A_472 = tpu.memref_slice %arg11[%dma_start3A_471] : memref<100352xf32, #tpu.memory_space<vmem_shared>> -> memref<100352xf32, #tpu.memory_space<vmem_shared>>
      tpu.enqueue_indirect_dma source(%dma_start3A_467 : memref<128xf32, #tpu.memory_space<vmem>>) target(%dma_start3A_472 : memref<100352xf32, #tpu.memory_space<vmem_shared>>) offsets(%dma_start3A_470 : memref<128xi32, #tpu.memory_space<vmem>>) semaphore(%arg18 : memref<!tpu.dma_semaphore, #tpu.memory_space<semaphore_mem>>) {add = true}
      %dma_start3A_473 = arith.constant 4 : i32
      %dma_start3A_474 = arith.constant 4 : i32
      %dma_start3A_475 = arith.constant 0 : i32
      %dma_start3A_476 = tpu.memref_slice %arg15[%dma_start3A_473, %dma_start3A_475] : memref<8x128xf32, #tpu.memory_space<vmem>> -> memref<1x128xf32, #tpu.memory_space<vmem>>
      %dma_start3A_477 = tpu.memref_squeeze %dma_start3A_476 : memref<1x128xf32, #tpu.memory_space<vmem>> -> memref<128xf32, #tpu.memory_space<vmem>>
      %dma_start3A_478 = arith.constant 0 : i32
      %dma_start3A_479 = tpu.memref_slice %arg13[%dma_start3A_474, %dma_start3A_478] : memref<8x128xi32, #tpu.memory_space<vmem>> -> memref<1x128xi32, #tpu.memory_space<vmem>>
      %dma_start3A_480 = tpu.memref_squeeze %dma_start3A_479 : memref<1x128xi32, #tpu.memory_space<vmem>> -> memref<128xi32, #tpu.memory_space<vmem>>
      %dma_start3A_481 = arith.constant 0 : i32
      %dma_start3A_482 = tpu.memref_slice %arg11[%dma_start3A_481] : memref<100352xf32, #tpu.memory_space<vmem_shared>> -> memref<100352xf32, #tpu.memory_space<vmem_shared>>
      tpu.enqueue_indirect_dma source(%dma_start3A_477 : memref<128xf32, #tpu.memory_space<vmem>>) target(%dma_start3A_482 : memref<100352xf32, #tpu.memory_space<vmem_shared>>) offsets(%dma_start3A_480 : memref<128xi32, #tpu.memory_space<vmem>>) semaphore(%arg18 : memref<!tpu.dma_semaphore, #tpu.memory_space<semaphore_mem>>) {add = true}
      %dma_start3A_483 = arith.constant 5 : i32
      %dma_start3A_484 = arith.constant 5 : i32
      %dma_start3A_485 = arith.constant 0 : i32
      %dma_start3A_486 = tpu.memref_slice %arg15[%dma_start3A_483, %dma_start3A_485] : memref<8x128xf32, #tpu.memory_space<vmem>> -> memref<1x128xf32, #tpu.memory_space<vmem>>
      %dma_start3A_487 = tpu.memref_squeeze %dma_start3A_486 : memref<1x128xf32, #tpu.memory_space<vmem>> -> memref<128xf32, #tpu.memory_space<vmem>>
      %dma_start3A_488 = arith.constant 0 : i32
      %dma_start3A_489 = tpu.memref_slice %arg13[%dma_start3A_484, %dma_start3A_488] : memref<8x128xi32, #tpu.memory_space<vmem>> -> memref<1x128xi32, #tpu.memory_space<vmem>>
      %dma_start3A_490 = tpu.memref_squeeze %dma_start3A_489 : memref<1x128xi32, #tpu.memory_space<vmem>> -> memref<128xi32, #tpu.memory_space<vmem>>
      %dma_start3A_491 = arith.constant 0 : i32
      %dma_start3A_492 = tpu.memref_slice %arg11[%dma_start3A_491] : memref<100352xf32, #tpu.memory_space<vmem_shared>> -> memref<100352xf32, #tpu.memory_space<vmem_shared>>
      tpu.enqueue_indirect_dma source(%dma_start3A_487 : memref<128xf32, #tpu.memory_space<vmem>>) target(%dma_start3A_492 : memref<100352xf32, #tpu.memory_space<vmem_shared>>) offsets(%dma_start3A_490 : memref<128xi32, #tpu.memory_space<vmem>>) semaphore(%arg18 : memref<!tpu.dma_semaphore, #tpu.memory_space<semaphore_mem>>) {add = true}
      %dma_start3A_493 = arith.constant 6 : i32
      %dma_start3A_494 = arith.constant 6 : i32
      %dma_start3A_495 = arith.constant 0 : i32
      %dma_start3A_496 = tpu.memref_slice %arg15[%dma_start3A_493, %dma_start3A_495] : memref<8x128xf32, #tpu.memory_space<vmem>> -> memref<1x128xf32, #tpu.memory_space<vmem>>
      %dma_start3A_497 = tpu.memref_squeeze %dma_start3A_496 : memref<1x128xf32, #tpu.memory_space<vmem>> -> memref<128xf32, #tpu.memory_space<vmem>>
      %dma_start3A_498 = arith.constant 0 : i32
      %dma_start3A_499 = tpu.memref_slice %arg13[%dma_start3A_494, %dma_start3A_498] : memref<8x128xi32, #tpu.memory_space<vmem>> -> memref<1x128xi32, #tpu.memory_space<vmem>>
      %dma_start3A_500 = tpu.memref_squeeze %dma_start3A_499 : memref<1x128xi32, #tpu.memory_space<vmem>> -> memref<128xi32, #tpu.memory_space<vmem>>
      %dma_start3A_501 = arith.constant 0 : i32
      %dma_start3A_502 = tpu.memref_slice %arg11[%dma_start3A_501] : memref<100352xf32, #tpu.memory_space<vmem_shared>> -> memref<100352xf32, #tpu.memory_space<vmem_shared>>
      tpu.enqueue_indirect_dma source(%dma_start3A_497 : memref<128xf32, #tpu.memory_space<vmem>>) target(%dma_start3A_502 : memref<100352xf32, #tpu.memory_space<vmem_shared>>) offsets(%dma_start3A_500 : memref<128xi32, #tpu.memory_space<vmem>>) semaphore(%arg18 : memref<!tpu.dma_semaphore, #tpu.memory_space<semaphore_mem>>) {add = true}
      %dma_start3A_503 = arith.constant 7 : i32
      %dma_start3A_504 = arith.constant 7 : i32
      %dma_start3A_505 = arith.constant 0 : i32
      %dma_start3A_506 = tpu.memref_slice %arg15[%dma_start3A_503, %dma_start3A_505] : memref<8x128xf32, #tpu.memory_space<vmem>> -> memref<1x128xf32, #tpu.memory_space<vmem>>
      %dma_start3A_507 = tpu.memref_squeeze %dma_start3A_506 : memref<1x128xf32, #tpu.memory_space<vmem>> -> memref<128xf32, #tpu.memory_space<vmem>>
      %dma_start3A_508 = arith.constant 0 : i32
      %dma_start3A_509 = tpu.memref_slice %arg13[%dma_start3A_504, %dma_start3A_508] : memref<8x128xi32, #tpu.memory_space<vmem>> -> memref<1x128xi32, #tpu.memory_space<vmem>>
      %dma_start3A_510 = tpu.memref_squeeze %dma_start3A_509 : memref<1x128xi32, #tpu.memory_space<vmem>> -> memref<128xi32, #tpu.memory_space<vmem>>
      %dma_start3A_511 = arith.constant 0 : i32
      %dma_start3A_512 = tpu.memref_slice %arg11[%dma_start3A_511] : memref<100352xf32, #tpu.memory_space<vmem_shared>> -> memref<100352xf32, #tpu.memory_space<vmem_shared>>
      tpu.enqueue_indirect_dma source(%dma_start3A_507 : memref<128xf32, #tpu.memory_space<vmem>>) target(%dma_start3A_512 : memref<100352xf32, #tpu.memory_space<vmem_shared>>) offsets(%dma_start3A_510 : memref<128xi32, #tpu.memory_space<vmem>>) semaphore(%arg18 : memref<!tpu.dma_semaphore, #tpu.memory_space<semaphore_mem>>) {add = true}
      %dma_wait3A_513 = arith.constant 0 : i32
      %dma_wait3A_514 = arith.constant 0 : i32
      %dma_wait3A_515 = arith.constant 0 : i32
      %dma_wait3A_516 = tpu.memref_slice %arg14[%dma_wait3A_513, %dma_wait3A_515] : memref<8x128xf32, #tpu.memory_space<vmem>> -> memref<1x128xf32, #tpu.memory_space<vmem>>
      %dma_wait3A_517 = tpu.memref_squeeze %dma_wait3A_516 : memref<1x128xf32, #tpu.memory_space<vmem>> -> memref<128xf32, #tpu.memory_space<vmem>>
      %dma_wait3A_518 = arith.constant 0 : i32
      %dma_wait3A_519 = tpu.memref_slice %arg13[%dma_wait3A_514, %dma_wait3A_518] : memref<8x128xi32, #tpu.memory_space<vmem>> -> memref<1x128xi32, #tpu.memory_space<vmem>>
      %dma_wait3A_520 = tpu.memref_squeeze %dma_wait3A_519 : memref<1x128xi32, #tpu.memory_space<vmem>> -> memref<128xi32, #tpu.memory_space<vmem>>
      %dma_wait3A_521 = arith.constant 0 : i32
      %dma_wait3A_522 = tpu.memref_slice %arg10[%dma_wait3A_521] : memref<100352xf32, #tpu.memory_space<vmem_shared>> -> memref<100352xf32, #tpu.memory_space<vmem_shared>>
      tpu.wait_indirect_dma semaphore(%arg18 : memref<!tpu.dma_semaphore, #tpu.memory_space<semaphore_mem>>) src(%dma_wait3A_517 : memref<128xf32, #tpu.memory_space<vmem>>) dst(%dma_wait3A_522 : memref<100352xf32, #tpu.memory_space<vmem_shared>>)
      %dma_wait3A_523 = arith.constant 1 : i32
      %dma_wait3A_524 = arith.constant 1 : i32
      %dma_wait3A_525 = arith.constant 0 : i32
      %dma_wait3A_526 = tpu.memref_slice %arg14[%dma_wait3A_523, %dma_wait3A_525] : memref<8x128xf32, #tpu.memory_space<vmem>> -> memref<1x128xf32, #tpu.memory_space<vmem>>
      %dma_wait3A_527 = tpu.memref_squeeze %dma_wait3A_526 : memref<1x128xf32, #tpu.memory_space<vmem>> -> memref<128xf32, #tpu.memory_space<vmem>>
      %dma_wait3A_528 = arith.constant 0 : i32
      %dma_wait3A_529 = tpu.memref_slice %arg13[%dma_wait3A_524, %dma_wait3A_528] : memref<8x128xi32, #tpu.memory_space<vmem>> -> memref<1x128xi32, #tpu.memory_space<vmem>>
      %dma_wait3A_530 = tpu.memref_squeeze %dma_wait3A_529 : memref<1x128xi32, #tpu.memory_space<vmem>> -> memref<128xi32, #tpu.memory_space<vmem>>
      %dma_wait3A_531 = arith.constant 0 : i32
      %dma_wait3A_532 = tpu.memref_slice %arg10[%dma_wait3A_531] : memref<100352xf32, #tpu.memory_space<vmem_shared>> -> memref<100352xf32, #tpu.memory_space<vmem_shared>>
      tpu.wait_indirect_dma semaphore(%arg18 : memref<!tpu.dma_semaphore, #tpu.memory_space<semaphore_mem>>) src(%dma_wait3A_527 : memref<128xf32, #tpu.memory_space<vmem>>) dst(%dma_wait3A_532 : memref<100352xf32, #tpu.memory_space<vmem_shared>>)
      %dma_wait3A_533 = arith.constant 2 : i32
      %dma_wait3A_534 = arith.constant 2 : i32
      %dma_wait3A_535 = arith.constant 0 : i32
      %dma_wait3A_536 = tpu.memref_slice %arg14[%dma_wait3A_533, %dma_wait3A_535] : memref<8x128xf32, #tpu.memory_space<vmem>> -> memref<1x128xf32, #tpu.memory_space<vmem>>
      %dma_wait3A_537 = tpu.memref_squeeze %dma_wait3A_536 : memref<1x128xf32, #tpu.memory_space<vmem>> -> memref<128xf32, #tpu.memory_space<vmem>>
      %dma_wait3A_538 = arith.constant 0 : i32
      %dma_wait3A_539 = tpu.memref_slice %arg13[%dma_wait3A_534, %dma_wait3A_538] : memref<8x128xi32, #tpu.memory_space<vmem>> -> memref<1x128xi32, #tpu.memory_space<vmem>>
      %dma_wait3A_540 = tpu.memref_squeeze %dma_wait3A_539 : memref<1x128xi32, #tpu.memory_space<vmem>> -> memref<128xi32, #tpu.memory_space<vmem>>
      %dma_wait3A_541 = arith.constant 0 : i32
      %dma_wait3A_542 = tpu.memref_slice %arg10[%dma_wait3A_541] : memref<100352xf32, #tpu.memory_space<vmem_shared>> -> memref<100352xf32, #tpu.memory_space<vmem_shared>>
      tpu.wait_indirect_dma semaphore(%arg18 : memref<!tpu.dma_semaphore, #tpu.memory_space<semaphore_mem>>) src(%dma_wait3A_537 : memref<128xf32, #tpu.memory_space<vmem>>) dst(%dma_wait3A_542 : memref<100352xf32, #tpu.memory_space<vmem_shared>>)
      %dma_wait3A_543 = arith.constant 3 : i32
      %dma_wait3A_544 = arith.constant 3 : i32
      %dma_wait3A_545 = arith.constant 0 : i32
      %dma_wait3A_546 = tpu.memref_slice %arg14[%dma_wait3A_543, %dma_wait3A_545] : memref<8x128xf32, #tpu.memory_space<vmem>> -> memref<1x128xf32, #tpu.memory_space<vmem>>
      %dma_wait3A_547 = tpu.memref_squeeze %dma_wait3A_546 : memref<1x128xf32, #tpu.memory_space<vmem>> -> memref<128xf32, #tpu.memory_space<vmem>>
      %dma_wait3A_548 = arith.constant 0 : i32
      %dma_wait3A_549 = tpu.memref_slice %arg13[%dma_wait3A_544, %dma_wait3A_548] : memref<8x128xi32, #tpu.memory_space<vmem>> -> memref<1x128xi32, #tpu.memory_space<vmem>>
      %dma_wait3A_550 = tpu.memref_squeeze %dma_wait3A_549 : memref<1x128xi32, #tpu.memory_space<vmem>> -> memref<128xi32, #tpu.memory_space<vmem>>
      %dma_wait3A_551 = arith.constant 0 : i32
      %dma_wait3A_552 = tpu.memref_slice %arg10[%dma_wait3A_551] : memref<100352xf32, #tpu.memory_space<vmem_shared>> -> memref<100352xf32, #tpu.memory_space<vmem_shared>>
      tpu.wait_indirect_dma semaphore(%arg18 : memref<!tpu.dma_semaphore, #tpu.memory_space<semaphore_mem>>) src(%dma_wait3A_547 : memref<128xf32, #tpu.memory_space<vmem>>) dst(%dma_wait3A_552 : memref<100352xf32, #tpu.memory_space<vmem_shared>>)
      %dma_wait3A_553 = arith.constant 4 : i32
      %dma_wait3A_554 = arith.constant 4 : i32
      %dma_wait3A_555 = arith.constant 0 : i32
      %dma_wait3A_556 = tpu.memref_slice %arg14[%dma_wait3A_553, %dma_wait3A_555] : memref<8x128xf32, #tpu.memory_space<vmem>> -> memref<1x128xf32, #tpu.memory_space<vmem>>
      %dma_wait3A_557 = tpu.memref_squeeze %dma_wait3A_556 : memref<1x128xf32, #tpu.memory_space<vmem>> -> memref<128xf32, #tpu.memory_space<vmem>>
      %dma_wait3A_558 = arith.constant 0 : i32
      %dma_wait3A_559 = tpu.memref_slice %arg13[%dma_wait3A_554, %dma_wait3A_558] : memref<8x128xi32, #tpu.memory_space<vmem>> -> memref<1x128xi32, #tpu.memory_space<vmem>>
      %dma_wait3A_560 = tpu.memref_squeeze %dma_wait3A_559 : memref<1x128xi32, #tpu.memory_space<vmem>> -> memref<128xi32, #tpu.memory_space<vmem>>
      %dma_wait3A_561 = arith.constant 0 : i32
      %dma_wait3A_562 = tpu.memref_slice %arg10[%dma_wait3A_561] : memref<100352xf32, #tpu.memory_space<vmem_shared>> -> memref<100352xf32, #tpu.memory_space<vmem_shared>>
      tpu.wait_indirect_dma semaphore(%arg18 : memref<!tpu.dma_semaphore, #tpu.memory_space<semaphore_mem>>) src(%dma_wait3A_557 : memref<128xf32, #tpu.memory_space<vmem>>) dst(%dma_wait3A_562 : memref<100352xf32, #tpu.memory_space<vmem_shared>>)
      %dma_wait3A_563 = arith.constant 5 : i32
      %dma_wait3A_564 = arith.constant 5 : i32
      %dma_wait3A_565 = arith.constant 0 : i32
      %dma_wait3A_566 = tpu.memref_slice %arg14[%dma_wait3A_563, %dma_wait3A_565] : memref<8x128xf32, #tpu.memory_space<vmem>> -> memref<1x128xf32, #tpu.memory_space<vmem>>
      %dma_wait3A_567 = tpu.memref_squeeze %dma_wait3A_566 : memref<1x128xf32, #tpu.memory_space<vmem>> -> memref<128xf32, #tpu.memory_space<vmem>>
      %dma_wait3A_568 = arith.constant 0 : i32
      %dma_wait3A_569 = tpu.memref_slice %arg13[%dma_wait3A_564, %dma_wait3A_568] : memref<8x128xi32, #tpu.memory_space<vmem>> -> memref<1x128xi32, #tpu.memory_space<vmem>>
      %dma_wait3A_570 = tpu.memref_squeeze %dma_wait3A_569 : memref<1x128xi32, #tpu.memory_space<vmem>> -> memref<128xi32, #tpu.memory_space<vmem>>
      %dma_wait3A_571 = arith.constant 0 : i32
      %dma_wait3A_572 = tpu.memref_slice %arg10[%dma_wait3A_571] : memref<100352xf32, #tpu.memory_space<vmem_shared>> -> memref<100352xf32, #tpu.memory_space<vmem_shared>>
      tpu.wait_indirect_dma semaphore(%arg18 : memref<!tpu.dma_semaphore, #tpu.memory_space<semaphore_mem>>) src(%dma_wait3A_567 : memref<128xf32, #tpu.memory_space<vmem>>) dst(%dma_wait3A_572 : memref<100352xf32, #tpu.memory_space<vmem_shared>>)
      %dma_wait3A_573 = arith.constant 6 : i32
      %dma_wait3A_574 = arith.constant 6 : i32
      %dma_wait3A_575 = arith.constant 0 : i32
      %dma_wait3A_576 = tpu.memref_slice %arg14[%dma_wait3A_573, %dma_wait3A_575] : memref<8x128xf32, #tpu.memory_space<vmem>> -> memref<1x128xf32, #tpu.memory_space<vmem>>
      %dma_wait3A_577 = tpu.memref_squeeze %dma_wait3A_576 : memref<1x128xf32, #tpu.memory_space<vmem>> -> memref<128xf32, #tpu.memory_space<vmem>>
      %dma_wait3A_578 = arith.constant 0 : i32
      %dma_wait3A_579 = tpu.memref_slice %arg13[%dma_wait3A_574, %dma_wait3A_578] : memref<8x128xi32, #tpu.memory_space<vmem>> -> memref<1x128xi32, #tpu.memory_space<vmem>>
      %dma_wait3A_580 = tpu.memref_squeeze %dma_wait3A_579 : memref<1x128xi32, #tpu.memory_space<vmem>> -> memref<128xi32, #tpu.memory_space<vmem>>
      %dma_wait3A_581 = arith.constant 0 : i32
      %dma_wait3A_582 = tpu.memref_slice %arg10[%dma_wait3A_581] : memref<100352xf32, #tpu.memory_space<vmem_shared>> -> memref<100352xf32, #tpu.memory_space<vmem_shared>>
      tpu.wait_indirect_dma semaphore(%arg18 : memref<!tpu.dma_semaphore, #tpu.memory_space<semaphore_mem>>) src(%dma_wait3A_577 : memref<128xf32, #tpu.memory_space<vmem>>) dst(%dma_wait3A_582 : memref<100352xf32, #tpu.memory_space<vmem_shared>>)
      %dma_wait3A_583 = arith.constant 7 : i32
      %dma_wait3A_584 = arith.constant 7 : i32
      %dma_wait3A_585 = arith.constant 0 : i32
      %dma_wait3A_586 = tpu.memref_slice %arg14[%dma_wait3A_583, %dma_wait3A_585] : memref<8x128xf32, #tpu.memory_space<vmem>> -> memref<1x128xf32, #tpu.memory_space<vmem>>
      %dma_wait3A_587 = tpu.memref_squeeze %dma_wait3A_586 : memref<1x128xf32, #tpu.memory_space<vmem>> -> memref<128xf32, #tpu.memory_space<vmem>>
      %dma_wait3A_588 = arith.constant 0 : i32
      %dma_wait3A_589 = tpu.memref_slice %arg13[%dma_wait3A_584, %dma_wait3A_588] : memref<8x128xi32, #tpu.memory_space<vmem>> -> memref<1x128xi32, #tpu.memory_space<vmem>>
      %dma_wait3A_590 = tpu.memref_squeeze %dma_wait3A_589 : memref<1x128xi32, #tpu.memory_space<vmem>> -> memref<128xi32, #tpu.memory_space<vmem>>
      %dma_wait3A_591 = arith.constant 0 : i32
      %dma_wait3A_592 = tpu.memref_slice %arg10[%dma_wait3A_591] : memref<100352xf32, #tpu.memory_space<vmem_shared>> -> memref<100352xf32, #tpu.memory_space<vmem_shared>>
      tpu.wait_indirect_dma semaphore(%arg18 : memref<!tpu.dma_semaphore, #tpu.memory_space<semaphore_mem>>) src(%dma_wait3A_587 : memref<128xf32, #tpu.memory_space<vmem>>) dst(%dma_wait3A_592 : memref<100352xf32, #tpu.memory_space<vmem_shared>>)
      %dma_wait3A_593 = arith.constant 0 : i32
      %dma_wait3A_594 = arith.constant 0 : i32
      %dma_wait3A_595 = arith.constant 0 : i32
      %dma_wait3A_596 = tpu.memref_slice %arg15[%dma_wait3A_593, %dma_wait3A_595] : memref<8x128xf32, #tpu.memory_space<vmem>> -> memref<1x128xf32, #tpu.memory_space<vmem>>
      %dma_wait3A_597 = tpu.memref_squeeze %dma_wait3A_596 : memref<1x128xf32, #tpu.memory_space<vmem>> -> memref<128xf32, #tpu.memory_space<vmem>>
      %dma_wait3A_598 = arith.constant 0 : i32
      %dma_wait3A_599 = tpu.memref_slice %arg13[%dma_wait3A_594, %dma_wait3A_598] : memref<8x128xi32, #tpu.memory_space<vmem>> -> memref<1x128xi32, #tpu.memory_space<vmem>>
      %dma_wait3A_600 = tpu.memref_squeeze %dma_wait3A_599 : memref<1x128xi32, #tpu.memory_space<vmem>> -> memref<128xi32, #tpu.memory_space<vmem>>
      %dma_wait3A_601 = arith.constant 0 : i32
      %dma_wait3A_602 = tpu.memref_slice %arg11[%dma_wait3A_601] : memref<100352xf32, #tpu.memory_space<vmem_shared>> -> memref<100352xf32, #tpu.memory_space<vmem_shared>>
      tpu.wait_indirect_dma semaphore(%arg18 : memref<!tpu.dma_semaphore, #tpu.memory_space<semaphore_mem>>) src(%dma_wait3A_597 : memref<128xf32, #tpu.memory_space<vmem>>) dst(%dma_wait3A_602 : memref<100352xf32, #tpu.memory_space<vmem_shared>>)
      %dma_wait3A_603 = arith.constant 1 : i32
      %dma_wait3A_604 = arith.constant 1 : i32
      %dma_wait3A_605 = arith.constant 0 : i32
      %dma_wait3A_606 = tpu.memref_slice %arg15[%dma_wait3A_603, %dma_wait3A_605] : memref<8x128xf32, #tpu.memory_space<vmem>> -> memref<1x128xf32, #tpu.memory_space<vmem>>
      %dma_wait3A_607 = tpu.memref_squeeze %dma_wait3A_606 : memref<1x128xf32, #tpu.memory_space<vmem>> -> memref<128xf32, #tpu.memory_space<vmem>>
      %dma_wait3A_608 = arith.constant 0 : i32
      %dma_wait3A_609 = tpu.memref_slice %arg13[%dma_wait3A_604, %dma_wait3A_608] : memref<8x128xi32, #tpu.memory_space<vmem>> -> memref<1x128xi32, #tpu.memory_space<vmem>>
      %dma_wait3A_610 = tpu.memref_squeeze %dma_wait3A_609 : memref<1x128xi32, #tpu.memory_space<vmem>> -> memref<128xi32, #tpu.memory_space<vmem>>
      %dma_wait3A_611 = arith.constant 0 : i32
      %dma_wait3A_612 = tpu.memref_slice %arg11[%dma_wait3A_611] : memref<100352xf32, #tpu.memory_space<vmem_shared>> -> memref<100352xf32, #tpu.memory_space<vmem_shared>>
      tpu.wait_indirect_dma semaphore(%arg18 : memref<!tpu.dma_semaphore, #tpu.memory_space<semaphore_mem>>) src(%dma_wait3A_607 : memref<128xf32, #tpu.memory_space<vmem>>) dst(%dma_wait3A_612 : memref<100352xf32, #tpu.memory_space<vmem_shared>>)
      %dma_wait3A_613 = arith.constant 2 : i32
      %dma_wait3A_614 = arith.constant 2 : i32
      %dma_wait3A_615 = arith.constant 0 : i32
      %dma_wait3A_616 = tpu.memref_slice %arg15[%dma_wait3A_613, %dma_wait3A_615] : memref<8x128xf32, #tpu.memory_space<vmem>> -> memref<1x128xf32, #tpu.memory_space<vmem>>
      %dma_wait3A_617 = tpu.memref_squeeze %dma_wait3A_616 : memref<1x128xf32, #tpu.memory_space<vmem>> -> memref<128xf32, #tpu.memory_space<vmem>>
      %dma_wait3A_618 = arith.constant 0 : i32
      %dma_wait3A_619 = tpu.memref_slice %arg13[%dma_wait3A_614, %dma_wait3A_618] : memref<8x128xi32, #tpu.memory_space<vmem>> -> memref<1x128xi32, #tpu.memory_space<vmem>>
      %dma_wait3A_620 = tpu.memref_squeeze %dma_wait3A_619 : memref<1x128xi32, #tpu.memory_space<vmem>> -> memref<128xi32, #tpu.memory_space<vmem>>
      %dma_wait3A_621 = arith.constant 0 : i32
      %dma_wait3A_622 = tpu.memref_slice %arg11[%dma_wait3A_621] : memref<100352xf32, #tpu.memory_space<vmem_shared>> -> memref<100352xf32, #tpu.memory_space<vmem_shared>>
      tpu.wait_indirect_dma semaphore(%arg18 : memref<!tpu.dma_semaphore, #tpu.memory_space<semaphore_mem>>) src(%dma_wait3A_617 : memref<128xf32, #tpu.memory_space<vmem>>) dst(%dma_wait3A_622 : memref<100352xf32, #tpu.memory_space<vmem_shared>>)
      %dma_wait3A_623 = arith.constant 3 : i32
      %dma_wait3A_624 = arith.constant 3 : i32
      %dma_wait3A_625 = arith.constant 0 : i32
      %dma_wait3A_626 = tpu.memref_slice %arg15[%dma_wait3A_623, %dma_wait3A_625] : memref<8x128xf32, #tpu.memory_space<vmem>> -> memref<1x128xf32, #tpu.memory_space<vmem>>
      %dma_wait3A_627 = tpu.memref_squeeze %dma_wait3A_626 : memref<1x128xf32, #tpu.memory_space<vmem>> -> memref<128xf32, #tpu.memory_space<vmem>>
      %dma_wait3A_628 = arith.constant 0 : i32
      %dma_wait3A_629 = tpu.memref_slice %arg13[%dma_wait3A_624, %dma_wait3A_628] : memref<8x128xi32, #tpu.memory_space<vmem>> -> memref<1x128xi32, #tpu.memory_space<vmem>>
      %dma_wait3A_630 = tpu.memref_squeeze %dma_wait3A_629 : memref<1x128xi32, #tpu.memory_space<vmem>> -> memref<128xi32, #tpu.memory_space<vmem>>
      %dma_wait3A_631 = arith.constant 0 : i32
      %dma_wait3A_632 = tpu.memref_slice %arg11[%dma_wait3A_631] : memref<100352xf32, #tpu.memory_space<vmem_shared>> -> memref<100352xf32, #tpu.memory_space<vmem_shared>>
      tpu.wait_indirect_dma semaphore(%arg18 : memref<!tpu.dma_semaphore, #tpu.memory_space<semaphore_mem>>) src(%dma_wait3A_627 : memref<128xf32, #tpu.memory_space<vmem>>) dst(%dma_wait3A_632 : memref<100352xf32, #tpu.memory_space<vmem_shared>>)
      %dma_wait3A_633 = arith.constant 4 : i32
      %dma_wait3A_634 = arith.constant 4 : i32
      %dma_wait3A_635 = arith.constant 0 : i32
      %dma_wait3A_636 = tpu.memref_slice %arg15[%dma_wait3A_633, %dma_wait3A_635] : memref<8x128xf32, #tpu.memory_space<vmem>> -> memref<1x128xf32, #tpu.memory_space<vmem>>
      %dma_wait3A_637 = tpu.memref_squeeze %dma_wait3A_636 : memref<1x128xf32, #tpu.memory_space<vmem>> -> memref<128xf32, #tpu.memory_space<vmem>>
      %dma_wait3A_638 = arith.constant 0 : i32
      %dma_wait3A_639 = tpu.memref_slice %arg13[%dma_wait3A_634, %dma_wait3A_638] : memref<8x128xi32, #tpu.memory_space<vmem>> -> memref<1x128xi32, #tpu.memory_space<vmem>>
      %dma_wait3A_640 = tpu.memref_squeeze %dma_wait3A_639 : memref<1x128xi32, #tpu.memory_space<vmem>> -> memref<128xi32, #tpu.memory_space<vmem>>
      %dma_wait3A_641 = arith.constant 0 : i32
      %dma_wait3A_642 = tpu.memref_slice %arg11[%dma_wait3A_641] : memref<100352xf32, #tpu.memory_space<vmem_shared>> -> memref<100352xf32, #tpu.memory_space<vmem_shared>>
      tpu.wait_indirect_dma semaphore(%arg18 : memref<!tpu.dma_semaphore, #tpu.memory_space<semaphore_mem>>) src(%dma_wait3A_637 : memref<128xf32, #tpu.memory_space<vmem>>) dst(%dma_wait3A_642 : memref<100352xf32, #tpu.memory_space<vmem_shared>>)
      %dma_wait3A_643 = arith.constant 5 : i32
      %dma_wait3A_644 = arith.constant 5 : i32
      %dma_wait3A_645 = arith.constant 0 : i32
      %dma_wait3A_646 = tpu.memref_slice %arg15[%dma_wait3A_643, %dma_wait3A_645] : memref<8x128xf32, #tpu.memory_space<vmem>> -> memref<1x128xf32, #tpu.memory_space<vmem>>
      %dma_wait3A_647 = tpu.memref_squeeze %dma_wait3A_646 : memref<1x128xf32, #tpu.memory_space<vmem>> -> memref<128xf32, #tpu.memory_space<vmem>>
      %dma_wait3A_648 = arith.constant 0 : i32
      %dma_wait3A_649 = tpu.memref_slice %arg13[%dma_wait3A_644, %dma_wait3A_648] : memref<8x128xi32, #tpu.memory_space<vmem>> -> memref<1x128xi32, #tpu.memory_space<vmem>>
      %dma_wait3A_650 = tpu.memref_squeeze %dma_wait3A_649 : memref<1x128xi32, #tpu.memory_space<vmem>> -> memref<128xi32, #tpu.memory_space<vmem>>
      %dma_wait3A_651 = arith.constant 0 : i32
      %dma_wait3A_652 = tpu.memref_slice %arg11[%dma_wait3A_651] : memref<100352xf32, #tpu.memory_space<vmem_shared>> -> memref<100352xf32, #tpu.memory_space<vmem_shared>>
      tpu.wait_indirect_dma semaphore(%arg18 : memref<!tpu.dma_semaphore, #tpu.memory_space<semaphore_mem>>) src(%dma_wait3A_647 : memref<128xf32, #tpu.memory_space<vmem>>) dst(%dma_wait3A_652 : memref<100352xf32, #tpu.memory_space<vmem_shared>>)
      %dma_wait3A_653 = arith.constant 6 : i32
      %dma_wait3A_654 = arith.constant 6 : i32
      %dma_wait3A_655 = arith.constant 0 : i32
      %dma_wait3A_656 = tpu.memref_slice %arg15[%dma_wait3A_653, %dma_wait3A_655] : memref<8x128xf32, #tpu.memory_space<vmem>> -> memref<1x128xf32, #tpu.memory_space<vmem>>
      %dma_wait3A_657 = tpu.memref_squeeze %dma_wait3A_656 : memref<1x128xf32, #tpu.memory_space<vmem>> -> memref<128xf32, #tpu.memory_space<vmem>>
      %dma_wait3A_658 = arith.constant 0 : i32
      %dma_wait3A_659 = tpu.memref_slice %arg13[%dma_wait3A_654, %dma_wait3A_658] : memref<8x128xi32, #tpu.memory_space<vmem>> -> memref<1x128xi32, #tpu.memory_space<vmem>>
      %dma_wait3A_660 = tpu.memref_squeeze %dma_wait3A_659 : memref<1x128xi32, #tpu.memory_space<vmem>> -> memref<128xi32, #tpu.memory_space<vmem>>
      %dma_wait3A_661 = arith.constant 0 : i32
      %dma_wait3A_662 = tpu.memref_slice %arg11[%dma_wait3A_661] : memref<100352xf32, #tpu.memory_space<vmem_shared>> -> memref<100352xf32, #tpu.memory_space<vmem_shared>>
      tpu.wait_indirect_dma semaphore(%arg18 : memref<!tpu.dma_semaphore, #tpu.memory_space<semaphore_mem>>) src(%dma_wait3A_657 : memref<128xf32, #tpu.memory_space<vmem>>) dst(%dma_wait3A_662 : memref<100352xf32, #tpu.memory_space<vmem_shared>>)
      %dma_wait3A_663 = arith.constant 7 : i32
      %dma_wait3A_664 = arith.constant 7 : i32
      %dma_wait3A_665 = arith.constant 0 : i32
      %dma_wait3A_666 = tpu.memref_slice %arg15[%dma_wait3A_663, %dma_wait3A_665] : memref<8x128xf32, #tpu.memory_space<vmem>> -> memref<1x128xf32, #tpu.memory_space<vmem>>
      %dma_wait3A_667 = tpu.memref_squeeze %dma_wait3A_666 : memref<1x128xf32, #tpu.memory_space<vmem>> -> memref<128xf32, #tpu.memory_space<vmem>>
      %dma_wait3A_668 = arith.constant 0 : i32
      %dma_wait3A_669 = tpu.memref_slice %arg13[%dma_wait3A_664, %dma_wait3A_668] : memref<8x128xi32, #tpu.memory_space<vmem>> -> memref<1x128xi32, #tpu.memory_space<vmem>>
      %dma_wait3A_670 = tpu.memref_squeeze %dma_wait3A_669 : memref<1x128xi32, #tpu.memory_space<vmem>> -> memref<128xi32, #tpu.memory_space<vmem>>
      %dma_wait3A_671 = arith.constant 0 : i32
      %dma_wait3A_672 = tpu.memref_slice %arg11[%dma_wait3A_671] : memref<100352xf32, #tpu.memory_space<vmem_shared>> -> memref<100352xf32, #tpu.memory_space<vmem_shared>>
      tpu.wait_indirect_dma semaphore(%arg18 : memref<!tpu.dma_semaphore, #tpu.memory_space<semaphore_mem>>) src(%dma_wait3A_667 : memref<128xf32, #tpu.memory_space<vmem>>) dst(%dma_wait3A_672 : memref<100352xf32, #tpu.memory_space<vmem_shared>>)
    }
    %while3A_30 = arith.constant 1 : i32
    scf.for %while3A_32 = %while3A_28 to %while3A_24 step %while3A_30  : i32 {
      %add3A_33 = arith.addi %add3A_17, %while3A_32 : i32
      "tpu.region"() ({
        %run_scoped3A = tpu.sem_alloc : memref<!tpu.dma_semaphore, #tpu.memory_space<semaphore_mem>>
        %dma_start3A_673 = arith.constant 0 : i32
        %dma_start3A_674 = arith.constant 0 : i32
        %dma_start3A_675 = tpu.memref_slice %arg2[%add3A_33, %dma_start3A_673, %dma_start3A_674] : memref<6250x8x128xi32, #tpu.memory_space<hbm>> -> memref<1x8x128xi32, #tpu.memory_space<hbm>>
        %dma_start3A_676 = tpu.memref_squeeze %dma_start3A_675 : memref<1x8x128xi32, #tpu.memory_space<hbm>> -> memref<8x128xi32, #tpu.memory_space<hbm>>
        %dma_start3A_677 = arith.constant 0 : i32
        %dma_start3A_678 = arith.constant 0 : i32
        %dma_start3A_679 = tpu.memref_slice %arg2[%add3A_33, %dma_start3A_677, %dma_start3A_678] : memref<6250x8x128xi32, #tpu.memory_space<hbm>> -> memref<1x8x128xi32, #tpu.memory_space<hbm>>
        %dma_start3A_680 = tpu.memref_squeeze %dma_start3A_679 : memref<1x8x128xi32, #tpu.memory_space<hbm>> -> memref<8x128xi32, #tpu.memory_space<hbm>>
        tpu.enqueue_dma source(%dma_start3A_680 : memref<8x128xi32, #tpu.memory_space<hbm>>) target(%arg12 : memref<8x128xi32, #tpu.memory_space<vmem>>) target_semaphore(%run_scoped3A : memref<!tpu.dma_semaphore, #tpu.memory_space<semaphore_mem>>)
        %dma_wait3A_681 = arith.constant 0 : i32
        %dma_wait3A_682 = arith.constant 0 : i32
        %dma_wait3A_683 = tpu.memref_slice %arg2[%add3A_33, %dma_wait3A_681, %dma_wait3A_682] : memref<6250x8x128xi32, #tpu.memory_space<hbm>> -> memref<1x8x128xi32, #tpu.memory_space<hbm>>
        %dma_wait3A_684 = tpu.memref_squeeze %dma_wait3A_683 : memref<1x8x128xi32, #tpu.memory_space<hbm>> -> memref<8x128xi32, #tpu.memory_space<hbm>>
        %dma_wait3A_685 = arith.constant 0 : i32
        %dma_wait3A_686 = arith.constant 0 : i32
        %dma_wait3A_687 = tpu.memref_slice %arg2[%add3A_33, %dma_wait3A_685, %dma_wait3A_686] : memref<6250x8x128xi32, #tpu.memory_space<hbm>> -> memref<1x8x128xi32, #tpu.memory_space<hbm>>
        %dma_wait3A_688 = tpu.memref_squeeze %dma_wait3A_687 : memref<1x8x128xi32, #tpu.memory_space<hbm>> -> memref<8x128xi32, #tpu.memory_space<hbm>>
        tpu.wait_dma2 semaphore(%run_scoped3A : memref<!tpu.dma_semaphore, #tpu.memory_space<semaphore_mem>>) src(%dma_wait3A_688 : memref<8x128xi32, #tpu.memory_space<hbm>>) dst(%arg12 : memref<8x128xi32, #tpu.memory_space<vmem>>)
        tpu.yield
      }) : () -> ()
      %add3A_34 = arith.addi %add3A_17, %while3A_32 : i32
      "tpu.region"() ({
        %run_scoped3A = tpu.sem_alloc : memref<!tpu.dma_semaphore, #tpu.memory_space<semaphore_mem>>
        %dma_start3A_673 = arith.constant 0 : i32
        %dma_start3A_674 = arith.constant 0 : i32
        %dma_start3A_675 = tpu.memref_slice %arg3[%add3A_34, %dma_start3A_673, %dma_start3A_674] : memref<6250x8x128xi32, #tpu.memory_space<hbm>> -> memref<1x8x128xi32, #tpu.memory_space<hbm>>
        %dma_start3A_676 = tpu.memref_squeeze %dma_start3A_675 : memref<1x8x128xi32, #tpu.memory_space<hbm>> -> memref<8x128xi32, #tpu.memory_space<hbm>>
        %dma_start3A_677 = arith.constant 0 : i32
        %dma_start3A_678 = arith.constant 0 : i32
        %dma_start3A_679 = tpu.memref_slice %arg3[%add3A_34, %dma_start3A_677, %dma_start3A_678] : memref<6250x8x128xi32, #tpu.memory_space<hbm>> -> memref<1x8x128xi32, #tpu.memory_space<hbm>>
        %dma_start3A_680 = tpu.memref_squeeze %dma_start3A_679 : memref<1x8x128xi32, #tpu.memory_space<hbm>> -> memref<8x128xi32, #tpu.memory_space<hbm>>
        tpu.enqueue_dma source(%dma_start3A_680 : memref<8x128xi32, #tpu.memory_space<hbm>>) target(%arg13 : memref<8x128xi32, #tpu.memory_space<vmem>>) target_semaphore(%run_scoped3A : memref<!tpu.dma_semaphore, #tpu.memory_space<semaphore_mem>>)
        %dma_wait3A_681 = arith.constant 0 : i32
        %dma_wait3A_682 = arith.constant 0 : i32
        %dma_wait3A_683 = tpu.memref_slice %arg3[%add3A_34, %dma_wait3A_681, %dma_wait3A_682] : memref<6250x8x128xi32, #tpu.memory_space<hbm>> -> memref<1x8x128xi32, #tpu.memory_space<hbm>>
        %dma_wait3A_684 = tpu.memref_squeeze %dma_wait3A_683 : memref<1x8x128xi32, #tpu.memory_space<hbm>> -> memref<8x128xi32, #tpu.memory_space<hbm>>
        %dma_wait3A_685 = arith.constant 0 : i32
        %dma_wait3A_686 = arith.constant 0 : i32
        %dma_wait3A_687 = tpu.memref_slice %arg3[%add3A_34, %dma_wait3A_685, %dma_wait3A_686] : memref<6250x8x128xi32, #tpu.memory_space<hbm>> -> memref<1x8x128xi32, #tpu.memory_space<hbm>>
        %dma_wait3A_688 = tpu.memref_squeeze %dma_wait3A_687 : memref<1x8x128xi32, #tpu.memory_space<hbm>> -> memref<8x128xi32, #tpu.memory_space<hbm>>
        tpu.wait_dma2 semaphore(%run_scoped3A : memref<!tpu.dma_semaphore, #tpu.memory_space<semaphore_mem>>) src(%dma_wait3A_688 : memref<8x128xi32, #tpu.memory_space<hbm>>) dst(%arg13 : memref<8x128xi32, #tpu.memory_space<vmem>>)
        tpu.yield
      }) : () -> ()
      %dma_start3A = arith.constant 0 : i32
      %dma_start3A_35 = arith.constant 0 : i32
      %dma_start3A_36 = arith.constant 0 : i32
      %dma_start3A_37 = tpu.memref_slice %arg14[%dma_start3A_35, %dma_start3A_36] : memref<8x128xf32, #tpu.memory_space<vmem>> -> memref<1x128xf32, #tpu.memory_space<vmem>>
      %dma_start3A_38 = tpu.memref_squeeze %dma_start3A_37 : memref<1x128xf32, #tpu.memory_space<vmem>> -> memref<128xf32, #tpu.memory_space<vmem>>
      %dma_start3A_39 = arith.constant 0 : i32
      %dma_start3A_40 = tpu.memref_slice %arg12[%dma_start3A, %dma_start3A_39] : memref<8x128xi32, #tpu.memory_space<vmem>> -> memref<1x128xi32, #tpu.memory_space<vmem>>
      %dma_start3A_41 = tpu.memref_squeeze %dma_start3A_40 : memref<1x128xi32, #tpu.memory_space<vmem>> -> memref<128xi32, #tpu.memory_space<vmem>>
      %dma_start3A_42 = arith.constant 0 : i32
      %dma_start3A_43 = tpu.memref_slice %arg8[%dma_start3A_42] : memref<100352xf32, #tpu.memory_space<vmem_shared>> -> memref<100352xf32, #tpu.memory_space<vmem_shared>>
      tpu.enqueue_indirect_dma source(%dma_start3A_43 : memref<100352xf32, #tpu.memory_space<vmem_shared>>) target(%dma_start3A_38 : memref<128xf32, #tpu.memory_space<vmem>>) offsets(%dma_start3A_41 : memref<128xi32, #tpu.memory_space<vmem>>) semaphore(%arg17 : memref<!tpu.dma_semaphore, #tpu.memory_space<semaphore_mem>>)
      %dma_start3A_44 = arith.constant 1 : i32
      %dma_start3A_45 = arith.constant 1 : i32
      %dma_start3A_46 = arith.constant 0 : i32
      %dma_start3A_47 = tpu.memref_slice %arg14[%dma_start3A_45, %dma_start3A_46] : memref<8x128xf32, #tpu.memory_space<vmem>> -> memref<1x128xf32, #tpu.memory_space<vmem>>
      %dma_start3A_48 = tpu.memref_squeeze %dma_start3A_47 : memref<1x128xf32, #tpu.memory_space<vmem>> -> memref<128xf32, #tpu.memory_space<vmem>>
      %dma_start3A_49 = arith.constant 0 : i32
      %dma_start3A_50 = tpu.memref_slice %arg12[%dma_start3A_44, %dma_start3A_49] : memref<8x128xi32, #tpu.memory_space<vmem>> -> memref<1x128xi32, #tpu.memory_space<vmem>>
      %dma_start3A_51 = tpu.memref_squeeze %dma_start3A_50 : memref<1x128xi32, #tpu.memory_space<vmem>> -> memref<128xi32, #tpu.memory_space<vmem>>
      %dma_start3A_52 = arith.constant 0 : i32
      %dma_start3A_53 = tpu.memref_slice %arg8[%dma_start3A_52] : memref<100352xf32, #tpu.memory_space<vmem_shared>> -> memref<100352xf32, #tpu.memory_space<vmem_shared>>
      tpu.enqueue_indirect_dma source(%dma_start3A_53 : memref<100352xf32, #tpu.memory_space<vmem_shared>>) target(%dma_start3A_48 : memref<128xf32, #tpu.memory_space<vmem>>) offsets(%dma_start3A_51 : memref<128xi32, #tpu.memory_space<vmem>>) semaphore(%arg17 : memref<!tpu.dma_semaphore, #tpu.memory_space<semaphore_mem>>)
      %dma_start3A_54 = arith.constant 2 : i32
      %dma_start3A_55 = arith.constant 2 : i32
      %dma_start3A_56 = arith.constant 0 : i32
      %dma_start3A_57 = tpu.memref_slice %arg14[%dma_start3A_55, %dma_start3A_56] : memref<8x128xf32, #tpu.memory_space<vmem>> -> memref<1x128xf32, #tpu.memory_space<vmem>>
      %dma_start3A_58 = tpu.memref_squeeze %dma_start3A_57 : memref<1x128xf32, #tpu.memory_space<vmem>> -> memref<128xf32, #tpu.memory_space<vmem>>
      %dma_start3A_59 = arith.constant 0 : i32
      %dma_start3A_60 = tpu.memref_slice %arg12[%dma_start3A_54, %dma_start3A_59] : memref<8x128xi32, #tpu.memory_space<vmem>> -> memref<1x128xi32, #tpu.memory_space<vmem>>
      %dma_start3A_61 = tpu.memref_squeeze %dma_start3A_60 : memref<1x128xi32, #tpu.memory_space<vmem>> -> memref<128xi32, #tpu.memory_space<vmem>>
      %dma_start3A_62 = arith.constant 0 : i32
      %dma_start3A_63 = tpu.memref_slice %arg8[%dma_start3A_62] : memref<100352xf32, #tpu.memory_space<vmem_shared>> -> memref<100352xf32, #tpu.memory_space<vmem_shared>>
      tpu.enqueue_indirect_dma source(%dma_start3A_63 : memref<100352xf32, #tpu.memory_space<vmem_shared>>) target(%dma_start3A_58 : memref<128xf32, #tpu.memory_space<vmem>>) offsets(%dma_start3A_61 : memref<128xi32, #tpu.memory_space<vmem>>) semaphore(%arg17 : memref<!tpu.dma_semaphore, #tpu.memory_space<semaphore_mem>>)
      %dma_start3A_64 = arith.constant 3 : i32
      %dma_start3A_65 = arith.constant 3 : i32
      %dma_start3A_66 = arith.constant 0 : i32
      %dma_start3A_67 = tpu.memref_slice %arg14[%dma_start3A_65, %dma_start3A_66] : memref<8x128xf32, #tpu.memory_space<vmem>> -> memref<1x128xf32, #tpu.memory_space<vmem>>
      %dma_start3A_68 = tpu.memref_squeeze %dma_start3A_67 : memref<1x128xf32, #tpu.memory_space<vmem>> -> memref<128xf32, #tpu.memory_space<vmem>>
      %dma_start3A_69 = arith.constant 0 : i32
      %dma_start3A_70 = tpu.memref_slice %arg12[%dma_start3A_64, %dma_start3A_69] : memref<8x128xi32, #tpu.memory_space<vmem>> -> memref<1x128xi32, #tpu.memory_space<vmem>>
      %dma_start3A_71 = tpu.memref_squeeze %dma_start3A_70 : memref<1x128xi32, #tpu.memory_space<vmem>> -> memref<128xi32, #tpu.memory_space<vmem>>
      %dma_start3A_72 = arith.constant 0 : i32
      %dma_start3A_73 = tpu.memref_slice %arg8[%dma_start3A_72] : memref<100352xf32, #tpu.memory_space<vmem_shared>> -> memref<100352xf32, #tpu.memory_space<vmem_shared>>
      tpu.enqueue_indirect_dma source(%dma_start3A_73 : memref<100352xf32, #tpu.memory_space<vmem_shared>>) target(%dma_start3A_68 : memref<128xf32, #tpu.memory_space<vmem>>) offsets(%dma_start3A_71 : memref<128xi32, #tpu.memory_space<vmem>>) semaphore(%arg17 : memref<!tpu.dma_semaphore, #tpu.memory_space<semaphore_mem>>)
      %dma_start3A_74 = arith.constant 4 : i32
      %dma_start3A_75 = arith.constant 4 : i32
      %dma_start3A_76 = arith.constant 0 : i32
      %dma_start3A_77 = tpu.memref_slice %arg14[%dma_start3A_75, %dma_start3A_76] : memref<8x128xf32, #tpu.memory_space<vmem>> -> memref<1x128xf32, #tpu.memory_space<vmem>>
      %dma_start3A_78 = tpu.memref_squeeze %dma_start3A_77 : memref<1x128xf32, #tpu.memory_space<vmem>> -> memref<128xf32, #tpu.memory_space<vmem>>
      %dma_start3A_79 = arith.constant 0 : i32
      %dma_start3A_80 = tpu.memref_slice %arg12[%dma_start3A_74, %dma_start3A_79] : memref<8x128xi32, #tpu.memory_space<vmem>> -> memref<1x128xi32, #tpu.memory_space<vmem>>
      %dma_start3A_81 = tpu.memref_squeeze %dma_start3A_80 : memref<1x128xi32, #tpu.memory_space<vmem>> -> memref<128xi32, #tpu.memory_space<vmem>>
      %dma_start3A_82 = arith.constant 0 : i32
      %dma_start3A_83 = tpu.memref_slice %arg8[%dma_start3A_82] : memref<100352xf32, #tpu.memory_space<vmem_shared>> -> memref<100352xf32, #tpu.memory_space<vmem_shared>>
      tpu.enqueue_indirect_dma source(%dma_start3A_83 : memref<100352xf32, #tpu.memory_space<vmem_shared>>) target(%dma_start3A_78 : memref<128xf32, #tpu.memory_space<vmem>>) offsets(%dma_start3A_81 : memref<128xi32, #tpu.memory_space<vmem>>) semaphore(%arg17 : memref<!tpu.dma_semaphore, #tpu.memory_space<semaphore_mem>>)
      %dma_start3A_84 = arith.constant 5 : i32
      %dma_start3A_85 = arith.constant 5 : i32
      %dma_start3A_86 = arith.constant 0 : i32
      %dma_start3A_87 = tpu.memref_slice %arg14[%dma_start3A_85, %dma_start3A_86] : memref<8x128xf32, #tpu.memory_space<vmem>> -> memref<1x128xf32, #tpu.memory_space<vmem>>
      %dma_start3A_88 = tpu.memref_squeeze %dma_start3A_87 : memref<1x128xf32, #tpu.memory_space<vmem>> -> memref<128xf32, #tpu.memory_space<vmem>>
      %dma_start3A_89 = arith.constant 0 : i32
      %dma_start3A_90 = tpu.memref_slice %arg12[%dma_start3A_84, %dma_start3A_89] : memref<8x128xi32, #tpu.memory_space<vmem>> -> memref<1x128xi32, #tpu.memory_space<vmem>>
      %dma_start3A_91 = tpu.memref_squeeze %dma_start3A_90 : memref<1x128xi32, #tpu.memory_space<vmem>> -> memref<128xi32, #tpu.memory_space<vmem>>
      %dma_start3A_92 = arith.constant 0 : i32
      %dma_start3A_93 = tpu.memref_slice %arg8[%dma_start3A_92] : memref<100352xf32, #tpu.memory_space<vmem_shared>> -> memref<100352xf32, #tpu.memory_space<vmem_shared>>
      tpu.enqueue_indirect_dma source(%dma_start3A_93 : memref<100352xf32, #tpu.memory_space<vmem_shared>>) target(%dma_start3A_88 : memref<128xf32, #tpu.memory_space<vmem>>) offsets(%dma_start3A_91 : memref<128xi32, #tpu.memory_space<vmem>>) semaphore(%arg17 : memref<!tpu.dma_semaphore, #tpu.memory_space<semaphore_mem>>)
      %dma_start3A_94 = arith.constant 6 : i32
      %dma_start3A_95 = arith.constant 6 : i32
      %dma_start3A_96 = arith.constant 0 : i32
      %dma_start3A_97 = tpu.memref_slice %arg14[%dma_start3A_95, %dma_start3A_96] : memref<8x128xf32, #tpu.memory_space<vmem>> -> memref<1x128xf32, #tpu.memory_space<vmem>>
      %dma_start3A_98 = tpu.memref_squeeze %dma_start3A_97 : memref<1x128xf32, #tpu.memory_space<vmem>> -> memref<128xf32, #tpu.memory_space<vmem>>
      %dma_start3A_99 = arith.constant 0 : i32
      %dma_start3A_100 = tpu.memref_slice %arg12[%dma_start3A_94, %dma_start3A_99] : memref<8x128xi32, #tpu.memory_space<vmem>> -> memref<1x128xi32, #tpu.memory_space<vmem>>
      %dma_start3A_101 = tpu.memref_squeeze %dma_start3A_100 : memref<1x128xi32, #tpu.memory_space<vmem>> -> memref<128xi32, #tpu.memory_space<vmem>>
      %dma_start3A_102 = arith.constant 0 : i32
      %dma_start3A_103 = tpu.memref_slice %arg8[%dma_start3A_102] : memref<100352xf32, #tpu.memory_space<vmem_shared>> -> memref<100352xf32, #tpu.memory_space<vmem_shared>>
      tpu.enqueue_indirect_dma source(%dma_start3A_103 : memref<100352xf32, #tpu.memory_space<vmem_shared>>) target(%dma_start3A_98 : memref<128xf32, #tpu.memory_space<vmem>>) offsets(%dma_start3A_101 : memref<128xi32, #tpu.memory_space<vmem>>) semaphore(%arg17 : memref<!tpu.dma_semaphore, #tpu.memory_space<semaphore_mem>>)
      %dma_start3A_104 = arith.constant 7 : i32
      %dma_start3A_105 = arith.constant 7 : i32
      %dma_start3A_106 = arith.constant 0 : i32
      %dma_start3A_107 = tpu.memref_slice %arg14[%dma_start3A_105, %dma_start3A_106] : memref<8x128xf32, #tpu.memory_space<vmem>> -> memref<1x128xf32, #tpu.memory_space<vmem>>
      %dma_start3A_108 = tpu.memref_squeeze %dma_start3A_107 : memref<1x128xf32, #tpu.memory_space<vmem>> -> memref<128xf32, #tpu.memory_space<vmem>>
      %dma_start3A_109 = arith.constant 0 : i32
      %dma_start3A_110 = tpu.memref_slice %arg12[%dma_start3A_104, %dma_start3A_109] : memref<8x128xi32, #tpu.memory_space<vmem>> -> memref<1x128xi32, #tpu.memory_space<vmem>>
      %dma_start3A_111 = tpu.memref_squeeze %dma_start3A_110 : memref<1x128xi32, #tpu.memory_space<vmem>> -> memref<128xi32, #tpu.memory_space<vmem>>
      %dma_start3A_112 = arith.constant 0 : i32
      %dma_start3A_113 = tpu.memref_slice %arg8[%dma_start3A_112] : memref<100352xf32, #tpu.memory_space<vmem_shared>> -> memref<100352xf32, #tpu.memory_space<vmem_shared>>
      tpu.enqueue_indirect_dma source(%dma_start3A_113 : memref<100352xf32, #tpu.memory_space<vmem_shared>>) target(%dma_start3A_108 : memref<128xf32, #tpu.memory_space<vmem>>) offsets(%dma_start3A_111 : memref<128xi32, #tpu.memory_space<vmem>>) semaphore(%arg17 : memref<!tpu.dma_semaphore, #tpu.memory_space<semaphore_mem>>)
      %dma_start3A_114 = arith.constant 0 : i32
      %dma_start3A_115 = arith.constant 0 : i32
      %dma_start3A_116 = arith.constant 0 : i32
      %dma_start3A_117 = tpu.memref_slice %arg15[%dma_start3A_115, %dma_start3A_116] : memref<8x128xf32, #tpu.memory_space<vmem>> -> memref<1x128xf32, #tpu.memory_space<vmem>>
      %dma_start3A_118 = tpu.memref_squeeze %dma_start3A_117 : memref<1x128xf32, #tpu.memory_space<vmem>> -> memref<128xf32, #tpu.memory_space<vmem>>
      %dma_start3A_119 = arith.constant 0 : i32
      %dma_start3A_120 = tpu.memref_slice %arg12[%dma_start3A_114, %dma_start3A_119] : memref<8x128xi32, #tpu.memory_space<vmem>> -> memref<1x128xi32, #tpu.memory_space<vmem>>
      %dma_start3A_121 = tpu.memref_squeeze %dma_start3A_120 : memref<1x128xi32, #tpu.memory_space<vmem>> -> memref<128xi32, #tpu.memory_space<vmem>>
      %dma_start3A_122 = arith.constant 0 : i32
      %dma_start3A_123 = tpu.memref_slice %arg9[%dma_start3A_122] : memref<100352xf32, #tpu.memory_space<vmem_shared>> -> memref<100352xf32, #tpu.memory_space<vmem_shared>>
      tpu.enqueue_indirect_dma source(%dma_start3A_123 : memref<100352xf32, #tpu.memory_space<vmem_shared>>) target(%dma_start3A_118 : memref<128xf32, #tpu.memory_space<vmem>>) offsets(%dma_start3A_121 : memref<128xi32, #tpu.memory_space<vmem>>) semaphore(%arg17 : memref<!tpu.dma_semaphore, #tpu.memory_space<semaphore_mem>>)
      %dma_start3A_124 = arith.constant 1 : i32
      %dma_start3A_125 = arith.constant 1 : i32
      %dma_start3A_126 = arith.constant 0 : i32
      %dma_start3A_127 = tpu.memref_slice %arg15[%dma_start3A_125, %dma_start3A_126] : memref<8x128xf32, #tpu.memory_space<vmem>> -> memref<1x128xf32, #tpu.memory_space<vmem>>
      %dma_start3A_128 = tpu.memref_squeeze %dma_start3A_127 : memref<1x128xf32, #tpu.memory_space<vmem>> -> memref<128xf32, #tpu.memory_space<vmem>>
      %dma_start3A_129 = arith.constant 0 : i32
      %dma_start3A_130 = tpu.memref_slice %arg12[%dma_start3A_124, %dma_start3A_129] : memref<8x128xi32, #tpu.memory_space<vmem>> -> memref<1x128xi32, #tpu.memory_space<vmem>>
      %dma_start3A_131 = tpu.memref_squeeze %dma_start3A_130 : memref<1x128xi32, #tpu.memory_space<vmem>> -> memref<128xi32, #tpu.memory_space<vmem>>
      %dma_start3A_132 = arith.constant 0 : i32
      %dma_start3A_133 = tpu.memref_slice %arg9[%dma_start3A_132] : memref<100352xf32, #tpu.memory_space<vmem_shared>> -> memref<100352xf32, #tpu.memory_space<vmem_shared>>
      tpu.enqueue_indirect_dma source(%dma_start3A_133 : memref<100352xf32, #tpu.memory_space<vmem_shared>>) target(%dma_start3A_128 : memref<128xf32, #tpu.memory_space<vmem>>) offsets(%dma_start3A_131 : memref<128xi32, #tpu.memory_space<vmem>>) semaphore(%arg17 : memref<!tpu.dma_semaphore, #tpu.memory_space<semaphore_mem>>)
      %dma_start3A_134 = arith.constant 2 : i32
      %dma_start3A_135 = arith.constant 2 : i32
      %dma_start3A_136 = arith.constant 0 : i32
      %dma_start3A_137 = tpu.memref_slice %arg15[%dma_start3A_135, %dma_start3A_136] : memref<8x128xf32, #tpu.memory_space<vmem>> -> memref<1x128xf32, #tpu.memory_space<vmem>>
      %dma_start3A_138 = tpu.memref_squeeze %dma_start3A_137 : memref<1x128xf32, #tpu.memory_space<vmem>> -> memref<128xf32, #tpu.memory_space<vmem>>
      %dma_start3A_139 = arith.constant 0 : i32
      %dma_start3A_140 = tpu.memref_slice %arg12[%dma_start3A_134, %dma_start3A_139] : memref<8x128xi32, #tpu.memory_space<vmem>> -> memref<1x128xi32, #tpu.memory_space<vmem>>
      %dma_start3A_141 = tpu.memref_squeeze %dma_start3A_140 : memref<1x128xi32, #tpu.memory_space<vmem>> -> memref<128xi32, #tpu.memory_space<vmem>>
      %dma_start3A_142 = arith.constant 0 : i32
      %dma_start3A_143 = tpu.memref_slice %arg9[%dma_start3A_142] : memref<100352xf32, #tpu.memory_space<vmem_shared>> -> memref<100352xf32, #tpu.memory_space<vmem_shared>>
      tpu.enqueue_indirect_dma source(%dma_start3A_143 : memref<100352xf32, #tpu.memory_space<vmem_shared>>) target(%dma_start3A_138 : memref<128xf32, #tpu.memory_space<vmem>>) offsets(%dma_start3A_141 : memref<128xi32, #tpu.memory_space<vmem>>) semaphore(%arg17 : memref<!tpu.dma_semaphore, #tpu.memory_space<semaphore_mem>>)
      %dma_start3A_144 = arith.constant 3 : i32
      %dma_start3A_145 = arith.constant 3 : i32
      %dma_start3A_146 = arith.constant 0 : i32
      %dma_start3A_147 = tpu.memref_slice %arg15[%dma_start3A_145, %dma_start3A_146] : memref<8x128xf32, #tpu.memory_space<vmem>> -> memref<1x128xf32, #tpu.memory_space<vmem>>
      %dma_start3A_148 = tpu.memref_squeeze %dma_start3A_147 : memref<1x128xf32, #tpu.memory_space<vmem>> -> memref<128xf32, #tpu.memory_space<vmem>>
      %dma_start3A_149 = arith.constant 0 : i32
      %dma_start3A_150 = tpu.memref_slice %arg12[%dma_start3A_144, %dma_start3A_149] : memref<8x128xi32, #tpu.memory_space<vmem>> -> memref<1x128xi32, #tpu.memory_space<vmem>>
      %dma_start3A_151 = tpu.memref_squeeze %dma_start3A_150 : memref<1x128xi32, #tpu.memory_space<vmem>> -> memref<128xi32, #tpu.memory_space<vmem>>
      %dma_start3A_152 = arith.constant 0 : i32
      %dma_start3A_153 = tpu.memref_slice %arg9[%dma_start3A_152] : memref<100352xf32, #tpu.memory_space<vmem_shared>> -> memref<100352xf32, #tpu.memory_space<vmem_shared>>
      tpu.enqueue_indirect_dma source(%dma_start3A_153 : memref<100352xf32, #tpu.memory_space<vmem_shared>>) target(%dma_start3A_148 : memref<128xf32, #tpu.memory_space<vmem>>) offsets(%dma_start3A_151 : memref<128xi32, #tpu.memory_space<vmem>>) semaphore(%arg17 : memref<!tpu.dma_semaphore, #tpu.memory_space<semaphore_mem>>)
      %dma_start3A_154 = arith.constant 4 : i32
      %dma_start3A_155 = arith.constant 4 : i32
      %dma_start3A_156 = arith.constant 0 : i32
      %dma_start3A_157 = tpu.memref_slice %arg15[%dma_start3A_155, %dma_start3A_156] : memref<8x128xf32, #tpu.memory_space<vmem>> -> memref<1x128xf32, #tpu.memory_space<vmem>>
      %dma_start3A_158 = tpu.memref_squeeze %dma_start3A_157 : memref<1x128xf32, #tpu.memory_space<vmem>> -> memref<128xf32, #tpu.memory_space<vmem>>
      %dma_start3A_159 = arith.constant 0 : i32
      %dma_start3A_160 = tpu.memref_slice %arg12[%dma_start3A_154, %dma_start3A_159] : memref<8x128xi32, #tpu.memory_space<vmem>> -> memref<1x128xi32, #tpu.memory_space<vmem>>
      %dma_start3A_161 = tpu.memref_squeeze %dma_start3A_160 : memref<1x128xi32, #tpu.memory_space<vmem>> -> memref<128xi32, #tpu.memory_space<vmem>>
      %dma_start3A_162 = arith.constant 0 : i32
      %dma_start3A_163 = tpu.memref_slice %arg9[%dma_start3A_162] : memref<100352xf32, #tpu.memory_space<vmem_shared>> -> memref<100352xf32, #tpu.memory_space<vmem_shared>>
      tpu.enqueue_indirect_dma source(%dma_start3A_163 : memref<100352xf32, #tpu.memory_space<vmem_shared>>) target(%dma_start3A_158 : memref<128xf32, #tpu.memory_space<vmem>>) offsets(%dma_start3A_161 : memref<128xi32, #tpu.memory_space<vmem>>) semaphore(%arg17 : memref<!tpu.dma_semaphore, #tpu.memory_space<semaphore_mem>>)
      %dma_start3A_164 = arith.constant 5 : i32
      %dma_start3A_165 = arith.constant 5 : i32
      %dma_start3A_166 = arith.constant 0 : i32
      %dma_start3A_167 = tpu.memref_slice %arg15[%dma_start3A_165, %dma_start3A_166] : memref<8x128xf32, #tpu.memory_space<vmem>> -> memref<1x128xf32, #tpu.memory_space<vmem>>
      %dma_start3A_168 = tpu.memref_squeeze %dma_start3A_167 : memref<1x128xf32, #tpu.memory_space<vmem>> -> memref<128xf32, #tpu.memory_space<vmem>>
      %dma_start3A_169 = arith.constant 0 : i32
      %dma_start3A_170 = tpu.memref_slice %arg12[%dma_start3A_164, %dma_start3A_169] : memref<8x128xi32, #tpu.memory_space<vmem>> -> memref<1x128xi32, #tpu.memory_space<vmem>>
      %dma_start3A_171 = tpu.memref_squeeze %dma_start3A_170 : memref<1x128xi32, #tpu.memory_space<vmem>> -> memref<128xi32, #tpu.memory_space<vmem>>
      %dma_start3A_172 = arith.constant 0 : i32
      %dma_start3A_173 = tpu.memref_slice %arg9[%dma_start3A_172] : memref<100352xf32, #tpu.memory_space<vmem_shared>> -> memref<100352xf32, #tpu.memory_space<vmem_shared>>
      tpu.enqueue_indirect_dma source(%dma_start3A_173 : memref<100352xf32, #tpu.memory_space<vmem_shared>>) target(%dma_start3A_168 : memref<128xf32, #tpu.memory_space<vmem>>) offsets(%dma_start3A_171 : memref<128xi32, #tpu.memory_space<vmem>>) semaphore(%arg17 : memref<!tpu.dma_semaphore, #tpu.memory_space<semaphore_mem>>)
      %dma_start3A_174 = arith.constant 6 : i32
      %dma_start3A_175 = arith.constant 6 : i32
      %dma_start3A_176 = arith.constant 0 : i32
      %dma_start3A_177 = tpu.memref_slice %arg15[%dma_start3A_175, %dma_start3A_176] : memref<8x128xf32, #tpu.memory_space<vmem>> -> memref<1x128xf32, #tpu.memory_space<vmem>>
      %dma_start3A_178 = tpu.memref_squeeze %dma_start3A_177 : memref<1x128xf32, #tpu.memory_space<vmem>> -> memref<128xf32, #tpu.memory_space<vmem>>
      %dma_start3A_179 = arith.constant 0 : i32
      %dma_start3A_180 = tpu.memref_slice %arg12[%dma_start3A_174, %dma_start3A_179] : memref<8x128xi32, #tpu.memory_space<vmem>> -> memref<1x128xi32, #tpu.memory_space<vmem>>
      %dma_start3A_181 = tpu.memref_squeeze %dma_start3A_180 : memref<1x128xi32, #tpu.memory_space<vmem>> -> memref<128xi32, #tpu.memory_space<vmem>>
      %dma_start3A_182 = arith.constant 0 : i32
      %dma_start3A_183 = tpu.memref_slice %arg9[%dma_start3A_182] : memref<100352xf32, #tpu.memory_space<vmem_shared>> -> memref<100352xf32, #tpu.memory_space<vmem_shared>>
      tpu.enqueue_indirect_dma source(%dma_start3A_183 : memref<100352xf32, #tpu.memory_space<vmem_shared>>) target(%dma_start3A_178 : memref<128xf32, #tpu.memory_space<vmem>>) offsets(%dma_start3A_181 : memref<128xi32, #tpu.memory_space<vmem>>) semaphore(%arg17 : memref<!tpu.dma_semaphore, #tpu.memory_space<semaphore_mem>>)
      %dma_start3A_184 = arith.constant 7 : i32
      %dma_start3A_185 = arith.constant 7 : i32
      %dma_start3A_186 = arith.constant 0 : i32
      %dma_start3A_187 = tpu.memref_slice %arg15[%dma_start3A_185, %dma_start3A_186] : memref<8x128xf32, #tpu.memory_space<vmem>> -> memref<1x128xf32, #tpu.memory_space<vmem>>
      %dma_start3A_188 = tpu.memref_squeeze %dma_start3A_187 : memref<1x128xf32, #tpu.memory_space<vmem>> -> memref<128xf32, #tpu.memory_space<vmem>>
      %dma_start3A_189 = arith.constant 0 : i32
      %dma_start3A_190 = tpu.memref_slice %arg12[%dma_start3A_184, %dma_start3A_189] : memref<8x128xi32, #tpu.memory_space<vmem>> -> memref<1x128xi32, #tpu.memory_space<vmem>>
      %dma_start3A_191 = tpu.memref_squeeze %dma_start3A_190 : memref<1x128xi32, #tpu.memory_space<vmem>> -> memref<128xi32, #tpu.memory_space<vmem>>
      %dma_start3A_192 = arith.constant 0 : i32
      %dma_start3A_193 = tpu.memref_slice %arg9[%dma_start3A_192] : memref<100352xf32, #tpu.memory_space<vmem_shared>> -> memref<100352xf32, #tpu.memory_space<vmem_shared>>
      tpu.enqueue_indirect_dma source(%dma_start3A_193 : memref<100352xf32, #tpu.memory_space<vmem_shared>>) target(%dma_start3A_188 : memref<128xf32, #tpu.memory_space<vmem>>) offsets(%dma_start3A_191 : memref<128xi32, #tpu.memory_space<vmem>>) semaphore(%arg17 : memref<!tpu.dma_semaphore, #tpu.memory_space<semaphore_mem>>)
      %dma_wait3A = arith.constant 0 : i32
      %dma_wait3A_194 = arith.constant 0 : i32
      %dma_wait3A_195 = arith.constant 0 : i32
      %dma_wait3A_196 = tpu.memref_slice %arg14[%dma_wait3A_194, %dma_wait3A_195] : memref<8x128xf32, #tpu.memory_space<vmem>> -> memref<1x128xf32, #tpu.memory_space<vmem>>
      %dma_wait3A_197 = tpu.memref_squeeze %dma_wait3A_196 : memref<1x128xf32, #tpu.memory_space<vmem>> -> memref<128xf32, #tpu.memory_space<vmem>>
      %dma_wait3A_198 = arith.constant 0 : i32
      %dma_wait3A_199 = tpu.memref_slice %arg12[%dma_wait3A, %dma_wait3A_198] : memref<8x128xi32, #tpu.memory_space<vmem>> -> memref<1x128xi32, #tpu.memory_space<vmem>>
      %dma_wait3A_200 = tpu.memref_squeeze %dma_wait3A_199 : memref<1x128xi32, #tpu.memory_space<vmem>> -> memref<128xi32, #tpu.memory_space<vmem>>
      %dma_wait3A_201 = arith.constant 0 : i32
      %dma_wait3A_202 = tpu.memref_slice %arg8[%dma_wait3A_201] : memref<100352xf32, #tpu.memory_space<vmem_shared>> -> memref<100352xf32, #tpu.memory_space<vmem_shared>>
      tpu.wait_indirect_dma semaphore(%arg17 : memref<!tpu.dma_semaphore, #tpu.memory_space<semaphore_mem>>) src(%dma_wait3A_202 : memref<100352xf32, #tpu.memory_space<vmem_shared>>) dst(%dma_wait3A_197 : memref<128xf32, #tpu.memory_space<vmem>>)
      %dma_wait3A_203 = arith.constant 1 : i32
      %dma_wait3A_204 = arith.constant 1 : i32
      %dma_wait3A_205 = arith.constant 0 : i32
      %dma_wait3A_206 = tpu.memref_slice %arg14[%dma_wait3A_204, %dma_wait3A_205] : memref<8x128xf32, #tpu.memory_space<vmem>> -> memref<1x128xf32, #tpu.memory_space<vmem>>
      %dma_wait3A_207 = tpu.memref_squeeze %dma_wait3A_206 : memref<1x128xf32, #tpu.memory_space<vmem>> -> memref<128xf32, #tpu.memory_space<vmem>>
      %dma_wait3A_208 = arith.constant 0 : i32
      %dma_wait3A_209 = tpu.memref_slice %arg12[%dma_wait3A_203, %dma_wait3A_208] : memref<8x128xi32, #tpu.memory_space<vmem>> -> memref<1x128xi32, #tpu.memory_space<vmem>>
      %dma_wait3A_210 = tpu.memref_squeeze %dma_wait3A_209 : memref<1x128xi32, #tpu.memory_space<vmem>> -> memref<128xi32, #tpu.memory_space<vmem>>
      %dma_wait3A_211 = arith.constant 0 : i32
      %dma_wait3A_212 = tpu.memref_slice %arg8[%dma_wait3A_211] : memref<100352xf32, #tpu.memory_space<vmem_shared>> -> memref<100352xf32, #tpu.memory_space<vmem_shared>>
      tpu.wait_indirect_dma semaphore(%arg17 : memref<!tpu.dma_semaphore, #tpu.memory_space<semaphore_mem>>) src(%dma_wait3A_212 : memref<100352xf32, #tpu.memory_space<vmem_shared>>) dst(%dma_wait3A_207 : memref<128xf32, #tpu.memory_space<vmem>>)
      %dma_wait3A_213 = arith.constant 2 : i32
      %dma_wait3A_214 = arith.constant 2 : i32
      %dma_wait3A_215 = arith.constant 0 : i32
      %dma_wait3A_216 = tpu.memref_slice %arg14[%dma_wait3A_214, %dma_wait3A_215] : memref<8x128xf32, #tpu.memory_space<vmem>> -> memref<1x128xf32, #tpu.memory_space<vmem>>
      %dma_wait3A_217 = tpu.memref_squeeze %dma_wait3A_216 : memref<1x128xf32, #tpu.memory_space<vmem>> -> memref<128xf32, #tpu.memory_space<vmem>>
      %dma_wait3A_218 = arith.constant 0 : i32
      %dma_wait3A_219 = tpu.memref_slice %arg12[%dma_wait3A_213, %dma_wait3A_218] : memref<8x128xi32, #tpu.memory_space<vmem>> -> memref<1x128xi32, #tpu.memory_space<vmem>>
      %dma_wait3A_220 = tpu.memref_squeeze %dma_wait3A_219 : memref<1x128xi32, #tpu.memory_space<vmem>> -> memref<128xi32, #tpu.memory_space<vmem>>
      %dma_wait3A_221 = arith.constant 0 : i32
      %dma_wait3A_222 = tpu.memref_slice %arg8[%dma_wait3A_221] : memref<100352xf32, #tpu.memory_space<vmem_shared>> -> memref<100352xf32, #tpu.memory_space<vmem_shared>>
      tpu.wait_indirect_dma semaphore(%arg17 : memref<!tpu.dma_semaphore, #tpu.memory_space<semaphore_mem>>) src(%dma_wait3A_222 : memref<100352xf32, #tpu.memory_space<vmem_shared>>) dst(%dma_wait3A_217 : memref<128xf32, #tpu.memory_space<vmem>>)
      %dma_wait3A_223 = arith.constant 3 : i32
      %dma_wait3A_224 = arith.constant 3 : i32
      %dma_wait3A_225 = arith.constant 0 : i32
      %dma_wait3A_226 = tpu.memref_slice %arg14[%dma_wait3A_224, %dma_wait3A_225] : memref<8x128xf32, #tpu.memory_space<vmem>> -> memref<1x128xf32, #tpu.memory_space<vmem>>
      %dma_wait3A_227 = tpu.memref_squeeze %dma_wait3A_226 : memref<1x128xf32, #tpu.memory_space<vmem>> -> memref<128xf32, #tpu.memory_space<vmem>>
      %dma_wait3A_228 = arith.constant 0 : i32
      %dma_wait3A_229 = tpu.memref_slice %arg12[%dma_wait3A_223, %dma_wait3A_228] : memref<8x128xi32, #tpu.memory_space<vmem>> -> memref<1x128xi32, #tpu.memory_space<vmem>>
      %dma_wait3A_230 = tpu.memref_squeeze %dma_wait3A_229 : memref<1x128xi32, #tpu.memory_space<vmem>> -> memref<128xi32, #tpu.memory_space<vmem>>
      %dma_wait3A_231 = arith.constant 0 : i32
      %dma_wait3A_232 = tpu.memref_slice %arg8[%dma_wait3A_231] : memref<100352xf32, #tpu.memory_space<vmem_shared>> -> memref<100352xf32, #tpu.memory_space<vmem_shared>>
      tpu.wait_indirect_dma semaphore(%arg17 : memref<!tpu.dma_semaphore, #tpu.memory_space<semaphore_mem>>) src(%dma_wait3A_232 : memref<100352xf32, #tpu.memory_space<vmem_shared>>) dst(%dma_wait3A_227 : memref<128xf32, #tpu.memory_space<vmem>>)
      %dma_wait3A_233 = arith.constant 4 : i32
      %dma_wait3A_234 = arith.constant 4 : i32
      %dma_wait3A_235 = arith.constant 0 : i32
      %dma_wait3A_236 = tpu.memref_slice %arg14[%dma_wait3A_234, %dma_wait3A_235] : memref<8x128xf32, #tpu.memory_space<vmem>> -> memref<1x128xf32, #tpu.memory_space<vmem>>
      %dma_wait3A_237 = tpu.memref_squeeze %dma_wait3A_236 : memref<1x128xf32, #tpu.memory_space<vmem>> -> memref<128xf32, #tpu.memory_space<vmem>>
      %dma_wait3A_238 = arith.constant 0 : i32
      %dma_wait3A_239 = tpu.memref_slice %arg12[%dma_wait3A_233, %dma_wait3A_238] : memref<8x128xi32, #tpu.memory_space<vmem>> -> memref<1x128xi32, #tpu.memory_space<vmem>>
      %dma_wait3A_240 = tpu.memref_squeeze %dma_wait3A_239 : memref<1x128xi32, #tpu.memory_space<vmem>> -> memref<128xi32, #tpu.memory_space<vmem>>
      %dma_wait3A_241 = arith.constant 0 : i32
      %dma_wait3A_242 = tpu.memref_slice %arg8[%dma_wait3A_241] : memref<100352xf32, #tpu.memory_space<vmem_shared>> -> memref<100352xf32, #tpu.memory_space<vmem_shared>>
      tpu.wait_indirect_dma semaphore(%arg17 : memref<!tpu.dma_semaphore, #tpu.memory_space<semaphore_mem>>) src(%dma_wait3A_242 : memref<100352xf32, #tpu.memory_space<vmem_shared>>) dst(%dma_wait3A_237 : memref<128xf32, #tpu.memory_space<vmem>>)
      %dma_wait3A_243 = arith.constant 5 : i32
      %dma_wait3A_244 = arith.constant 5 : i32
      %dma_wait3A_245 = arith.constant 0 : i32
      %dma_wait3A_246 = tpu.memref_slice %arg14[%dma_wait3A_244, %dma_wait3A_245] : memref<8x128xf32, #tpu.memory_space<vmem>> -> memref<1x128xf32, #tpu.memory_space<vmem>>
      %dma_wait3A_247 = tpu.memref_squeeze %dma_wait3A_246 : memref<1x128xf32, #tpu.memory_space<vmem>> -> memref<128xf32, #tpu.memory_space<vmem>>
      %dma_wait3A_248 = arith.constant 0 : i32
      %dma_wait3A_249 = tpu.memref_slice %arg12[%dma_wait3A_243, %dma_wait3A_248] : memref<8x128xi32, #tpu.memory_space<vmem>> -> memref<1x128xi32, #tpu.memory_space<vmem>>
      %dma_wait3A_250 = tpu.memref_squeeze %dma_wait3A_249 : memref<1x128xi32, #tpu.memory_space<vmem>> -> memref<128xi32, #tpu.memory_space<vmem>>
      %dma_wait3A_251 = arith.constant 0 : i32
      %dma_wait3A_252 = tpu.memref_slice %arg8[%dma_wait3A_251] : memref<100352xf32, #tpu.memory_space<vmem_shared>> -> memref<100352xf32, #tpu.memory_space<vmem_shared>>
      tpu.wait_indirect_dma semaphore(%arg17 : memref<!tpu.dma_semaphore, #tpu.memory_space<semaphore_mem>>) src(%dma_wait3A_252 : memref<100352xf32, #tpu.memory_space<vmem_shared>>) dst(%dma_wait3A_247 : memref<128xf32, #tpu.memory_space<vmem>>)
      %dma_wait3A_253 = arith.constant 6 : i32
      %dma_wait3A_254 = arith.constant 6 : i32
      %dma_wait3A_255 = arith.constant 0 : i32
      %dma_wait3A_256 = tpu.memref_slice %arg14[%dma_wait3A_254, %dma_wait3A_255] : memref<8x128xf32, #tpu.memory_space<vmem>> -> memref<1x128xf32, #tpu.memory_space<vmem>>
      %dma_wait3A_257 = tpu.memref_squeeze %dma_wait3A_256 : memref<1x128xf32, #tpu.memory_space<vmem>> -> memref<128xf32, #tpu.memory_space<vmem>>
      %dma_wait3A_258 = arith.constant 0 : i32
      %dma_wait3A_259 = tpu.memref_slice %arg12[%dma_wait3A_253, %dma_wait3A_258] : memref<8x128xi32, #tpu.memory_space<vmem>> -> memref<1x128xi32, #tpu.memory_space<vmem>>
      %dma_wait3A_260 = tpu.memref_squeeze %dma_wait3A_259 : memref<1x128xi32, #tpu.memory_space<vmem>> -> memref<128xi32, #tpu.memory_space<vmem>>
      %dma_wait3A_261 = arith.constant 0 : i32
      %dma_wait3A_262 = tpu.memref_slice %arg8[%dma_wait3A_261] : memref<100352xf32, #tpu.memory_space<vmem_shared>> -> memref<100352xf32, #tpu.memory_space<vmem_shared>>
      tpu.wait_indirect_dma semaphore(%arg17 : memref<!tpu.dma_semaphore, #tpu.memory_space<semaphore_mem>>) src(%dma_wait3A_262 : memref<100352xf32, #tpu.memory_space<vmem_shared>>) dst(%dma_wait3A_257 : memref<128xf32, #tpu.memory_space<vmem>>)
      %dma_wait3A_263 = arith.constant 7 : i32
      %dma_wait3A_264 = arith.constant 7 : i32
      %dma_wait3A_265 = arith.constant 0 : i32
      %dma_wait3A_266 = tpu.memref_slice %arg14[%dma_wait3A_264, %dma_wait3A_265] : memref<8x128xf32, #tpu.memory_space<vmem>> -> memref<1x128xf32, #tpu.memory_space<vmem>>
      %dma_wait3A_267 = tpu.memref_squeeze %dma_wait3A_266 : memref<1x128xf32, #tpu.memory_space<vmem>> -> memref<128xf32, #tpu.memory_space<vmem>>
      %dma_wait3A_268 = arith.constant 0 : i32
      %dma_wait3A_269 = tpu.memref_slice %arg12[%dma_wait3A_263, %dma_wait3A_268] : memref<8x128xi32, #tpu.memory_space<vmem>> -> memref<1x128xi32, #tpu.memory_space<vmem>>
      %dma_wait3A_270 = tpu.memref_squeeze %dma_wait3A_269 : memref<1x128xi32, #tpu.memory_space<vmem>> -> memref<128xi32, #tpu.memory_space<vmem>>
      %dma_wait3A_271 = arith.constant 0 : i32
      %dma_wait3A_272 = tpu.memref_slice %arg8[%dma_wait3A_271] : memref<100352xf32, #tpu.memory_space<vmem_shared>> -> memref<100352xf32, #tpu.memory_space<vmem_shared>>
      tpu.wait_indirect_dma semaphore(%arg17 : memref<!tpu.dma_semaphore, #tpu.memory_space<semaphore_mem>>) src(%dma_wait3A_272 : memref<100352xf32, #tpu.memory_space<vmem_shared>>) dst(%dma_wait3A_267 : memref<128xf32, #tpu.memory_space<vmem>>)
      %dma_wait3A_273 = arith.constant 0 : i32
      %dma_wait3A_274 = arith.constant 0 : i32
      %dma_wait3A_275 = arith.constant 0 : i32
      %dma_wait3A_276 = tpu.memref_slice %arg15[%dma_wait3A_274, %dma_wait3A_275] : memref<8x128xf32, #tpu.memory_space<vmem>> -> memref<1x128xf32, #tpu.memory_space<vmem>>
      %dma_wait3A_277 = tpu.memref_squeeze %dma_wait3A_276 : memref<1x128xf32, #tpu.memory_space<vmem>> -> memref<128xf32, #tpu.memory_space<vmem>>
      %dma_wait3A_278 = arith.constant 0 : i32
      %dma_wait3A_279 = tpu.memref_slice %arg12[%dma_wait3A_273, %dma_wait3A_278] : memref<8x128xi32, #tpu.memory_space<vmem>> -> memref<1x128xi32, #tpu.memory_space<vmem>>
      %dma_wait3A_280 = tpu.memref_squeeze %dma_wait3A_279 : memref<1x128xi32, #tpu.memory_space<vmem>> -> memref<128xi32, #tpu.memory_space<vmem>>
      %dma_wait3A_281 = arith.constant 0 : i32
      %dma_wait3A_282 = tpu.memref_slice %arg9[%dma_wait3A_281] : memref<100352xf32, #tpu.memory_space<vmem_shared>> -> memref<100352xf32, #tpu.memory_space<vmem_shared>>
      tpu.wait_indirect_dma semaphore(%arg17 : memref<!tpu.dma_semaphore, #tpu.memory_space<semaphore_mem>>) src(%dma_wait3A_282 : memref<100352xf32, #tpu.memory_space<vmem_shared>>) dst(%dma_wait3A_277 : memref<128xf32, #tpu.memory_space<vmem>>)
      %dma_wait3A_283 = arith.constant 1 : i32
      %dma_wait3A_284 = arith.constant 1 : i32
      %dma_wait3A_285 = arith.constant 0 : i32
      %dma_wait3A_286 = tpu.memref_slice %arg15[%dma_wait3A_284, %dma_wait3A_285] : memref<8x128xf32, #tpu.memory_space<vmem>> -> memref<1x128xf32, #tpu.memory_space<vmem>>
      %dma_wait3A_287 = tpu.memref_squeeze %dma_wait3A_286 : memref<1x128xf32, #tpu.memory_space<vmem>> -> memref<128xf32, #tpu.memory_space<vmem>>
      %dma_wait3A_288 = arith.constant 0 : i32
      %dma_wait3A_289 = tpu.memref_slice %arg12[%dma_wait3A_283, %dma_wait3A_288] : memref<8x128xi32, #tpu.memory_space<vmem>> -> memref<1x128xi32, #tpu.memory_space<vmem>>
      %dma_wait3A_290 = tpu.memref_squeeze %dma_wait3A_289 : memref<1x128xi32, #tpu.memory_space<vmem>> -> memref<128xi32, #tpu.memory_space<vmem>>
      %dma_wait3A_291 = arith.constant 0 : i32
      %dma_wait3A_292 = tpu.memref_slice %arg9[%dma_wait3A_291] : memref<100352xf32, #tpu.memory_space<vmem_shared>> -> memref<100352xf32, #tpu.memory_space<vmem_shared>>
      tpu.wait_indirect_dma semaphore(%arg17 : memref<!tpu.dma_semaphore, #tpu.memory_space<semaphore_mem>>) src(%dma_wait3A_292 : memref<100352xf32, #tpu.memory_space<vmem_shared>>) dst(%dma_wait3A_287 : memref<128xf32, #tpu.memory_space<vmem>>)
      %dma_wait3A_293 = arith.constant 2 : i32
      %dma_wait3A_294 = arith.constant 2 : i32
      %dma_wait3A_295 = arith.constant 0 : i32
      %dma_wait3A_296 = tpu.memref_slice %arg15[%dma_wait3A_294, %dma_wait3A_295] : memref<8x128xf32, #tpu.memory_space<vmem>> -> memref<1x128xf32, #tpu.memory_space<vmem>>
      %dma_wait3A_297 = tpu.memref_squeeze %dma_wait3A_296 : memref<1x128xf32, #tpu.memory_space<vmem>> -> memref<128xf32, #tpu.memory_space<vmem>>
      %dma_wait3A_298 = arith.constant 0 : i32
      %dma_wait3A_299 = tpu.memref_slice %arg12[%dma_wait3A_293, %dma_wait3A_298] : memref<8x128xi32, #tpu.memory_space<vmem>> -> memref<1x128xi32, #tpu.memory_space<vmem>>
      %dma_wait3A_300 = tpu.memref_squeeze %dma_wait3A_299 : memref<1x128xi32, #tpu.memory_space<vmem>> -> memref<128xi32, #tpu.memory_space<vmem>>
      %dma_wait3A_301 = arith.constant 0 : i32
      %dma_wait3A_302 = tpu.memref_slice %arg9[%dma_wait3A_301] : memref<100352xf32, #tpu.memory_space<vmem_shared>> -> memref<100352xf32, #tpu.memory_space<vmem_shared>>
      tpu.wait_indirect_dma semaphore(%arg17 : memref<!tpu.dma_semaphore, #tpu.memory_space<semaphore_mem>>) src(%dma_wait3A_302 : memref<100352xf32, #tpu.memory_space<vmem_shared>>) dst(%dma_wait3A_297 : memref<128xf32, #tpu.memory_space<vmem>>)
      %dma_wait3A_303 = arith.constant 3 : i32
      %dma_wait3A_304 = arith.constant 3 : i32
      %dma_wait3A_305 = arith.constant 0 : i32
      %dma_wait3A_306 = tpu.memref_slice %arg15[%dma_wait3A_304, %dma_wait3A_305] : memref<8x128xf32, #tpu.memory_space<vmem>> -> memref<1x128xf32, #tpu.memory_space<vmem>>
      %dma_wait3A_307 = tpu.memref_squeeze %dma_wait3A_306 : memref<1x128xf32, #tpu.memory_space<vmem>> -> memref<128xf32, #tpu.memory_space<vmem>>
      %dma_wait3A_308 = arith.constant 0 : i32
      %dma_wait3A_309 = tpu.memref_slice %arg12[%dma_wait3A_303, %dma_wait3A_308] : memref<8x128xi32, #tpu.memory_space<vmem>> -> memref<1x128xi32, #tpu.memory_space<vmem>>
      %dma_wait3A_310 = tpu.memref_squeeze %dma_wait3A_309 : memref<1x128xi32, #tpu.memory_space<vmem>> -> memref<128xi32, #tpu.memory_space<vmem>>
      %dma_wait3A_311 = arith.constant 0 : i32
      %dma_wait3A_312 = tpu.memref_slice %arg9[%dma_wait3A_311] : memref<100352xf32, #tpu.memory_space<vmem_shared>> -> memref<100352xf32, #tpu.memory_space<vmem_shared>>
      tpu.wait_indirect_dma semaphore(%arg17 : memref<!tpu.dma_semaphore, #tpu.memory_space<semaphore_mem>>) src(%dma_wait3A_312 : memref<100352xf32, #tpu.memory_space<vmem_shared>>) dst(%dma_wait3A_307 : memref<128xf32, #tpu.memory_space<vmem>>)
      %dma_wait3A_313 = arith.constant 4 : i32
      %dma_wait3A_314 = arith.constant 4 : i32
      %dma_wait3A_315 = arith.constant 0 : i32
      %dma_wait3A_316 = tpu.memref_slice %arg15[%dma_wait3A_314, %dma_wait3A_315] : memref<8x128xf32, #tpu.memory_space<vmem>> -> memref<1x128xf32, #tpu.memory_space<vmem>>
      %dma_wait3A_317 = tpu.memref_squeeze %dma_wait3A_316 : memref<1x128xf32, #tpu.memory_space<vmem>> -> memref<128xf32, #tpu.memory_space<vmem>>
      %dma_wait3A_318 = arith.constant 0 : i32
      %dma_wait3A_319 = tpu.memref_slice %arg12[%dma_wait3A_313, %dma_wait3A_318] : memref<8x128xi32, #tpu.memory_space<vmem>> -> memref<1x128xi32, #tpu.memory_space<vmem>>
      %dma_wait3A_320 = tpu.memref_squeeze %dma_wait3A_319 : memref<1x128xi32, #tpu.memory_space<vmem>> -> memref<128xi32, #tpu.memory_space<vmem>>
      %dma_wait3A_321 = arith.constant 0 : i32
      %dma_wait3A_322 = tpu.memref_slice %arg9[%dma_wait3A_321] : memref<100352xf32, #tpu.memory_space<vmem_shared>> -> memref<100352xf32, #tpu.memory_space<vmem_shared>>
      tpu.wait_indirect_dma semaphore(%arg17 : memref<!tpu.dma_semaphore, #tpu.memory_space<semaphore_mem>>) src(%dma_wait3A_322 : memref<100352xf32, #tpu.memory_space<vmem_shared>>) dst(%dma_wait3A_317 : memref<128xf32, #tpu.memory_space<vmem>>)
      %dma_wait3A_323 = arith.constant 5 : i32
      %dma_wait3A_324 = arith.constant 5 : i32
      %dma_wait3A_325 = arith.constant 0 : i32
      %dma_wait3A_326 = tpu.memref_slice %arg15[%dma_wait3A_324, %dma_wait3A_325] : memref<8x128xf32, #tpu.memory_space<vmem>> -> memref<1x128xf32, #tpu.memory_space<vmem>>
      %dma_wait3A_327 = tpu.memref_squeeze %dma_wait3A_326 : memref<1x128xf32, #tpu.memory_space<vmem>> -> memref<128xf32, #tpu.memory_space<vmem>>
      %dma_wait3A_328 = arith.constant 0 : i32
      %dma_wait3A_329 = tpu.memref_slice %arg12[%dma_wait3A_323, %dma_wait3A_328] : memref<8x128xi32, #tpu.memory_space<vmem>> -> memref<1x128xi32, #tpu.memory_space<vmem>>
      %dma_wait3A_330 = tpu.memref_squeeze %dma_wait3A_329 : memref<1x128xi32, #tpu.memory_space<vmem>> -> memref<128xi32, #tpu.memory_space<vmem>>
      %dma_wait3A_331 = arith.constant 0 : i32
      %dma_wait3A_332 = tpu.memref_slice %arg9[%dma_wait3A_331] : memref<100352xf32, #tpu.memory_space<vmem_shared>> -> memref<100352xf32, #tpu.memory_space<vmem_shared>>
      tpu.wait_indirect_dma semaphore(%arg17 : memref<!tpu.dma_semaphore, #tpu.memory_space<semaphore_mem>>) src(%dma_wait3A_332 : memref<100352xf32, #tpu.memory_space<vmem_shared>>) dst(%dma_wait3A_327 : memref<128xf32, #tpu.memory_space<vmem>>)
      %dma_wait3A_333 = arith.constant 6 : i32
      %dma_wait3A_334 = arith.constant 6 : i32
      %dma_wait3A_335 = arith.constant 0 : i32
      %dma_wait3A_336 = tpu.memref_slice %arg15[%dma_wait3A_334, %dma_wait3A_335] : memref<8x128xf32, #tpu.memory_space<vmem>> -> memref<1x128xf32, #tpu.memory_space<vmem>>
      %dma_wait3A_337 = tpu.memref_squeeze %dma_wait3A_336 : memref<1x128xf32, #tpu.memory_space<vmem>> -> memref<128xf32, #tpu.memory_space<vmem>>
      %dma_wait3A_338 = arith.constant 0 : i32
      %dma_wait3A_339 = tpu.memref_slice %arg12[%dma_wait3A_333, %dma_wait3A_338] : memref<8x128xi32, #tpu.memory_space<vmem>> -> memref<1x128xi32, #tpu.memory_space<vmem>>
      %dma_wait3A_340 = tpu.memref_squeeze %dma_wait3A_339 : memref<1x128xi32, #tpu.memory_space<vmem>> -> memref<128xi32, #tpu.memory_space<vmem>>
      %dma_wait3A_341 = arith.constant 0 : i32
      %dma_wait3A_342 = tpu.memref_slice %arg9[%dma_wait3A_341] : memref<100352xf32, #tpu.memory_space<vmem_shared>> -> memref<100352xf32, #tpu.memory_space<vmem_shared>>
      tpu.wait_indirect_dma semaphore(%arg17 : memref<!tpu.dma_semaphore, #tpu.memory_space<semaphore_mem>>) src(%dma_wait3A_342 : memref<100352xf32, #tpu.memory_space<vmem_shared>>) dst(%dma_wait3A_337 : memref<128xf32, #tpu.memory_space<vmem>>)
      %dma_wait3A_343 = arith.constant 7 : i32
      %dma_wait3A_344 = arith.constant 7 : i32
      %dma_wait3A_345 = arith.constant 0 : i32
      %dma_wait3A_346 = tpu.memref_slice %arg15[%dma_wait3A_344, %dma_wait3A_345] : memref<8x128xf32, #tpu.memory_space<vmem>> -> memref<1x128xf32, #tpu.memory_space<vmem>>
      %dma_wait3A_347 = tpu.memref_squeeze %dma_wait3A_346 : memref<1x128xf32, #tpu.memory_space<vmem>> -> memref<128xf32, #tpu.memory_space<vmem>>
      %dma_wait3A_348 = arith.constant 0 : i32
      %dma_wait3A_349 = tpu.memref_slice %arg12[%dma_wait3A_343, %dma_wait3A_348] : memref<8x128xi32, #tpu.memory_space<vmem>> -> memref<1x128xi32, #tpu.memory_space<vmem>>
      %dma_wait3A_350 = tpu.memref_squeeze %dma_wait3A_349 : memref<1x128xi32, #tpu.memory_space<vmem>> -> memref<128xi32, #tpu.memory_space<vmem>>
      %dma_wait3A_351 = arith.constant 0 : i32
      %dma_wait3A_352 = tpu.memref_slice %arg9[%dma_wait3A_351] : memref<100352xf32, #tpu.memory_space<vmem_shared>> -> memref<100352xf32, #tpu.memory_space<vmem_shared>>
      tpu.wait_indirect_dma semaphore(%arg17 : memref<!tpu.dma_semaphore, #tpu.memory_space<semaphore_mem>>) src(%dma_wait3A_352 : memref<100352xf32, #tpu.memory_space<vmem_shared>>) dst(%dma_wait3A_347 : memref<128xf32, #tpu.memory_space<vmem>>)
      %dma_start3A_353 = arith.constant 0 : i32
      %dma_start3A_354 = arith.constant 0 : i32
      %dma_start3A_355 = arith.constant 0 : i32
      %dma_start3A_356 = tpu.memref_slice %arg14[%dma_start3A_353, %dma_start3A_355] : memref<8x128xf32, #tpu.memory_space<vmem>> -> memref<1x128xf32, #tpu.memory_space<vmem>>
      %dma_start3A_357 = tpu.memref_squeeze %dma_start3A_356 : memref<1x128xf32, #tpu.memory_space<vmem>> -> memref<128xf32, #tpu.memory_space<vmem>>
      %dma_start3A_358 = arith.constant 0 : i32
      %dma_start3A_359 = tpu.memref_slice %arg13[%dma_start3A_354, %dma_start3A_358] : memref<8x128xi32, #tpu.memory_space<vmem>> -> memref<1x128xi32, #tpu.memory_space<vmem>>
      %dma_start3A_360 = tpu.memref_squeeze %dma_start3A_359 : memref<1x128xi32, #tpu.memory_space<vmem>> -> memref<128xi32, #tpu.memory_space<vmem>>
      %dma_start3A_361 = arith.constant 0 : i32
      %dma_start3A_362 = tpu.memref_slice %arg10[%dma_start3A_361] : memref<100352xf32, #tpu.memory_space<vmem_shared>> -> memref<100352xf32, #tpu.memory_space<vmem_shared>>
      tpu.enqueue_indirect_dma source(%dma_start3A_357 : memref<128xf32, #tpu.memory_space<vmem>>) target(%dma_start3A_362 : memref<100352xf32, #tpu.memory_space<vmem_shared>>) offsets(%dma_start3A_360 : memref<128xi32, #tpu.memory_space<vmem>>) semaphore(%arg18 : memref<!tpu.dma_semaphore, #tpu.memory_space<semaphore_mem>>) {add = true}
      %dma_start3A_363 = arith.constant 1 : i32
      %dma_start3A_364 = arith.constant 1 : i32
      %dma_start3A_365 = arith.constant 0 : i32
      %dma_start3A_366 = tpu.memref_slice %arg14[%dma_start3A_363, %dma_start3A_365] : memref<8x128xf32, #tpu.memory_space<vmem>> -> memref<1x128xf32, #tpu.memory_space<vmem>>
      %dma_start3A_367 = tpu.memref_squeeze %dma_start3A_366 : memref<1x128xf32, #tpu.memory_space<vmem>> -> memref<128xf32, #tpu.memory_space<vmem>>
      %dma_start3A_368 = arith.constant 0 : i32
      %dma_start3A_369 = tpu.memref_slice %arg13[%dma_start3A_364, %dma_start3A_368] : memref<8x128xi32, #tpu.memory_space<vmem>> -> memref<1x128xi32, #tpu.memory_space<vmem>>
      %dma_start3A_370 = tpu.memref_squeeze %dma_start3A_369 : memref<1x128xi32, #tpu.memory_space<vmem>> -> memref<128xi32, #tpu.memory_space<vmem>>
      %dma_start3A_371 = arith.constant 0 : i32
      %dma_start3A_372 = tpu.memref_slice %arg10[%dma_start3A_371] : memref<100352xf32, #tpu.memory_space<vmem_shared>> -> memref<100352xf32, #tpu.memory_space<vmem_shared>>
      tpu.enqueue_indirect_dma source(%dma_start3A_367 : memref<128xf32, #tpu.memory_space<vmem>>) target(%dma_start3A_372 : memref<100352xf32, #tpu.memory_space<vmem_shared>>) offsets(%dma_start3A_370 : memref<128xi32, #tpu.memory_space<vmem>>) semaphore(%arg18 : memref<!tpu.dma_semaphore, #tpu.memory_space<semaphore_mem>>) {add = true}
      %dma_start3A_373 = arith.constant 2 : i32
      %dma_start3A_374 = arith.constant 2 : i32
      %dma_start3A_375 = arith.constant 0 : i32
      %dma_start3A_376 = tpu.memref_slice %arg14[%dma_start3A_373, %dma_start3A_375] : memref<8x128xf32, #tpu.memory_space<vmem>> -> memref<1x128xf32, #tpu.memory_space<vmem>>
      %dma_start3A_377 = tpu.memref_squeeze %dma_start3A_376 : memref<1x128xf32, #tpu.memory_space<vmem>> -> memref<128xf32, #tpu.memory_space<vmem>>
      %dma_start3A_378 = arith.constant 0 : i32
      %dma_start3A_379 = tpu.memref_slice %arg13[%dma_start3A_374, %dma_start3A_378] : memref<8x128xi32, #tpu.memory_space<vmem>> -> memref<1x128xi32, #tpu.memory_space<vmem>>
      %dma_start3A_380 = tpu.memref_squeeze %dma_start3A_379 : memref<1x128xi32, #tpu.memory_space<vmem>> -> memref<128xi32, #tpu.memory_space<vmem>>
      %dma_start3A_381 = arith.constant 0 : i32
      %dma_start3A_382 = tpu.memref_slice %arg10[%dma_start3A_381] : memref<100352xf32, #tpu.memory_space<vmem_shared>> -> memref<100352xf32, #tpu.memory_space<vmem_shared>>
      tpu.enqueue_indirect_dma source(%dma_start3A_377 : memref<128xf32, #tpu.memory_space<vmem>>) target(%dma_start3A_382 : memref<100352xf32, #tpu.memory_space<vmem_shared>>) offsets(%dma_start3A_380 : memref<128xi32, #tpu.memory_space<vmem>>) semaphore(%arg18 : memref<!tpu.dma_semaphore, #tpu.memory_space<semaphore_mem>>) {add = true}
      %dma_start3A_383 = arith.constant 3 : i32
      %dma_start3A_384 = arith.constant 3 : i32
      %dma_start3A_385 = arith.constant 0 : i32
      %dma_start3A_386 = tpu.memref_slice %arg14[%dma_start3A_383, %dma_start3A_385] : memref<8x128xf32, #tpu.memory_space<vmem>> -> memref<1x128xf32, #tpu.memory_space<vmem>>
      %dma_start3A_387 = tpu.memref_squeeze %dma_start3A_386 : memref<1x128xf32, #tpu.memory_space<vmem>> -> memref<128xf32, #tpu.memory_space<vmem>>
      %dma_start3A_388 = arith.constant 0 : i32
      %dma_start3A_389 = tpu.memref_slice %arg13[%dma_start3A_384, %dma_start3A_388] : memref<8x128xi32, #tpu.memory_space<vmem>> -> memref<1x128xi32, #tpu.memory_space<vmem>>
      %dma_start3A_390 = tpu.memref_squeeze %dma_start3A_389 : memref<1x128xi32, #tpu.memory_space<vmem>> -> memref<128xi32, #tpu.memory_space<vmem>>
      %dma_start3A_391 = arith.constant 0 : i32
      %dma_start3A_392 = tpu.memref_slice %arg10[%dma_start3A_391] : memref<100352xf32, #tpu.memory_space<vmem_shared>> -> memref<100352xf32, #tpu.memory_space<vmem_shared>>
      tpu.enqueue_indirect_dma source(%dma_start3A_387 : memref<128xf32, #tpu.memory_space<vmem>>) target(%dma_start3A_392 : memref<100352xf32, #tpu.memory_space<vmem_shared>>) offsets(%dma_start3A_390 : memref<128xi32, #tpu.memory_space<vmem>>) semaphore(%arg18 : memref<!tpu.dma_semaphore, #tpu.memory_space<semaphore_mem>>) {add = true}
      %dma_start3A_393 = arith.constant 4 : i32
      %dma_start3A_394 = arith.constant 4 : i32
      %dma_start3A_395 = arith.constant 0 : i32
      %dma_start3A_396 = tpu.memref_slice %arg14[%dma_start3A_393, %dma_start3A_395] : memref<8x128xf32, #tpu.memory_space<vmem>> -> memref<1x128xf32, #tpu.memory_space<vmem>>
      %dma_start3A_397 = tpu.memref_squeeze %dma_start3A_396 : memref<1x128xf32, #tpu.memory_space<vmem>> -> memref<128xf32, #tpu.memory_space<vmem>>
      %dma_start3A_398 = arith.constant 0 : i32
      %dma_start3A_399 = tpu.memref_slice %arg13[%dma_start3A_394, %dma_start3A_398] : memref<8x128xi32, #tpu.memory_space<vmem>> -> memref<1x128xi32, #tpu.memory_space<vmem>>
      %dma_start3A_400 = tpu.memref_squeeze %dma_start3A_399 : memref<1x128xi32, #tpu.memory_space<vmem>> -> memref<128xi32, #tpu.memory_space<vmem>>
      %dma_start3A_401 = arith.constant 0 : i32
      %dma_start3A_402 = tpu.memref_slice %arg10[%dma_start3A_401] : memref<100352xf32, #tpu.memory_space<vmem_shared>> -> memref<100352xf32, #tpu.memory_space<vmem_shared>>
      tpu.enqueue_indirect_dma source(%dma_start3A_397 : memref<128xf32, #tpu.memory_space<vmem>>) target(%dma_start3A_402 : memref<100352xf32, #tpu.memory_space<vmem_shared>>) offsets(%dma_start3A_400 : memref<128xi32, #tpu.memory_space<vmem>>) semaphore(%arg18 : memref<!tpu.dma_semaphore, #tpu.memory_space<semaphore_mem>>) {add = true}
      %dma_start3A_403 = arith.constant 5 : i32
      %dma_start3A_404 = arith.constant 5 : i32
      %dma_start3A_405 = arith.constant 0 : i32
      %dma_start3A_406 = tpu.memref_slice %arg14[%dma_start3A_403, %dma_start3A_405] : memref<8x128xf32, #tpu.memory_space<vmem>> -> memref<1x128xf32, #tpu.memory_space<vmem>>
      %dma_start3A_407 = tpu.memref_squeeze %dma_start3A_406 : memref<1x128xf32, #tpu.memory_space<vmem>> -> memref<128xf32, #tpu.memory_space<vmem>>
      %dma_start3A_408 = arith.constant 0 : i32
      %dma_start3A_409 = tpu.memref_slice %arg13[%dma_start3A_404, %dma_start3A_408] : memref<8x128xi32, #tpu.memory_space<vmem>> -> memref<1x128xi32, #tpu.memory_space<vmem>>
      %dma_start3A_410 = tpu.memref_squeeze %dma_start3A_409 : memref<1x128xi32, #tpu.memory_space<vmem>> -> memref<128xi32, #tpu.memory_space<vmem>>
      %dma_start3A_411 = arith.constant 0 : i32
      %dma_start3A_412 = tpu.memref_slice %arg10[%dma_start3A_411] : memref<100352xf32, #tpu.memory_space<vmem_shared>> -> memref<100352xf32, #tpu.memory_space<vmem_shared>>
      tpu.enqueue_indirect_dma source(%dma_start3A_407 : memref<128xf32, #tpu.memory_space<vmem>>) target(%dma_start3A_412 : memref<100352xf32, #tpu.memory_space<vmem_shared>>) offsets(%dma_start3A_410 : memref<128xi32, #tpu.memory_space<vmem>>) semaphore(%arg18 : memref<!tpu.dma_semaphore, #tpu.memory_space<semaphore_mem>>) {add = true}
      %dma_start3A_413 = arith.constant 6 : i32
      %dma_start3A_414 = arith.constant 6 : i32
      %dma_start3A_415 = arith.constant 0 : i32
      %dma_start3A_416 = tpu.memref_slice %arg14[%dma_start3A_413, %dma_start3A_415] : memref<8x128xf32, #tpu.memory_space<vmem>> -> memref<1x128xf32, #tpu.memory_space<vmem>>
      %dma_start3A_417 = tpu.memref_squeeze %dma_start3A_416 : memref<1x128xf32, #tpu.memory_space<vmem>> -> memref<128xf32, #tpu.memory_space<vmem>>
      %dma_start3A_418 = arith.constant 0 : i32
      %dma_start3A_419 = tpu.memref_slice %arg13[%dma_start3A_414, %dma_start3A_418] : memref<8x128xi32, #tpu.memory_space<vmem>> -> memref<1x128xi32, #tpu.memory_space<vmem>>
      %dma_start3A_420 = tpu.memref_squeeze %dma_start3A_419 : memref<1x128xi32, #tpu.memory_space<vmem>> -> memref<128xi32, #tpu.memory_space<vmem>>
      %dma_start3A_421 = arith.constant 0 : i32
      %dma_start3A_422 = tpu.memref_slice %arg10[%dma_start3A_421] : memref<100352xf32, #tpu.memory_space<vmem_shared>> -> memref<100352xf32, #tpu.memory_space<vmem_shared>>
      tpu.enqueue_indirect_dma source(%dma_start3A_417 : memref<128xf32, #tpu.memory_space<vmem>>) target(%dma_start3A_422 : memref<100352xf32, #tpu.memory_space<vmem_shared>>) offsets(%dma_start3A_420 : memref<128xi32, #tpu.memory_space<vmem>>) semaphore(%arg18 : memref<!tpu.dma_semaphore, #tpu.memory_space<semaphore_mem>>) {add = true}
      %dma_start3A_423 = arith.constant 7 : i32
      %dma_start3A_424 = arith.constant 7 : i32
      %dma_start3A_425 = arith.constant 0 : i32
      %dma_start3A_426 = tpu.memref_slice %arg14[%dma_start3A_423, %dma_start3A_425] : memref<8x128xf32, #tpu.memory_space<vmem>> -> memref<1x128xf32, #tpu.memory_space<vmem>>
      %dma_start3A_427 = tpu.memref_squeeze %dma_start3A_426 : memref<1x128xf32, #tpu.memory_space<vmem>> -> memref<128xf32, #tpu.memory_space<vmem>>
      %dma_start3A_428 = arith.constant 0 : i32
      %dma_start3A_429 = tpu.memref_slice %arg13[%dma_start3A_424, %dma_start3A_428] : memref<8x128xi32, #tpu.memory_space<vmem>> -> memref<1x128xi32, #tpu.memory_space<vmem>>
      %dma_start3A_430 = tpu.memref_squeeze %dma_start3A_429 : memref<1x128xi32, #tpu.memory_space<vmem>> -> memref<128xi32, #tpu.memory_space<vmem>>
      %dma_start3A_431 = arith.constant 0 : i32
      %dma_start3A_432 = tpu.memref_slice %arg10[%dma_start3A_431] : memref<100352xf32, #tpu.memory_space<vmem_shared>> -> memref<100352xf32, #tpu.memory_space<vmem_shared>>
      tpu.enqueue_indirect_dma source(%dma_start3A_427 : memref<128xf32, #tpu.memory_space<vmem>>) target(%dma_start3A_432 : memref<100352xf32, #tpu.memory_space<vmem_shared>>) offsets(%dma_start3A_430 : memref<128xi32, #tpu.memory_space<vmem>>) semaphore(%arg18 : memref<!tpu.dma_semaphore, #tpu.memory_space<semaphore_mem>>) {add = true}
      %dma_start3A_433 = arith.constant 0 : i32
      %dma_start3A_434 = arith.constant 0 : i32
      %dma_start3A_435 = arith.constant 0 : i32
      %dma_start3A_436 = tpu.memref_slice %arg15[%dma_start3A_433, %dma_start3A_435] : memref<8x128xf32, #tpu.memory_space<vmem>> -> memref<1x128xf32, #tpu.memory_space<vmem>>
      %dma_start3A_437 = tpu.memref_squeeze %dma_start3A_436 : memref<1x128xf32, #tpu.memory_space<vmem>> -> memref<128xf32, #tpu.memory_space<vmem>>
      %dma_start3A_438 = arith.constant 0 : i32
      %dma_start3A_439 = tpu.memref_slice %arg13[%dma_start3A_434, %dma_start3A_438] : memref<8x128xi32, #tpu.memory_space<vmem>> -> memref<1x128xi32, #tpu.memory_space<vmem>>
      %dma_start3A_440 = tpu.memref_squeeze %dma_start3A_439 : memref<1x128xi32, #tpu.memory_space<vmem>> -> memref<128xi32, #tpu.memory_space<vmem>>
      %dma_start3A_441 = arith.constant 0 : i32
      %dma_start3A_442 = tpu.memref_slice %arg11[%dma_start3A_441] : memref<100352xf32, #tpu.memory_space<vmem_shared>> -> memref<100352xf32, #tpu.memory_space<vmem_shared>>
      tpu.enqueue_indirect_dma source(%dma_start3A_437 : memref<128xf32, #tpu.memory_space<vmem>>) target(%dma_start3A_442 : memref<100352xf32, #tpu.memory_space<vmem_shared>>) offsets(%dma_start3A_440 : memref<128xi32, #tpu.memory_space<vmem>>) semaphore(%arg18 : memref<!tpu.dma_semaphore, #tpu.memory_space<semaphore_mem>>) {add = true}
      %dma_start3A_443 = arith.constant 1 : i32
      %dma_start3A_444 = arith.constant 1 : i32
      %dma_start3A_445 = arith.constant 0 : i32
      %dma_start3A_446 = tpu.memref_slice %arg15[%dma_start3A_443, %dma_start3A_445] : memref<8x128xf32, #tpu.memory_space<vmem>> -> memref<1x128xf32, #tpu.memory_space<vmem>>
      %dma_start3A_447 = tpu.memref_squeeze %dma_start3A_446 : memref<1x128xf32, #tpu.memory_space<vmem>> -> memref<128xf32, #tpu.memory_space<vmem>>
      %dma_start3A_448 = arith.constant 0 : i32
      %dma_start3A_449 = tpu.memref_slice %arg13[%dma_start3A_444, %dma_start3A_448] : memref<8x128xi32, #tpu.memory_space<vmem>> -> memref<1x128xi32, #tpu.memory_space<vmem>>
      %dma_start3A_450 = tpu.memref_squeeze %dma_start3A_449 : memref<1x128xi32, #tpu.memory_space<vmem>> -> memref<128xi32, #tpu.memory_space<vmem>>
      %dma_start3A_451 = arith.constant 0 : i32
      %dma_start3A_452 = tpu.memref_slice %arg11[%dma_start3A_451] : memref<100352xf32, #tpu.memory_space<vmem_shared>> -> memref<100352xf32, #tpu.memory_space<vmem_shared>>
      tpu.enqueue_indirect_dma source(%dma_start3A_447 : memref<128xf32, #tpu.memory_space<vmem>>) target(%dma_start3A_452 : memref<100352xf32, #tpu.memory_space<vmem_shared>>) offsets(%dma_start3A_450 : memref<128xi32, #tpu.memory_space<vmem>>) semaphore(%arg18 : memref<!tpu.dma_semaphore, #tpu.memory_space<semaphore_mem>>) {add = true}
      %dma_start3A_453 = arith.constant 2 : i32
      %dma_start3A_454 = arith.constant 2 : i32
      %dma_start3A_455 = arith.constant 0 : i32
      %dma_start3A_456 = tpu.memref_slice %arg15[%dma_start3A_453, %dma_start3A_455] : memref<8x128xf32, #tpu.memory_space<vmem>> -> memref<1x128xf32, #tpu.memory_space<vmem>>
      %dma_start3A_457 = tpu.memref_squeeze %dma_start3A_456 : memref<1x128xf32, #tpu.memory_space<vmem>> -> memref<128xf32, #tpu.memory_space<vmem>>
      %dma_start3A_458 = arith.constant 0 : i32
      %dma_start3A_459 = tpu.memref_slice %arg13[%dma_start3A_454, %dma_start3A_458] : memref<8x128xi32, #tpu.memory_space<vmem>> -> memref<1x128xi32, #tpu.memory_space<vmem>>
      %dma_start3A_460 = tpu.memref_squeeze %dma_start3A_459 : memref<1x128xi32, #tpu.memory_space<vmem>> -> memref<128xi32, #tpu.memory_space<vmem>>
      %dma_start3A_461 = arith.constant 0 : i32
      %dma_start3A_462 = tpu.memref_slice %arg11[%dma_start3A_461] : memref<100352xf32, #tpu.memory_space<vmem_shared>> -> memref<100352xf32, #tpu.memory_space<vmem_shared>>
      tpu.enqueue_indirect_dma source(%dma_start3A_457 : memref<128xf32, #tpu.memory_space<vmem>>) target(%dma_start3A_462 : memref<100352xf32, #tpu.memory_space<vmem_shared>>) offsets(%dma_start3A_460 : memref<128xi32, #tpu.memory_space<vmem>>) semaphore(%arg18 : memref<!tpu.dma_semaphore, #tpu.memory_space<semaphore_mem>>) {add = true}
      %dma_start3A_463 = arith.constant 3 : i32
      %dma_start3A_464 = arith.constant 3 : i32
      %dma_start3A_465 = arith.constant 0 : i32
      %dma_start3A_466 = tpu.memref_slice %arg15[%dma_start3A_463, %dma_start3A_465] : memref<8x128xf32, #tpu.memory_space<vmem>> -> memref<1x128xf32, #tpu.memory_space<vmem>>
      %dma_start3A_467 = tpu.memref_squeeze %dma_start3A_466 : memref<1x128xf32, #tpu.memory_space<vmem>> -> memref<128xf32, #tpu.memory_space<vmem>>
      %dma_start3A_468 = arith.constant 0 : i32
      %dma_start3A_469 = tpu.memref_slice %arg13[%dma_start3A_464, %dma_start3A_468] : memref<8x128xi32, #tpu.memory_space<vmem>> -> memref<1x128xi32, #tpu.memory_space<vmem>>
      %dma_start3A_470 = tpu.memref_squeeze %dma_start3A_469 : memref<1x128xi32, #tpu.memory_space<vmem>> -> memref<128xi32, #tpu.memory_space<vmem>>
      %dma_start3A_471 = arith.constant 0 : i32
      %dma_start3A_472 = tpu.memref_slice %arg11[%dma_start3A_471] : memref<100352xf32, #tpu.memory_space<vmem_shared>> -> memref<100352xf32, #tpu.memory_space<vmem_shared>>
      tpu.enqueue_indirect_dma source(%dma_start3A_467 : memref<128xf32, #tpu.memory_space<vmem>>) target(%dma_start3A_472 : memref<100352xf32, #tpu.memory_space<vmem_shared>>) offsets(%dma_start3A_470 : memref<128xi32, #tpu.memory_space<vmem>>) semaphore(%arg18 : memref<!tpu.dma_semaphore, #tpu.memory_space<semaphore_mem>>) {add = true}
      %dma_start3A_473 = arith.constant 4 : i32
      %dma_start3A_474 = arith.constant 4 : i32
      %dma_start3A_475 = arith.constant 0 : i32
      %dma_start3A_476 = tpu.memref_slice %arg15[%dma_start3A_473, %dma_start3A_475] : memref<8x128xf32, #tpu.memory_space<vmem>> -> memref<1x128xf32, #tpu.memory_space<vmem>>
      %dma_start3A_477 = tpu.memref_squeeze %dma_start3A_476 : memref<1x128xf32, #tpu.memory_space<vmem>> -> memref<128xf32, #tpu.memory_space<vmem>>
      %dma_start3A_478 = arith.constant 0 : i32
      %dma_start3A_479 = tpu.memref_slice %arg13[%dma_start3A_474, %dma_start3A_478] : memref<8x128xi32, #tpu.memory_space<vmem>> -> memref<1x128xi32, #tpu.memory_space<vmem>>
      %dma_start3A_480 = tpu.memref_squeeze %dma_start3A_479 : memref<1x128xi32, #tpu.memory_space<vmem>> -> memref<128xi32, #tpu.memory_space<vmem>>
      %dma_start3A_481 = arith.constant 0 : i32
      %dma_start3A_482 = tpu.memref_slice %arg11[%dma_start3A_481] : memref<100352xf32, #tpu.memory_space<vmem_shared>> -> memref<100352xf32, #tpu.memory_space<vmem_shared>>
      tpu.enqueue_indirect_dma source(%dma_start3A_477 : memref<128xf32, #tpu.memory_space<vmem>>) target(%dma_start3A_482 : memref<100352xf32, #tpu.memory_space<vmem_shared>>) offsets(%dma_start3A_480 : memref<128xi32, #tpu.memory_space<vmem>>) semaphore(%arg18 : memref<!tpu.dma_semaphore, #tpu.memory_space<semaphore_mem>>) {add = true}
      %dma_start3A_483 = arith.constant 5 : i32
      %dma_start3A_484 = arith.constant 5 : i32
      %dma_start3A_485 = arith.constant 0 : i32
      %dma_start3A_486 = tpu.memref_slice %arg15[%dma_start3A_483, %dma_start3A_485] : memref<8x128xf32, #tpu.memory_space<vmem>> -> memref<1x128xf32, #tpu.memory_space<vmem>>
      %dma_start3A_487 = tpu.memref_squeeze %dma_start3A_486 : memref<1x128xf32, #tpu.memory_space<vmem>> -> memref<128xf32, #tpu.memory_space<vmem>>
      %dma_start3A_488 = arith.constant 0 : i32
      %dma_start3A_489 = tpu.memref_slice %arg13[%dma_start3A_484, %dma_start3A_488] : memref<8x128xi32, #tpu.memory_space<vmem>> -> memref<1x128xi32, #tpu.memory_space<vmem>>
      %dma_start3A_490 = tpu.memref_squeeze %dma_start3A_489 : memref<1x128xi32, #tpu.memory_space<vmem>> -> memref<128xi32, #tpu.memory_space<vmem>>
      %dma_start3A_491 = arith.constant 0 : i32
      %dma_start3A_492 = tpu.memref_slice %arg11[%dma_start3A_491] : memref<100352xf32, #tpu.memory_space<vmem_shared>> -> memref<100352xf32, #tpu.memory_space<vmem_shared>>
      tpu.enqueue_indirect_dma source(%dma_start3A_487 : memref<128xf32, #tpu.memory_space<vmem>>) target(%dma_start3A_492 : memref<100352xf32, #tpu.memory_space<vmem_shared>>) offsets(%dma_start3A_490 : memref<128xi32, #tpu.memory_space<vmem>>) semaphore(%arg18 : memref<!tpu.dma_semaphore, #tpu.memory_space<semaphore_mem>>) {add = true}
      %dma_start3A_493 = arith.constant 6 : i32
      %dma_start3A_494 = arith.constant 6 : i32
      %dma_start3A_495 = arith.constant 0 : i32
      %dma_start3A_496 = tpu.memref_slice %arg15[%dma_start3A_493, %dma_start3A_495] : memref<8x128xf32, #tpu.memory_space<vmem>> -> memref<1x128xf32, #tpu.memory_space<vmem>>
      %dma_start3A_497 = tpu.memref_squeeze %dma_start3A_496 : memref<1x128xf32, #tpu.memory_space<vmem>> -> memref<128xf32, #tpu.memory_space<vmem>>
      %dma_start3A_498 = arith.constant 0 : i32
      %dma_start3A_499 = tpu.memref_slice %arg13[%dma_start3A_494, %dma_start3A_498] : memref<8x128xi32, #tpu.memory_space<vmem>> -> memref<1x128xi32, #tpu.memory_space<vmem>>
      %dma_start3A_500 = tpu.memref_squeeze %dma_start3A_499 : memref<1x128xi32, #tpu.memory_space<vmem>> -> memref<128xi32, #tpu.memory_space<vmem>>
      %dma_start3A_501 = arith.constant 0 : i32
      %dma_start3A_502 = tpu.memref_slice %arg11[%dma_start3A_501] : memref<100352xf32, #tpu.memory_space<vmem_shared>> -> memref<100352xf32, #tpu.memory_space<vmem_shared>>
      tpu.enqueue_indirect_dma source(%dma_start3A_497 : memref<128xf32, #tpu.memory_space<vmem>>) target(%dma_start3A_502 : memref<100352xf32, #tpu.memory_space<vmem_shared>>) offsets(%dma_start3A_500 : memref<128xi32, #tpu.memory_space<vmem>>) semaphore(%arg18 : memref<!tpu.dma_semaphore, #tpu.memory_space<semaphore_mem>>) {add = true}
      %dma_start3A_503 = arith.constant 7 : i32
      %dma_start3A_504 = arith.constant 7 : i32
      %dma_start3A_505 = arith.constant 0 : i32
      %dma_start3A_506 = tpu.memref_slice %arg15[%dma_start3A_503, %dma_start3A_505] : memref<8x128xf32, #tpu.memory_space<vmem>> -> memref<1x128xf32, #tpu.memory_space<vmem>>
      %dma_start3A_507 = tpu.memref_squeeze %dma_start3A_506 : memref<1x128xf32, #tpu.memory_space<vmem>> -> memref<128xf32, #tpu.memory_space<vmem>>
      %dma_start3A_508 = arith.constant 0 : i32
      %dma_start3A_509 = tpu.memref_slice %arg13[%dma_start3A_504, %dma_start3A_508] : memref<8x128xi32, #tpu.memory_space<vmem>> -> memref<1x128xi32, #tpu.memory_space<vmem>>
      %dma_start3A_510 = tpu.memref_squeeze %dma_start3A_509 : memref<1x128xi32, #tpu.memory_space<vmem>> -> memref<128xi32, #tpu.memory_space<vmem>>
      %dma_start3A_511 = arith.constant 0 : i32
      %dma_start3A_512 = tpu.memref_slice %arg11[%dma_start3A_511] : memref<100352xf32, #tpu.memory_space<vmem_shared>> -> memref<100352xf32, #tpu.memory_space<vmem_shared>>
      tpu.enqueue_indirect_dma source(%dma_start3A_507 : memref<128xf32, #tpu.memory_space<vmem>>) target(%dma_start3A_512 : memref<100352xf32, #tpu.memory_space<vmem_shared>>) offsets(%dma_start3A_510 : memref<128xi32, #tpu.memory_space<vmem>>) semaphore(%arg18 : memref<!tpu.dma_semaphore, #tpu.memory_space<semaphore_mem>>) {add = true}
      %dma_wait3A_513 = arith.constant 0 : i32
      %dma_wait3A_514 = arith.constant 0 : i32
      %dma_wait3A_515 = arith.constant 0 : i32
      %dma_wait3A_516 = tpu.memref_slice %arg14[%dma_wait3A_513, %dma_wait3A_515] : memref<8x128xf32, #tpu.memory_space<vmem>> -> memref<1x128xf32, #tpu.memory_space<vmem>>
      %dma_wait3A_517 = tpu.memref_squeeze %dma_wait3A_516 : memref<1x128xf32, #tpu.memory_space<vmem>> -> memref<128xf32, #tpu.memory_space<vmem>>
      %dma_wait3A_518 = arith.constant 0 : i32
      %dma_wait3A_519 = tpu.memref_slice %arg13[%dma_wait3A_514, %dma_wait3A_518] : memref<8x128xi32, #tpu.memory_space<vmem>> -> memref<1x128xi32, #tpu.memory_space<vmem>>
      %dma_wait3A_520 = tpu.memref_squeeze %dma_wait3A_519 : memref<1x128xi32, #tpu.memory_space<vmem>> -> memref<128xi32, #tpu.memory_space<vmem>>
      %dma_wait3A_521 = arith.constant 0 : i32
      %dma_wait3A_522 = tpu.memref_slice %arg10[%dma_wait3A_521] : memref<100352xf32, #tpu.memory_space<vmem_shared>> -> memref<100352xf32, #tpu.memory_space<vmem_shared>>
      tpu.wait_indirect_dma semaphore(%arg18 : memref<!tpu.dma_semaphore, #tpu.memory_space<semaphore_mem>>) src(%dma_wait3A_517 : memref<128xf32, #tpu.memory_space<vmem>>) dst(%dma_wait3A_522 : memref<100352xf32, #tpu.memory_space<vmem_shared>>)
      %dma_wait3A_523 = arith.constant 1 : i32
      %dma_wait3A_524 = arith.constant 1 : i32
      %dma_wait3A_525 = arith.constant 0 : i32
      %dma_wait3A_526 = tpu.memref_slice %arg14[%dma_wait3A_523, %dma_wait3A_525] : memref<8x128xf32, #tpu.memory_space<vmem>> -> memref<1x128xf32, #tpu.memory_space<vmem>>
      %dma_wait3A_527 = tpu.memref_squeeze %dma_wait3A_526 : memref<1x128xf32, #tpu.memory_space<vmem>> -> memref<128xf32, #tpu.memory_space<vmem>>
      %dma_wait3A_528 = arith.constant 0 : i32
      %dma_wait3A_529 = tpu.memref_slice %arg13[%dma_wait3A_524, %dma_wait3A_528] : memref<8x128xi32, #tpu.memory_space<vmem>> -> memref<1x128xi32, #tpu.memory_space<vmem>>
      %dma_wait3A_530 = tpu.memref_squeeze %dma_wait3A_529 : memref<1x128xi32, #tpu.memory_space<vmem>> -> memref<128xi32, #tpu.memory_space<vmem>>
      %dma_wait3A_531 = arith.constant 0 : i32
      %dma_wait3A_532 = tpu.memref_slice %arg10[%dma_wait3A_531] : memref<100352xf32, #tpu.memory_space<vmem_shared>> -> memref<100352xf32, #tpu.memory_space<vmem_shared>>
      tpu.wait_indirect_dma semaphore(%arg18 : memref<!tpu.dma_semaphore, #tpu.memory_space<semaphore_mem>>) src(%dma_wait3A_527 : memref<128xf32, #tpu.memory_space<vmem>>) dst(%dma_wait3A_532 : memref<100352xf32, #tpu.memory_space<vmem_shared>>)
      %dma_wait3A_533 = arith.constant 2 : i32
      %dma_wait3A_534 = arith.constant 2 : i32
      %dma_wait3A_535 = arith.constant 0 : i32
      %dma_wait3A_536 = tpu.memref_slice %arg14[%dma_wait3A_533, %dma_wait3A_535] : memref<8x128xf32, #tpu.memory_space<vmem>> -> memref<1x128xf32, #tpu.memory_space<vmem>>
      %dma_wait3A_537 = tpu.memref_squeeze %dma_wait3A_536 : memref<1x128xf32, #tpu.memory_space<vmem>> -> memref<128xf32, #tpu.memory_space<vmem>>
      %dma_wait3A_538 = arith.constant 0 : i32
      %dma_wait3A_539 = tpu.memref_slice %arg13[%dma_wait3A_534, %dma_wait3A_538] : memref<8x128xi32, #tpu.memory_space<vmem>> -> memref<1x128xi32, #tpu.memory_space<vmem>>
      %dma_wait3A_540 = tpu.memref_squeeze %dma_wait3A_539 : memref<1x128xi32, #tpu.memory_space<vmem>> -> memref<128xi32, #tpu.memory_space<vmem>>
      %dma_wait3A_541 = arith.constant 0 : i32
      %dma_wait3A_542 = tpu.memref_slice %arg10[%dma_wait3A_541] : memref<100352xf32, #tpu.memory_space<vmem_shared>> -> memref<100352xf32, #tpu.memory_space<vmem_shared>>
      tpu.wait_indirect_dma semaphore(%arg18 : memref<!tpu.dma_semaphore, #tpu.memory_space<semaphore_mem>>) src(%dma_wait3A_537 : memref<128xf32, #tpu.memory_space<vmem>>) dst(%dma_wait3A_542 : memref<100352xf32, #tpu.memory_space<vmem_shared>>)
      %dma_wait3A_543 = arith.constant 3 : i32
      %dma_wait3A_544 = arith.constant 3 : i32
      %dma_wait3A_545 = arith.constant 0 : i32
      %dma_wait3A_546 = tpu.memref_slice %arg14[%dma_wait3A_543, %dma_wait3A_545] : memref<8x128xf32, #tpu.memory_space<vmem>> -> memref<1x128xf32, #tpu.memory_space<vmem>>
      %dma_wait3A_547 = tpu.memref_squeeze %dma_wait3A_546 : memref<1x128xf32, #tpu.memory_space<vmem>> -> memref<128xf32, #tpu.memory_space<vmem>>
      %dma_wait3A_548 = arith.constant 0 : i32
      %dma_wait3A_549 = tpu.memref_slice %arg13[%dma_wait3A_544, %dma_wait3A_548] : memref<8x128xi32, #tpu.memory_space<vmem>> -> memref<1x128xi32, #tpu.memory_space<vmem>>
      %dma_wait3A_550 = tpu.memref_squeeze %dma_wait3A_549 : memref<1x128xi32, #tpu.memory_space<vmem>> -> memref<128xi32, #tpu.memory_space<vmem>>
      %dma_wait3A_551 = arith.constant 0 : i32
      %dma_wait3A_552 = tpu.memref_slice %arg10[%dma_wait3A_551] : memref<100352xf32, #tpu.memory_space<vmem_shared>> -> memref<100352xf32, #tpu.memory_space<vmem_shared>>
      tpu.wait_indirect_dma semaphore(%arg18 : memref<!tpu.dma_semaphore, #tpu.memory_space<semaphore_mem>>) src(%dma_wait3A_547 : memref<128xf32, #tpu.memory_space<vmem>>) dst(%dma_wait3A_552 : memref<100352xf32, #tpu.memory_space<vmem_shared>>)
      %dma_wait3A_553 = arith.constant 4 : i32
      %dma_wait3A_554 = arith.constant 4 : i32
      %dma_wait3A_555 = arith.constant 0 : i32
      %dma_wait3A_556 = tpu.memref_slice %arg14[%dma_wait3A_553, %dma_wait3A_555] : memref<8x128xf32, #tpu.memory_space<vmem>> -> memref<1x128xf32, #tpu.memory_space<vmem>>
      %dma_wait3A_557 = tpu.memref_squeeze %dma_wait3A_556 : memref<1x128xf32, #tpu.memory_space<vmem>> -> memref<128xf32, #tpu.memory_space<vmem>>
      %dma_wait3A_558 = arith.constant 0 : i32
      %dma_wait3A_559 = tpu.memref_slice %arg13[%dma_wait3A_554, %dma_wait3A_558] : memref<8x128xi32, #tpu.memory_space<vmem>> -> memref<1x128xi32, #tpu.memory_space<vmem>>
      %dma_wait3A_560 = tpu.memref_squeeze %dma_wait3A_559 : memref<1x128xi32, #tpu.memory_space<vmem>> -> memref<128xi32, #tpu.memory_space<vmem>>
      %dma_wait3A_561 = arith.constant 0 : i32
      %dma_wait3A_562 = tpu.memref_slice %arg10[%dma_wait3A_561] : memref<100352xf32, #tpu.memory_space<vmem_shared>> -> memref<100352xf32, #tpu.memory_space<vmem_shared>>
      tpu.wait_indirect_dma semaphore(%arg18 : memref<!tpu.dma_semaphore, #tpu.memory_space<semaphore_mem>>) src(%dma_wait3A_557 : memref<128xf32, #tpu.memory_space<vmem>>) dst(%dma_wait3A_562 : memref<100352xf32, #tpu.memory_space<vmem_shared>>)
      %dma_wait3A_563 = arith.constant 5 : i32
      %dma_wait3A_564 = arith.constant 5 : i32
      %dma_wait3A_565 = arith.constant 0 : i32
      %dma_wait3A_566 = tpu.memref_slice %arg14[%dma_wait3A_563, %dma_wait3A_565] : memref<8x128xf32, #tpu.memory_space<vmem>> -> memref<1x128xf32, #tpu.memory_space<vmem>>
      %dma_wait3A_567 = tpu.memref_squeeze %dma_wait3A_566 : memref<1x128xf32, #tpu.memory_space<vmem>> -> memref<128xf32, #tpu.memory_space<vmem>>
      %dma_wait3A_568 = arith.constant 0 : i32
      %dma_wait3A_569 = tpu.memref_slice %arg13[%dma_wait3A_564, %dma_wait3A_568] : memref<8x128xi32, #tpu.memory_space<vmem>> -> memref<1x128xi32, #tpu.memory_space<vmem>>
      %dma_wait3A_570 = tpu.memref_squeeze %dma_wait3A_569 : memref<1x128xi32, #tpu.memory_space<vmem>> -> memref<128xi32, #tpu.memory_space<vmem>>
      %dma_wait3A_571 = arith.constant 0 : i32
      %dma_wait3A_572 = tpu.memref_slice %arg10[%dma_wait3A_571] : memref<100352xf32, #tpu.memory_space<vmem_shared>> -> memref<100352xf32, #tpu.memory_space<vmem_shared>>
      tpu.wait_indirect_dma semaphore(%arg18 : memref<!tpu.dma_semaphore, #tpu.memory_space<semaphore_mem>>) src(%dma_wait3A_567 : memref<128xf32, #tpu.memory_space<vmem>>) dst(%dma_wait3A_572 : memref<100352xf32, #tpu.memory_space<vmem_shared>>)
      %dma_wait3A_573 = arith.constant 6 : i32
      %dma_wait3A_574 = arith.constant 6 : i32
      %dma_wait3A_575 = arith.constant 0 : i32
      %dma_wait3A_576 = tpu.memref_slice %arg14[%dma_wait3A_573, %dma_wait3A_575] : memref<8x128xf32, #tpu.memory_space<vmem>> -> memref<1x128xf32, #tpu.memory_space<vmem>>
      %dma_wait3A_577 = tpu.memref_squeeze %dma_wait3A_576 : memref<1x128xf32, #tpu.memory_space<vmem>> -> memref<128xf32, #tpu.memory_space<vmem>>
      %dma_wait3A_578 = arith.constant 0 : i32
      %dma_wait3A_579 = tpu.memref_slice %arg13[%dma_wait3A_574, %dma_wait3A_578] : memref<8x128xi32, #tpu.memory_space<vmem>> -> memref<1x128xi32, #tpu.memory_space<vmem>>
      %dma_wait3A_580 = tpu.memref_squeeze %dma_wait3A_579 : memref<1x128xi32, #tpu.memory_space<vmem>> -> memref<128xi32, #tpu.memory_space<vmem>>
      %dma_wait3A_581 = arith.constant 0 : i32
      %dma_wait3A_582 = tpu.memref_slice %arg10[%dma_wait3A_581] : memref<100352xf32, #tpu.memory_space<vmem_shared>> -> memref<100352xf32, #tpu.memory_space<vmem_shared>>
      tpu.wait_indirect_dma semaphore(%arg18 : memref<!tpu.dma_semaphore, #tpu.memory_space<semaphore_mem>>) src(%dma_wait3A_577 : memref<128xf32, #tpu.memory_space<vmem>>) dst(%dma_wait3A_582 : memref<100352xf32, #tpu.memory_space<vmem_shared>>)
      %dma_wait3A_583 = arith.constant 7 : i32
      %dma_wait3A_584 = arith.constant 7 : i32
      %dma_wait3A_585 = arith.constant 0 : i32
      %dma_wait3A_586 = tpu.memref_slice %arg14[%dma_wait3A_583, %dma_wait3A_585] : memref<8x128xf32, #tpu.memory_space<vmem>> -> memref<1x128xf32, #tpu.memory_space<vmem>>
      %dma_wait3A_587 = tpu.memref_squeeze %dma_wait3A_586 : memref<1x128xf32, #tpu.memory_space<vmem>> -> memref<128xf32, #tpu.memory_space<vmem>>
      %dma_wait3A_588 = arith.constant 0 : i32
      %dma_wait3A_589 = tpu.memref_slice %arg13[%dma_wait3A_584, %dma_wait3A_588] : memref<8x128xi32, #tpu.memory_space<vmem>> -> memref<1x128xi32, #tpu.memory_space<vmem>>
      %dma_wait3A_590 = tpu.memref_squeeze %dma_wait3A_589 : memref<1x128xi32, #tpu.memory_space<vmem>> -> memref<128xi32, #tpu.memory_space<vmem>>
      %dma_wait3A_591 = arith.constant 0 : i32
      %dma_wait3A_592 = tpu.memref_slice %arg10[%dma_wait3A_591] : memref<100352xf32, #tpu.memory_space<vmem_shared>> -> memref<100352xf32, #tpu.memory_space<vmem_shared>>
      tpu.wait_indirect_dma semaphore(%arg18 : memref<!tpu.dma_semaphore, #tpu.memory_space<semaphore_mem>>) src(%dma_wait3A_587 : memref<128xf32, #tpu.memory_space<vmem>>) dst(%dma_wait3A_592 : memref<100352xf32, #tpu.memory_space<vmem_shared>>)
      %dma_wait3A_593 = arith.constant 0 : i32
      %dma_wait3A_594 = arith.constant 0 : i32
      %dma_wait3A_595 = arith.constant 0 : i32
      %dma_wait3A_596 = tpu.memref_slice %arg15[%dma_wait3A_593, %dma_wait3A_595] : memref<8x128xf32, #tpu.memory_space<vmem>> -> memref<1x128xf32, #tpu.memory_space<vmem>>
      %dma_wait3A_597 = tpu.memref_squeeze %dma_wait3A_596 : memref<1x128xf32, #tpu.memory_space<vmem>> -> memref<128xf32, #tpu.memory_space<vmem>>
      %dma_wait3A_598 = arith.constant 0 : i32
      %dma_wait3A_599 = tpu.memref_slice %arg13[%dma_wait3A_594, %dma_wait3A_598] : memref<8x128xi32, #tpu.memory_space<vmem>> -> memref<1x128xi32, #tpu.memory_space<vmem>>
      %dma_wait3A_600 = tpu.memref_squeeze %dma_wait3A_599 : memref<1x128xi32, #tpu.memory_space<vmem>> -> memref<128xi32, #tpu.memory_space<vmem>>
      %dma_wait3A_601 = arith.constant 0 : i32
      %dma_wait3A_602 = tpu.memref_slice %arg11[%dma_wait3A_601] : memref<100352xf32, #tpu.memory_space<vmem_shared>> -> memref<100352xf32, #tpu.memory_space<vmem_shared>>
      tpu.wait_indirect_dma semaphore(%arg18 : memref<!tpu.dma_semaphore, #tpu.memory_space<semaphore_mem>>) src(%dma_wait3A_597 : memref<128xf32, #tpu.memory_space<vmem>>) dst(%dma_wait3A_602 : memref<100352xf32, #tpu.memory_space<vmem_shared>>)
      %dma_wait3A_603 = arith.constant 1 : i32
      %dma_wait3A_604 = arith.constant 1 : i32
      %dma_wait3A_605 = arith.constant 0 : i32
      %dma_wait3A_606 = tpu.memref_slice %arg15[%dma_wait3A_603, %dma_wait3A_605] : memref<8x128xf32, #tpu.memory_space<vmem>> -> memref<1x128xf32, #tpu.memory_space<vmem>>
      %dma_wait3A_607 = tpu.memref_squeeze %dma_wait3A_606 : memref<1x128xf32, #tpu.memory_space<vmem>> -> memref<128xf32, #tpu.memory_space<vmem>>
      %dma_wait3A_608 = arith.constant 0 : i32
      %dma_wait3A_609 = tpu.memref_slice %arg13[%dma_wait3A_604, %dma_wait3A_608] : memref<8x128xi32, #tpu.memory_space<vmem>> -> memref<1x128xi32, #tpu.memory_space<vmem>>
      %dma_wait3A_610 = tpu.memref_squeeze %dma_wait3A_609 : memref<1x128xi32, #tpu.memory_space<vmem>> -> memref<128xi32, #tpu.memory_space<vmem>>
      %dma_wait3A_611 = arith.constant 0 : i32
      %dma_wait3A_612 = tpu.memref_slice %arg11[%dma_wait3A_611] : memref<100352xf32, #tpu.memory_space<vmem_shared>> -> memref<100352xf32, #tpu.memory_space<vmem_shared>>
      tpu.wait_indirect_dma semaphore(%arg18 : memref<!tpu.dma_semaphore, #tpu.memory_space<semaphore_mem>>) src(%dma_wait3A_607 : memref<128xf32, #tpu.memory_space<vmem>>) dst(%dma_wait3A_612 : memref<100352xf32, #tpu.memory_space<vmem_shared>>)
      %dma_wait3A_613 = arith.constant 2 : i32
      %dma_wait3A_614 = arith.constant 2 : i32
      %dma_wait3A_615 = arith.constant 0 : i32
      %dma_wait3A_616 = tpu.memref_slice %arg15[%dma_wait3A_613, %dma_wait3A_615] : memref<8x128xf32, #tpu.memory_space<vmem>> -> memref<1x128xf32, #tpu.memory_space<vmem>>
      %dma_wait3A_617 = tpu.memref_squeeze %dma_wait3A_616 : memref<1x128xf32, #tpu.memory_space<vmem>> -> memref<128xf32, #tpu.memory_space<vmem>>
      %dma_wait3A_618 = arith.constant 0 : i32
      %dma_wait3A_619 = tpu.memref_slice %arg13[%dma_wait3A_614, %dma_wait3A_618] : memref<8x128xi32, #tpu.memory_space<vmem>> -> memref<1x128xi32, #tpu.memory_space<vmem>>
      %dma_wait3A_620 = tpu.memref_squeeze %dma_wait3A_619 : memref<1x128xi32, #tpu.memory_space<vmem>> -> memref<128xi32, #tpu.memory_space<vmem>>
      %dma_wait3A_621 = arith.constant 0 : i32
      %dma_wait3A_622 = tpu.memref_slice %arg11[%dma_wait3A_621] : memref<100352xf32, #tpu.memory_space<vmem_shared>> -> memref<100352xf32, #tpu.memory_space<vmem_shared>>
      tpu.wait_indirect_dma semaphore(%arg18 : memref<!tpu.dma_semaphore, #tpu.memory_space<semaphore_mem>>) src(%dma_wait3A_617 : memref<128xf32, #tpu.memory_space<vmem>>) dst(%dma_wait3A_622 : memref<100352xf32, #tpu.memory_space<vmem_shared>>)
      %dma_wait3A_623 = arith.constant 3 : i32
      %dma_wait3A_624 = arith.constant 3 : i32
      %dma_wait3A_625 = arith.constant 0 : i32
      %dma_wait3A_626 = tpu.memref_slice %arg15[%dma_wait3A_623, %dma_wait3A_625] : memref<8x128xf32, #tpu.memory_space<vmem>> -> memref<1x128xf32, #tpu.memory_space<vmem>>
      %dma_wait3A_627 = tpu.memref_squeeze %dma_wait3A_626 : memref<1x128xf32, #tpu.memory_space<vmem>> -> memref<128xf32, #tpu.memory_space<vmem>>
      %dma_wait3A_628 = arith.constant 0 : i32
      %dma_wait3A_629 = tpu.memref_slice %arg13[%dma_wait3A_624, %dma_wait3A_628] : memref<8x128xi32, #tpu.memory_space<vmem>> -> memref<1x128xi32, #tpu.memory_space<vmem>>
      %dma_wait3A_630 = tpu.memref_squeeze %dma_wait3A_629 : memref<1x128xi32, #tpu.memory_space<vmem>> -> memref<128xi32, #tpu.memory_space<vmem>>
      %dma_wait3A_631 = arith.constant 0 : i32
      %dma_wait3A_632 = tpu.memref_slice %arg11[%dma_wait3A_631] : memref<100352xf32, #tpu.memory_space<vmem_shared>> -> memref<100352xf32, #tpu.memory_space<vmem_shared>>
      tpu.wait_indirect_dma semaphore(%arg18 : memref<!tpu.dma_semaphore, #tpu.memory_space<semaphore_mem>>) src(%dma_wait3A_627 : memref<128xf32, #tpu.memory_space<vmem>>) dst(%dma_wait3A_632 : memref<100352xf32, #tpu.memory_space<vmem_shared>>)
      %dma_wait3A_633 = arith.constant 4 : i32
      %dma_wait3A_634 = arith.constant 4 : i32
      %dma_wait3A_635 = arith.constant 0 : i32
      %dma_wait3A_636 = tpu.memref_slice %arg15[%dma_wait3A_633, %dma_wait3A_635] : memref<8x128xf32, #tpu.memory_space<vmem>> -> memref<1x128xf32, #tpu.memory_space<vmem>>
      %dma_wait3A_637 = tpu.memref_squeeze %dma_wait3A_636 : memref<1x128xf32, #tpu.memory_space<vmem>> -> memref<128xf32, #tpu.memory_space<vmem>>
      %dma_wait3A_638 = arith.constant 0 : i32
      %dma_wait3A_639 = tpu.memref_slice %arg13[%dma_wait3A_634, %dma_wait3A_638] : memref<8x128xi32, #tpu.memory_space<vmem>> -> memref<1x128xi32, #tpu.memory_space<vmem>>
      %dma_wait3A_640 = tpu.memref_squeeze %dma_wait3A_639 : memref<1x128xi32, #tpu.memory_space<vmem>> -> memref<128xi32, #tpu.memory_space<vmem>>
      %dma_wait3A_641 = arith.constant 0 : i32
      %dma_wait3A_642 = tpu.memref_slice %arg11[%dma_wait3A_641] : memref<100352xf32, #tpu.memory_space<vmem_shared>> -> memref<100352xf32, #tpu.memory_space<vmem_shared>>
      tpu.wait_indirect_dma semaphore(%arg18 : memref<!tpu.dma_semaphore, #tpu.memory_space<semaphore_mem>>) src(%dma_wait3A_637 : memref<128xf32, #tpu.memory_space<vmem>>) dst(%dma_wait3A_642 : memref<100352xf32, #tpu.memory_space<vmem_shared>>)
      %dma_wait3A_643 = arith.constant 5 : i32
      %dma_wait3A_644 = arith.constant 5 : i32
      %dma_wait3A_645 = arith.constant 0 : i32
      %dma_wait3A_646 = tpu.memref_slice %arg15[%dma_wait3A_643, %dma_wait3A_645] : memref<8x128xf32, #tpu.memory_space<vmem>> -> memref<1x128xf32, #tpu.memory_space<vmem>>
      %dma_wait3A_647 = tpu.memref_squeeze %dma_wait3A_646 : memref<1x128xf32, #tpu.memory_space<vmem>> -> memref<128xf32, #tpu.memory_space<vmem>>
      %dma_wait3A_648 = arith.constant 0 : i32
      %dma_wait3A_649 = tpu.memref_slice %arg13[%dma_wait3A_644, %dma_wait3A_648] : memref<8x128xi32, #tpu.memory_space<vmem>> -> memref<1x128xi32, #tpu.memory_space<vmem>>
      %dma_wait3A_650 = tpu.memref_squeeze %dma_wait3A_649 : memref<1x128xi32, #tpu.memory_space<vmem>> -> memref<128xi32, #tpu.memory_space<vmem>>
      %dma_wait3A_651 = arith.constant 0 : i32
      %dma_wait3A_652 = tpu.memref_slice %arg11[%dma_wait3A_651] : memref<100352xf32, #tpu.memory_space<vmem_shared>> -> memref<100352xf32, #tpu.memory_space<vmem_shared>>
      tpu.wait_indirect_dma semaphore(%arg18 : memref<!tpu.dma_semaphore, #tpu.memory_space<semaphore_mem>>) src(%dma_wait3A_647 : memref<128xf32, #tpu.memory_space<vmem>>) dst(%dma_wait3A_652 : memref<100352xf32, #tpu.memory_space<vmem_shared>>)
      %dma_wait3A_653 = arith.constant 6 : i32
      %dma_wait3A_654 = arith.constant 6 : i32
      %dma_wait3A_655 = arith.constant 0 : i32
      %dma_wait3A_656 = tpu.memref_slice %arg15[%dma_wait3A_653, %dma_wait3A_655] : memref<8x128xf32, #tpu.memory_space<vmem>> -> memref<1x128xf32, #tpu.memory_space<vmem>>
      %dma_wait3A_657 = tpu.memref_squeeze %dma_wait3A_656 : memref<1x128xf32, #tpu.memory_space<vmem>> -> memref<128xf32, #tpu.memory_space<vmem>>
      %dma_wait3A_658 = arith.constant 0 : i32
      %dma_wait3A_659 = tpu.memref_slice %arg13[%dma_wait3A_654, %dma_wait3A_658] : memref<8x128xi32, #tpu.memory_space<vmem>> -> memref<1x128xi32, #tpu.memory_space<vmem>>
      %dma_wait3A_660 = tpu.memref_squeeze %dma_wait3A_659 : memref<1x128xi32, #tpu.memory_space<vmem>> -> memref<128xi32, #tpu.memory_space<vmem>>
      %dma_wait3A_661 = arith.constant 0 : i32
      %dma_wait3A_662 = tpu.memref_slice %arg11[%dma_wait3A_661] : memref<100352xf32, #tpu.memory_space<vmem_shared>> -> memref<100352xf32, #tpu.memory_space<vmem_shared>>
      tpu.wait_indirect_dma semaphore(%arg18 : memref<!tpu.dma_semaphore, #tpu.memory_space<semaphore_mem>>) src(%dma_wait3A_657 : memref<128xf32, #tpu.memory_space<vmem>>) dst(%dma_wait3A_662 : memref<100352xf32, #tpu.memory_space<vmem_shared>>)
      %dma_wait3A_663 = arith.constant 7 : i32
      %dma_wait3A_664 = arith.constant 7 : i32
      %dma_wait3A_665 = arith.constant 0 : i32
      %dma_wait3A_666 = tpu.memref_slice %arg15[%dma_wait3A_663, %dma_wait3A_665] : memref<8x128xf32, #tpu.memory_space<vmem>> -> memref<1x128xf32, #tpu.memory_space<vmem>>
      %dma_wait3A_667 = tpu.memref_squeeze %dma_wait3A_666 : memref<1x128xf32, #tpu.memory_space<vmem>> -> memref<128xf32, #tpu.memory_space<vmem>>
      %dma_wait3A_668 = arith.constant 0 : i32
      %dma_wait3A_669 = tpu.memref_slice %arg13[%dma_wait3A_664, %dma_wait3A_668] : memref<8x128xi32, #tpu.memory_space<vmem>> -> memref<1x128xi32, #tpu.memory_space<vmem>>
      %dma_wait3A_670 = tpu.memref_squeeze %dma_wait3A_669 : memref<1x128xi32, #tpu.memory_space<vmem>> -> memref<128xi32, #tpu.memory_space<vmem>>
      %dma_wait3A_671 = arith.constant 0 : i32
      %dma_wait3A_672 = tpu.memref_slice %arg11[%dma_wait3A_671] : memref<100352xf32, #tpu.memory_space<vmem_shared>> -> memref<100352xf32, #tpu.memory_space<vmem_shared>>
      tpu.wait_indirect_dma semaphore(%arg18 : memref<!tpu.dma_semaphore, #tpu.memory_space<semaphore_mem>>) src(%dma_wait3A_667 : memref<128xf32, #tpu.memory_space<vmem>>) dst(%dma_wait3A_672 : memref<100352xf32, #tpu.memory_space<vmem_shared>>)
    }
    %barrier3A_31 = arith.constant 0 : index
    tpu.barrier barrier_id(%barrier3A_31)
    "tpu.region"() ({
      %run_scoped3A = tpu.sem_alloc : memref<!tpu.dma_semaphore, #tpu.memory_space<semaphore_mem>>
      %dma_start3A = tpu.memref_slice %arg10[%mul3A_2] : memref<100352xf32, #tpu.memory_space<vmem_shared>> -> memref<6272xf32, #tpu.memory_space<vmem_shared>>
      %dma_start3A_32 = tpu.memref_slice %arg10[%mul3A_2] : memref<100352xf32, #tpu.memory_space<vmem_shared>> -> memref<6272xf32, #tpu.memory_space<vmem_shared>>
      tpu.enqueue_dma source(%dma_start3A_32 : memref<6272xf32, #tpu.memory_space<vmem_shared>>) target(%arg16 : memref<6272xf32, #tpu.memory_space<vmem>>) target_semaphore(%run_scoped3A : memref<!tpu.dma_semaphore, #tpu.memory_space<semaphore_mem>>)
      %dma_wait3A = tpu.memref_slice %arg10[%mul3A_2] : memref<100352xf32, #tpu.memory_space<vmem_shared>> -> memref<6272xf32, #tpu.memory_space<vmem_shared>>
      %dma_wait3A_33 = tpu.memref_slice %arg10[%mul3A_2] : memref<100352xf32, #tpu.memory_space<vmem_shared>> -> memref<6272xf32, #tpu.memory_space<vmem_shared>>
      tpu.wait_dma2 semaphore(%run_scoped3A : memref<!tpu.dma_semaphore, #tpu.memory_space<semaphore_mem>>) src(%dma_wait3A_33 : memref<6272xf32, #tpu.memory_space<vmem_shared>>) dst(%arg16 : memref<6272xf32, #tpu.memory_space<vmem>>)
      tpu.yield
    }) : () -> ()
    "tpu.region"() ({
      %run_scoped3A = tpu.sem_alloc : memref<!tpu.dma_semaphore, #tpu.memory_space<semaphore_mem>>
      %dma_start3A = arith.constant 0 : i32
      %dma_start3A_32 = tpu.memref_slice %arg6[%arg0, %dma_start3A] : memref<2x100352xf32, #tpu.memory_space<hbm>> -> memref<1x100352xf32, #tpu.memory_space<hbm>>
      %dma_start3A_33 = tpu.memref_squeeze %dma_start3A_32 : memref<1x100352xf32, #tpu.memory_space<hbm>> -> memref<100352xf32, #tpu.memory_space<hbm>>
      %dma_start3A_34 = tpu.memref_slice %dma_start3A_33[%mul3A_2] : memref<100352xf32, #tpu.memory_space<hbm>> -> memref<6272xf32, #tpu.memory_space<hbm>>
      %dma_start3A_35 = arith.constant 0 : i32
      %dma_start3A_36 = tpu.memref_slice %arg6[%arg0, %dma_start3A_35] : memref<2x100352xf32, #tpu.memory_space<hbm>> -> memref<1x100352xf32, #tpu.memory_space<hbm>>
      %dma_start3A_37 = tpu.memref_squeeze %dma_start3A_36 : memref<1x100352xf32, #tpu.memory_space<hbm>> -> memref<100352xf32, #tpu.memory_space<hbm>>
      %dma_start3A_38 = tpu.memref_slice %dma_start3A_37[%mul3A_2] : memref<100352xf32, #tpu.memory_space<hbm>> -> memref<6272xf32, #tpu.memory_space<hbm>>
      tpu.enqueue_dma source(%arg16 : memref<6272xf32, #tpu.memory_space<vmem>>) target(%dma_start3A_38 : memref<6272xf32, #tpu.memory_space<hbm>>) target_semaphore(%run_scoped3A : memref<!tpu.dma_semaphore, #tpu.memory_space<semaphore_mem>>)
      %dma_wait3A = arith.constant 0 : i32
      %dma_wait3A_39 = tpu.memref_slice %arg6[%arg0, %dma_wait3A] : memref<2x100352xf32, #tpu.memory_space<hbm>> -> memref<1x100352xf32, #tpu.memory_space<hbm>>
      %dma_wait3A_40 = tpu.memref_squeeze %dma_wait3A_39 : memref<1x100352xf32, #tpu.memory_space<hbm>> -> memref<100352xf32, #tpu.memory_space<hbm>>
      %dma_wait3A_41 = tpu.memref_slice %dma_wait3A_40[%mul3A_2] : memref<100352xf32, #tpu.memory_space<hbm>> -> memref<6272xf32, #tpu.memory_space<hbm>>
      %dma_wait3A_42 = arith.constant 0 : i32
      %dma_wait3A_43 = tpu.memref_slice %arg6[%arg0, %dma_wait3A_42] : memref<2x100352xf32, #tpu.memory_space<hbm>> -> memref<1x100352xf32, #tpu.memory_space<hbm>>
      %dma_wait3A_44 = tpu.memref_squeeze %dma_wait3A_43 : memref<1x100352xf32, #tpu.memory_space<hbm>> -> memref<100352xf32, #tpu.memory_space<hbm>>
      %dma_wait3A_45 = tpu.memref_slice %dma_wait3A_44[%mul3A_2] : memref<100352xf32, #tpu.memory_space<hbm>> -> memref<6272xf32, #tpu.memory_space<hbm>>
      tpu.wait_dma2 semaphore(%run_scoped3A : memref<!tpu.dma_semaphore, #tpu.memory_space<semaphore_mem>>) src(%arg16 : memref<6272xf32, #tpu.memory_space<vmem>>) dst(%dma_wait3A_45 : memref<6272xf32, #tpu.memory_space<hbm>>)
      tpu.yield
    }) : () -> ()
    "tpu.region"() ({
      %run_scoped3A = tpu.sem_alloc : memref<!tpu.dma_semaphore, #tpu.memory_space<semaphore_mem>>
      %dma_start3A = tpu.memref_slice %arg11[%mul3A_2] : memref<100352xf32, #tpu.memory_space<vmem_shared>> -> memref<6272xf32, #tpu.memory_space<vmem_shared>>
      %dma_start3A_32 = tpu.memref_slice %arg11[%mul3A_2] : memref<100352xf32, #tpu.memory_space<vmem_shared>> -> memref<6272xf32, #tpu.memory_space<vmem_shared>>
      tpu.enqueue_dma source(%dma_start3A_32 : memref<6272xf32, #tpu.memory_space<vmem_shared>>) target(%arg16 : memref<6272xf32, #tpu.memory_space<vmem>>) target_semaphore(%run_scoped3A : memref<!tpu.dma_semaphore, #tpu.memory_space<semaphore_mem>>)
      %dma_wait3A = tpu.memref_slice %arg11[%mul3A_2] : memref<100352xf32, #tpu.memory_space<vmem_shared>> -> memref<6272xf32, #tpu.memory_space<vmem_shared>>
      %dma_wait3A_33 = tpu.memref_slice %arg11[%mul3A_2] : memref<100352xf32, #tpu.memory_space<vmem_shared>> -> memref<6272xf32, #tpu.memory_space<vmem_shared>>
      tpu.wait_dma2 semaphore(%run_scoped3A : memref<!tpu.dma_semaphore, #tpu.memory_space<semaphore_mem>>) src(%dma_wait3A_33 : memref<6272xf32, #tpu.memory_space<vmem_shared>>) dst(%arg16 : memref<6272xf32, #tpu.memory_space<vmem>>)
      tpu.yield
    }) : () -> ()
    "tpu.region"() ({
      %run_scoped3A = tpu.sem_alloc : memref<!tpu.dma_semaphore, #tpu.memory_space<semaphore_mem>>
      %dma_start3A = arith.constant 0 : i32
      %dma_start3A_32 = tpu.memref_slice %arg7[%arg0, %dma_start3A] : memref<2x100352xf32, #tpu.memory_space<hbm>> -> memref<1x100352xf32, #tpu.memory_space<hbm>>
      %dma_start3A_33 = tpu.memref_squeeze %dma_start3A_32 : memref<1x100352xf32, #tpu.memory_space<hbm>> -> memref<100352xf32, #tpu.memory_space<hbm>>
      %dma_start3A_34 = tpu.memref_slice %dma_start3A_33[%mul3A_2] : memref<100352xf32, #tpu.memory_space<hbm>> -> memref<6272xf32, #tpu.memory_space<hbm>>
      %dma_start3A_35 = arith.constant 0 : i32
      %dma_start3A_36 = tpu.memref_slice %arg7[%arg0, %dma_start3A_35] : memref<2x100352xf32, #tpu.memory_space<hbm>> -> memref<1x100352xf32, #tpu.memory_space<hbm>>
      %dma_start3A_37 = tpu.memref_squeeze %dma_start3A_36 : memref<1x100352xf32, #tpu.memory_space<hbm>> -> memref<100352xf32, #tpu.memory_space<hbm>>
      %dma_start3A_38 = tpu.memref_slice %dma_start3A_37[%mul3A_2] : memref<100352xf32, #tpu.memory_space<hbm>> -> memref<6272xf32, #tpu.memory_space<hbm>>
      tpu.enqueue_dma source(%arg16 : memref<6272xf32, #tpu.memory_space<vmem>>) target(%dma_start3A_38 : memref<6272xf32, #tpu.memory_space<hbm>>) target_semaphore(%run_scoped3A : memref<!tpu.dma_semaphore, #tpu.memory_space<semaphore_mem>>)
      %dma_wait3A = arith.constant 0 : i32
      %dma_wait3A_39 = tpu.memref_slice %arg7[%arg0, %dma_wait3A] : memref<2x100352xf32, #tpu.memory_space<hbm>> -> memref<1x100352xf32, #tpu.memory_space<hbm>>
      %dma_wait3A_40 = tpu.memref_squeeze %dma_wait3A_39 : memref<1x100352xf32, #tpu.memory_space<hbm>> -> memref<100352xf32, #tpu.memory_space<hbm>>
      %dma_wait3A_41 = tpu.memref_slice %dma_wait3A_40[%mul3A_2] : memref<100352xf32, #tpu.memory_space<hbm>> -> memref<6272xf32, #tpu.memory_space<hbm>>
      %dma_wait3A_42 = arith.constant 0 : i32
      %dma_wait3A_43 = tpu.memref_slice %arg7[%arg0, %dma_wait3A_42] : memref<2x100352xf32, #tpu.memory_space<hbm>> -> memref<1x100352xf32, #tpu.memory_space<hbm>>
      %dma_wait3A_44 = tpu.memref_squeeze %dma_wait3A_43 : memref<1x100352xf32, #tpu.memory_space<hbm>> -> memref<100352xf32, #tpu.memory_space<hbm>>
      %dma_wait3A_45 = tpu.memref_slice %dma_wait3A_44[%mul3A_2] : memref<100352xf32, #tpu.memory_space<hbm>> -> memref<6272xf32, #tpu.memory_space<hbm>>
      tpu.wait_dma2 semaphore(%run_scoped3A : memref<!tpu.dma_semaphore, #tpu.memory_space<semaphore_mem>>) src(%arg16 : memref<6272xf32, #tpu.memory_space<vmem>>) dst(%dma_wait3A_45 : memref<6272xf32, #tpu.memory_space<hbm>>)
      tpu.yield
    }) : () -> ()
    return
  }
}

#map = affine_map<(d0, d1) -> (0, 0, 0)>
#map1 = affine_map<(d0, d1) -> (0, 0)>
module attributes {stable_mosaic.version = 14 : i64} {
  func.func @_deg_body(%arg0: i32, %arg1: i32, %arg2: memref<6250x8x128xi32, #tpu.memory_space<hbm>>, %arg3: memref<2x100352xf32, #tpu.memory_space<hbm>>, %arg4: memref<100352xf32, #tpu.memory_space<vmem_shared>>, %arg5: memref<8x128xi32, #tpu.memory_space<vmem>>, %arg6: memref<128xf32, #tpu.memory_space<vmem>>, %arg7: memref<6272xf32, #tpu.memory_space<vmem>>, %arg8: memref<!tpu.dma_semaphore, #tpu.memory_space<semaphore_mem>>) attributes {dimension_semantics = [#tpu.dimension_semantics<core_parallel>, #tpu.dimension_semantics<subcore_parallel>], iteration_bounds = array<i64: 2, 16>, scalar_prefetch = 0 : i64, scratch_operands = 5 : i64, tpu.core_type = #tpu.core_type<sc_vector_subcore>, window_params = [{transform_indices = #map}, {transform_indices = #map1}]} {
    %mul3A = arith.constant 2 : i32
    %mul3A_0 = arith.muli %arg1, %mul3A : i32
    %add3A = arith.addi %mul3A_0, %arg0 : i32
    %mul3A_1 = arith.constant 6272 : i32
    %mul3A_2 = arith.muli %arg1, %mul3A_1 : i32
    %scan3A = arith.constant 0 : i32
    %scan3A_3 = arith.constant 0 : i32
    %scan3A_4 = arith.constant 392 : i32
    %scan3A_5 = arith.addi %scan3A_3, %scan3A_4 : i32
    %scan3A_6 = arith.constant 1 : i32
    scf.for %scan3A_72 = %scan3A_3 to %scan3A_5 step %scan3A_6  : i32 {
      %broadcast_in_dim3A_73 = arith.constant 0.000000e+00 : f32
      %broadcast_in_dim3A_74 = vector.broadcast %broadcast_in_dim3A_73 : f32 to vector<16xf32>
      %mul3A_75 = arith.constant 16 : i32
      %mul3A_76 = arith.muli %scan3A_72, %mul3A_75 : i32
      %swap3A_77 = arith.index_cast %mul3A_76 : i32 to index
      %swap3A_78 = tpu.vector_load %arg7[%swap3A_77] {strides = array<i32>} : memref<6272xf32, #tpu.memory_space<vmem>>, vector<16xf32>,
      %swap3A_79 = vector.shape_cast %swap3A_78 : vector<16xf32> to vector<16xf32>
      %swap3A_80 = vector.shape_cast %broadcast_in_dim3A_74 : vector<16xf32> to vector<16xf32>
      tpu.vector_store %arg7[%swap3A_77], %swap3A_80 {strides = array<i32>} : memref<6272xf32, #tpu.memory_space<vmem>>, vector<16xf32>,
    }
    %scan3A_7 = arith.constant 392 : i32
    "tpu.region"() ({
      %run_scoped3A = tpu.sem_alloc : memref<!tpu.dma_semaphore, #tpu.memory_space<semaphore_mem>>
      %dma_start3A = tpu.memref_slice %arg4[%mul3A_2] : memref<100352xf32, #tpu.memory_space<vmem_shared>> -> memref<6272xf32, #tpu.memory_space<vmem_shared>>
      %dma_start3A_72 = tpu.memref_slice %arg4[%mul3A_2] : memref<100352xf32, #tpu.memory_space<vmem_shared>> -> memref<6272xf32, #tpu.memory_space<vmem_shared>>
      tpu.enqueue_dma source(%arg7 : memref<6272xf32, #tpu.memory_space<vmem>>) target(%dma_start3A_72 : memref<6272xf32, #tpu.memory_space<vmem_shared>>) target_semaphore(%run_scoped3A : memref<!tpu.dma_semaphore, #tpu.memory_space<semaphore_mem>>)
      %dma_wait3A = tpu.memref_slice %arg4[%mul3A_2] : memref<100352xf32, #tpu.memory_space<vmem_shared>> -> memref<6272xf32, #tpu.memory_space<vmem_shared>>
      %dma_wait3A_73 = tpu.memref_slice %arg4[%mul3A_2] : memref<100352xf32, #tpu.memory_space<vmem_shared>> -> memref<6272xf32, #tpu.memory_space<vmem_shared>>
      tpu.wait_dma2 semaphore(%run_scoped3A : memref<!tpu.dma_semaphore, #tpu.memory_space<semaphore_mem>>) src(%arg7 : memref<6272xf32, #tpu.memory_space<vmem>>) dst(%dma_wait3A_73 : memref<6272xf32, #tpu.memory_space<vmem_shared>>)
      tpu.yield
    }) : () -> ()
    %broadcast_in_dim3A = arith.constant 1.000000e+00 : f32
    %broadcast_in_dim3A_8 = vector.broadcast %broadcast_in_dim3A : f32 to vector<16xf32>
    %swap3A = arith.constant 0 : index
    %swap3A_9 = tpu.vector_load %arg6[%swap3A] {strides = array<i32>} : memref<128xf32, #tpu.memory_space<vmem>>, vector<16xf32>,
    %swap3A_10 = vector.shape_cast %swap3A_9 : vector<16xf32> to vector<16xf32>
    %swap3A_11 = vector.shape_cast %broadcast_in_dim3A_8 : vector<16xf32> to vector<16xf32>
    tpu.vector_store %arg6[%swap3A], %swap3A_11 {strides = array<i32>} : memref<128xf32, #tpu.memory_space<vmem>>, vector<16xf32>,
    %broadcast_in_dim3A_12 = arith.constant 1.000000e+00 : f32
    %broadcast_in_dim3A_13 = vector.broadcast %broadcast_in_dim3A_12 : f32 to vector<16xf32>
    %swap3A_14 = arith.constant 16 : index
    %swap3A_15 = tpu.vector_load %arg6[%swap3A_14] {strides = array<i32>} : memref<128xf32, #tpu.memory_space<vmem>>, vector<16xf32>,
    %swap3A_16 = vector.shape_cast %swap3A_15 : vector<16xf32> to vector<16xf32>
    %swap3A_17 = vector.shape_cast %broadcast_in_dim3A_13 : vector<16xf32> to vector<16xf32>
    tpu.vector_store %arg6[%swap3A_14], %swap3A_17 {strides = array<i32>} : memref<128xf32, #tpu.memory_space<vmem>>, vector<16xf32>,
    %broadcast_in_dim3A_18 = arith.constant 1.000000e+00 : f32
    %broadcast_in_dim3A_19 = vector.broadcast %broadcast_in_dim3A_18 : f32 to vector<16xf32>
    %swap3A_20 = arith.constant 32 : index
    %swap3A_21 = tpu.vector_load %arg6[%swap3A_20] {strides = array<i32>} : memref<128xf32, #tpu.memory_space<vmem>>, vector<16xf32>,
    %swap3A_22 = vector.shape_cast %swap3A_21 : vector<16xf32> to vector<16xf32>
    %swap3A_23 = vector.shape_cast %broadcast_in_dim3A_19 : vector<16xf32> to vector<16xf32>
    tpu.vector_store %arg6[%swap3A_20], %swap3A_23 {strides = array<i32>} : memref<128xf32, #tpu.memory_space<vmem>>, vector<16xf32>,
    %broadcast_in_dim3A_24 = arith.constant 1.000000e+00 : f32
    %broadcast_in_dim3A_25 = vector.broadcast %broadcast_in_dim3A_24 : f32 to vector<16xf32>
    %swap3A_26 = arith.constant 48 : index
    %swap3A_27 = tpu.vector_load %arg6[%swap3A_26] {strides = array<i32>} : memref<128xf32, #tpu.memory_space<vmem>>, vector<16xf32>,
    %swap3A_28 = vector.shape_cast %swap3A_27 : vector<16xf32> to vector<16xf32>
    %swap3A_29 = vector.shape_cast %broadcast_in_dim3A_25 : vector<16xf32> to vector<16xf32>
    tpu.vector_store %arg6[%swap3A_26], %swap3A_29 {strides = array<i32>} : memref<128xf32, #tpu.memory_space<vmem>>, vector<16xf32>,
    %broadcast_in_dim3A_30 = arith.constant 1.000000e+00 : f32
    %broadcast_in_dim3A_31 = vector.broadcast %broadcast_in_dim3A_30 : f32 to vector<16xf32>
    %swap3A_32 = arith.constant 64 : index
    %swap3A_33 = tpu.vector_load %arg6[%swap3A_32] {strides = array<i32>} : memref<128xf32, #tpu.memory_space<vmem>>, vector<16xf32>,
    %swap3A_34 = vector.shape_cast %swap3A_33 : vector<16xf32> to vector<16xf32>
    %swap3A_35 = vector.shape_cast %broadcast_in_dim3A_31 : vector<16xf32> to vector<16xf32>
    tpu.vector_store %arg6[%swap3A_32], %swap3A_35 {strides = array<i32>} : memref<128xf32, #tpu.memory_space<vmem>>, vector<16xf32>,
    %broadcast_in_dim3A_36 = arith.constant 1.000000e+00 : f32
    %broadcast_in_dim3A_37 = vector.broadcast %broadcast_in_dim3A_36 : f32 to vector<16xf32>
    %swap3A_38 = arith.constant 80 : index
    %swap3A_39 = tpu.vector_load %arg6[%swap3A_38] {strides = array<i32>} : memref<128xf32, #tpu.memory_space<vmem>>, vector<16xf32>,
    %swap3A_40 = vector.shape_cast %swap3A_39 : vector<16xf32> to vector<16xf32>
    %swap3A_41 = vector.shape_cast %broadcast_in_dim3A_37 : vector<16xf32> to vector<16xf32>
    tpu.vector_store %arg6[%swap3A_38], %swap3A_41 {strides = array<i32>} : memref<128xf32, #tpu.memory_space<vmem>>, vector<16xf32>,
    %broadcast_in_dim3A_42 = arith.constant 1.000000e+00 : f32
    %broadcast_in_dim3A_43 = vector.broadcast %broadcast_in_dim3A_42 : f32 to vector<16xf32>
    %swap3A_44 = arith.constant 96 : index
    %swap3A_45 = tpu.vector_load %arg6[%swap3A_44] {strides = array<i32>} : memref<128xf32, #tpu.memory_space<vmem>>, vector<16xf32>,
    %swap3A_46 = vector.shape_cast %swap3A_45 : vector<16xf32> to vector<16xf32>
    %swap3A_47 = vector.shape_cast %broadcast_in_dim3A_43 : vector<16xf32> to vector<16xf32>
    tpu.vector_store %arg6[%swap3A_44], %swap3A_47 {strides = array<i32>} : memref<128xf32, #tpu.memory_space<vmem>>, vector<16xf32>,
    %broadcast_in_dim3A_48 = arith.constant 1.000000e+00 : f32
    %broadcast_in_dim3A_49 = vector.broadcast %broadcast_in_dim3A_48 : f32 to vector<16xf32>
    %swap3A_50 = arith.constant 112 : index
    %swap3A_51 = tpu.vector_load %arg6[%swap3A_50] {strides = array<i32>} : memref<128xf32, #tpu.memory_space<vmem>>, vector<16xf32>,
    %swap3A_52 = vector.shape_cast %swap3A_51 : vector<16xf32> to vector<16xf32>
    %swap3A_53 = vector.shape_cast %broadcast_in_dim3A_49 : vector<16xf32> to vector<16xf32>
    tpu.vector_store %arg6[%swap3A_50], %swap3A_53 {strides = array<i32>} : memref<128xf32, #tpu.memory_space<vmem>>, vector<16xf32>,
    %barrier3A = arith.constant 0 : index
    tpu.barrier barrier_id(%barrier3A)
    %mul3A_54 = arith.constant 195 : i32
    %mul3A_55 = arith.muli %add3A, %mul3A_54 : i32
    %min3A = arith.constant 10 : i32
    %min3A_56 = arith.minsi %add3A, %min3A : i32
    %add3A_57 = arith.addi %mul3A_55, %min3A_56 : i32
    %lt3A = arith.constant 10 : i32
    %lt3A_58 = arith.cmpi slt, %add3A, %lt3A : i32
    %jit3A = arith.constant 1 : i32
    %jit3A_59 = arith.constant 0 : i32
    %select_n3A = arith.select %lt3A_58, %jit3A, %jit3A_59 : i32
    %add3A_60 = arith.constant 195 : i32
    %add3A_61 = arith.addi %add3A_60, %select_n3A : i32
    %while3A = arith.constant 0 : i32
    %while3A_62 = arith.constant 0 : i32
    %while3A_63 = arith.subi %add3A_61, %while3A_62 : i32
    %while3A_64 = arith.addi %while3A_62, %while3A_63 : i32
    %while3A_65 = arith.constant 1 : i32
    %while3A_66 = arith.divsi %while3A_63, %while3A_65 : i32
    %while3A_67 = arith.muli %while3A_66, %while3A_65 : i32
    %while3A_68 = arith.addi %while3A_62, %while3A_67 : i32
    %while3A_69 = arith.constant 1 : i32
    scf.for %while3A_72 = %while3A_62 to %while3A_68 step %while3A_69  : i32 {
      %add3A_73 = arith.addi %add3A_57, %while3A_72 : i32
      "tpu.region"() ({
        %run_scoped3A = tpu.sem_alloc : memref<!tpu.dma_semaphore, #tpu.memory_space<semaphore_mem>>
        %dma_start3A_168 = arith.constant 0 : i32
        %dma_start3A_169 = arith.constant 0 : i32
        %dma_start3A_170 = tpu.memref_slice %arg2[%add3A_73, %dma_start3A_168, %dma_start3A_169] : memref<6250x8x128xi32, #tpu.memory_space<hbm>> -> memref<1x8x128xi32, #tpu.memory_space<hbm>>
        %dma_start3A_171 = tpu.memref_squeeze %dma_start3A_170 : memref<1x8x128xi32, #tpu.memory_space<hbm>> -> memref<8x128xi32, #tpu.memory_space<hbm>>
        %dma_start3A_172 = arith.constant 0 : i32
        %dma_start3A_173 = arith.constant 0 : i32
        %dma_start3A_174 = tpu.memref_slice %arg2[%add3A_73, %dma_start3A_172, %dma_start3A_173] : memref<6250x8x128xi32, #tpu.memory_space<hbm>> -> memref<1x8x128xi32, #tpu.memory_space<hbm>>
        %dma_start3A_175 = tpu.memref_squeeze %dma_start3A_174 : memref<1x8x128xi32, #tpu.memory_space<hbm>> -> memref<8x128xi32, #tpu.memory_space<hbm>>
        tpu.enqueue_dma source(%dma_start3A_175 : memref<8x128xi32, #tpu.memory_space<hbm>>) target(%arg5 : memref<8x128xi32, #tpu.memory_space<vmem>>) target_semaphore(%run_scoped3A : memref<!tpu.dma_semaphore, #tpu.memory_space<semaphore_mem>>)
        %dma_wait3A_176 = arith.constant 0 : i32
        %dma_wait3A_177 = arith.constant 0 : i32
        %dma_wait3A_178 = tpu.memref_slice %arg2[%add3A_73, %dma_wait3A_176, %dma_wait3A_177] : memref<6250x8x128xi32, #tpu.memory_space<hbm>> -> memref<1x8x128xi32, #tpu.memory_space<hbm>>
        %dma_wait3A_179 = tpu.memref_squeeze %dma_wait3A_178 : memref<1x8x128xi32, #tpu.memory_space<hbm>> -> memref<8x128xi32, #tpu.memory_space<hbm>>
        %dma_wait3A_180 = arith.constant 0 : i32
        %dma_wait3A_181 = arith.constant 0 : i32
        %dma_wait3A_182 = tpu.memref_slice %arg2[%add3A_73, %dma_wait3A_180, %dma_wait3A_181] : memref<6250x8x128xi32, #tpu.memory_space<hbm>> -> memref<1x8x128xi32, #tpu.memory_space<hbm>>
        %dma_wait3A_183 = tpu.memref_squeeze %dma_wait3A_182 : memref<1x8x128xi32, #tpu.memory_space<hbm>> -> memref<8x128xi32, #tpu.memory_space<hbm>>
        tpu.wait_dma2 semaphore(%run_scoped3A : memref<!tpu.dma_semaphore, #tpu.memory_space<semaphore_mem>>) src(%dma_wait3A_183 : memref<8x128xi32, #tpu.memory_space<hbm>>) dst(%arg5 : memref<8x128xi32, #tpu.memory_space<vmem>>)
        tpu.yield
      }) : () -> ()
      %dma_start3A = arith.constant 0 : i32
      %dma_start3A_74 = arith.constant 0 : i32
      %dma_start3A_75 = tpu.memref_slice %arg5[%dma_start3A, %dma_start3A_74] : memref<8x128xi32, #tpu.memory_space<vmem>> -> memref<1x128xi32, #tpu.memory_space<vmem>>
      %dma_start3A_76 = tpu.memref_squeeze %dma_start3A_75 : memref<1x128xi32, #tpu.memory_space<vmem>> -> memref<128xi32, #tpu.memory_space<vmem>>
      %dma_start3A_77 = arith.constant 0 : i32
      %dma_start3A_78 = tpu.memref_slice %arg4[%dma_start3A_77] : memref<100352xf32, #tpu.memory_space<vmem_shared>> -> memref<100352xf32, #tpu.memory_space<vmem_shared>>
      tpu.enqueue_indirect_dma source(%arg6 : memref<128xf32, #tpu.memory_space<vmem>>) target(%dma_start3A_78 : memref<100352xf32, #tpu.memory_space<vmem_shared>>) offsets(%dma_start3A_76 : memref<128xi32, #tpu.memory_space<vmem>>) semaphore(%arg8 : memref<!tpu.dma_semaphore, #tpu.memory_space<semaphore_mem>>) {add = true}
      %dma_start3A_79 = arith.constant 1 : i32
      %dma_start3A_80 = arith.constant 0 : i32
      %dma_start3A_81 = tpu.memref_slice %arg5[%dma_start3A_79, %dma_start3A_80] : memref<8x128xi32, #tpu.memory_space<vmem>> -> memref<1x128xi32, #tpu.memory_space<vmem>>
      %dma_start3A_82 = tpu.memref_squeeze %dma_start3A_81 : memref<1x128xi32, #tpu.memory_space<vmem>> -> memref<128xi32, #tpu.memory_space<vmem>>
      %dma_start3A_83 = arith.constant 0 : i32
      %dma_start3A_84 = tpu.memref_slice %arg4[%dma_start3A_83] : memref<100352xf32, #tpu.memory_space<vmem_shared>> -> memref<100352xf32, #tpu.memory_space<vmem_shared>>
      tpu.enqueue_indirect_dma source(%arg6 : memref<128xf32, #tpu.memory_space<vmem>>) target(%dma_start3A_84 : memref<100352xf32, #tpu.memory_space<vmem_shared>>) offsets(%dma_start3A_82 : memref<128xi32, #tpu.memory_space<vmem>>) semaphore(%arg8 : memref<!tpu.dma_semaphore, #tpu.memory_space<semaphore_mem>>) {add = true}
      %dma_start3A_85 = arith.constant 2 : i32
      %dma_start3A_86 = arith.constant 0 : i32
      %dma_start3A_87 = tpu.memref_slice %arg5[%dma_start3A_85, %dma_start3A_86] : memref<8x128xi32, #tpu.memory_space<vmem>> -> memref<1x128xi32, #tpu.memory_space<vmem>>
      %dma_start3A_88 = tpu.memref_squeeze %dma_start3A_87 : memref<1x128xi32, #tpu.memory_space<vmem>> -> memref<128xi32, #tpu.memory_space<vmem>>
      %dma_start3A_89 = arith.constant 0 : i32
      %dma_start3A_90 = tpu.memref_slice %arg4[%dma_start3A_89] : memref<100352xf32, #tpu.memory_space<vmem_shared>> -> memref<100352xf32, #tpu.memory_space<vmem_shared>>
      tpu.enqueue_indirect_dma source(%arg6 : memref<128xf32, #tpu.memory_space<vmem>>) target(%dma_start3A_90 : memref<100352xf32, #tpu.memory_space<vmem_shared>>) offsets(%dma_start3A_88 : memref<128xi32, #tpu.memory_space<vmem>>) semaphore(%arg8 : memref<!tpu.dma_semaphore, #tpu.memory_space<semaphore_mem>>) {add = true}
      %dma_start3A_91 = arith.constant 3 : i32
      %dma_start3A_92 = arith.constant 0 : i32
      %dma_start3A_93 = tpu.memref_slice %arg5[%dma_start3A_91, %dma_start3A_92] : memref<8x128xi32, #tpu.memory_space<vmem>> -> memref<1x128xi32, #tpu.memory_space<vmem>>
      %dma_start3A_94 = tpu.memref_squeeze %dma_start3A_93 : memref<1x128xi32, #tpu.memory_space<vmem>> -> memref<128xi32, #tpu.memory_space<vmem>>
      %dma_start3A_95 = arith.constant 0 : i32
      %dma_start3A_96 = tpu.memref_slice %arg4[%dma_start3A_95] : memref<100352xf32, #tpu.memory_space<vmem_shared>> -> memref<100352xf32, #tpu.memory_space<vmem_shared>>
      tpu.enqueue_indirect_dma source(%arg6 : memref<128xf32, #tpu.memory_space<vmem>>) target(%dma_start3A_96 : memref<100352xf32, #tpu.memory_space<vmem_shared>>) offsets(%dma_start3A_94 : memref<128xi32, #tpu.memory_space<vmem>>) semaphore(%arg8 : memref<!tpu.dma_semaphore, #tpu.memory_space<semaphore_mem>>) {add = true}
      %dma_start3A_97 = arith.constant 4 : i32
      %dma_start3A_98 = arith.constant 0 : i32
      %dma_start3A_99 = tpu.memref_slice %arg5[%dma_start3A_97, %dma_start3A_98] : memref<8x128xi32, #tpu.memory_space<vmem>> -> memref<1x128xi32, #tpu.memory_space<vmem>>
      %dma_start3A_100 = tpu.memref_squeeze %dma_start3A_99 : memref<1x128xi32, #tpu.memory_space<vmem>> -> memref<128xi32, #tpu.memory_space<vmem>>
      %dma_start3A_101 = arith.constant 0 : i32
      %dma_start3A_102 = tpu.memref_slice %arg4[%dma_start3A_101] : memref<100352xf32, #tpu.memory_space<vmem_shared>> -> memref<100352xf32, #tpu.memory_space<vmem_shared>>
      tpu.enqueue_indirect_dma source(%arg6 : memref<128xf32, #tpu.memory_space<vmem>>) target(%dma_start3A_102 : memref<100352xf32, #tpu.memory_space<vmem_shared>>) offsets(%dma_start3A_100 : memref<128xi32, #tpu.memory_space<vmem>>) semaphore(%arg8 : memref<!tpu.dma_semaphore, #tpu.memory_space<semaphore_mem>>) {add = true}
      %dma_start3A_103 = arith.constant 5 : i32
      %dma_start3A_104 = arith.constant 0 : i32
      %dma_start3A_105 = tpu.memref_slice %arg5[%dma_start3A_103, %dma_start3A_104] : memref<8x128xi32, #tpu.memory_space<vmem>> -> memref<1x128xi32, #tpu.memory_space<vmem>>
      %dma_start3A_106 = tpu.memref_squeeze %dma_start3A_105 : memref<1x128xi32, #tpu.memory_space<vmem>> -> memref<128xi32, #tpu.memory_space<vmem>>
      %dma_start3A_107 = arith.constant 0 : i32
      %dma_start3A_108 = tpu.memref_slice %arg4[%dma_start3A_107] : memref<100352xf32, #tpu.memory_space<vmem_shared>> -> memref<100352xf32, #tpu.memory_space<vmem_shared>>
      tpu.enqueue_indirect_dma source(%arg6 : memref<128xf32, #tpu.memory_space<vmem>>) target(%dma_start3A_108 : memref<100352xf32, #tpu.memory_space<vmem_shared>>) offsets(%dma_start3A_106 : memref<128xi32, #tpu.memory_space<vmem>>) semaphore(%arg8 : memref<!tpu.dma_semaphore, #tpu.memory_space<semaphore_mem>>) {add = true}
      %dma_start3A_109 = arith.constant 6 : i32
      %dma_start3A_110 = arith.constant 0 : i32
      %dma_start3A_111 = tpu.memref_slice %arg5[%dma_start3A_109, %dma_start3A_110] : memref<8x128xi32, #tpu.memory_space<vmem>> -> memref<1x128xi32, #tpu.memory_space<vmem>>
      %dma_start3A_112 = tpu.memref_squeeze %dma_start3A_111 : memref<1x128xi32, #tpu.memory_space<vmem>> -> memref<128xi32, #tpu.memory_space<vmem>>
      %dma_start3A_113 = arith.constant 0 : i32
      %dma_start3A_114 = tpu.memref_slice %arg4[%dma_start3A_113] : memref<100352xf32, #tpu.memory_space<vmem_shared>> -> memref<100352xf32, #tpu.memory_space<vmem_shared>>
      tpu.enqueue_indirect_dma source(%arg6 : memref<128xf32, #tpu.memory_space<vmem>>) target(%dma_start3A_114 : memref<100352xf32, #tpu.memory_space<vmem_shared>>) offsets(%dma_start3A_112 : memref<128xi32, #tpu.memory_space<vmem>>) semaphore(%arg8 : memref<!tpu.dma_semaphore, #tpu.memory_space<semaphore_mem>>) {add = true}
      %dma_start3A_115 = arith.constant 7 : i32
      %dma_start3A_116 = arith.constant 0 : i32
      %dma_start3A_117 = tpu.memref_slice %arg5[%dma_start3A_115, %dma_start3A_116] : memref<8x128xi32, #tpu.memory_space<vmem>> -> memref<1x128xi32, #tpu.memory_space<vmem>>
      %dma_start3A_118 = tpu.memref_squeeze %dma_start3A_117 : memref<1x128xi32, #tpu.memory_space<vmem>> -> memref<128xi32, #tpu.memory_space<vmem>>
      %dma_start3A_119 = arith.constant 0 : i32
      %dma_start3A_120 = tpu.memref_slice %arg4[%dma_start3A_119] : memref<100352xf32, #tpu.memory_space<vmem_shared>> -> memref<100352xf32, #tpu.memory_space<vmem_shared>>
      tpu.enqueue_indirect_dma source(%arg6 : memref<128xf32, #tpu.memory_space<vmem>>) target(%dma_start3A_120 : memref<100352xf32, #tpu.memory_space<vmem_shared>>) offsets(%dma_start3A_118 : memref<128xi32, #tpu.memory_space<vmem>>) semaphore(%arg8 : memref<!tpu.dma_semaphore, #tpu.memory_space<semaphore_mem>>) {add = true}
      %dma_wait3A = arith.constant 0 : i32
      %dma_wait3A_121 = arith.constant 0 : i32
      %dma_wait3A_122 = tpu.memref_slice %arg5[%dma_wait3A, %dma_wait3A_121] : memref<8x128xi32, #tpu.memory_space<vmem>> -> memref<1x128xi32, #tpu.memory_space<vmem>>
      %dma_wait3A_123 = tpu.memref_squeeze %dma_wait3A_122 : memref<1x128xi32, #tpu.memory_space<vmem>> -> memref<128xi32, #tpu.memory_space<vmem>>
      %dma_wait3A_124 = arith.constant 0 : i32
      %dma_wait3A_125 = tpu.memref_slice %arg4[%dma_wait3A_124] : memref<100352xf32, #tpu.memory_space<vmem_shared>> -> memref<100352xf32, #tpu.memory_space<vmem_shared>>
      tpu.wait_indirect_dma semaphore(%arg8 : memref<!tpu.dma_semaphore, #tpu.memory_space<semaphore_mem>>) src(%arg6 : memref<128xf32, #tpu.memory_space<vmem>>) dst(%dma_wait3A_125 : memref<100352xf32, #tpu.memory_space<vmem_shared>>)
      %dma_wait3A_126 = arith.constant 1 : i32
      %dma_wait3A_127 = arith.constant 0 : i32
      %dma_wait3A_128 = tpu.memref_slice %arg5[%dma_wait3A_126, %dma_wait3A_127] : memref<8x128xi32, #tpu.memory_space<vmem>> -> memref<1x128xi32, #tpu.memory_space<vmem>>
      %dma_wait3A_129 = tpu.memref_squeeze %dma_wait3A_128 : memref<1x128xi32, #tpu.memory_space<vmem>> -> memref<128xi32, #tpu.memory_space<vmem>>
      %dma_wait3A_130 = arith.constant 0 : i32
      %dma_wait3A_131 = tpu.memref_slice %arg4[%dma_wait3A_130] : memref<100352xf32, #tpu.memory_space<vmem_shared>> -> memref<100352xf32, #tpu.memory_space<vmem_shared>>
      tpu.wait_indirect_dma semaphore(%arg8 : memref<!tpu.dma_semaphore, #tpu.memory_space<semaphore_mem>>) src(%arg6 : memref<128xf32, #tpu.memory_space<vmem>>) dst(%dma_wait3A_131 : memref<100352xf32, #tpu.memory_space<vmem_shared>>)
      %dma_wait3A_132 = arith.constant 2 : i32
      %dma_wait3A_133 = arith.constant 0 : i32
      %dma_wait3A_134 = tpu.memref_slice %arg5[%dma_wait3A_132, %dma_wait3A_133] : memref<8x128xi32, #tpu.memory_space<vmem>> -> memref<1x128xi32, #tpu.memory_space<vmem>>
      %dma_wait3A_135 = tpu.memref_squeeze %dma_wait3A_134 : memref<1x128xi32, #tpu.memory_space<vmem>> -> memref<128xi32, #tpu.memory_space<vmem>>
      %dma_wait3A_136 = arith.constant 0 : i32
      %dma_wait3A_137 = tpu.memref_slice %arg4[%dma_wait3A_136] : memref<100352xf32, #tpu.memory_space<vmem_shared>> -> memref<100352xf32, #tpu.memory_space<vmem_shared>>
      tpu.wait_indirect_dma semaphore(%arg8 : memref<!tpu.dma_semaphore, #tpu.memory_space<semaphore_mem>>) src(%arg6 : memref<128xf32, #tpu.memory_space<vmem>>) dst(%dma_wait3A_137 : memref<100352xf32, #tpu.memory_space<vmem_shared>>)
      %dma_wait3A_138 = arith.constant 3 : i32
      %dma_wait3A_139 = arith.constant 0 : i32
      %dma_wait3A_140 = tpu.memref_slice %arg5[%dma_wait3A_138, %dma_wait3A_139] : memref<8x128xi32, #tpu.memory_space<vmem>> -> memref<1x128xi32, #tpu.memory_space<vmem>>
      %dma_wait3A_141 = tpu.memref_squeeze %dma_wait3A_140 : memref<1x128xi32, #tpu.memory_space<vmem>> -> memref<128xi32, #tpu.memory_space<vmem>>
      %dma_wait3A_142 = arith.constant 0 : i32
      %dma_wait3A_143 = tpu.memref_slice %arg4[%dma_wait3A_142] : memref<100352xf32, #tpu.memory_space<vmem_shared>> -> memref<100352xf32, #tpu.memory_space<vmem_shared>>
      tpu.wait_indirect_dma semaphore(%arg8 : memref<!tpu.dma_semaphore, #tpu.memory_space<semaphore_mem>>) src(%arg6 : memref<128xf32, #tpu.memory_space<vmem>>) dst(%dma_wait3A_143 : memref<100352xf32, #tpu.memory_space<vmem_shared>>)
      %dma_wait3A_144 = arith.constant 4 : i32
      %dma_wait3A_145 = arith.constant 0 : i32
      %dma_wait3A_146 = tpu.memref_slice %arg5[%dma_wait3A_144, %dma_wait3A_145] : memref<8x128xi32, #tpu.memory_space<vmem>> -> memref<1x128xi32, #tpu.memory_space<vmem>>
      %dma_wait3A_147 = tpu.memref_squeeze %dma_wait3A_146 : memref<1x128xi32, #tpu.memory_space<vmem>> -> memref<128xi32, #tpu.memory_space<vmem>>
      %dma_wait3A_148 = arith.constant 0 : i32
      %dma_wait3A_149 = tpu.memref_slice %arg4[%dma_wait3A_148] : memref<100352xf32, #tpu.memory_space<vmem_shared>> -> memref<100352xf32, #tpu.memory_space<vmem_shared>>
      tpu.wait_indirect_dma semaphore(%arg8 : memref<!tpu.dma_semaphore, #tpu.memory_space<semaphore_mem>>) src(%arg6 : memref<128xf32, #tpu.memory_space<vmem>>) dst(%dma_wait3A_149 : memref<100352xf32, #tpu.memory_space<vmem_shared>>)
      %dma_wait3A_150 = arith.constant 5 : i32
      %dma_wait3A_151 = arith.constant 0 : i32
      %dma_wait3A_152 = tpu.memref_slice %arg5[%dma_wait3A_150, %dma_wait3A_151] : memref<8x128xi32, #tpu.memory_space<vmem>> -> memref<1x128xi32, #tpu.memory_space<vmem>>
      %dma_wait3A_153 = tpu.memref_squeeze %dma_wait3A_152 : memref<1x128xi32, #tpu.memory_space<vmem>> -> memref<128xi32, #tpu.memory_space<vmem>>
      %dma_wait3A_154 = arith.constant 0 : i32
      %dma_wait3A_155 = tpu.memref_slice %arg4[%dma_wait3A_154] : memref<100352xf32, #tpu.memory_space<vmem_shared>> -> memref<100352xf32, #tpu.memory_space<vmem_shared>>
      tpu.wait_indirect_dma semaphore(%arg8 : memref<!tpu.dma_semaphore, #tpu.memory_space<semaphore_mem>>) src(%arg6 : memref<128xf32, #tpu.memory_space<vmem>>) dst(%dma_wait3A_155 : memref<100352xf32, #tpu.memory_space<vmem_shared>>)
      %dma_wait3A_156 = arith.constant 6 : i32
      %dma_wait3A_157 = arith.constant 0 : i32
      %dma_wait3A_158 = tpu.memref_slice %arg5[%dma_wait3A_156, %dma_wait3A_157] : memref<8x128xi32, #tpu.memory_space<vmem>> -> memref<1x128xi32, #tpu.memory_space<vmem>>
      %dma_wait3A_159 = tpu.memref_squeeze %dma_wait3A_158 : memref<1x128xi32, #tpu.memory_space<vmem>> -> memref<128xi32, #tpu.memory_space<vmem>>
      %dma_wait3A_160 = arith.constant 0 : i32
      %dma_wait3A_161 = tpu.memref_slice %arg4[%dma_wait3A_160] : memref<100352xf32, #tpu.memory_space<vmem_shared>> -> memref<100352xf32, #tpu.memory_space<vmem_shared>>
      tpu.wait_indirect_dma semaphore(%arg8 : memref<!tpu.dma_semaphore, #tpu.memory_space<semaphore_mem>>) src(%arg6 : memref<128xf32, #tpu.memory_space<vmem>>) dst(%dma_wait3A_161 : memref<100352xf32, #tpu.memory_space<vmem_shared>>)
      %dma_wait3A_162 = arith.constant 7 : i32
      %dma_wait3A_163 = arith.constant 0 : i32
      %dma_wait3A_164 = tpu.memref_slice %arg5[%dma_wait3A_162, %dma_wait3A_163] : memref<8x128xi32, #tpu.memory_space<vmem>> -> memref<1x128xi32, #tpu.memory_space<vmem>>
      %dma_wait3A_165 = tpu.memref_squeeze %dma_wait3A_164 : memref<1x128xi32, #tpu.memory_space<vmem>> -> memref<128xi32, #tpu.memory_space<vmem>>
      %dma_wait3A_166 = arith.constant 0 : i32
      %dma_wait3A_167 = tpu.memref_slice %arg4[%dma_wait3A_166] : memref<100352xf32, #tpu.memory_space<vmem_shared>> -> memref<100352xf32, #tpu.memory_space<vmem_shared>>
      tpu.wait_indirect_dma semaphore(%arg8 : memref<!tpu.dma_semaphore, #tpu.memory_space<semaphore_mem>>) src(%arg6 : memref<128xf32, #tpu.memory_space<vmem>>) dst(%dma_wait3A_167 : memref<100352xf32, #tpu.memory_space<vmem_shared>>)
    }
    %while3A_70 = arith.constant 1 : i32
    scf.for %while3A_72 = %while3A_68 to %while3A_64 step %while3A_70  : i32 {
      %add3A_73 = arith.addi %add3A_57, %while3A_72 : i32
      "tpu.region"() ({
        %run_scoped3A = tpu.sem_alloc : memref<!tpu.dma_semaphore, #tpu.memory_space<semaphore_mem>>
        %dma_start3A_168 = arith.constant 0 : i32
        %dma_start3A_169 = arith.constant 0 : i32
        %dma_start3A_170 = tpu.memref_slice %arg2[%add3A_73, %dma_start3A_168, %dma_start3A_169] : memref<6250x8x128xi32, #tpu.memory_space<hbm>> -> memref<1x8x128xi32, #tpu.memory_space<hbm>>
        %dma_start3A_171 = tpu.memref_squeeze %dma_start3A_170 : memref<1x8x128xi32, #tpu.memory_space<hbm>> -> memref<8x128xi32, #tpu.memory_space<hbm>>
        %dma_start3A_172 = arith.constant 0 : i32
        %dma_start3A_173 = arith.constant 0 : i32
        %dma_start3A_174 = tpu.memref_slice %arg2[%add3A_73, %dma_start3A_172, %dma_start3A_173] : memref<6250x8x128xi32, #tpu.memory_space<hbm>> -> memref<1x8x128xi32, #tpu.memory_space<hbm>>
        %dma_start3A_175 = tpu.memref_squeeze %dma_start3A_174 : memref<1x8x128xi32, #tpu.memory_space<hbm>> -> memref<8x128xi32, #tpu.memory_space<hbm>>
        tpu.enqueue_dma source(%dma_start3A_175 : memref<8x128xi32, #tpu.memory_space<hbm>>) target(%arg5 : memref<8x128xi32, #tpu.memory_space<vmem>>) target_semaphore(%run_scoped3A : memref<!tpu.dma_semaphore, #tpu.memory_space<semaphore_mem>>)
        %dma_wait3A_176 = arith.constant 0 : i32
        %dma_wait3A_177 = arith.constant 0 : i32
        %dma_wait3A_178 = tpu.memref_slice %arg2[%add3A_73, %dma_wait3A_176, %dma_wait3A_177] : memref<6250x8x128xi32, #tpu.memory_space<hbm>> -> memref<1x8x128xi32, #tpu.memory_space<hbm>>
        %dma_wait3A_179 = tpu.memref_squeeze %dma_wait3A_178 : memref<1x8x128xi32, #tpu.memory_space<hbm>> -> memref<8x128xi32, #tpu.memory_space<hbm>>
        %dma_wait3A_180 = arith.constant 0 : i32
        %dma_wait3A_181 = arith.constant 0 : i32
        %dma_wait3A_182 = tpu.memref_slice %arg2[%add3A_73, %dma_wait3A_180, %dma_wait3A_181] : memref<6250x8x128xi32, #tpu.memory_space<hbm>> -> memref<1x8x128xi32, #tpu.memory_space<hbm>>
        %dma_wait3A_183 = tpu.memref_squeeze %dma_wait3A_182 : memref<1x8x128xi32, #tpu.memory_space<hbm>> -> memref<8x128xi32, #tpu.memory_space<hbm>>
        tpu.wait_dma2 semaphore(%run_scoped3A : memref<!tpu.dma_semaphore, #tpu.memory_space<semaphore_mem>>) src(%dma_wait3A_183 : memref<8x128xi32, #tpu.memory_space<hbm>>) dst(%arg5 : memref<8x128xi32, #tpu.memory_space<vmem>>)
        tpu.yield
      }) : () -> ()
      %dma_start3A = arith.constant 0 : i32
      %dma_start3A_74 = arith.constant 0 : i32
      %dma_start3A_75 = tpu.memref_slice %arg5[%dma_start3A, %dma_start3A_74] : memref<8x128xi32, #tpu.memory_space<vmem>> -> memref<1x128xi32, #tpu.memory_space<vmem>>
      %dma_start3A_76 = tpu.memref_squeeze %dma_start3A_75 : memref<1x128xi32, #tpu.memory_space<vmem>> -> memref<128xi32, #tpu.memory_space<vmem>>
      %dma_start3A_77 = arith.constant 0 : i32
      %dma_start3A_78 = tpu.memref_slice %arg4[%dma_start3A_77] : memref<100352xf32, #tpu.memory_space<vmem_shared>> -> memref<100352xf32, #tpu.memory_space<vmem_shared>>
      tpu.enqueue_indirect_dma source(%arg6 : memref<128xf32, #tpu.memory_space<vmem>>) target(%dma_start3A_78 : memref<100352xf32, #tpu.memory_space<vmem_shared>>) offsets(%dma_start3A_76 : memref<128xi32, #tpu.memory_space<vmem>>) semaphore(%arg8 : memref<!tpu.dma_semaphore, #tpu.memory_space<semaphore_mem>>) {add = true}
      %dma_start3A_79 = arith.constant 1 : i32
      %dma_start3A_80 = arith.constant 0 : i32
      %dma_start3A_81 = tpu.memref_slice %arg5[%dma_start3A_79, %dma_start3A_80] : memref<8x128xi32, #tpu.memory_space<vmem>> -> memref<1x128xi32, #tpu.memory_space<vmem>>
      %dma_start3A_82 = tpu.memref_squeeze %dma_start3A_81 : memref<1x128xi32, #tpu.memory_space<vmem>> -> memref<128xi32, #tpu.memory_space<vmem>>
      %dma_start3A_83 = arith.constant 0 : i32
      %dma_start3A_84 = tpu.memref_slice %arg4[%dma_start3A_83] : memref<100352xf32, #tpu.memory_space<vmem_shared>> -> memref<100352xf32, #tpu.memory_space<vmem_shared>>
      tpu.enqueue_indirect_dma source(%arg6 : memref<128xf32, #tpu.memory_space<vmem>>) target(%dma_start3A_84 : memref<100352xf32, #tpu.memory_space<vmem_shared>>) offsets(%dma_start3A_82 : memref<128xi32, #tpu.memory_space<vmem>>) semaphore(%arg8 : memref<!tpu.dma_semaphore, #tpu.memory_space<semaphore_mem>>) {add = true}
      %dma_start3A_85 = arith.constant 2 : i32
      %dma_start3A_86 = arith.constant 0 : i32
      %dma_start3A_87 = tpu.memref_slice %arg5[%dma_start3A_85, %dma_start3A_86] : memref<8x128xi32, #tpu.memory_space<vmem>> -> memref<1x128xi32, #tpu.memory_space<vmem>>
      %dma_start3A_88 = tpu.memref_squeeze %dma_start3A_87 : memref<1x128xi32, #tpu.memory_space<vmem>> -> memref<128xi32, #tpu.memory_space<vmem>>
      %dma_start3A_89 = arith.constant 0 : i32
      %dma_start3A_90 = tpu.memref_slice %arg4[%dma_start3A_89] : memref<100352xf32, #tpu.memory_space<vmem_shared>> -> memref<100352xf32, #tpu.memory_space<vmem_shared>>
      tpu.enqueue_indirect_dma source(%arg6 : memref<128xf32, #tpu.memory_space<vmem>>) target(%dma_start3A_90 : memref<100352xf32, #tpu.memory_space<vmem_shared>>) offsets(%dma_start3A_88 : memref<128xi32, #tpu.memory_space<vmem>>) semaphore(%arg8 : memref<!tpu.dma_semaphore, #tpu.memory_space<semaphore_mem>>) {add = true}
      %dma_start3A_91 = arith.constant 3 : i32
      %dma_start3A_92 = arith.constant 0 : i32
      %dma_start3A_93 = tpu.memref_slice %arg5[%dma_start3A_91, %dma_start3A_92] : memref<8x128xi32, #tpu.memory_space<vmem>> -> memref<1x128xi32, #tpu.memory_space<vmem>>
      %dma_start3A_94 = tpu.memref_squeeze %dma_start3A_93 : memref<1x128xi32, #tpu.memory_space<vmem>> -> memref<128xi32, #tpu.memory_space<vmem>>
      %dma_start3A_95 = arith.constant 0 : i32
      %dma_start3A_96 = tpu.memref_slice %arg4[%dma_start3A_95] : memref<100352xf32, #tpu.memory_space<vmem_shared>> -> memref<100352xf32, #tpu.memory_space<vmem_shared>>
      tpu.enqueue_indirect_dma source(%arg6 : memref<128xf32, #tpu.memory_space<vmem>>) target(%dma_start3A_96 : memref<100352xf32, #tpu.memory_space<vmem_shared>>) offsets(%dma_start3A_94 : memref<128xi32, #tpu.memory_space<vmem>>) semaphore(%arg8 : memref<!tpu.dma_semaphore, #tpu.memory_space<semaphore_mem>>) {add = true}
      %dma_start3A_97 = arith.constant 4 : i32
      %dma_start3A_98 = arith.constant 0 : i32
      %dma_start3A_99 = tpu.memref_slice %arg5[%dma_start3A_97, %dma_start3A_98] : memref<8x128xi32, #tpu.memory_space<vmem>> -> memref<1x128xi32, #tpu.memory_space<vmem>>
      %dma_start3A_100 = tpu.memref_squeeze %dma_start3A_99 : memref<1x128xi32, #tpu.memory_space<vmem>> -> memref<128xi32, #tpu.memory_space<vmem>>
      %dma_start3A_101 = arith.constant 0 : i32
      %dma_start3A_102 = tpu.memref_slice %arg4[%dma_start3A_101] : memref<100352xf32, #tpu.memory_space<vmem_shared>> -> memref<100352xf32, #tpu.memory_space<vmem_shared>>
      tpu.enqueue_indirect_dma source(%arg6 : memref<128xf32, #tpu.memory_space<vmem>>) target(%dma_start3A_102 : memref<100352xf32, #tpu.memory_space<vmem_shared>>) offsets(%dma_start3A_100 : memref<128xi32, #tpu.memory_space<vmem>>) semaphore(%arg8 : memref<!tpu.dma_semaphore, #tpu.memory_space<semaphore_mem>>) {add = true}
      %dma_start3A_103 = arith.constant 5 : i32
      %dma_start3A_104 = arith.constant 0 : i32
      %dma_start3A_105 = tpu.memref_slice %arg5[%dma_start3A_103, %dma_start3A_104] : memref<8x128xi32, #tpu.memory_space<vmem>> -> memref<1x128xi32, #tpu.memory_space<vmem>>
      %dma_start3A_106 = tpu.memref_squeeze %dma_start3A_105 : memref<1x128xi32, #tpu.memory_space<vmem>> -> memref<128xi32, #tpu.memory_space<vmem>>
      %dma_start3A_107 = arith.constant 0 : i32
      %dma_start3A_108 = tpu.memref_slice %arg4[%dma_start3A_107] : memref<100352xf32, #tpu.memory_space<vmem_shared>> -> memref<100352xf32, #tpu.memory_space<vmem_shared>>
      tpu.enqueue_indirect_dma source(%arg6 : memref<128xf32, #tpu.memory_space<vmem>>) target(%dma_start3A_108 : memref<100352xf32, #tpu.memory_space<vmem_shared>>) offsets(%dma_start3A_106 : memref<128xi32, #tpu.memory_space<vmem>>) semaphore(%arg8 : memref<!tpu.dma_semaphore, #tpu.memory_space<semaphore_mem>>) {add = true}
      %dma_start3A_109 = arith.constant 6 : i32
      %dma_start3A_110 = arith.constant 0 : i32
      %dma_start3A_111 = tpu.memref_slice %arg5[%dma_start3A_109, %dma_start3A_110] : memref<8x128xi32, #tpu.memory_space<vmem>> -> memref<1x128xi32, #tpu.memory_space<vmem>>
      %dma_start3A_112 = tpu.memref_squeeze %dma_start3A_111 : memref<1x128xi32, #tpu.memory_space<vmem>> -> memref<128xi32, #tpu.memory_space<vmem>>
      %dma_start3A_113 = arith.constant 0 : i32
      %dma_start3A_114 = tpu.memref_slice %arg4[%dma_start3A_113] : memref<100352xf32, #tpu.memory_space<vmem_shared>> -> memref<100352xf32, #tpu.memory_space<vmem_shared>>
      tpu.enqueue_indirect_dma source(%arg6 : memref<128xf32, #tpu.memory_space<vmem>>) target(%dma_start3A_114 : memref<100352xf32, #tpu.memory_space<vmem_shared>>) offsets(%dma_start3A_112 : memref<128xi32, #tpu.memory_space<vmem>>) semaphore(%arg8 : memref<!tpu.dma_semaphore, #tpu.memory_space<semaphore_mem>>) {add = true}
      %dma_start3A_115 = arith.constant 7 : i32
      %dma_start3A_116 = arith.constant 0 : i32
      %dma_start3A_117 = tpu.memref_slice %arg5[%dma_start3A_115, %dma_start3A_116] : memref<8x128xi32, #tpu.memory_space<vmem>> -> memref<1x128xi32, #tpu.memory_space<vmem>>
      %dma_start3A_118 = tpu.memref_squeeze %dma_start3A_117 : memref<1x128xi32, #tpu.memory_space<vmem>> -> memref<128xi32, #tpu.memory_space<vmem>>
      %dma_start3A_119 = arith.constant 0 : i32
      %dma_start3A_120 = tpu.memref_slice %arg4[%dma_start3A_119] : memref<100352xf32, #tpu.memory_space<vmem_shared>> -> memref<100352xf32, #tpu.memory_space<vmem_shared>>
      tpu.enqueue_indirect_dma source(%arg6 : memref<128xf32, #tpu.memory_space<vmem>>) target(%dma_start3A_120 : memref<100352xf32, #tpu.memory_space<vmem_shared>>) offsets(%dma_start3A_118 : memref<128xi32, #tpu.memory_space<vmem>>) semaphore(%arg8 : memref<!tpu.dma_semaphore, #tpu.memory_space<semaphore_mem>>) {add = true}
      %dma_wait3A = arith.constant 0 : i32
      %dma_wait3A_121 = arith.constant 0 : i32
      %dma_wait3A_122 = tpu.memref_slice %arg5[%dma_wait3A, %dma_wait3A_121] : memref<8x128xi32, #tpu.memory_space<vmem>> -> memref<1x128xi32, #tpu.memory_space<vmem>>
      %dma_wait3A_123 = tpu.memref_squeeze %dma_wait3A_122 : memref<1x128xi32, #tpu.memory_space<vmem>> -> memref<128xi32, #tpu.memory_space<vmem>>
      %dma_wait3A_124 = arith.constant 0 : i32
      %dma_wait3A_125 = tpu.memref_slice %arg4[%dma_wait3A_124] : memref<100352xf32, #tpu.memory_space<vmem_shared>> -> memref<100352xf32, #tpu.memory_space<vmem_shared>>
      tpu.wait_indirect_dma semaphore(%arg8 : memref<!tpu.dma_semaphore, #tpu.memory_space<semaphore_mem>>) src(%arg6 : memref<128xf32, #tpu.memory_space<vmem>>) dst(%dma_wait3A_125 : memref<100352xf32, #tpu.memory_space<vmem_shared>>)
      %dma_wait3A_126 = arith.constant 1 : i32
      %dma_wait3A_127 = arith.constant 0 : i32
      %dma_wait3A_128 = tpu.memref_slice %arg5[%dma_wait3A_126, %dma_wait3A_127] : memref<8x128xi32, #tpu.memory_space<vmem>> -> memref<1x128xi32, #tpu.memory_space<vmem>>
      %dma_wait3A_129 = tpu.memref_squeeze %dma_wait3A_128 : memref<1x128xi32, #tpu.memory_space<vmem>> -> memref<128xi32, #tpu.memory_space<vmem>>
      %dma_wait3A_130 = arith.constant 0 : i32
      %dma_wait3A_131 = tpu.memref_slice %arg4[%dma_wait3A_130] : memref<100352xf32, #tpu.memory_space<vmem_shared>> -> memref<100352xf32, #tpu.memory_space<vmem_shared>>
      tpu.wait_indirect_dma semaphore(%arg8 : memref<!tpu.dma_semaphore, #tpu.memory_space<semaphore_mem>>) src(%arg6 : memref<128xf32, #tpu.memory_space<vmem>>) dst(%dma_wait3A_131 : memref<100352xf32, #tpu.memory_space<vmem_shared>>)
      %dma_wait3A_132 = arith.constant 2 : i32
      %dma_wait3A_133 = arith.constant 0 : i32
      %dma_wait3A_134 = tpu.memref_slice %arg5[%dma_wait3A_132, %dma_wait3A_133] : memref<8x128xi32, #tpu.memory_space<vmem>> -> memref<1x128xi32, #tpu.memory_space<vmem>>
      %dma_wait3A_135 = tpu.memref_squeeze %dma_wait3A_134 : memref<1x128xi32, #tpu.memory_space<vmem>> -> memref<128xi32, #tpu.memory_space<vmem>>
      %dma_wait3A_136 = arith.constant 0 : i32
      %dma_wait3A_137 = tpu.memref_slice %arg4[%dma_wait3A_136] : memref<100352xf32, #tpu.memory_space<vmem_shared>> -> memref<100352xf32, #tpu.memory_space<vmem_shared>>
      tpu.wait_indirect_dma semaphore(%arg8 : memref<!tpu.dma_semaphore, #tpu.memory_space<semaphore_mem>>) src(%arg6 : memref<128xf32, #tpu.memory_space<vmem>>) dst(%dma_wait3A_137 : memref<100352xf32, #tpu.memory_space<vmem_shared>>)
      %dma_wait3A_138 = arith.constant 3 : i32
      %dma_wait3A_139 = arith.constant 0 : i32
      %dma_wait3A_140 = tpu.memref_slice %arg5[%dma_wait3A_138, %dma_wait3A_139] : memref<8x128xi32, #tpu.memory_space<vmem>> -> memref<1x128xi32, #tpu.memory_space<vmem>>
      %dma_wait3A_141 = tpu.memref_squeeze %dma_wait3A_140 : memref<1x128xi32, #tpu.memory_space<vmem>> -> memref<128xi32, #tpu.memory_space<vmem>>
      %dma_wait3A_142 = arith.constant 0 : i32
      %dma_wait3A_143 = tpu.memref_slice %arg4[%dma_wait3A_142] : memref<100352xf32, #tpu.memory_space<vmem_shared>> -> memref<100352xf32, #tpu.memory_space<vmem_shared>>
      tpu.wait_indirect_dma semaphore(%arg8 : memref<!tpu.dma_semaphore, #tpu.memory_space<semaphore_mem>>) src(%arg6 : memref<128xf32, #tpu.memory_space<vmem>>) dst(%dma_wait3A_143 : memref<100352xf32, #tpu.memory_space<vmem_shared>>)
      %dma_wait3A_144 = arith.constant 4 : i32
      %dma_wait3A_145 = arith.constant 0 : i32
      %dma_wait3A_146 = tpu.memref_slice %arg5[%dma_wait3A_144, %dma_wait3A_145] : memref<8x128xi32, #tpu.memory_space<vmem>> -> memref<1x128xi32, #tpu.memory_space<vmem>>
      %dma_wait3A_147 = tpu.memref_squeeze %dma_wait3A_146 : memref<1x128xi32, #tpu.memory_space<vmem>> -> memref<128xi32, #tpu.memory_space<vmem>>
      %dma_wait3A_148 = arith.constant 0 : i32
      %dma_wait3A_149 = tpu.memref_slice %arg4[%dma_wait3A_148] : memref<100352xf32, #tpu.memory_space<vmem_shared>> -> memref<100352xf32, #tpu.memory_space<vmem_shared>>
      tpu.wait_indirect_dma semaphore(%arg8 : memref<!tpu.dma_semaphore, #tpu.memory_space<semaphore_mem>>) src(%arg6 : memref<128xf32, #tpu.memory_space<vmem>>) dst(%dma_wait3A_149 : memref<100352xf32, #tpu.memory_space<vmem_shared>>)
      %dma_wait3A_150 = arith.constant 5 : i32
      %dma_wait3A_151 = arith.constant 0 : i32
      %dma_wait3A_152 = tpu.memref_slice %arg5[%dma_wait3A_150, %dma_wait3A_151] : memref<8x128xi32, #tpu.memory_space<vmem>> -> memref<1x128xi32, #tpu.memory_space<vmem>>
      %dma_wait3A_153 = tpu.memref_squeeze %dma_wait3A_152 : memref<1x128xi32, #tpu.memory_space<vmem>> -> memref<128xi32, #tpu.memory_space<vmem>>
      %dma_wait3A_154 = arith.constant 0 : i32
      %dma_wait3A_155 = tpu.memref_slice %arg4[%dma_wait3A_154] : memref<100352xf32, #tpu.memory_space<vmem_shared>> -> memref<100352xf32, #tpu.memory_space<vmem_shared>>
      tpu.wait_indirect_dma semaphore(%arg8 : memref<!tpu.dma_semaphore, #tpu.memory_space<semaphore_mem>>) src(%arg6 : memref<128xf32, #tpu.memory_space<vmem>>) dst(%dma_wait3A_155 : memref<100352xf32, #tpu.memory_space<vmem_shared>>)
      %dma_wait3A_156 = arith.constant 6 : i32
      %dma_wait3A_157 = arith.constant 0 : i32
      %dma_wait3A_158 = tpu.memref_slice %arg5[%dma_wait3A_156, %dma_wait3A_157] : memref<8x128xi32, #tpu.memory_space<vmem>> -> memref<1x128xi32, #tpu.memory_space<vmem>>
      %dma_wait3A_159 = tpu.memref_squeeze %dma_wait3A_158 : memref<1x128xi32, #tpu.memory_space<vmem>> -> memref<128xi32, #tpu.memory_space<vmem>>
      %dma_wait3A_160 = arith.constant 0 : i32
      %dma_wait3A_161 = tpu.memref_slice %arg4[%dma_wait3A_160] : memref<100352xf32, #tpu.memory_space<vmem_shared>> -> memref<100352xf32, #tpu.memory_space<vmem_shared>>
      tpu.wait_indirect_dma semaphore(%arg8 : memref<!tpu.dma_semaphore, #tpu.memory_space<semaphore_mem>>) src(%arg6 : memref<128xf32, #tpu.memory_space<vmem>>) dst(%dma_wait3A_161 : memref<100352xf32, #tpu.memory_space<vmem_shared>>)
      %dma_wait3A_162 = arith.constant 7 : i32
      %dma_wait3A_163 = arith.constant 0 : i32
      %dma_wait3A_164 = tpu.memref_slice %arg5[%dma_wait3A_162, %dma_wait3A_163] : memref<8x128xi32, #tpu.memory_space<vmem>> -> memref<1x128xi32, #tpu.memory_space<vmem>>
      %dma_wait3A_165 = tpu.memref_squeeze %dma_wait3A_164 : memref<1x128xi32, #tpu.memory_space<vmem>> -> memref<128xi32, #tpu.memory_space<vmem>>
      %dma_wait3A_166 = arith.constant 0 : i32
      %dma_wait3A_167 = tpu.memref_slice %arg4[%dma_wait3A_166] : memref<100352xf32, #tpu.memory_space<vmem_shared>> -> memref<100352xf32, #tpu.memory_space<vmem_shared>>
      tpu.wait_indirect_dma semaphore(%arg8 : memref<!tpu.dma_semaphore, #tpu.memory_space<semaphore_mem>>) src(%arg6 : memref<128xf32, #tpu.memory_space<vmem>>) dst(%dma_wait3A_167 : memref<100352xf32, #tpu.memory_space<vmem_shared>>)
    }
    %barrier3A_71 = arith.constant 0 : index
    tpu.barrier barrier_id(%barrier3A_71)
    "tpu.region"() ({
      %run_scoped3A = tpu.sem_alloc : memref<!tpu.dma_semaphore, #tpu.memory_space<semaphore_mem>>
      %dma_start3A = tpu.memref_slice %arg4[%mul3A_2] : memref<100352xf32, #tpu.memory_space<vmem_shared>> -> memref<6272xf32, #tpu.memory_space<vmem_shared>>
      %dma_start3A_72 = tpu.memref_slice %arg4[%mul3A_2] : memref<100352xf32, #tpu.memory_space<vmem_shared>> -> memref<6272xf32, #tpu.memory_space<vmem_shared>>
      tpu.enqueue_dma source(%dma_start3A_72 : memref<6272xf32, #tpu.memory_space<vmem_shared>>) target(%arg7 : memref<6272xf32, #tpu.memory_space<vmem>>) target_semaphore(%run_scoped3A : memref<!tpu.dma_semaphore, #tpu.memory_space<semaphore_mem>>)
      %dma_wait3A = tpu.memref_slice %arg4[%mul3A_2] : memref<100352xf32, #tpu.memory_space<vmem_shared>> -> memref<6272xf32, #tpu.memory_space<vmem_shared>>
      %dma_wait3A_73 = tpu.memref_slice %arg4[%mul3A_2] : memref<100352xf32, #tpu.memory_space<vmem_shared>> -> memref<6272xf32, #tpu.memory_space<vmem_shared>>
      tpu.wait_dma2 semaphore(%run_scoped3A : memref<!tpu.dma_semaphore, #tpu.memory_space<semaphore_mem>>) src(%dma_wait3A_73 : memref<6272xf32, #tpu.memory_space<vmem_shared>>) dst(%arg7 : memref<6272xf32, #tpu.memory_space<vmem>>)
      tpu.yield
    }) : () -> ()
    "tpu.region"() ({
      %run_scoped3A = tpu.sem_alloc : memref<!tpu.dma_semaphore, #tpu.memory_space<semaphore_mem>>
      %dma_start3A = arith.constant 0 : i32
      %dma_start3A_72 = tpu.memref_slice %arg3[%arg0, %dma_start3A] : memref<2x100352xf32, #tpu.memory_space<hbm>> -> memref<1x100352xf32, #tpu.memory_space<hbm>>
      %dma_start3A_73 = tpu.memref_squeeze %dma_start3A_72 : memref<1x100352xf32, #tpu.memory_space<hbm>> -> memref<100352xf32, #tpu.memory_space<hbm>>
      %dma_start3A_74 = tpu.memref_slice %dma_start3A_73[%mul3A_2] : memref<100352xf32, #tpu.memory_space<hbm>> -> memref<6272xf32, #tpu.memory_space<hbm>>
      %dma_start3A_75 = arith.constant 0 : i32
      %dma_start3A_76 = tpu.memref_slice %arg3[%arg0, %dma_start3A_75] : memref<2x100352xf32, #tpu.memory_space<hbm>> -> memref<1x100352xf32, #tpu.memory_space<hbm>>
      %dma_start3A_77 = tpu.memref_squeeze %dma_start3A_76 : memref<1x100352xf32, #tpu.memory_space<hbm>> -> memref<100352xf32, #tpu.memory_space<hbm>>
      %dma_start3A_78 = tpu.memref_slice %dma_start3A_77[%mul3A_2] : memref<100352xf32, #tpu.memory_space<hbm>> -> memref<6272xf32, #tpu.memory_space<hbm>>
      tpu.enqueue_dma source(%arg7 : memref<6272xf32, #tpu.memory_space<vmem>>) target(%dma_start3A_78 : memref<6272xf32, #tpu.memory_space<hbm>>) target_semaphore(%run_scoped3A : memref<!tpu.dma_semaphore, #tpu.memory_space<semaphore_mem>>)
      %dma_wait3A = arith.constant 0 : i32
      %dma_wait3A_79 = tpu.memref_slice %arg3[%arg0, %dma_wait3A] : memref<2x100352xf32, #tpu.memory_space<hbm>> -> memref<1x100352xf32, #tpu.memory_space<hbm>>
      %dma_wait3A_80 = tpu.memref_squeeze %dma_wait3A_79 : memref<1x100352xf32, #tpu.memory_space<hbm>> -> memref<100352xf32, #tpu.memory_space<hbm>>
      %dma_wait3A_81 = tpu.memref_slice %dma_wait3A_80[%mul3A_2] : memref<100352xf32, #tpu.memory_space<hbm>> -> memref<6272xf32, #tpu.memory_space<hbm>>
      %dma_wait3A_82 = arith.constant 0 : i32
      %dma_wait3A_83 = tpu.memref_slice %arg3[%arg0, %dma_wait3A_82] : memref<2x100352xf32, #tpu.memory_space<hbm>> -> memref<1x100352xf32, #tpu.memory_space<hbm>>
      %dma_wait3A_84 = tpu.memref_squeeze %dma_wait3A_83 : memref<1x100352xf32, #tpu.memory_space<hbm>> -> memref<100352xf32, #tpu.memory_space<hbm>>
      %dma_wait3A_85 = tpu.memref_slice %dma_wait3A_84[%mul3A_2] : memref<100352xf32, #tpu.memory_space<hbm>> -> memref<6272xf32, #tpu.memory_space<hbm>>
      tpu.wait_dma2 semaphore(%run_scoped3A : memref<!tpu.dma_semaphore, #tpu.memory_space<semaphore_mem>>) src(%arg7 : memref<6272xf32, #tpu.memory_space<vmem>>) dst(%dma_wait3A_85 : memref<6272xf32, #tpu.memory_space<hbm>>)
      tpu.yield
    }) : () -> ()
    return
  }
}

module attributes {stable_mosaic.version = 14 : i64} {
  func.func @_tc1_body(%arg0: memref<2x784x128xf32, #tpu.memory_space<vmem>>, %arg1: memref<784x128xf32, #tpu.memory_space<vmem>>, %arg2: memref<784x128xf32, #tpu.memory_space<vmem>>, %arg3: memref<784x128xf32, #tpu.memory_space<vmem>>) attributes {dimension_semantics = [], scalar_prefetch = 0 : i64, scratch_operands = 0 : i64, tpu.core_type = #tpu.core_type<tc>} {
    %get3A = arith.constant 0 : index
    %get3A_0 = arith.constant 0 : index
    %get3A_1 = arith.constant 0 : index
    %get3A_2 = vector.load %arg0[%get3A, %get3A_0, %get3A_1] : memref<2x784x128xf32, #tpu.memory_space<vmem>>, vector<1x784x128xf32>
    %get3A_3 = vector.shape_cast %get3A_2 : vector<1x784x128xf32> to vector<784x128xf32>
    %get3A_4 = arith.constant 1 : index
    %get3A_5 = arith.constant 0 : index
    %get3A_6 = arith.constant 0 : index
    %get3A_7 = vector.load %arg0[%get3A_4, %get3A_5, %get3A_6] : memref<2x784x128xf32, #tpu.memory_space<vmem>>, vector<1x784x128xf32>
    %get3A_8 = vector.shape_cast %get3A_7 : vector<1x784x128xf32> to vector<784x128xf32>
    %add3A = arith.addf %get3A_3, %get3A_8 : vector<784x128xf32>
    %add3A_9 = arith.constant 1.000000e+00 : f32
    %add3A_10 = vector.broadcast %add3A_9 : f32 to vector<784x128xf32>
    %add3A_11 = arith.addf %add3A, %add3A_10 : vector<784x128xf32>
    %rsqrt3A = math.rsqrt %add3A_11 : vector<784x128xf32>
    %swap3A = arith.constant 0 : index
    %swap3A_12 = arith.constant 0 : index
    %swap3A_13 = vector.load %arg2[%swap3A, %swap3A_12] : memref<784x128xf32, #tpu.memory_space<vmem>>, vector<784x128xf32>
    tpu.vector_store %arg2[%swap3A, %swap3A_12], %rsqrt3A {strides = array<i32>} : memref<784x128xf32, #tpu.memory_space<vmem>>, vector<784x128xf32>,
    %get3A_14 = arith.constant 0 : index
    %get3A_15 = arith.constant 0 : index
    %get3A_16 = vector.load %arg1[%get3A_14, %get3A_15] : memref<784x128xf32, #tpu.memory_space<vmem>>, vector<784x128xf32>
    %mul3A = arith.mulf %get3A_16, %rsqrt3A : vector<784x128xf32>
    %swap3A_17 = arith.constant 0 : index
    %swap3A_18 = arith.constant 0 : index
    %swap3A_19 = vector.load %arg3[%swap3A_17, %swap3A_18] : memref<784x128xf32, #tpu.memory_space<vmem>>, vector<784x128xf32>
    tpu.vector_store %arg3[%swap3A_17, %swap3A_18], %mul3A {strides = array<i32>} : memref<784x128xf32, #tpu.memory_space<vmem>>, vector<784x128xf32>,
    return
  }
}

module attributes {stable_mosaic.version = 14 : i64} {
  func.func @_tc2_body(%arg0: memref<784x128xf32, #tpu.memory_space<vmem>>, %arg1: memref<784x128xf32, #tpu.memory_space<vmem>>, %arg2: memref<2x784x128xf32, #tpu.memory_space<vmem>>, %arg3: memref<1x16xf32, #tpu.memory_space<smem>>, %arg4: memref<1x16xf32, #tpu.memory_space<smem>>, %arg5: memref<16x2xf32, #tpu.memory_space<smem>>, %arg6: memref<784x128xf32, #tpu.memory_space<vmem>>, %arg7: memref<784x128xf32, #tpu.memory_space<vmem>>) attributes {dimension_semantics = [], scalar_prefetch = 0 : i64, scratch_operands = 0 : i64, tpu.core_type = #tpu.core_type<tc>} {
    %get3A = arith.constant 0 : index
    %get3A_0 = arith.constant 0 : index
    %get3A_1 = vector.load %arg0[%get3A, %get3A_0] : memref<784x128xf32, #tpu.memory_space<vmem>>, vector<784x128xf32>
    %get3A_2 = arith.constant 0 : index
    %get3A_3 = arith.constant 0 : index
    %get3A_4 = arith.constant 0 : index
    %get3A_5 = vector.load %arg2[%get3A_2, %get3A_3, %get3A_4] : memref<2x784x128xf32, #tpu.memory_space<vmem>>, vector<1x784x128xf32>
    %get3A_6 = vector.shape_cast %get3A_5 : vector<1x784x128xf32> to vector<784x128xf32>
    %get3A_7 = arith.constant 1 : index
    %get3A_8 = arith.constant 0 : index
    %get3A_9 = arith.constant 0 : index
    %get3A_10 = vector.load %arg2[%get3A_7, %get3A_8, %get3A_9] : memref<2x784x128xf32, #tpu.memory_space<vmem>>, vector<1x784x128xf32>
    %get3A_11 = vector.shape_cast %get3A_10 : vector<1x784x128xf32> to vector<784x128xf32>
    %add3A = arith.addf %get3A_6, %get3A_11 : vector<784x128xf32>
    %get3A_12 = arith.constant 0 : index
    %get3A_13 = arith.constant 0 : index
    %get3A_14 = vector.load %arg1[%get3A_12, %get3A_13] : memref<784x128xf32, #tpu.memory_space<vmem>>, vector<784x128xf32>
    %add3A_15 = arith.addf %add3A, %get3A_14 : vector<784x128xf32>
    %mul3A = arith.mulf %get3A_1, %add3A_15 : vector<784x128xf32>
    %broadcast_in_dim3A = arith.constant 0.000000e+00 : f32
    %broadcast_in_dim3A_16 = vector.broadcast %broadcast_in_dim3A : f32 to vector<784x128xf32>
    %broadcast_in_dim3A_17 = arith.constant 0.000000e+00 : f32
    %broadcast_in_dim3A_18 = vector.broadcast %broadcast_in_dim3A_17 : f32 to vector<784x128xf32>
    %get3A_19 = arith.constant 0 : index
    %get3A_20 = arith.constant 0 : index
    %get3A_21 = memref.load %arg3[%get3A_19, %get3A_20] : memref<1x16xf32, #tpu.memory_space<smem>>
    %mul3A_22 = vector.broadcast %get3A_21 : f32 to vector<784x128xf32>
    %mul3A_23 = arith.mulf %mul3A, %mul3A_22 : vector<784x128xf32>
    %get3A_24 = arith.constant 0 : index
    %get3A_25 = arith.constant 0 : index
    %get3A_26 = memref.load %arg4[%get3A_24, %get3A_25] : memref<1x16xf32, #tpu.memory_space<smem>>
    %add3A_27 = vector.broadcast %get3A_26 : f32 to vector<784x128xf32>
    %add3A_28 = arith.addf %mul3A_23, %add3A_27 : vector<784x128xf32>
    %max3A = arith.constant 0.000000e+00 : f32
    %max3A_29 = vector.broadcast %max3A : f32 to vector<784x128xf32>
    %max3A_30 = arith.maximumf %add3A_28, %max3A_29 : vector<784x128xf32>
    %get3A_31 = arith.constant 0 : index
    %get3A_32 = arith.constant 0 : index
    %get3A_33 = memref.load %arg5[%get3A_31, %get3A_32] : memref<16x2xf32, #tpu.memory_space<smem>>
    %mul3A_34 = vector.broadcast %get3A_33 : f32 to vector<784x128xf32>
    %mul3A_35 = arith.mulf %max3A_30, %mul3A_34 : vector<784x128xf32>
    %add3A_36 = arith.addf %broadcast_in_dim3A_16, %mul3A_35 : vector<784x128xf32>
    %get3A_37 = arith.constant 0 : index
    %get3A_38 = arith.constant 1 : index
    %get3A_39 = memref.load %arg5[%get3A_37, %get3A_38] : memref<16x2xf32, #tpu.memory_space<smem>>
    %mul3A_40 = vector.broadcast %get3A_39 : f32 to vector<784x128xf32>
    %mul3A_41 = arith.mulf %max3A_30, %mul3A_40 : vector<784x128xf32>
    %add3A_42 = arith.addf %broadcast_in_dim3A_18, %mul3A_41 : vector<784x128xf32>
    %get3A_43 = arith.constant 0 : index
    %get3A_44 = arith.constant 1 : index
    %get3A_45 = memref.load %arg3[%get3A_43, %get3A_44] : memref<1x16xf32, #tpu.memory_space<smem>>
    %mul3A_46 = vector.broadcast %get3A_45 : f32 to vector<784x128xf32>
    %mul3A_47 = arith.mulf %mul3A, %mul3A_46 : vector<784x128xf32>
    %get3A_48 = arith.constant 0 : index
    %get3A_49 = arith.constant 1 : index
    %get3A_50 = memref.load %arg4[%get3A_48, %get3A_49] : memref<1x16xf32, #tpu.memory_space<smem>>
    %add3A_51 = vector.broadcast %get3A_50 : f32 to vector<784x128xf32>
    %add3A_52 = arith.addf %mul3A_47, %add3A_51 : vector<784x128xf32>
    %max3A_53 = arith.constant 0.000000e+00 : f32
    %max3A_54 = vector.broadcast %max3A_53 : f32 to vector<784x128xf32>
    %max3A_55 = arith.maximumf %add3A_52, %max3A_54 : vector<784x128xf32>
    %get3A_56 = arith.constant 1 : index
    %get3A_57 = arith.constant 0 : index
    %get3A_58 = memref.load %arg5[%get3A_56, %get3A_57] : memref<16x2xf32, #tpu.memory_space<smem>>
    %mul3A_59 = vector.broadcast %get3A_58 : f32 to vector<784x128xf32>
    %mul3A_60 = arith.mulf %max3A_55, %mul3A_59 : vector<784x128xf32>
    %add3A_61 = arith.addf %add3A_36, %mul3A_60 : vector<784x128xf32>
    %get3A_62 = arith.constant 1 : index
    %get3A_63 = arith.constant 1 : index
    %get3A_64 = memref.load %arg5[%get3A_62, %get3A_63] : memref<16x2xf32, #tpu.memory_space<smem>>
    %mul3A_65 = vector.broadcast %get3A_64 : f32 to vector<784x128xf32>
    %mul3A_66 = arith.mulf %max3A_55, %mul3A_65 : vector<784x128xf32>
    %add3A_67 = arith.addf %add3A_42, %mul3A_66 : vector<784x128xf32>
    %get3A_68 = arith.constant 0 : index
    %get3A_69 = arith.constant 2 : index
    %get3A_70 = memref.load %arg3[%get3A_68, %get3A_69] : memref<1x16xf32, #tpu.memory_space<smem>>
    %mul3A_71 = vector.broadcast %get3A_70 : f32 to vector<784x128xf32>
    %mul3A_72 = arith.mulf %mul3A, %mul3A_71 : vector<784x128xf32>
    %get3A_73 = arith.constant 0 : index
    %get3A_74 = arith.constant 2 : index
    %get3A_75 = memref.load %arg4[%get3A_73, %get3A_74] : memref<1x16xf32, #tpu.memory_space<smem>>
    %add3A_76 = vector.broadcast %get3A_75 : f32 to vector<784x128xf32>
    %add3A_77 = arith.addf %mul3A_72, %add3A_76 : vector<784x128xf32>
    %max3A_78 = arith.constant 0.000000e+00 : f32
    %max3A_79 = vector.broadcast %max3A_78 : f32 to vector<784x128xf32>
    %max3A_80 = arith.maximumf %add3A_77, %max3A_79 : vector<784x128xf32>
    %get3A_81 = arith.constant 2 : index
    %get3A_82 = arith.constant 0 : index
    %get3A_83 = memref.load %arg5[%get3A_81, %get3A_82] : memref<16x2xf32, #tpu.memory_space<smem>>
    %mul3A_84 = vector.broadcast %get3A_83 : f32 to vector<784x128xf32>
    %mul3A_85 = arith.mulf %max3A_80, %mul3A_84 : vector<784x128xf32>
    %add3A_86 = arith.addf %add3A_61, %mul3A_85 : vector<784x128xf32>
    %get3A_87 = arith.constant 2 : index
    %get3A_88 = arith.constant 1 : index
    %get3A_89 = memref.load %arg5[%get3A_87, %get3A_88] : memref<16x2xf32, #tpu.memory_space<smem>>
    %mul3A_90 = vector.broadcast %get3A_89 : f32 to vector<784x128xf32>
    %mul3A_91 = arith.mulf %max3A_80, %mul3A_90 : vector<784x128xf32>
    %add3A_92 = arith.addf %add3A_67, %mul3A_91 : vector<784x128xf32>
    %get3A_93 = arith.constant 0 : index
    %get3A_94 = arith.constant 3 : index
    %get3A_95 = memref.load %arg3[%get3A_93, %get3A_94] : memref<1x16xf32, #tpu.memory_space<smem>>
    %mul3A_96 = vector.broadcast %get3A_95 : f32 to vector<784x128xf32>
    %mul3A_97 = arith.mulf %mul3A, %mul3A_96 : vector<784x128xf32>
    %get3A_98 = arith.constant 0 : index
    %get3A_99 = arith.constant 3 : index
    %get3A_100 = memref.load %arg4[%get3A_98, %get3A_99] : memref<1x16xf32, #tpu.memory_space<smem>>
    %add3A_101 = vector.broadcast %get3A_100 : f32 to vector<784x128xf32>
    %add3A_102 = arith.addf %mul3A_97, %add3A_101 : vector<784x128xf32>
    %max3A_103 = arith.constant 0.000000e+00 : f32
    %max3A_104 = vector.broadcast %max3A_103 : f32 to vector<784x128xf32>
    %max3A_105 = arith.maximumf %add3A_102, %max3A_104 : vector<784x128xf32>
    %get3A_106 = arith.constant 3 : index
    %get3A_107 = arith.constant 0 : index
    %get3A_108 = memref.load %arg5[%get3A_106, %get3A_107] : memref<16x2xf32, #tpu.memory_space<smem>>
    %mul3A_109 = vector.broadcast %get3A_108 : f32 to vector<784x128xf32>
    %mul3A_110 = arith.mulf %max3A_105, %mul3A_109 : vector<784x128xf32>
    %add3A_111 = arith.addf %add3A_86, %mul3A_110 : vector<784x128xf32>
    %get3A_112 = arith.constant 3 : index
    %get3A_113 = arith.constant 1 : index
    %get3A_114 = memref.load %arg5[%get3A_112, %get3A_113] : memref<16x2xf32, #tpu.memory_space<smem>>
    %mul3A_115 = vector.broadcast %get3A_114 : f32 to vector<784x128xf32>
    %mul3A_116 = arith.mulf %max3A_105, %mul3A_115 : vector<784x128xf32>
    %add3A_117 = arith.addf %add3A_92, %mul3A_116 : vector<784x128xf32>
    %get3A_118 = arith.constant 0 : index
    %get3A_119 = arith.constant 4 : index
    %get3A_120 = memref.load %arg3[%get3A_118, %get3A_119] : memref<1x16xf32, #tpu.memory_space<smem>>
    %mul3A_121 = vector.broadcast %get3A_120 : f32 to vector<784x128xf32>
    %mul3A_122 = arith.mulf %mul3A, %mul3A_121 : vector<784x128xf32>
    %get3A_123 = arith.constant 0 : index
    %get3A_124 = arith.constant 4 : index
    %get3A_125 = memref.load %arg4[%get3A_123, %get3A_124] : memref<1x16xf32, #tpu.memory_space<smem>>
    %add3A_126 = vector.broadcast %get3A_125 : f32 to vector<784x128xf32>
    %add3A_127 = arith.addf %mul3A_122, %add3A_126 : vector<784x128xf32>
    %max3A_128 = arith.constant 0.000000e+00 : f32
    %max3A_129 = vector.broadcast %max3A_128 : f32 to vector<784x128xf32>
    %max3A_130 = arith.maximumf %add3A_127, %max3A_129 : vector<784x128xf32>
    %get3A_131 = arith.constant 4 : index
    %get3A_132 = arith.constant 0 : index
    %get3A_133 = memref.load %arg5[%get3A_131, %get3A_132] : memref<16x2xf32, #tpu.memory_space<smem>>
    %mul3A_134 = vector.broadcast %get3A_133 : f32 to vector<784x128xf32>
    %mul3A_135 = arith.mulf %max3A_130, %mul3A_134 : vector<784x128xf32>
    %add3A_136 = arith.addf %add3A_111, %mul3A_135 : vector<784x128xf32>
    %get3A_137 = arith.constant 4 : index
    %get3A_138 = arith.constant 1 : index
    %get3A_139 = memref.load %arg5[%get3A_137, %get3A_138] : memref<16x2xf32, #tpu.memory_space<smem>>
    %mul3A_140 = vector.broadcast %get3A_139 : f32 to vector<784x128xf32>
    %mul3A_141 = arith.mulf %max3A_130, %mul3A_140 : vector<784x128xf32>
    %add3A_142 = arith.addf %add3A_117, %mul3A_141 : vector<784x128xf32>
    %get3A_143 = arith.constant 0 : index
    %get3A_144 = arith.constant 5 : index
    %get3A_145 = memref.load %arg3[%get3A_143, %get3A_144] : memref<1x16xf32, #tpu.memory_space<smem>>
    %mul3A_146 = vector.broadcast %get3A_145 : f32 to vector<784x128xf32>
    %mul3A_147 = arith.mulf %mul3A, %mul3A_146 : vector<784x128xf32>
    %get3A_148 = arith.constant 0 : index
    %get3A_149 = arith.constant 5 : index
    %get3A_150 = memref.load %arg4[%get3A_148, %get3A_149] : memref<1x16xf32, #tpu.memory_space<smem>>
    %add3A_151 = vector.broadcast %get3A_150 : f32 to vector<784x128xf32>
    %add3A_152 = arith.addf %mul3A_147, %add3A_151 : vector<784x128xf32>
    %max3A_153 = arith.constant 0.000000e+00 : f32
    %max3A_154 = vector.broadcast %max3A_153 : f32 to vector<784x128xf32>
    %max3A_155 = arith.maximumf %add3A_152, %max3A_154 : vector<784x128xf32>
    %get3A_156 = arith.constant 5 : index
    %get3A_157 = arith.constant 0 : index
    %get3A_158 = memref.load %arg5[%get3A_156, %get3A_157] : memref<16x2xf32, #tpu.memory_space<smem>>
    %mul3A_159 = vector.broadcast %get3A_158 : f32 to vector<784x128xf32>
    %mul3A_160 = arith.mulf %max3A_155, %mul3A_159 : vector<784x128xf32>
    %add3A_161 = arith.addf %add3A_136, %mul3A_160 : vector<784x128xf32>
    %get3A_162 = arith.constant 5 : index
    %get3A_163 = arith.constant 1 : index
    %get3A_164 = memref.load %arg5[%get3A_162, %get3A_163] : memref<16x2xf32, #tpu.memory_space<smem>>
    %mul3A_165 = vector.broadcast %get3A_164 : f32 to vector<784x128xf32>
    %mul3A_166 = arith.mulf %max3A_155, %mul3A_165 : vector<784x128xf32>
    %add3A_167 = arith.addf %add3A_142, %mul3A_166 : vector<784x128xf32>
    %get3A_168 = arith.constant 0 : index
    %get3A_169 = arith.constant 6 : index
    %get3A_170 = memref.load %arg3[%get3A_168, %get3A_169] : memref<1x16xf32, #tpu.memory_space<smem>>
    %mul3A_171 = vector.broadcast %get3A_170 : f32 to vector<784x128xf32>
    %mul3A_172 = arith.mulf %mul3A, %mul3A_171 : vector<784x128xf32>
    %get3A_173 = arith.constant 0 : index
    %get3A_174 = arith.constant 6 : index
    %get3A_175 = memref.load %arg4[%get3A_173, %get3A_174] : memref<1x16xf32, #tpu.memory_space<smem>>
    %add3A_176 = vector.broadcast %get3A_175 : f32 to vector<784x128xf32>
    %add3A_177 = arith.addf %mul3A_172, %add3A_176 : vector<784x128xf32>
    %max3A_178 = arith.constant 0.000000e+00 : f32
    %max3A_179 = vector.broadcast %max3A_178 : f32 to vector<784x128xf32>
    %max3A_180 = arith.maximumf %add3A_177, %max3A_179 : vector<784x128xf32>
    %get3A_181 = arith.constant 6 : index
    %get3A_182 = arith.constant 0 : index
    %get3A_183 = memref.load %arg5[%get3A_181, %get3A_182] : memref<16x2xf32, #tpu.memory_space<smem>>
    %mul3A_184 = vector.broadcast %get3A_183 : f32 to vector<784x128xf32>
    %mul3A_185 = arith.mulf %max3A_180, %mul3A_184 : vector<784x128xf32>
    %add3A_186 = arith.addf %add3A_161, %mul3A_185 : vector<784x128xf32>
    %get3A_187 = arith.constant 6 : index
    %get3A_188 = arith.constant 1 : index
    %get3A_189 = memref.load %arg5[%get3A_187, %get3A_188] : memref<16x2xf32, #tpu.memory_space<smem>>
    %mul3A_190 = vector.broadcast %get3A_189 : f32 to vector<784x128xf32>
    %mul3A_191 = arith.mulf %max3A_180, %mul3A_190 : vector<784x128xf32>
    %add3A_192 = arith.addf %add3A_167, %mul3A_191 : vector<784x128xf32>
    %get3A_193 = arith.constant 0 : index
    %get3A_194 = arith.constant 7 : index
    %get3A_195 = memref.load %arg3[%get3A_193, %get3A_194] : memref<1x16xf32, #tpu.memory_space<smem>>
    %mul3A_196 = vector.broadcast %get3A_195 : f32 to vector<784x128xf32>
    %mul3A_197 = arith.mulf %mul3A, %mul3A_196 : vector<784x128xf32>
    %get3A_198 = arith.constant 0 : index
    %get3A_199 = arith.constant 7 : index
    %get3A_200 = memref.load %arg4[%get3A_198, %get3A_199] : memref<1x16xf32, #tpu.memory_space<smem>>
    %add3A_201 = vector.broadcast %get3A_200 : f32 to vector<784x128xf32>
    %add3A_202 = arith.addf %mul3A_197, %add3A_201 : vector<784x128xf32>
    %max3A_203 = arith.constant 0.000000e+00 : f32
    %max3A_204 = vector.broadcast %max3A_203 : f32 to vector<784x128xf32>
    %max3A_205 = arith.maximumf %add3A_202, %max3A_204 : vector<784x128xf32>
    %get3A_206 = arith.constant 7 : index
    %get3A_207 = arith.constant 0 : index
    %get3A_208 = memref.load %arg5[%get3A_206, %get3A_207] : memref<16x2xf32, #tpu.memory_space<smem>>
    %mul3A_209 = vector.broadcast %get3A_208 : f32 to vector<784x128xf32>
    %mul3A_210 = arith.mulf %max3A_205, %mul3A_209 : vector<784x128xf32>
    %add3A_211 = arith.addf %add3A_186, %mul3A_210 : vector<784x128xf32>
    %get3A_212 = arith.constant 7 : index
    %get3A_213 = arith.constant 1 : index
    %get3A_214 = memref.load %arg5[%get3A_212, %get3A_213] : memref<16x2xf32, #tpu.memory_space<smem>>
    %mul3A_215 = vector.broadcast %get3A_214 : f32 to vector<784x128xf32>
    %mul3A_216 = arith.mulf %max3A_205, %mul3A_215 : vector<784x128xf32>
    %add3A_217 = arith.addf %add3A_192, %mul3A_216 : vector<784x128xf32>
    %get3A_218 = arith.constant 0 : index
    %get3A_219 = arith.constant 8 : index
    %get3A_220 = memref.load %arg3[%get3A_218, %get3A_219] : memref<1x16xf32, #tpu.memory_space<smem>>
    %mul3A_221 = vector.broadcast %get3A_220 : f32 to vector<784x128xf32>
    %mul3A_222 = arith.mulf %mul3A, %mul3A_221 : vector<784x128xf32>
    %get3A_223 = arith.constant 0 : index
    %get3A_224 = arith.constant 8 : index
    %get3A_225 = memref.load %arg4[%get3A_223, %get3A_224] : memref<1x16xf32, #tpu.memory_space<smem>>
    %add3A_226 = vector.broadcast %get3A_225 : f32 to vector<784x128xf32>
    %add3A_227 = arith.addf %mul3A_222, %add3A_226 : vector<784x128xf32>
    %max3A_228 = arith.constant 0.000000e+00 : f32
    %max3A_229 = vector.broadcast %max3A_228 : f32 to vector<784x128xf32>
    %max3A_230 = arith.maximumf %add3A_227, %max3A_229 : vector<784x128xf32>
    %get3A_231 = arith.constant 8 : index
    %get3A_232 = arith.constant 0 : index
    %get3A_233 = memref.load %arg5[%get3A_231, %get3A_232] : memref<16x2xf32, #tpu.memory_space<smem>>
    %mul3A_234 = vector.broadcast %get3A_233 : f32 to vector<784x128xf32>
    %mul3A_235 = arith.mulf %max3A_230, %mul3A_234 : vector<784x128xf32>
    %add3A_236 = arith.addf %add3A_211, %mul3A_235 : vector<784x128xf32>
    %get3A_237 = arith.constant 8 : index
    %get3A_238 = arith.constant 1 : index
    %get3A_239 = memref.load %arg5[%get3A_237, %get3A_238] : memref<16x2xf32, #tpu.memory_space<smem>>
    %mul3A_240 = vector.broadcast %get3A_239 : f32 to vector<784x128xf32>
    %mul3A_241 = arith.mulf %max3A_230, %mul3A_240 : vector<784x128xf32>
    %add3A_242 = arith.addf %add3A_217, %mul3A_241 : vector<784x128xf32>
    %get3A_243 = arith.constant 0 : index
    %get3A_244 = arith.constant 9 : index
    %get3A_245 = memref.load %arg3[%get3A_243, %get3A_244] : memref<1x16xf32, #tpu.memory_space<smem>>
    %mul3A_246 = vector.broadcast %get3A_245 : f32 to vector<784x128xf32>
    %mul3A_247 = arith.mulf %mul3A, %mul3A_246 : vector<784x128xf32>
    %get3A_248 = arith.constant 0 : index
    %get3A_249 = arith.constant 9 : index
    %get3A_250 = memref.load %arg4[%get3A_248, %get3A_249] : memref<1x16xf32, #tpu.memory_space<smem>>
    %add3A_251 = vector.broadcast %get3A_250 : f32 to vector<784x128xf32>
    %add3A_252 = arith.addf %mul3A_247, %add3A_251 : vector<784x128xf32>
    %max3A_253 = arith.constant 0.000000e+00 : f32
    %max3A_254 = vector.broadcast %max3A_253 : f32 to vector<784x128xf32>
    %max3A_255 = arith.maximumf %add3A_252, %max3A_254 : vector<784x128xf32>
    %get3A_256 = arith.constant 9 : index
    %get3A_257 = arith.constant 0 : index
    %get3A_258 = memref.load %arg5[%get3A_256, %get3A_257] : memref<16x2xf32, #tpu.memory_space<smem>>
    %mul3A_259 = vector.broadcast %get3A_258 : f32 to vector<784x128xf32>
    %mul3A_260 = arith.mulf %max3A_255, %mul3A_259 : vector<784x128xf32>
    %add3A_261 = arith.addf %add3A_236, %mul3A_260 : vector<784x128xf32>
    %get3A_262 = arith.constant 9 : index
    %get3A_263 = arith.constant 1 : index
    %get3A_264 = memref.load %arg5[%get3A_262, %get3A_263] : memref<16x2xf32, #tpu.memory_space<smem>>
    %mul3A_265 = vector.broadcast %get3A_264 : f32 to vector<784x128xf32>
    %mul3A_266 = arith.mulf %max3A_255, %mul3A_265 : vector<784x128xf32>
    %add3A_267 = arith.addf %add3A_242, %mul3A_266 : vector<784x128xf32>
    %get3A_268 = arith.constant 0 : index
    %get3A_269 = arith.constant 10 : index
    %get3A_270 = memref.load %arg3[%get3A_268, %get3A_269] : memref<1x16xf32, #tpu.memory_space<smem>>
    %mul3A_271 = vector.broadcast %get3A_270 : f32 to vector<784x128xf32>
    %mul3A_272 = arith.mulf %mul3A, %mul3A_271 : vector<784x128xf32>
    %get3A_273 = arith.constant 0 : index
    %get3A_274 = arith.constant 10 : index
    %get3A_275 = memref.load %arg4[%get3A_273, %get3A_274] : memref<1x16xf32, #tpu.memory_space<smem>>
    %add3A_276 = vector.broadcast %get3A_275 : f32 to vector<784x128xf32>
    %add3A_277 = arith.addf %mul3A_272, %add3A_276 : vector<784x128xf32>
    %max3A_278 = arith.constant 0.000000e+00 : f32
    %max3A_279 = vector.broadcast %max3A_278 : f32 to vector<784x128xf32>
    %max3A_280 = arith.maximumf %add3A_277, %max3A_279 : vector<784x128xf32>
    %get3A_281 = arith.constant 10 : index
    %get3A_282 = arith.constant 0 : index
    %get3A_283 = memref.load %arg5[%get3A_281, %get3A_282] : memref<16x2xf32, #tpu.memory_space<smem>>
    %mul3A_284 = vector.broadcast %get3A_283 : f32 to vector<784x128xf32>
    %mul3A_285 = arith.mulf %max3A_280, %mul3A_284 : vector<784x128xf32>
    %add3A_286 = arith.addf %add3A_261, %mul3A_285 : vector<784x128xf32>
    %get3A_287 = arith.constant 10 : index
    %get3A_288 = arith.constant 1 : index
    %get3A_289 = memref.load %arg5[%get3A_287, %get3A_288] : memref<16x2xf32, #tpu.memory_space<smem>>
    %mul3A_290 = vector.broadcast %get3A_289 : f32 to vector<784x128xf32>
    %mul3A_291 = arith.mulf %max3A_280, %mul3A_290 : vector<784x128xf32>
    %add3A_292 = arith.addf %add3A_267, %mul3A_291 : vector<784x128xf32>
    %get3A_293 = arith.constant 0 : index
    %get3A_294 = arith.constant 11 : index
    %get3A_295 = memref.load %arg3[%get3A_293, %get3A_294] : memref<1x16xf32, #tpu.memory_space<smem>>
    %mul3A_296 = vector.broadcast %get3A_295 : f32 to vector<784x128xf32>
    %mul3A_297 = arith.mulf %mul3A, %mul3A_296 : vector<784x128xf32>
    %get3A_298 = arith.constant 0 : index
    %get3A_299 = arith.constant 11 : index
    %get3A_300 = memref.load %arg4[%get3A_298, %get3A_299] : memref<1x16xf32, #tpu.memory_space<smem>>
    %add3A_301 = vector.broadcast %get3A_300 : f32 to vector<784x128xf32>
    %add3A_302 = arith.addf %mul3A_297, %add3A_301 : vector<784x128xf32>
    %max3A_303 = arith.constant 0.000000e+00 : f32
    %max3A_304 = vector.broadcast %max3A_303 : f32 to vector<784x128xf32>
    %max3A_305 = arith.maximumf %add3A_302, %max3A_304 : vector<784x128xf32>
    %get3A_306 = arith.constant 11 : index
    %get3A_307 = arith.constant 0 : index
    %get3A_308 = memref.load %arg5[%get3A_306, %get3A_307] : memref<16x2xf32, #tpu.memory_space<smem>>
    %mul3A_309 = vector.broadcast %get3A_308 : f32 to vector<784x128xf32>
    %mul3A_310 = arith.mulf %max3A_305, %mul3A_309 : vector<784x128xf32>
    %add3A_311 = arith.addf %add3A_286, %mul3A_310 : vector<784x128xf32>
    %get3A_312 = arith.constant 11 : index
    %get3A_313 = arith.constant 1 : index
    %get3A_314 = memref.load %arg5[%get3A_312, %get3A_313] : memref<16x2xf32, #tpu.memory_space<smem>>
    %mul3A_315 = vector.broadcast %get3A_314 : f32 to vector<784x128xf32>
    %mul3A_316 = arith.mulf %max3A_305, %mul3A_315 : vector<784x128xf32>
    %add3A_317 = arith.addf %add3A_292, %mul3A_316 : vector<784x128xf32>
    %get3A_318 = arith.constant 0 : index
    %get3A_319 = arith.constant 12 : index
    %get3A_320 = memref.load %arg3[%get3A_318, %get3A_319] : memref<1x16xf32, #tpu.memory_space<smem>>
    %mul3A_321 = vector.broadcast %get3A_320 : f32 to vector<784x128xf32>
    %mul3A_322 = arith.mulf %mul3A, %mul3A_321 : vector<784x128xf32>
    %get3A_323 = arith.constant 0 : index
    %get3A_324 = arith.constant 12 : index
    %get3A_325 = memref.load %arg4[%get3A_323, %get3A_324] : memref<1x16xf32, #tpu.memory_space<smem>>
    %add3A_326 = vector.broadcast %get3A_325 : f32 to vector<784x128xf32>
    %add3A_327 = arith.addf %mul3A_322, %add3A_326 : vector<784x128xf32>
    %max3A_328 = arith.constant 0.000000e+00 : f32
    %max3A_329 = vector.broadcast %max3A_328 : f32 to vector<784x128xf32>
    %max3A_330 = arith.maximumf %add3A_327, %max3A_329 : vector<784x128xf32>
    %get3A_331 = arith.constant 12 : index
    %get3A_332 = arith.constant 0 : index
    %get3A_333 = memref.load %arg5[%get3A_331, %get3A_332] : memref<16x2xf32, #tpu.memory_space<smem>>
    %mul3A_334 = vector.broadcast %get3A_333 : f32 to vector<784x128xf32>
    %mul3A_335 = arith.mulf %max3A_330, %mul3A_334 : vector<784x128xf32>
    %add3A_336 = arith.addf %add3A_311, %mul3A_335 : vector<784x128xf32>
    %get3A_337 = arith.constant 12 : index
    %get3A_338 = arith.constant 1 : index
    %get3A_339 = memref.load %arg5[%get3A_337, %get3A_338] : memref<16x2xf32, #tpu.memory_space<smem>>
    %mul3A_340 = vector.broadcast %get3A_339 : f32 to vector<784x128xf32>
    %mul3A_341 = arith.mulf %max3A_330, %mul3A_340 : vector<784x128xf32>
    %add3A_342 = arith.addf %add3A_317, %mul3A_341 : vector<784x128xf32>
    %get3A_343 = arith.constant 0 : index
    %get3A_344 = arith.constant 13 : index
    %get3A_345 = memref.load %arg3[%get3A_343, %get3A_344] : memref<1x16xf32, #tpu.memory_space<smem>>
    %mul3A_346 = vector.broadcast %get3A_345 : f32 to vector<784x128xf32>
    %mul3A_347 = arith.mulf %mul3A, %mul3A_346 : vector<784x128xf32>
    %get3A_348 = arith.constant 0 : index
    %get3A_349 = arith.constant 13 : index
    %get3A_350 = memref.load %arg4[%get3A_348, %get3A_349] : memref<1x16xf32, #tpu.memory_space<smem>>
    %add3A_351 = vector.broadcast %get3A_350 : f32 to vector<784x128xf32>
    %add3A_352 = arith.addf %mul3A_347, %add3A_351 : vector<784x128xf32>
    %max3A_353 = arith.constant 0.000000e+00 : f32
    %max3A_354 = vector.broadcast %max3A_353 : f32 to vector<784x128xf32>
    %max3A_355 = arith.maximumf %add3A_352, %max3A_354 : vector<784x128xf32>
    %get3A_356 = arith.constant 13 : index
    %get3A_357 = arith.constant 0 : index
    %get3A_358 = memref.load %arg5[%get3A_356, %get3A_357] : memref<16x2xf32, #tpu.memory_space<smem>>
    %mul3A_359 = vector.broadcast %get3A_358 : f32 to vector<784x128xf32>
    %mul3A_360 = arith.mulf %max3A_355, %mul3A_359 : vector<784x128xf32>
    %add3A_361 = arith.addf %add3A_336, %mul3A_360 : vector<784x128xf32>
    %get3A_362 = arith.constant 13 : index
    %get3A_363 = arith.constant 1 : index
    %get3A_364 = memref.load %arg5[%get3A_362, %get3A_363] : memref<16x2xf32, #tpu.memory_space<smem>>
    %mul3A_365 = vector.broadcast %get3A_364 : f32 to vector<784x128xf32>
    %mul3A_366 = arith.mulf %max3A_355, %mul3A_365 : vector<784x128xf32>
    %add3A_367 = arith.addf %add3A_342, %mul3A_366 : vector<784x128xf32>
    %get3A_368 = arith.constant 0 : index
    %get3A_369 = arith.constant 14 : index
    %get3A_370 = memref.load %arg3[%get3A_368, %get3A_369] : memref<1x16xf32, #tpu.memory_space<smem>>
    %mul3A_371 = vector.broadcast %get3A_370 : f32 to vector<784x128xf32>
    %mul3A_372 = arith.mulf %mul3A, %mul3A_371 : vector<784x128xf32>
    %get3A_373 = arith.constant 0 : index
    %get3A_374 = arith.constant 14 : index
    %get3A_375 = memref.load %arg4[%get3A_373, %get3A_374] : memref<1x16xf32, #tpu.memory_space<smem>>
    %add3A_376 = vector.broadcast %get3A_375 : f32 to vector<784x128xf32>
    %add3A_377 = arith.addf %mul3A_372, %add3A_376 : vector<784x128xf32>
    %max3A_378 = arith.constant 0.000000e+00 : f32
    %max3A_379 = vector.broadcast %max3A_378 : f32 to vector<784x128xf32>
    %max3A_380 = arith.maximumf %add3A_377, %max3A_379 : vector<784x128xf32>
    %get3A_381 = arith.constant 14 : index
    %get3A_382 = arith.constant 0 : index
    %get3A_383 = memref.load %arg5[%get3A_381, %get3A_382] : memref<16x2xf32, #tpu.memory_space<smem>>
    %mul3A_384 = vector.broadcast %get3A_383 : f32 to vector<784x128xf32>
    %mul3A_385 = arith.mulf %max3A_380, %mul3A_384 : vector<784x128xf32>
    %add3A_386 = arith.addf %add3A_361, %mul3A_385 : vector<784x128xf32>
    %get3A_387 = arith.constant 14 : index
    %get3A_388 = arith.constant 1 : index
    %get3A_389 = memref.load %arg5[%get3A_387, %get3A_388] : memref<16x2xf32, #tpu.memory_space<smem>>
    %mul3A_390 = vector.broadcast %get3A_389 : f32 to vector<784x128xf32>
    %mul3A_391 = arith.mulf %max3A_380, %mul3A_390 : vector<784x128xf32>
    %add3A_392 = arith.addf %add3A_367, %mul3A_391 : vector<784x128xf32>
    %get3A_393 = arith.constant 0 : index
    %get3A_394 = arith.constant 15 : index
    %get3A_395 = memref.load %arg3[%get3A_393, %get3A_394] : memref<1x16xf32, #tpu.memory_space<smem>>
    %mul3A_396 = vector.broadcast %get3A_395 : f32 to vector<784x128xf32>
    %mul3A_397 = arith.mulf %mul3A, %mul3A_396 : vector<784x128xf32>
    %get3A_398 = arith.constant 0 : index
    %get3A_399 = arith.constant 15 : index
    %get3A_400 = memref.load %arg4[%get3A_398, %get3A_399] : memref<1x16xf32, #tpu.memory_space<smem>>
    %add3A_401 = vector.broadcast %get3A_400 : f32 to vector<784x128xf32>
    %add3A_402 = arith.addf %mul3A_397, %add3A_401 : vector<784x128xf32>
    %max3A_403 = arith.constant 0.000000e+00 : f32
    %max3A_404 = vector.broadcast %max3A_403 : f32 to vector<784x128xf32>
    %max3A_405 = arith.maximumf %add3A_402, %max3A_404 : vector<784x128xf32>
    %get3A_406 = arith.constant 15 : index
    %get3A_407 = arith.constant 0 : index
    %get3A_408 = memref.load %arg5[%get3A_406, %get3A_407] : memref<16x2xf32, #tpu.memory_space<smem>>
    %mul3A_409 = vector.broadcast %get3A_408 : f32 to vector<784x128xf32>
    %mul3A_410 = arith.mulf %max3A_405, %mul3A_409 : vector<784x128xf32>
    %add3A_411 = arith.addf %add3A_386, %mul3A_410 : vector<784x128xf32>
    %get3A_412 = arith.constant 15 : index
    %get3A_413 = arith.constant 1 : index
    %get3A_414 = memref.load %arg5[%get3A_412, %get3A_413] : memref<16x2xf32, #tpu.memory_space<smem>>
    %mul3A_415 = vector.broadcast %get3A_414 : f32 to vector<784x128xf32>
    %mul3A_416 = arith.mulf %max3A_405, %mul3A_415 : vector<784x128xf32>
    %add3A_417 = arith.addf %add3A_392, %mul3A_416 : vector<784x128xf32>
    %mul3A_418 = arith.mulf %add3A_411, %get3A_1 : vector<784x128xf32>
    %swap3A = arith.constant 0 : index
    %swap3A_419 = arith.constant 0 : index
    %swap3A_420 = vector.load %arg6[%swap3A, %swap3A_419] : memref<784x128xf32, #tpu.memory_space<vmem>>, vector<784x128xf32>
    tpu.vector_store %arg6[%swap3A, %swap3A_419], %mul3A_418 {strides = array<i32>} : memref<784x128xf32, #tpu.memory_space<vmem>>, vector<784x128xf32>,
    %mul3A_421 = arith.mulf %add3A_417, %get3A_1 : vector<784x128xf32>
    %swap3A_422 = arith.constant 0 : index
    %swap3A_423 = arith.constant 0 : index
    %swap3A_424 = vector.load %arg7[%swap3A_422, %swap3A_423] : memref<784x128xf32, #tpu.memory_space<vmem>>, vector<784x128xf32>
    tpu.vector_store %arg7[%swap3A_422, %swap3A_423], %mul3A_421 {strides = array<i32>} : memref<784x128xf32, #tpu.memory_space<vmem>>, vector<784x128xf32>,
    return
  }
}

module attributes {stable_mosaic.version = 14 : i64} {
  func.func @_tc3_body(%arg0: memref<784x128xf32, #tpu.memory_space<vmem>>, %arg1: memref<784x128xf32, #tpu.memory_space<vmem>>, %arg2: memref<784x128xf32, #tpu.memory_space<vmem>>, %arg3: memref<2x784x128xf32, #tpu.memory_space<vmem>>, %arg4: memref<2x784x128xf32, #tpu.memory_space<vmem>>, %arg5: memref<1x2xf32, #tpu.memory_space<smem>>, %arg6: memref<784x128xf32, #tpu.memory_space<vmem>>, %arg7: memref<784x128xf32, #tpu.memory_space<vmem>>) attributes {dimension_semantics = [], scalar_prefetch = 0 : i64, scratch_operands = 0 : i64, tpu.core_type = #tpu.core_type<tc>} {
    %get3A = arith.constant 0 : index
    %get3A_0 = arith.constant 0 : index
    %get3A_1 = vector.load %arg0[%get3A, %get3A_0] : memref<784x128xf32, #tpu.memory_space<vmem>>, vector<784x128xf32>
    %get3A_2 = arith.constant 0 : index
    %get3A_3 = arith.constant 0 : index
    %get3A_4 = arith.constant 0 : index
    %get3A_5 = vector.load %arg3[%get3A_2, %get3A_3, %get3A_4] : memref<2x784x128xf32, #tpu.memory_space<vmem>>, vector<1x784x128xf32>
    %get3A_6 = vector.shape_cast %get3A_5 : vector<1x784x128xf32> to vector<784x128xf32>
    %get3A_7 = arith.constant 1 : index
    %get3A_8 = arith.constant 0 : index
    %get3A_9 = arith.constant 0 : index
    %get3A_10 = vector.load %arg3[%get3A_7, %get3A_8, %get3A_9] : memref<2x784x128xf32, #tpu.memory_space<vmem>>, vector<1x784x128xf32>
    %get3A_11 = vector.shape_cast %get3A_10 : vector<1x784x128xf32> to vector<784x128xf32>
    %add3A = arith.addf %get3A_6, %get3A_11 : vector<784x128xf32>
    %get3A_12 = arith.constant 0 : index
    %get3A_13 = arith.constant 0 : index
    %get3A_14 = vector.load %arg1[%get3A_12, %get3A_13] : memref<784x128xf32, #tpu.memory_space<vmem>>, vector<784x128xf32>
    %add3A_15 = arith.addf %add3A, %get3A_14 : vector<784x128xf32>
    %mul3A = arith.mulf %get3A_1, %add3A_15 : vector<784x128xf32>
    %get3A_16 = arith.constant 0 : index
    %get3A_17 = arith.constant 0 : index
    %get3A_18 = memref.load %arg5[%get3A_16, %get3A_17] : memref<1x2xf32, #tpu.memory_space<smem>>
    %add3A_19 = vector.broadcast %get3A_18 : f32 to vector<784x128xf32>
    %add3A_20 = arith.addf %mul3A, %add3A_19 : vector<784x128xf32>
    %swap3A = arith.constant 0 : index
    %swap3A_21 = arith.constant 0 : index
    %swap3A_22 = vector.load %arg6[%swap3A, %swap3A_21] : memref<784x128xf32, #tpu.memory_space<vmem>>, vector<784x128xf32>
    tpu.vector_store %arg6[%swap3A, %swap3A_21], %add3A_20 {strides = array<i32>} : memref<784x128xf32, #tpu.memory_space<vmem>>, vector<784x128xf32>,
    %get3A_23 = arith.constant 0 : index
    %get3A_24 = arith.constant 0 : index
    %get3A_25 = arith.constant 0 : index
    %get3A_26 = vector.load %arg4[%get3A_23, %get3A_24, %get3A_25] : memref<2x784x128xf32, #tpu.memory_space<vmem>>, vector<1x784x128xf32>
    %get3A_27 = vector.shape_cast %get3A_26 : vector<1x784x128xf32> to vector<784x128xf32>
    %get3A_28 = arith.constant 1 : index
    %get3A_29 = arith.constant 0 : index
    %get3A_30 = arith.constant 0 : index
    %get3A_31 = vector.load %arg4[%get3A_28, %get3A_29, %get3A_30] : memref<2x784x128xf32, #tpu.memory_space<vmem>>, vector<1x784x128xf32>
    %get3A_32 = vector.shape_cast %get3A_31 : vector<1x784x128xf32> to vector<784x128xf32>
    %add3A_33 = arith.addf %get3A_27, %get3A_32 : vector<784x128xf32>
    %get3A_34 = arith.constant 0 : index
    %get3A_35 = arith.constant 0 : index
    %get3A_36 = vector.load %arg2[%get3A_34, %get3A_35] : memref<784x128xf32, #tpu.memory_space<vmem>>, vector<784x128xf32>
    %add3A_37 = arith.addf %add3A_33, %get3A_36 : vector<784x128xf32>
    %mul3A_38 = arith.mulf %get3A_1, %add3A_37 : vector<784x128xf32>
    %get3A_39 = arith.constant 0 : index
    %get3A_40 = arith.constant 1 : index
    %get3A_41 = memref.load %arg5[%get3A_39, %get3A_40] : memref<1x2xf32, #tpu.memory_space<smem>>
    %add3A_42 = vector.broadcast %get3A_41 : f32 to vector<784x128xf32>
    %add3A_43 = arith.addf %mul3A_38, %add3A_42 : vector<784x128xf32>
    %swap3A_44 = arith.constant 0 : index
    %swap3A_45 = arith.constant 0 : index
    %swap3A_46 = vector.load %arg7[%swap3A_44, %swap3A_45] : memref<784x128xf32, #tpu.memory_space<vmem>>, vector<784x128xf32>
    tpu.vector_store %arg7[%swap3A_44, %swap3A_45], %add3A_43 {strides = array<i32>} : memref<784x128xf32, #tpu.memory_space<vmem>>, vector<784x128xf32>,
    return
  }
}

</mosaic_0001>

<sc_bundles>
// kernel: kernel.11.cloned.1.call-start
scs
__scs_entry_jumppad:
0x0: {  	(pc) =	sbr.rel $0x88, $3  }
0x1: {  	(tag) =	ssettag $0x0;
	lr =	simm.s32 $0x1  }
0x2: {  	[smem:$0x3F9B] =	sst lr;
	_ =	strace $0xD0000000  }
0x3: {  	_ = 	snop  }
0x4: {  	_ = 	snop  }
0x5: {  	_ = 	snop  }
0x6: {  	_ = 	snop  }
0x7: {  	_ = 	snop  }
__scs_overlays_trampoline_lowered:
0x8: {  	[smem:$0x3FAA] =	sst s0  }
0x9: {  	[smem:$0x3FAB] =	sst s1  }
0xa: {  	[smem:$0x3FAC] =	sst s2  }
0xb: {  	[smem:$0x3FAD] =	sst s3  }
0xc: {  	[smem:$0x3FAE] =	sst s4  }
0xd: {  	[smem:$0x3FAF] =	sst s5  }
0xe: {  	[smem:$0x3FB0] =	sst s6  }
0xf: {  	[smem:$0x3FB1] =	sst s7  }
0x10: {  	[smem:$0x3FB2] =	sst s8  }
0x11: {  	[smem:$0x3FB3] =	sst s9;
	s0 =	simm.s32 @!p0 $0x0  }
0x12: {  	s1 =	sld [smem:$0x3F99];
	s0 =	simm.s32 @p0 $0x1  }
0x13: {  	[smem:$0x3FB4] =	sst s0;
	s0 =	simm.s32 @!p1 $0x0  }
0x14: {  	s2 =	sld [smem:$0x3F98];
	s0 =	simm.s32 @p1 $0x1  }
0x15: {  	[smem:$0x3FB5] =	sst s0;
	s0 =	simm.s32 @!p2 $0x0  }
0x16: {  	s3 =	sld [smem:$0x3FDB];
	s0 =	simm.s32 @p2 $0x1  }
0x17: {  	s4 =	simm.s32 $0x1BF5;
	[smem:$0x3FB7] =	sst s0  }
0x18: {  	s0 =	sld [smem:$0x3F9A];
	_ =	swait.ge [sflag:s4], $0x0  }
0x19: {  	s7 =	sld [smem:$0x3F9B]  }
0x1a: {  	s8 =	sadd.s32 $0xFFFFE003, lr  }
0x1b: {  	s9 =	sadd.s32 $0xFFFFFEF7, lr;
	s5 =	simm.s32 $0xFFFFFFFF;
	p2 =	slt.u32 s8, $0xFFFFF086  }
0x1c: {  	p1 =	slt.u32 s9, $0xF7A;
	s5 =	simm.s32 @!p2 $0x0  }
0x1d: {  	s5 =	simm.s32 @p1 $0x1;
	p0 =	seq.s32 s7, s2  }
0x1e: {  	s7 =	smul.u32 @!p0 $0xF7A, s2;
	p2 =	seq.s32 @!p0 s5, $0x0  }
0x1f: {  	s9 =	smul.u32 $0xF7A, s1;
	s8 =	simm.s32 @!p0 $0x1BF5;
	p2 =	por !p2, p0  }
0x20: {  	[sflag:s8] =	ssyncset.s32 @!p0 $0xFFFFF086;
	s6 =	sadd.s32 @!p0 s3, s7;
	s7 =	simm.s32 @!p0 $0x108  }
0x21: {  	s3 =	sadd.s32 s3, s9;
	s6 =	sadd.s32 @!p0 $0x88, s6;
	s7 =	simm.s32 @p2 $0x1082  }
0x22: {  	[simem:s7], [sflag:s8] =	dma.local @!p0 [hbm:s6], $0xF7A  }
0x23: {  	s9 =	sor.u32 $0xD0000000, s2;
	s6 =	simm.s32 $0x108;
	_ =	swait.ge @!p0 [sflag:s8], $0x0  }
0x24: {  	s3 =	sadd.s32 $0x88, s3;
	s6 =	simm.s32 @!p1 $0x1082;
	[sflag:s4] =	ssyncset.s32 $0xFFFFF086  }
0x25: {  	[simem:s6], [sflag:s4] =	dma.local [hbm:s3], $0xF7A  }
0x26: {  	[smem:$0x3F9B] =	sst s1;
	(tag) =	ssettag s2;
	_ =	strace s9  }
0x27: {  	s1 =	sld [smem:$0x3FAB]  }
0x28: {  	s2 =	sld [smem:$0x3FAC]  }
0x29: {  	s4 =	sld [smem:$0x3FAE]  }
0x2a: {  	p0 =	seq.s32 s5, $0x0;
	s5 =	sld [smem:$0x3FAF]  }
0x2b: {  	s6 =	sld [smem:$0x3FB0]  }
0x2c: {  	s7 =	sld [smem:$0x3FB1]  }
0x2d: {  	s3 =	simm.s32 $0x108;
	s8 =	sld [smem:$0x3FB2]  }
0x2e: {  	s3 =	simm.s32 @!p0 $0x1082;
	s9 =	sld [smem:$0x3FB3]  }
0x2f: {  	lr =	sadd.s32 s0, s3;
	s0 =	sld [smem:$0x3FAA]  }
0x30: {  	s3 =	sld [smem:$0x3FAD]  }
0x31: {  	[smem:$0x3FB6] =	sst s10  }
0x32: {  	s10 =	sld [smem:$0x3FB4];
	_ =	sdelay $0x3  }
0x33: {  	p0 =	seq.s32 s10, $0x1;
	s10 =	sld [smem:$0x3FB6];
	_ =	sdelay $0x3  }
0x34: {  	[smem:$0x3FB6] =	sst s10  }
0x35: {  	s10 =	sld [smem:$0x3FB5];
	_ =	sdelay $0x3  }
0x36: {  	p1 =	seq.s32 s10, $0x1;
	s10 =	sld [smem:$0x3FB6];
	_ =	sdelay $0x3  }
0x37: {  	[smem:$0x3FB6] =	sst s10  }
0x38: {  	s10 =	sld [smem:$0x3FB7]  }
0x39: {  	_ = 	snop;
	(pc) =	sbr.ind lr, $3  }
0x3a: {  	_ = 	snop  }
0x3b: {  	_ = 	snop  }
0x3c: {  	p2 =	seq.s32 s10, $0x1;
	s10 =	sld [smem:$0x3FB6]  }
0x3d: {  	_ =	shalt  }
0x3e: {  	_ =	shalt  }
0x3f: {  	_ =	shalt  }
0x40: {  	_ =	shalt  }
0x41: {  	_ =	shalt  }
0x42: {  	_ =	shalt  }
0x43: {  	_ =	shalt  }
0x44: {  	_ =	shalt  }
0x45: {  	_ =	shalt  }
0x46: {  	_ =	shalt  }
0x47: {  	_ =	shalt  }
0x48: {  	_ =	shalt  }
0x49: {  	_ =	shalt  }
0x4a: {  	_ =	shalt  }
0x4b: {  	_ =	shalt  }
0x4c: {  	_ =	shalt  }
0x4d: {  	_ =	shalt  }
0x4e: {  	_ =	shalt  }
0x4f: {  	_ =	shalt  }
0x50: {  	_ =	shalt  }
0x51: {  	_ =	shalt  }
0x52: {  	_ =	shalt  }
0x53: {  	_ =	shalt  }
0x54: {  	_ =	shalt  }
0x55: {  	_ =	shalt  }
0x56: {  	_ =	shalt  }
0x57: {  	_ =	shalt  }
0x58: {  	_ =	shalt  }
0x59: {  	_ =	shalt  }
0x5a: {  	_ =	shalt  }
0x5b: {  	_ =	shalt  }
0x5c: {  	_ =	shalt  }
0x5d: {  	_ =	shalt  }
0x5e: {  	_ =	shalt  }
0x5f: {  	_ =	shalt  }
0x60: {  	_ =	shalt  }
0x61: {  	_ =	shalt  }
0x62: {  	_ =	shalt  }
0x63: {  	_ =	shalt  }
0x64: {  	_ =	shalt  }
0x65: {  	_ =	shalt  }
0x66: {  	_ =	shalt  }
0x67: {  	_ =	shalt  }
0x68: {  	_ =	shalt  }
0x69: {  	_ =	shalt  }
0x6a: {  	_ =	shalt  }
0x6b: {  	_ =	shalt  }
0x6c: {  	_ =	shalt  }
0x6d: {  	_ =	shalt  }
0x6e: {  	_ =	shalt  }
0x6f: {  	_ =	shalt  }
0x70: {  	_ =	shalt  }
0x71: {  	_ =	shalt  }
0x72: {  	_ =	shalt  }
0x73: {  	_ =	shalt  }
0x74: {  	_ =	shalt  }
0x75: {  	_ =	shalt  }
0x76: {  	_ =	shalt  }
0x77: {  	_ =	shalt  }
0x78: {  	_ =	shalt  }
0x79: {  	_ =	shalt  }
0x7a: {  	_ =	shalt  }
0x7b: {  	_ =	shalt  }
0x7c: {  	_ =	shalt  }
0x7d: {  	_ =	shalt  }
0x7e: {  	_ =	shalt  }
0x7f: {  	_ =	shalt  }
0x80: {  	_ =	shalt  }
0x81: {  	_ =	shalt  }
0x82: {  	_ =	shalt  }
0x83: {  	_ =	shalt  }
0x84: {  	_ =	shalt  }
0x85: {  	_ =	shalt  }
0x86: {  	_ =	shalt  }
0x87: {  	_ =	shalt  }
.Lfunc_end0:
.L_simem_size_0:
called_computation.1_lowered:
.L_overlay_start_0:
0x88: {  	s2 =	sld [smem:$0x3FD9]  }
0x89: {  	s3 =	sld [smem:$0x3FFE];
	_ =	sdelay $0x1  }
0x8a: {  	s1 =	srdreg.scid  }
0x8b: {  	s0 =	sand.u32 $0x1, s1  }
0x8c: {  	s17 =	sshll.u32 s0, $0xA;
	s2 =	sadd.s32 s3, s2  }
0x8d: {  	s2 =	sadd.s32 s2, s17  }
0x8e: {  	[smem:$0x3FC2] =	sst s2  }
0x8f: {  	_ = 	snop  }
0x90: {  	s2 =	sld [smem:$0x3FD0];
	(tm) =	ssettm $0x1  }
0x91: {  	s18 =	sld [smem:$0x3FFB];
	_ =	sdelay $0x3  }
0x92: {  	_ =	strace s18  }
0x93: {  	s3 =	sld [smem:$0x3FFC];
	_ =	sdelay $0x3  }
0x94: {  	_ =	strace s3  }
0x95: {  	s3 =	sld [smem:$0x3FFD];
	_ =	sdelay $0x3  }
0x96: {  	_ =	strace s3  }
0x97: {  	_ =	strace $0x8FFFFFFF  }
0x98: {  	s19 =	sld [smem:$0x3FDB];
	_ =	sdelay $0x1  }
0x99: {  	s4 =	simm.s32 $_scs_section_size  }
0x9a: {  	s5 =	simm.s32 $_size__tile_overlayer_lowered;
	s6 =	simm.s32 $_tile_overlayer_lowered  }
0x9b: {  	s22 =	simm.s32 $0x1BFF;
	s21 =	sshll.u32 s6, $0x1;
	s3 =	sadd.s32 s4, s19  }
0x9c: {  	s7 =	simm.s32 $0x0;
	s20 =	sshll.u32 s5, $0x1;
	s5 =	sadd.s32 s21, s3  }
0x9d: {  	[timem:s7], [sflag:s22] =	dma.local [hbm:s5], s20  }
0x9e: {  	_ =	swait.ge [sflag:s22], s20  }
0x9f: {  	s4 =	ssub.s32 $0x0, s20;
	[sflag:s22] =	ssyncset.done $0x0  }
0xa0: {  	[sflag:s22] =	ssyncadd.s32 s4;
	_ =	sdelay $0x1  }
0xa1: {  	s23 =	simm.s32 $0x1B8B  }
0xa2: {  	_ =	swait.ge [sflag:s23], $0x1  }
0xa3: {  	[sflag:s23] =	ssyncset.done $0x0  }
0xa4: {  	s25 =	simm.s32 $0x1B8E;
	s24 =	sld [smem:$0x3FFE];
	[sflag:s23] =	ssyncadd.s32 $0xFFFFFFFF  }
0xa5: {  	s26 =	simm.s32 $execute0_lowered;
	[smem:$0x3FD2] =	sst s25  }
0xa6: {  	s5 =	sshll.u32 s26, $0x1;
	_ =	strace $0x80000049;
	[dreg:$0x1] =	wrdreg $0xFFFFFFFF  }
0xa7: {  	s28 =	simm.s32 $_size_execute0_lowered;
	s3 =	sadd.s32 s3, s5;
	[dreg:$0x0] =	wrdreg $0x0  }
0xa8: {  	s5 =	sshll.u32 s28, $0x1;
	[dreg:$0x2] =	wrdreg s3  }
0xa9: {  	[dreg:$0x3] =	wrdreg s5  }
0xaa: {  	[dreg:$0x4] =	wrdreg $0xC0  }
0xab: {  	_ =	task [dreg:s7], $0x5FFFF  }
0xac: {  	[dreg:$0x1] =	wrdreg $0xFFFFFFFF  }
0xad: {  	[dreg:$0x0] =	wrdreg $0x60  }
0xae: {  	[dreg:$0x2] =	wrdreg s24  }
0xaf: {  	[dreg:$0x3] =	wrdreg s2  }
0xb0: {  	[dreg:$0x4] =	wrdreg $0x18800  }
0xb1: {  	[dreg:$0x5] =	wrdreg $0x0  }
0xb2: {  	[dreg:$0x6] =	wrdreg $0x9  }
0xb3: {  	_ =	task.clear_ibuf [dreg:s7], $0x7FFFF;
	_ =	strace $0x90000049  }
0xb4: {  	s29 =	simm.s32 $0x9;
	_ =	strace $0x8000004B  }
0xb5: {  	_ =	swait.ge [sflag:s29], $0x1  }
0xb6: {  	[sflag:s29] =	ssyncadd.s32 $0xFFFFFFFF  }
0xb7: {  	_ =	strace $0x9000004B  }
0xb8: {  	_ =	sfence  }
0xb9: {  	s30 =	sld [smem:$0x0];
	_ =	sdelay $0x2  }
0xba: {  	s31 =	sshll.u32 s1, $0xD;
	s1 =	sshrl.u32 s1, $0x2  }
0xbb: {  	s3 =	sand.u32 $0x4000, s31;
	s1 =	sadd.s32 s1, s30  }
0xbc: {  	s0 =	sor.u32 s3, s0;
	s1 =	sshll.u32 s1, $0x11  }
0xbd: {  	s0 =	sor.u32 s1, s0  }
0xbe: {  	s0 =	sadd.s32 $0x8F2B, s0  }
0xbf: {  	[sflag:s0] =	ssyncadd.remote.s32 $0x1  }
0xc0: {  	_ =	sfence.sel $0xFFFF  }
0xc1: {  	[dreg:$0x0] =	wrdreg $0xFFFFFFFF;
	(pc) =	sbr.abs _section_cstart, $3  }
0xc2: {  	[dreg:$0x1] =	wrdreg $0xFFFFFFFF  }
0xc3: {  	_ =	task.clear_ibuf [dreg:s7], $0x2FFFF;
	_ =	strace $0x9FFFFFFF  }
0xc4: {  	(tm) =	ssettm $0x7FFFFFFF  }
0xc5: {  	_ =	shalt  }
tec
execute0_lowered:
.L_overlay_start_1:
0x0: {  	(tag) =	ssettag $0x1  }
0x1: {  	s0 =	rddreg [dreg:$0x0]  }
0x2: {  	s1 =	rddreg [dreg:$0x1]  }
0x3: {  	s3 =	srdreg.scid;
	s9 =	stileid.u32  }
0x4: {  	s2 =	rddreg [dreg:$0x2];
	s13 =	simm.s32 $0x3;
	s14 =	simm.s32 $0x3100  }
0x5: {  	s15 =	simm.s32 $0x3500;
	s21 =	simm.s32 $0x3180;
	s16 =	simm.s32 $0x80  }
0x6: {  	s17 =	simm.s32 $0x3900;
	s18 =	simm.s32 $0x3980;
	s28 =	simm.s32 $0x1  }
0x7: {  	s29 =	simm.s32 $0x3580;
	s30 =	simm.s32 $0x3600;
	s6 =	smul.u32 $0x186, s9  }
0x8: {  	s31 =	simm.s32 $0x3680;
	s5 =	sand.u32 $0x1, s3;
	s24 =	smul.u32 $0x1880, s9  }
0x9: {  	s3 =	rddreg [dreg:$0x3];
	s4 =	sshll.u32 s9, $0x1;
	s12 =	smul.u32 $0x620, s9  }
0xa: {  	p0 =	slt.u32 s9, $0x5;
	s9 =	simm.s32 $0x2;
	s7 =	smul.u32 $0xC3, s5  }
0xb: {  	s8 =	sor.u32 s5, s4;
	s4 =	simm.s32 $0x0;
	s23 =	sshll.u32 s5, $0x4  }
0xc: {  	s5 =	ssub.s32 $0x2, s5;
	s22 =	smin.u32 s8, $0xA;
	[smem:$0x7FF] =	sst s4  }
0xd: {  	s25 =	sshrl.u32 s5, $0x1;
	s11 =	sadd.s32 s24, s2;
	s26 =	sshrl.u32 s24, $0x3  }
0xe: {  	s10 =	sadd.s32 s24, s3;
	s24 =	simm.s32 $0x3300;
	s8 =	simm.s32 $0x3880  }
0xf: {  	s6 =	sadd.s32 s7, s6;
	_ =	strace $0x8000004A;
	[dreg:$0xe] =	wrdreg s10  }
0x10: {  	s5 =	ssub.s32 s5, s25;
	s1 =	sadd.s32 s1, s26;
	[dreg:$0x5] =	wrdreg s21  }
0x11: {  	s7 =	simm.s32 $0x3D00;
	[dreg:$0x8] =	wrdreg s24;
	s25 =	simm.s32 $0x3380  }
0x12: {  	s26 =	simm.s32 $0x3400;
	s21 =	simm.s32 $0x3B00;
	[dreg:$0xb] =	wrdreg s11  }
0x13: {  	s24 =	simm.s32 $0x0;
	s6 =	sadd.s32 s22, s6;
	[dreg:$0xc] =	wrdreg s1  }
0x14: {  	s1 =	simm.s32 $0xC4;
	s5 =	smax.u32 s5, $0x1;
	[dreg:$0x9] =	wrdreg s25  }
0x15: {  	s22 =	simm.s32 $0x3200;
	[dreg:$0xa] =	wrdreg s26;
	s25 =	simm.s32 $0x3480  }
0x16: {  	s26 =	simm.s32 $0x3C80;
	s6 =	sshll.u32 s6, $0x7;
	[dreg:$0xf] =	wrdreg s5  }
0x17: {  	s1 =	simm.s32 @!p0 $0xC3;
	[dreg:$0x6] =	wrdreg s22;
	s22 =	simm.s32 $0x3B80  }
0x18: {  	s6 =	sadd.s32 s6, s0;
	s0 =	sadd.s32 s23, s0;
	[dreg:$0xd] =	wrdreg s1  }
0x19: {  	s23 =	simm.s32 $0x3280;
	s1 =	simm.s32 $0x3700;
	s0 =	sadd.s32 $0x189800, s0  }
0x1a: {  	s19 =	sadd.s32 $0x2C00, s6;
	s20 =	sadd.s32 $0xC6200, s6;
	[dreg:$0x7] =	wrdreg s23  }
0x1b: {  	s23 =	simm.s32 $0x3C00;
	s6 =	simm.s32 $0x3800;
	[dreg:$0x10] =	wrdreg s19  }
0x1c: {  	[dreg:$0x11] =	wrdreg s20;
	s19 =	simm.s32 $0x3A00;
	s0 =	sadd.s32 s12, s0  }
0x1d: {  	v0 =	vimm.f32 $0.0e+00;
	s20 =	simm.s32 $0x3A80;
	[dreg:$0x12] =	wrdreg s0;
	s0 =	simm.s32 $0x3780  }
.LBB2_1:
0x1e: {  	s5 =	simm.s32 $0x40;
	s10 =	simm.s32 $0x0  }
.LBB2_2:
0x1f: {  	p0 =	sne.s32 s5, $0x61C0;
	[tilespmem:s10+$0x3D00] =	vst v0;
	s10 =	smov.u32 s5;
	s5 =	sadd.s32 $0x40, s5  }
.Ltmp0:
0x20: {  	(pc) =	sbr.rel @p0 .LBB2_2-.Ltmp0, $2  }
0x21: {  	_ =	sdelay $0x2  }
0x22: {  	s10 =	sshra.s32 s10, $0x2  }
0x23: {  	[tilespmem:s10+$0x3D00] =	vst v0  }
0x24: {  	[spmem:s11] =	stream.linear.scatter [tilespmem:s7], [sflag:$0x3], $0x1880, $0x38;
	[tilespmem:$0x5580] =	vst v63  }
0x25: {  	_ =	swait.ge [sflag:s13], $0x1880  }
0x26: {  	[sflag:s13] =	ssyncset.done $0x0  }
0x27: {  	s5 =	rddreg [dreg:$0xc];
	[sflag:s13] =	ssyncadd.s32 $0xFFFFE780  }
0x28: {  	[tilespmem:s7], [sflag:$0x3] =	stream.linear.gather [hbm4b:s5+s4], $0x1880, $0x38;
	[tilespmem:$0x5580] =	vst v63  }
0x29: {  	_ =	swait.ge [sflag:s13], $0x1880  }
0x2a: {  	[sflag:s13] =	ssyncset.done $0x0  }
0x2b: {  	s12 =	rddreg [dreg:$0xe];
	[sflag:s13] =	ssyncadd.s32 $0xFFFFE780  }
0x2c: {  	[spmem:s12] =	stream.linear.scatter [tilespmem:s7], [sflag:$0x3], $0x1880, $0x38;
	[tilespmem:$0x5580] =	vst v63  }
0x2d: {  	_ =	swait.ge [sflag:s13], $0x1880  }
0x2e: {  	[sflag:s13] =	ssyncset.done $0x0  }
0x2f: {  	[sflag:s13] =	ssyncadd.s32 $0xFFFFE780  }
0x30: {  	[bflag:$0x0] =	sbarrier.arrive $0xFFFF  }
0x31: {  	s7 =	rddreg [dreg:$0x10]  }
0x32: {  	[tilespmem:s14], [sflag:$0x3] =	stream.linear.gather [hbm4b:s7+s4], $0x400, $0x38;
	[tilespmem:$0x5580] =	vst v63  }
0x33: {  	_ =	swait.ge [sflag:s13], $0x400  }
0x34: {  	[sflag:s13] =	ssyncset.done $0x0  }
0x35: {  	s11 =	rddreg [dreg:$0x11];
	[sflag:s13] =	ssyncadd.s32 $0xFFFFFC00  }
0x36: {  	[tilespmem:s15], [sflag:$0x3] =	stream.linear.gather [hbm4b:s11+s4], $0x400, $0x38;
	[tilespmem:$0x5580] =	vst v63  }
0x37: {  	_ =	swait.ge [sflag:s13], $0x400  }
0x38: {  	[sflag:s13] =	ssyncset.done $0x0  }
0x39: {  	[sflag:s13] =	ssyncadd.s32 $0xFFFFFC00  }
0x3a: {  	[tilespmem:s17], [sflag:$0x1] =	stream.indirect.gather [spmem:s3], $0x1, s14, s16, $0xb8;
	[tilespmem:$0x5580] =	vst v63  }
0x3b: {  	s10 =	rddreg [dreg:$0x5]  }
0x3c: {  	[tilespmem:s18], [sflag:$0x1] =	stream.indirect.gather [spmem:s3], $0x1, s10, s16, $0xb8;
	[tilespmem:$0x5580] =	vst v63  }
0x3d: {  	s12 =	rddreg [dreg:$0x6]  }
0x3e: {  	[tilespmem:s19], [sflag:$0x1] =	stream.indirect.gather [spmem:s3], $0x1, s12, s16, $0xb8;
	[tilespmem:$0x5580] =	vst v63  }
0x3f: {  	s5 =	rddreg [dreg:$0x7]  }
0x40: {  	[tilespmem:s20], [sflag:$0x1] =	stream.indirect.gather [spmem:s3], $0x1, s5, s16, $0xb8;
	[tilespmem:$0x5580] =	vst v63  }
0x41: {  	s12 =	rddreg [dreg:$0x8]  }
0x42: {  	[tilespmem:s21], [sflag:$0x1] =	stream.indirect.gather [spmem:s3], $0x1, s12, s16, $0xb8;
	[tilespmem:$0x5580] =	vst v63  }
0x43: {  	s5 =	rddreg [dreg:$0x9]  }
0x44: {  	[tilespmem:s22], [sflag:$0x1] =	stream.indirect.gather [spmem:s3], $0x1, s5, s16, $0xb8;
	[tilespmem:$0x5580] =	vst v63  }
0x45: {  	s12 =	rddreg [dreg:$0xa]  }
0x46: {  	[tilespmem:s23], [sflag:$0x1] =	stream.indirect.gather [spmem:s3], $0x1, s12, s16, $0xb8;
	[tilespmem:$0x5580] =	vst v63  }
0x47: {  	_ = 	snop  }
0x48: {  	[tilespmem:s26], [sflag:$0x1] =	stream.indirect.gather [spmem:s3], $0x1, s25, s16, $0xb8;
	[tilespmem:$0x5580] =	vst v63  }
0x49: {  	_ =	swait.ge [sflag:s28], $0x80  }
0x4a: {  	[sflag:s28] =	ssyncset.done $0x0  }
0x4b: {  	[sflag:s28] =	ssyncadd.s32 $0xFFFFFF80  }
0x4c: {  	_ =	swait.ge [sflag:s28], $0x80  }
0x4d: {  	[sflag:s28] =	ssyncset.done $0x0  }
0x4e: {  	[sflag:s28] =	ssyncadd.s32 $0xFFFFFF80  }
0x4f: {  	_ =	swait.ge [sflag:s28], $0x80  }
0x50: {  	[sflag:s28] =	ssyncset.done $0x0  }
0x51: {  	[sflag:s28] =	ssyncadd.s32 $0xFFFFFF80  }
0x52: {  	_ =	swait.ge [sflag:s28], $0x80  }
0x53: {  	[sflag:s28] =	ssyncset.done $0x0  }
0x54: {  	[sflag:s28] =	ssyncadd.s32 $0xFFFFFF80  }
0x55: {  	_ =	swait.ge [sflag:s28], $0x80  }
0x56: {  	[sflag:s28] =	ssyncset.done $0x0  }
0x57: {  	[sflag:s28] =	ssyncadd.s32 $0xFFFFFF80  }
0x58: {  	_ =	swait.ge [sflag:s28], $0x80  }
0x59: {  	[sflag:s28] =	ssyncset.done $0x0  }
0x5a: {  	[sflag:s28] =	ssyncadd.s32 $0xFFFFFF80  }
0x5b: {  	_ =	swait.ge [sflag:s28], $0x80  }
0x5c: {  	[sflag:s28] =	ssyncset.done $0x0  }
0x5d: {  	[sflag:s28] =	ssyncadd.s32 $0xFFFFFF80  }
0x5e: {  	_ =	swait.ge [sflag:s28], $0x80  }
0x5f: {  	[sflag:s28] =	ssyncset.done $0x0  }
0x60: {  	[sflag:s28] =	ssyncadd.s32 $0xFFFFFF80  }
0x61: {  	[spmem:s2] =	stream.indirect.scatter.add.f32 [tilespmem:s17], [sflag:$0x2], $0x1, s15, s16, $0xb8;
	[tilespmem:$0x5580] =	vst v63  }
0x62: {  	_ = 	snop  }
0x63: {  	[spmem:s2] =	stream.indirect.scatter.add.f32 [tilespmem:s18], [sflag:$0x2], $0x1, s29, s16, $0xb8;
	[tilespmem:$0x5580] =	vst v63  }
0x64: {  	_ = 	snop  }
0x65: {  	[spmem:s2] =	stream.indirect.scatter.add.f32 [tilespmem:s19], [sflag:$0x2], $0x1, s30, s16, $0xb8;
	[tilespmem:$0x5580] =	vst v63  }
0x66: {  	_ = 	snop  }
0x67: {  	[spmem:s2] =	stream.indirect.scatter.add.f32 [tilespmem:s20], [sflag:$0x2], $0x1, s31, s16, $0xb8;
	[tilespmem:$0x5580] =	vst v63  }
0x68: {  	_ = 	snop  }
0x69: {  	[spmem:s2] =	stream.indirect.scatter.add.f32 [tilespmem:s21], [sflag:$0x2], $0x1, s1, s16, $0xb8;
	[tilespmem:$0x5580] =	vst v63  }
0x6a: {  	_ = 	snop  }
0x6b: {  	[spmem:s2] =	stream.indirect.scatter.add.f32 [tilespmem:s22], [sflag:$0x2], $0x1, s0, s16, $0xb8;
	[tilespmem:$0x5580] =	vst v63  }
0x6c: {  	_ = 	snop  }
0x6d: {  	[spmem:s2] =	stream.indirect.scatter.add.f32 [tilespmem:s23], [sflag:$0x2], $0x1, s6, s16, $0xb8;
	[tilespmem:$0x5580] =	vst v63  }
0x6e: {  	_ = 	snop  }
0x6f: {  	[spmem:s2] =	stream.indirect.scatter.add.f32 [tilespmem:s26], [sflag:$0x2], $0x1, s8, s16, $0xb8;
	[tilespmem:$0x5580] =	vst v63  }
0x70: {  	_ =	swait.ge [sflag:s9], $0x80  }
0x71: {  	[sflag:s9] =	ssyncset.done $0x0  }
0x72: {  	[sflag:s9] =	ssyncadd.s32 $0xFFFFFF80  }
0x73: {  	_ =	swait.ge [sflag:s9], $0x80  }
0x74: {  	[sflag:s9] =	ssyncset.done $0x0  }
0x75: {  	[sflag:s9] =	ssyncadd.s32 $0xFFFFFF80  }
0x76: {  	_ =	swait.ge [sflag:s9], $0x80  }
0x77: {  	[sflag:s9] =	ssyncset.done $0x0  }
0x78: {  	[sflag:s9] =	ssyncadd.s32 $0xFFFFFF80  }
0x79: {  	_ =	swait.ge [sflag:s9], $0x80  }
0x7a: {  	[sflag:s9] =	ssyncset.done $0x0  }
0x7b: {  	[sflag:s9] =	ssyncadd.s32 $0xFFFFFF80  }
0x7c: {  	_ =	swait.ge [sflag:s9], $0x80  }
0x7d: {  	[sflag:s9] =	ssyncset.done $0x0  }
0x7e: {  	[sflag:s9] =	ssyncadd.s32 $0xFFFFFF80  }
0x7f: {  	_ =	swait.ge [sflag:s9], $0x80  }
0x80: {  	[sflag:s9] =	ssyncset.done $0x0  }
0x81: {  	[sflag:s9] =	ssyncadd.s32 $0xFFFFFF80  }
0x82: {  	_ =	swait.ge [sflag:s9], $0x80  }
0x83: {  	s12 =	rddreg [dreg:$0xd]  }
0x84: {  	p0 =	sne.s32 s12, $0x1  }
.Ltmp1:
0x85: {  	_ = 	snop;
	(pc) =	sbr.rel @!p0 .LBB2_5-.Ltmp1, $4  }
0x86: {  	[sflag:s9] =	ssyncset.done $0x0  }
0x87: {  	[sflag:s9] =	ssyncadd.s32 $0xFFFFFF80  }
0x88: {  	_ =	swait.ge [sflag:s9], $0x80  }
0x89: {  	s10 =	smov.u32 s7;
	s5 =	sadd.s32 $0xFFFFFFFF, s12;
	[sflag:s9] =	ssyncset.done $0x0  }
.LBB2_4:
0x8a: {  	[sflag:s9] =	ssyncadd.s32 $0xFFFFFF80;
	s10 =	sadd.s32 $0x80, s10  }
0x8b: {  	[tilespmem:s14], [sflag:$0x3] =	stream.linear.gather [hbm4b:s10+s4], $0x400, $0x38;
	[tilespmem:$0x5580] =	vst v63  }
0x8c: {  	_ =	swait.ge [sflag:s13], $0x400  }
0x8d: {  	[sflag:s13] =	ssyncset.done $0x0  }
0x8e: {  	s11 =	sadd.s32 $0x80, s11;
	[sflag:s13] =	ssyncadd.s32 $0xFFFFFC00  }
0x8f: {  	[tilespmem:s15], [sflag:$0x3] =	stream.linear.gather [hbm4b:s11+s4], $0x400, $0x38;
	[tilespmem:$0x5580] =	vst v63  }
0x90: {  	_ =	swait.ge [sflag:s13], $0x400  }
0x91: {  	[sflag:s13] =	ssyncset.done $0x0  }
0x92: {  	[sflag:s13] =	ssyncadd.s32 $0xFFFFFC00  }
0x93: {  	[tilespmem:s17], [sflag:$0x1] =	stream.indirect.gather [spmem:s3], $0x1, s14, s16, $0xb8;
	[tilespmem:$0x5580] =	vst v63  }
0x94: {  	s7 =	rddreg [dreg:$0x5]  }
0x95: {  	[tilespmem:s18], [sflag:$0x1] =	stream.indirect.gather [spmem:s3], $0x1, s7, s16, $0xb8;
	[tilespmem:$0x5580] =	vst v63  }
0x96: {  	s12 =	rddreg [dreg:$0x6]  }
0x97: {  	[tilespmem:s19], [sflag:$0x1] =	stream.indirect.gather [spmem:s3], $0x1, s12, s16, $0xb8;
	[tilespmem:$0x5580] =	vst v63  }
0x98: {  	s7 =	rddreg [dreg:$0x7]  }
0x99: {  	[tilespmem:s20], [sflag:$0x1] =	stream.indirect.gather [spmem:s3], $0x1, s7, s16, $0xb8;
	[tilespmem:$0x5580] =	vst v63  }
0x9a: {  	s12 =	rddreg [dreg:$0x8]  }
0x9b: {  	[tilespmem:s21], [sflag:$0x1] =	stream.indirect.gather [spmem:s3], $0x1, s12, s16, $0xb8;
	[tilespmem:$0x5580] =	vst v63  }
0x9c: {  	s7 =	rddreg [dreg:$0x9]  }
0x9d: {  	[tilespmem:s22], [sflag:$0x1] =	stream.indirect.gather [spmem:s3], $0x1, s7, s16, $0xb8;
	[tilespmem:$0x5580] =	vst v63  }
0x9e: {  	s12 =	rddreg [dreg:$0xa]  }
0x9f: {  	[tilespmem:s23], [sflag:$0x1] =	stream.indirect.gather [spmem:s3], $0x1, s12, s16, $0xb8;
	[tilespmem:$0x5580] =	vst v63  }
0xa0: {  	_ = 	snop  }
0xa1: {  	[tilespmem:s26], [sflag:$0x1] =	stream.indirect.gather [spmem:s3], $0x1, s25, s16, $0xb8;
	[tilespmem:$0x5580] =	vst v63  }
0xa2: {  	_ =	swait.ge [sflag:s28], $0x80  }
0xa3: {  	[sflag:s28] =	ssyncset.done $0x0  }
0xa4: {  	[sflag:s28] =	ssyncadd.s32 $0xFFFFFF80  }
0xa5: {  	_ =	swait.ge [sflag:s28], $0x80  }
0xa6: {  	[sflag:s28] =	ssyncset.done $0x0  }
0xa7: {  	[sflag:s28] =	ssyncadd.s32 $0xFFFFFF80  }
0xa8: {  	_ =	swait.ge [sflag:s28], $0x80  }
0xa9: {  	[sflag:s28] =	ssyncset.done $0x0  }
0xaa: {  	[sflag:s28] =	ssyncadd.s32 $0xFFFFFF80  }
0xab: {  	_ =	swait.ge [sflag:s28], $0x80  }
0xac: {  	[sflag:s28] =	ssyncset.done $0x0  }
0xad: {  	[sflag:s28] =	ssyncadd.s32 $0xFFFFFF80  }
0xae: {  	_ =	swait.ge [sflag:s28], $0x80  }
0xaf: {  	[sflag:s28] =	ssyncset.done $0x0  }
0xb0: {  	[sflag:s28] =	ssyncadd.s32 $0xFFFFFF80  }
0xb1: {  	_ =	swait.ge [sflag:s28], $0x80  }
0xb2: {  	[sflag:s28] =	ssyncset.done $0x0  }
0xb3: {  	[sflag:s28] =	ssyncadd.s32 $0xFFFFFF80  }
0xb4: {  	_ =	swait.ge [sflag:s28], $0x80  }
0xb5: {  	[sflag:s28] =	ssyncset.done $0x0  }
0xb6: {  	[sflag:s28] =	ssyncadd.s32 $0xFFFFFF80  }
0xb7: {  	_ =	swait.ge [sflag:s28], $0x80  }
0xb8: {  	[sflag:s28] =	ssyncset.done $0x0  }
0xb9: {  	[sflag:s28] =	ssyncadd.s32 $0xFFFFFF80  }
0xba: {  	[spmem:s2] =	stream.indirect.scatter.add.f32 [tilespmem:s17], [sflag:$0x2], $0x1, s15, s16, $0xb8;
	[tilespmem:$0x5580] =	vst v63  }
0xbb: {  	_ = 	snop  }
0xbc: {  	[spmem:s2] =	stream.indirect.scatter.add.f32 [tilespmem:s18], [sflag:$0x2], $0x1, s29, s16, $0xb8;
	[tilespmem:$0x5580] =	vst v63  }
0xbd: {  	_ = 	snop  }
0xbe: {  	[spmem:s2] =	stream.indirect.scatter.add.f32 [tilespmem:s19], [sflag:$0x2], $0x1, s30, s16, $0xb8;
	[tilespmem:$0x5580] =	vst v63  }
0xbf: {  	_ = 	snop  }
0xc0: {  	[spmem:s2] =	stream.indirect.scatter.add.f32 [tilespmem:s20], [sflag:$0x2], $0x1, s31, s16, $0xb8;
	[tilespmem:$0x5580] =	vst v63  }
0xc1: {  	_ = 	snop  }
0xc2: {  	[spmem:s2] =	stream.indirect.scatter.add.f32 [tilespmem:s21], [sflag:$0x2], $0x1, s1, s16, $0xb8;
	[tilespmem:$0x5580] =	vst v63  }
0xc3: {  	_ = 	snop  }
0xc4: {  	[spmem:s2] =	stream.indirect.scatter.add.f32 [tilespmem:s22], [sflag:$0x2], $0x1, s0, s16, $0xb8;
	[tilespmem:$0x5580] =	vst v63  }
0xc5: {  	_ = 	snop  }
0xc6: {  	[spmem:s2] =	stream.indirect.scatter.add.f32 [tilespmem:s23], [sflag:$0x2], $0x1, s6, s16, $0xb8;
	[tilespmem:$0x5580] =	vst v63  }
0xc7: {  	_ = 	snop  }
0xc8: {  	[spmem:s2] =	stream.indirect.scatter.add.f32 [tilespmem:s26], [sflag:$0x2], $0x1, s8, s16, $0xb8;
	[tilespmem:$0x5580] =	vst v63  }
0xc9: {  	_ =	swait.ge [sflag:s9], $0x80  }
0xca: {  	[sflag:s9] =	ssyncset.done $0x0  }
0xcb: {  	[sflag:s9] =	ssyncadd.s32 $0xFFFFFF80  }
0xcc: {  	_ =	swait.ge [sflag:s9], $0x80  }
0xcd: {  	[sflag:s9] =	ssyncset.done $0x0  }
0xce: {  	[sflag:s9] =	ssyncadd.s32 $0xFFFFFF80  }
0xcf: {  	_ =	swait.ge [sflag:s9], $0x80  }
0xd0: {  	[sflag:s9] =	ssyncset.done $0x0  }
0xd1: {  	[sflag:s9] =	ssyncadd.s32 $0xFFFFFF80  }
0xd2: {  	_ =	swait.ge [sflag:s9], $0x80  }
0xd3: {  	[sflag:s9] =	ssyncset.done $0x0  }
0xd4: {  	[sflag:s9] =	ssyncadd.s32 $0xFFFFFF80  }
0xd5: {  	_ =	swait.ge [sflag:s9], $0x80  }
0xd6: {  	[sflag:s9] =	ssyncset.done $0x0  }
0xd7: {  	[sflag:s9] =	ssyncadd.s32 $0xFFFFFF80  }
0xd8: {  	_ =	swait.ge [sflag:s9], $0x80  }
0xd9: {  	[sflag:s9] =	ssyncset.done $0x0  }
0xda: {  	p0 =	sne.s32 s5, $0x1;
	[sflag:s9] =	ssyncadd.s32 $0xFFFFFF80  }
.Ltmp2:
0xdb: {  	_ =	swait.ge [sflag:s9], $0x80;
	(pc) =	sbr.rel @p0 .LBB2_4-.Ltmp2, $4  }
0xdc: {  	[sflag:s9] =	ssyncset.done $0x0  }
0xdd: {  	[sflag:s9] =	ssyncadd.s32 $0xFFFFFF80  }
0xde: {  	_ =	swait.ge [sflag:s9], $0x80  }
0xdf: {  	s5 =	sadd.s32 $0xFFFFFFFF, s5;
	[sflag:s9] =	ssyncset.done $0x0  }
.LBB2_5:
0xe0: {  	[sflag:s9] =	ssyncadd.s32 $0xFFFFFF80  }
0xe1: {  	[bflag:$0x0] =	sbarrier.arrive $0xFFFF  }
0xe2: {  	s7 =	simm.s32 $0x3D00;
	s11 =	rddreg [dreg:$0xb]  }
0xe3: {  	[tilespmem:s7], [sflag:$0x3] =	stream.linear.gather [spmem:s11], $0x1880, $0x38;
	[tilespmem:$0x5580] =	vst v63  }
0xe4: {  	_ =	swait.ge [sflag:s13], $0x1880  }
0xe5: {  	[sflag:s13] =	ssyncset.done $0x0  }
0xe6: {  	s10 =	simm.s32 $0x100;
	s5 =	rddreg [dreg:$0x12];
	[sflag:s13] =	ssyncadd.s32 $0xFFFFE780  }
0xe7: {  	[hbm4b:s5+s16] =	stream.strided.scatter [tilespmem:s7], [sflag:$0x3], $0x1880, s10, s16, $0x38;
	[tilespmem:$0x5580] =	vst v63  }
0xe8: {  	_ =	swait.ge [sflag:s13], $0x1880  }
0xe9: {  	s24 =	sadd.s32 $0x1, s24;
	s12 =	rddreg [dreg:$0xf]  }
0xea: {  	p0 =	sne.s32 s24, s12  }
.Ltmp3:
0xeb: {  	_ = 	snop;
	(pc) =	sbr.rel @p0 .LBB2_1-.Ltmp3, $3  }
0xec: {  	_ =	sdelay $0x1  }
0xed: {  	[sflag:s13] =	ssyncset.done $0x0  }
0xee: {  	[sflag:s13] =	ssyncadd.s32 $0xFFFFE780  }
0xef: {  	_ =	sfence.sel $0x180000  }
0xf0: {  	[bflag:$0x0] =	sbarrier.arrive $0xFFFF  }
0xf1: {  	_ =	strace $0x9000004A  }
0xf2: {  	s0 =	stileid.u32;
	[bflag:$0x2] =	sbarrier.arrive $0xFFFF  }
0xf3: {  	p0 =	sne.s32 s0, $0x0;
	s0 =	rddreg [dreg:$0x4]  }
0xf4: {  	s0 =	sadd.s32 @!p0 $0x100000, s0  }
0xf5: {  	[sflag:s0] =	ssyncadd.tile.s32 @!p0 $0x1;
	_ =	shalt  }
.Lfunc_end2:
_tile_overlayer_lowered:
.L_overlay_start_2:
0xf6: {  	(tag) =	ssettag $0x2  }
0xf7: {  	s0 =	rddreg [dreg:$0x0];
	s2 =	stileid.u32  }
0xf8: {  	s1 =	rddreg [dreg:$0x1];
	p0 =	sne.s32 s2, $0x0  }
0xf9: {  	s3 =	rddreg [dreg:$0x2];
	[bflag:$0x3] =	sbarrier.arrive $0xFFFF;
	s2 =	simm.s32 @!p0 $0x1C03  }
0xfa: {  	[timem:s3], [sflag:s2] =	dma.local @!p0 [hbm:s0], s1  }
0xfb: {  	s0 =	simm.s32 @!p0 $0x3  }
0xfc: {  	_ =	swait.ge @!p0 [sflag:s0], s1  }
0xfd: {  	s1 =	ssub.s32 @!p0 $0x0, s1;
	[sflag:s0] =	ssyncset.done @!p0 $0x0  }
0xfe: {  	[sflag:s0] =	ssyncadd.s32 @!p0 s1  }
0xff: {  	[bflag:$0x3] =	sbarrier.arrive $0xFFFF  }
0x100: {  	_ =	shalt  }

// kernel: kernel.14.cloned.1.call-start
scs
__scs_entry_jumppad:
0x0: {  	(pc) =	sbr.rel $0x88, $3  }
0x1: {  	(tag) =	ssettag $0x0;
	lr =	simm.s32 $0x1  }
0x2: {  	[smem:$0x3F9B] =	sst lr;
	_ =	strace $0xD0000000  }
0x3: {  	_ = 	snop  }
0x4: {  	_ = 	snop  }
0x5: {  	_ = 	snop  }
0x6: {  	_ = 	snop  }
0x7: {  	_ = 	snop  }
__scs_overlays_trampoline_lowered:
0x8: {  	[smem:$0x3FAA] =	sst s0  }
0x9: {  	[smem:$0x3FAB] =	sst s1  }
0xa: {  	[smem:$0x3FAC] =	sst s2  }
0xb: {  	[smem:$0x3FAD] =	sst s3  }
0xc: {  	[smem:$0x3FAE] =	sst s4  }
0xd: {  	[smem:$0x3FAF] =	sst s5  }
0xe: {  	[smem:$0x3FB0] =	sst s6  }
0xf: {  	[smem:$0x3FB1] =	sst s7  }
0x10: {  	[smem:$0x3FB2] =	sst s8  }
0x11: {  	[smem:$0x3FB3] =	sst s9;
	s0 =	simm.s32 @!p0 $0x0  }
0x12: {  	s1 =	sld [smem:$0x3F99];
	s0 =	simm.s32 @p0 $0x1  }
0x13: {  	[smem:$0x3FB4] =	sst s0;
	s0 =	simm.s32 @!p1 $0x0  }
0x14: {  	s2 =	sld [smem:$0x3F98];
	s0 =	simm.s32 @p1 $0x1  }
0x15: {  	[smem:$0x3FB5] =	sst s0;
	s0 =	simm.s32 @!p2 $0x0  }
0x16: {  	s3 =	sld [smem:$0x3FDB];
	s0 =	simm.s32 @p2 $0x1  }
0x17: {  	s4 =	simm.s32 $0x1BF5;
	[smem:$0x3FB7] =	sst s0  }
0x18: {  	s0 =	sld [smem:$0x3F9A];
	_ =	swait.ge [sflag:s4], $0x0  }
0x19: {  	s7 =	sld [smem:$0x3F9B]  }
0x1a: {  	s8 =	sadd.s32 $0xFFFFE003, lr  }
0x1b: {  	s9 =	sadd.s32 $0xFFFFFEF7, lr;
	s5 =	simm.s32 $0xFFFFFFFF;
	p2 =	slt.u32 s8, $0xFFFFF086  }
0x1c: {  	p1 =	slt.u32 s9, $0xF7A;
	s5 =	simm.s32 @!p2 $0x0  }
0x1d: {  	s5 =	simm.s32 @p1 $0x1;
	p0 =	seq.s32 s7, s2  }
0x1e: {  	s7 =	smul.u32 @!p0 $0xF7A, s2;
	p2 =	seq.s32 @!p0 s5, $0x0  }
0x1f: {  	s9 =	smul.u32 $0xF7A, s1;
	s8 =	simm.s32 @!p0 $0x1BF5;
	p2 =	por !p2, p0  }
0x20: {  	[sflag:s8] =	ssyncset.s32 @!p0 $0xFFFFF086;
	s6 =	sadd.s32 @!p0 s3, s7;
	s7 =	simm.s32 @!p0 $0x108  }
0x21: {  	s3 =	sadd.s32 s3, s9;
	s6 =	sadd.s32 @!p0 $0x88, s6;
	s7 =	simm.s32 @p2 $0x1082  }
0x22: {  	[simem:s7], [sflag:s8] =	dma.local @!p0 [hbm:s6], $0xF7A  }
0x23: {  	s9 =	sor.u32 $0xD0000000, s2;
	s6 =	simm.s32 $0x108;
	_ =	swait.ge @!p0 [sflag:s8], $0x0  }
0x24: {  	s3 =	sadd.s32 $0x88, s3;
	s6 =	simm.s32 @!p1 $0x1082;
	[sflag:s4] =	ssyncset.s32 $0xFFFFF086  }
0x25: {  	[simem:s6], [sflag:s4] =	dma.local [hbm:s3], $0xF7A  }
0x26: {  	[smem:$0x3F9B] =	sst s1;
	(tag) =	ssettag s2;
	_ =	strace s9  }
0x27: {  	s1 =	sld [smem:$0x3FAB]  }
0x28: {  	s2 =	sld [smem:$0x3FAC]  }
0x29: {  	s4 =	sld [smem:$0x3FAE]  }
0x2a: {  	p0 =	seq.s32 s5, $0x0;
	s5 =	sld [smem:$0x3FAF]  }
0x2b: {  	s6 =	sld [smem:$0x3FB0]  }
0x2c: {  	s7 =	sld [smem:$0x3FB1]  }
0x2d: {  	s3 =	simm.s32 $0x108;
	s8 =	sld [smem:$0x3FB2]  }
0x2e: {  	s3 =	simm.s32 @!p0 $0x1082;
	s9 =	sld [smem:$0x3FB3]  }
0x2f: {  	lr =	sadd.s32 s0, s3;
	s0 =	sld [smem:$0x3FAA]  }
0x30: {  	s3 =	sld [smem:$0x3FAD]  }
0x31: {  	[smem:$0x3FB6] =	sst s10  }
0x32: {  	s10 =	sld [smem:$0x3FB4];
	_ =	sdelay $0x3  }
0x33: {  	p0 =	seq.s32 s10, $0x1;
	s10 =	sld [smem:$0x3FB6];
	_ =	sdelay $0x3  }
0x34: {  	[smem:$0x3FB6] =	sst s10  }
0x35: {  	s10 =	sld [smem:$0x3FB5];
	_ =	sdelay $0x3  }
0x36: {  	p1 =	seq.s32 s10, $0x1;
	s10 =	sld [smem:$0x3FB6];
	_ =	sdelay $0x3  }
0x37: {  	[smem:$0x3FB6] =	sst s10  }
0x38: {  	s10 =	sld [smem:$0x3FB7]  }
0x39: {  	_ = 	snop;
	(pc) =	sbr.ind lr, $3  }
0x3a: {  	_ = 	snop  }
0x3b: {  	_ = 	snop  }
0x3c: {  	p2 =	seq.s32 s10, $0x1;
	s10 =	sld [smem:$0x3FB6]  }
0x3d: {  	_ =	shalt  }
0x3e: {  	_ =	shalt  }
0x3f: {  	_ =	shalt  }
0x40: {  	_ =	shalt  }
0x41: {  	_ =	shalt  }
0x42: {  	_ =	shalt  }
0x43: {  	_ =	shalt  }
0x44: {  	_ =	shalt  }
0x45: {  	_ =	shalt  }
0x46: {  	_ =	shalt  }
0x47: {  	_ =	shalt  }
0x48: {  	_ =	shalt  }
0x49: {  	_ =	shalt  }
0x4a: {  	_ =	shalt  }
0x4b: {  	_ =	shalt  }
0x4c: {  	_ =	shalt  }
0x4d: {  	_ =	shalt  }
0x4e: {  	_ =	shalt  }
0x4f: {  	_ =	shalt  }
0x50: {  	_ =	shalt  }
0x51: {  	_ =	shalt  }
0x52: {  	_ =	shalt  }
0x53: {  	_ =	shalt  }
0x54: {  	_ =	shalt  }
0x55: {  	_ =	shalt  }
0x56: {  	_ =	shalt  }
0x57: {  	_ =	shalt  }
0x58: {  	_ =	shalt  }
0x59: {  	_ =	shalt  }
0x5a: {  	_ =	shalt  }
0x5b: {  	_ =	shalt  }
0x5c: {  	_ =	shalt  }
0x5d: {  	_ =	shalt  }
0x5e: {  	_ =	shalt  }
0x5f: {  	_ =	shalt  }
0x60: {  	_ =	shalt  }
0x61: {  	_ =	shalt  }
0x62: {  	_ =	shalt  }
0x63: {  	_ =	shalt  }
0x64: {  	_ =	shalt  }
0x65: {  	_ =	shalt  }
0x66: {  	_ =	shalt  }
0x67: {  	_ =	shalt  }
0x68: {  	_ =	shalt  }
0x69: {  	_ =	shalt  }
0x6a: {  	_ =	shalt  }
0x6b: {  	_ =	shalt  }
0x6c: {  	_ =	shalt  }
0x6d: {  	_ =	shalt  }
0x6e: {  	_ =	shalt  }
0x6f: {  	_ =	shalt  }
0x70: {  	_ =	shalt  }
0x71: {  	_ =	shalt  }
0x72: {  	_ =	shalt  }
0x73: {  	_ =	shalt  }
0x74: {  	_ =	shalt  }
0x75: {  	_ =	shalt  }
0x76: {  	_ =	shalt  }
0x77: {  	_ =	shalt  }
0x78: {  	_ =	shalt  }
0x79: {  	_ =	shalt  }
0x7a: {  	_ =	shalt  }
0x7b: {  	_ =	shalt  }
0x7c: {  	_ =	shalt  }
0x7d: {  	_ =	shalt  }
0x7e: {  	_ =	shalt  }
0x7f: {  	_ =	shalt  }
0x80: {  	_ =	shalt  }
0x81: {  	_ =	shalt  }
0x82: {  	_ =	shalt  }
0x83: {  	_ =	shalt  }
0x84: {  	_ =	shalt  }
0x85: {  	_ =	shalt  }
0x86: {  	_ =	shalt  }
0x87: {  	_ =	shalt  }
.Lfunc_end0:
.L_simem_size_0:
called_computation.2_lowered:
.L_overlay_start_0:
0x88: {  	s2 =	sld [smem:$0x3FD9]  }
0x89: {  	s3 =	sld [smem:$0x3FFE];
	_ =	sdelay $0x1  }
0x8a: {  	s1 =	srdreg.scid  }
0x8b: {  	s0 =	sand.u32 $0x1, s1  }
0x8c: {  	s17 =	sshll.u32 s0, $0xA;
	s2 =	sadd.s32 s3, s2  }
0x8d: {  	s2 =	sadd.s32 s2, s17  }
0x8e: {  	[smem:$0x3FC2] =	sst s2  }
0x8f: {  	_ = 	snop  }
0x90: {  	s2 =	sld [smem:$0x3FD0];
	(tm) =	ssettm $0x1  }
0x91: {  	s18 =	sld [smem:$0x3FFB];
	_ =	sdelay $0x3  }
0x92: {  	_ =	strace s18  }
0x93: {  	s3 =	sld [smem:$0x3FFC];
	_ =	sdelay $0x3  }
0x94: {  	_ =	strace s3  }
0x95: {  	s3 =	sld [smem:$0x3FFD];
	_ =	sdelay $0x3  }
0x96: {  	_ =	strace s3  }
0x97: {  	_ =	strace $0x8FFFFFFF  }
0x98: {  	s19 =	sld [smem:$0x3FDB];
	_ =	sdelay $0x1  }
0x99: {  	s4 =	simm.s32 $_scs_section_size  }
0x9a: {  	s5 =	simm.s32 $_size__tile_overlayer_lowered;
	s6 =	simm.s32 $_tile_overlayer_lowered  }
0x9b: {  	s22 =	simm.s32 $0x1BFF;
	s21 =	sshll.u32 s6, $0x1;
	s3 =	sadd.s32 s4, s19  }
0x9c: {  	s7 =	simm.s32 $0x0;
	s20 =	sshll.u32 s5, $0x1;
	s5 =	sadd.s32 s21, s3  }
0x9d: {  	[timem:s7], [sflag:s22] =	dma.local [hbm:s5], s20  }
0x9e: {  	_ =	swait.ge [sflag:s22], s20  }
0x9f: {  	s4 =	ssub.s32 $0x0, s20;
	[sflag:s22] =	ssyncset.done $0x0  }
0xa0: {  	[sflag:s22] =	ssyncadd.s32 s4;
	_ =	sdelay $0x1  }
0xa1: {  	s23 =	simm.s32 $0x1B8B  }
0xa2: {  	_ =	swait.ge [sflag:s23], $0x1  }
0xa3: {  	[sflag:s23] =	ssyncset.done $0x0  }
0xa4: {  	s25 =	simm.s32 $0x1B8E;
	s24 =	sld [smem:$0x3FFE];
	[sflag:s23] =	ssyncadd.s32 $0xFFFFFFFF  }
0xa5: {  	s26 =	simm.s32 $execute0_lowered;
	[smem:$0x3FD2] =	sst s25  }
0xa6: {  	s5 =	sshll.u32 s26, $0x1;
	_ =	strace $0x8000004C;
	[dreg:$0x1] =	wrdreg $0xFFFFFFFF  }
0xa7: {  	s28 =	simm.s32 $_size_execute0_lowered;
	s3 =	sadd.s32 s3, s5;
	[dreg:$0x0] =	wrdreg $0x0  }
0xa8: {  	s5 =	sshll.u32 s28, $0x1;
	[dreg:$0x2] =	wrdreg s3  }
0xa9: {  	[dreg:$0x3] =	wrdreg s5  }
0xaa: {  	[dreg:$0x4] =	wrdreg $0xC0  }
0xab: {  	_ =	task [dreg:s7], $0x5FFFF  }
0xac: {  	[dreg:$0x1] =	wrdreg $0xFFFFFFFF  }
0xad: {  	[dreg:$0x0] =	wrdreg $0x60  }
0xae: {  	[dreg:$0x2] =	wrdreg s24  }
0xaf: {  	[dreg:$0x3] =	wrdreg s2  }
0xb0: {  	[dreg:$0x4] =	wrdreg $0x31000  }
0xb1: {  	[dreg:$0x5] =	wrdreg $0x49800  }
0xb2: {  	[dreg:$0x6] =	wrdreg $0x0  }
0xb3: {  	[dreg:$0x7] =	wrdreg $0x18800  }
0xb4: {  	[dreg:$0x8] =	wrdreg $0x9  }
0xb5: {  	_ =	task.clear_ibuf [dreg:s7], $0x9FFFF;
	_ =	strace $0x9000004C  }
0xb6: {  	s29 =	simm.s32 $0x9;
	_ =	strace $0x8000004E  }
0xb7: {  	_ =	swait.ge [sflag:s29], $0x1  }
0xb8: {  	[sflag:s29] =	ssyncadd.s32 $0xFFFFFFFF  }
0xb9: {  	_ =	strace $0x9000004E  }
0xba: {  	_ =	sfence  }
0xbb: {  	s30 =	sld [smem:$0x0];
	_ =	sdelay $0x2  }
0xbc: {  	s31 =	sshll.u32 s1, $0xD;
	s1 =	sshrl.u32 s1, $0x2  }
0xbd: {  	s3 =	sand.u32 $0x4000, s31;
	s1 =	sadd.s32 s1, s30  }
0xbe: {  	s0 =	sor.u32 s3, s0;
	s1 =	sshll.u32 s1, $0x11  }
0xbf: {  	s0 =	sor.u32 s1, s0  }
0xc0: {  	s0 =	sadd.s32 $0x8F2B, s0  }
0xc1: {  	[sflag:s0] =	ssyncadd.remote.s32 $0x1  }
0xc2: {  	_ =	sfence.sel $0xFFFF  }
0xc3: {  	[dreg:$0x0] =	wrdreg $0xFFFFFFFF;
	(pc) =	sbr.abs _section_cstart, $3  }
0xc4: {  	[dreg:$0x1] =	wrdreg $0xFFFFFFFF  }
0xc5: {  	_ =	task.clear_ibuf [dreg:s7], $0x2FFFF;
	_ =	strace $0x9FFFFFFF  }
0xc6: {  	(tm) =	ssettm $0x7FFFFFFF  }
0xc7: {  	_ =	shalt  }
tec
execute0_lowered:
.L_overlay_start_1:
0x0: {  	(tag) =	ssettag $0x1  }
0x1: {  	s0 =	rddreg [dreg:$0x0]  }
0x2: {  	s3 =	rddreg [dreg:$0x1];
	s2 =	srdreg.scid  }
0x3: {  	s12 =	stileid.u32;
	s1 =	rddreg [dreg:$0x2]  }
0x4: {  	s4 =	rddreg [dreg:$0x4];
	s16 =	simm.s32 $0x0;
	s29 =	simm.s32 $0x6600  }
0x5: {  	s31 =	simm.s32 $0x6A80;
	s6 =	sand.u32 $0x1, s2;
	s7 =	smul.u32 $0x186, s12  }
0x6: {  	s2 =	rddreg [dreg:$0x3];
	s5 =	sshll.u32 s12, $0x1;
	s17 =	smul.u32 $0x1880, s12  }
0x7: {  	[smem:$0x7FF] =	sst s16;
	p0 =	slt.u32 s12, $0x5;
	s26 =	smul.u32 $0x620, s12  }
0x8: {  	s12 =	simm.s32 $0x7200;
	s8 =	smul.u32 $0xC3, s6;
	s9 =	sor.u32 s6, s5  }
0x9: {  	s5 =	rddreg [dreg:$0x5];
	_ =	strace $0x8000004D;
	s10 =	sshll.u32 s6, $0x4  }
0xa: {  	s6 =	ssub.s32 $0x2, s6;
	s15 =	smin.u32 s9, $0xA;
	s18 =	sshrl.u32 s17, $0x3  }
0xb: {  	s19 =	sshrl.u32 s6, $0x1;
	s20 =	sadd.s32 s17, s1;
	s21 =	sadd.s32 s17, s2  }
0xc: {  	s22 =	sadd.s32 s17, s4;
	s24 =	sadd.s32 s17, s5;
	[dreg:$0x7] =	wrdreg s20  }
0xd: {  	s7 =	sadd.s32 s8, s7;
	s11 =	sadd.s32 s18, s0;
	[dreg:$0x8] =	wrdreg s21  }
0xe: {  	s6 =	ssub.s32 s6, s19;
	s3 =	sadd.s32 s3, s18;
	[dreg:$0xa] =	wrdreg s22  }
0xf: {  	[dreg:$0xc] =	wrdreg s24;
	s18 =	simm.s32 $0x3;
	s19 =	simm.s32 $0x6200  }
0x10: {  	s21 =	simm.s32 $0x80;
	s22 =	simm.s32 $0x1;
	s7 =	sadd.s32 s15, s7  }
0x11: {  	[dreg:$0x9] =	wrdreg s3;
	s23 =	sadd.s32 $0x189800, s11;
	s3 =	simm.s32 $0xC4  }
0x12: {  	s6 =	smax.u32 s6, $0x1;
	s7 =	sshll.u32 s7, $0x7;
	[dreg:$0xb] =	wrdreg s23  }
0x13: {  	s3 =	simm.s32 @!p0 $0xC3;
	[dreg:$0xe] =	wrdreg s6;
	s7 =	sadd.s32 s7, s0  }
0x14: {  	s0 =	sadd.s32 s10, s0;
	[dreg:$0xd] =	wrdreg s3;
	s28 =	sadd.s32 $0x2C00, s7  }
0x15: {  	s25 =	sadd.s32 $0x18CA00, s0;
	s30 =	sadd.s32 $0xC6200, s7;
	[dreg:$0xf] =	wrdreg s28  }
0x16: {  	s0 =	sadd.s32 $0x192C00, s0;
	[dreg:$0x10] =	wrdreg s30;
	s3 =	sadd.s32 s26, s25  }
0x17: {  	s20 =	simm.s32 $0x6200;
	s0 =	sadd.s32 s26, s0;
	[dreg:$0x11] =	wrdreg s3  }
0x18: {  	v0 =	vimm.f32 $0.0e+00;
	[dreg:$0x12] =	wrdreg s0;
	s0 =	simm.s32 $0x2;
	s3 =	simm.s32 $0x0  }
.LBB2_1:
0x19: {  	s9 =	simm.s32 $0x40;
	s10 =	simm.s32 $0x0  }
.LBB2_2:
0x1a: {  	p0 =	sne.s32 s9, $0x61C0;
	[tilespmem:s10+$0x7200] =	vst v0;
	s10 =	smov.u32 s9;
	s9 =	sadd.s32 $0x40, s9  }
.Ltmp0:
0x1b: {  	(pc) =	sbr.rel @p0 .LBB2_2-.Ltmp0, $2  }
0x1c: {  	_ =	sdelay $0x2  }
0x1d: {  	s10 =	sshra.s32 s10, $0x2  }
0x1e: {  	[dreg:$0x13] =	wrdreg s3  }
0x1f: {  	[tilespmem:s10+$0x7200] =	vst v0;
	s9 =	rddreg [dreg:$0x7]  }
0x20: {  	[spmem:s9] =	stream.linear.scatter [tilespmem:s12], [sflag:$0x3], $0x1880, $0x38;
	[tilespmem:$0x8A80] =	vst v63  }
0x21: {  	_ =	swait.ge [sflag:s18], $0x1880  }
0x22: {  	s10 =	simm.s32 $0x0;
	[sflag:s18] =	ssyncset.done $0x0  }
0x23: {  	s11 =	simm.s32 $0x0;
	s9 =	simm.s32 $0x40;
	[sflag:s18] =	ssyncadd.s32 $0xFFFFE780  }
.LBB2_4:
0x24: {  	p0 =	sne.s32 s9, $0x61C0;
	[tilespmem:s10+$0x7200] =	vst v0;
	s10 =	smov.u32 s9;
	s9 =	sadd.s32 $0x40, s9  }
.Ltmp1:
0x25: {  	(pc) =	sbr.rel @p0 .LBB2_4-.Ltmp1, $2  }
0x26: {  	_ =	sdelay $0x2  }
0x27: {  	s10 =	sshra.s32 s10, $0x2  }
0x28: {  	[tilespmem:s10+$0x7200] =	vst v0;
	s9 =	rddreg [dreg:$0x8]  }
0x29: {  	[spmem:s9] =	stream.linear.scatter [tilespmem:s12], [sflag:$0x3], $0x1880, $0x38;
	[tilespmem:$0x8A80] =	vst v63  }
0x2a: {  	_ =	swait.ge [sflag:s18], $0x1880  }
0x2b: {  	[sflag:s18] =	ssyncset.done $0x0  }
0x2c: {  	s6 =	rddreg [dreg:$0x9];
	[sflag:s18] =	ssyncadd.s32 $0xFFFFE780  }
0x2d: {  	[tilespmem:s12], [sflag:$0x3] =	stream.linear.gather [hbm4b:s6+s11], $0x1880, $0x38;
	[tilespmem:$0x8A80] =	vst v63  }
0x2e: {  	_ =	swait.ge [sflag:s18], $0x1880  }
0x2f: {  	[sflag:s18] =	ssyncset.done $0x0  }
0x30: {  	s7 =	rddreg [dreg:$0xa];
	[sflag:s18] =	ssyncadd.s32 $0xFFFFE780  }
0x31: {  	[spmem:s7] =	stream.linear.scatter [tilespmem:s12], [sflag:$0x3], $0x1880, $0x38;
	[tilespmem:$0x8A80] =	vst v63  }
0x32: {  	_ =	swait.ge [sflag:s18], $0x1880  }
0x33: {  	[sflag:s18] =	ssyncset.done $0x0  }
0x34: {  	s8 =	rddreg [dreg:$0xb];
	[sflag:s18] =	ssyncadd.s32 $0xFFFFE780  }
0x35: {  	[tilespmem:s12], [sflag:$0x3] =	stream.linear.gather [hbm4b:s8+s11], $0x1880, $0x38;
	[tilespmem:$0x8A80] =	vst v63  }
0x36: {  	_ =	swait.ge [sflag:s18], $0x1880  }
0x37: {  	[sflag:s18] =	ssyncset.done $0x0  }
0x38: {  	s10 =	rddreg [dreg:$0xc];
	[sflag:s18] =	ssyncadd.s32 $0xFFFFE780  }
0x39: {  	[spmem:s10] =	stream.linear.scatter [tilespmem:s12], [sflag:$0x3], $0x1880, $0x38;
	[tilespmem:$0x8A80] =	vst v63  }
0x3a: {  	_ =	swait.ge [sflag:s18], $0x1880  }
0x3b: {  	[sflag:s18] =	ssyncset.done $0x0  }
0x3c: {  	[sflag:s18] =	ssyncadd.s32 $0xFFFFE780  }
0x3d: {  	[bflag:$0x0] =	sbarrier.arrive $0xFFFF  }
0x3e: {  	s10 =	rddreg [dreg:$0xf]  }
0x3f: {  	[tilespmem:s19], [sflag:$0x3] =	stream.linear.gather [hbm4b:s10+s11], $0x400, $0x38;
	[tilespmem:$0x8A80] =	vst v63  }
0x40: {  	_ =	swait.ge [sflag:s18], $0x400  }
0x41: {  	[sflag:s18] =	ssyncset.done $0x0  }
0x42: {  	s28 =	rddreg [dreg:$0x10];
	[sflag:s18] =	ssyncadd.s32 $0xFFFFFC00  }
0x43: {  	[tilespmem:s29], [sflag:$0x3] =	stream.linear.gather [hbm4b:s28+s11], $0x400, $0x38;
	[tilespmem:$0x8A80] =	vst v63  }
0x44: {  	_ =	swait.ge [sflag:s18], $0x400  }
0x45: {  	[sflag:s18] =	ssyncset.done $0x0  }
0x46: {  	s6 =	simm.s32 $0x6A00;
	[sflag:s18] =	ssyncadd.s32 $0xFFFFFC00  }
0x47: {  	[tilespmem:s6], [sflag:$0x1] =	stream.indirect.gather [spmem:s4], $0x1, s19, s21, $0xb8;
	[tilespmem:$0x8A80] =	vst v63  }
0x48: {  	s9 =	simm.s32 $0x6A80;
	s7 =	simm.s32 $0x6280  }
0x49: {  	[tilespmem:s9], [sflag:$0x1] =	stream.indirect.gather [spmem:s4], $0x1, s7, s21, $0xb8;
	[tilespmem:$0x8A80] =	vst v63  }
0x4a: {  	s3 =	simm.s32 $0x6B00;
	s8 =	simm.s32 $0x6300  }
0x4b: {  	[tilespmem:s3], [sflag:$0x1] =	stream.indirect.gather [spmem:s4], $0x1, s8, s21, $0xb8;
	[tilespmem:$0x8A80] =	vst v63  }
0x4c: {  	s30 =	simm.s32 $0x6B80;
	s12 =	simm.s32 $0x6380  }
0x4d: {  	[tilespmem:s30], [sflag:$0x1] =	stream.indirect.gather [spmem:s4], $0x1, s12, s21, $0xb8;
	[tilespmem:$0x8A80] =	vst v63  }
0x4e: {  	s13 =	simm.s32 $0x6400;
	s14 =	simm.s32 $0x6C00  }
0x4f: {  	[tilespmem:s14], [sflag:$0x1] =	stream.indirect.gather [spmem:s4], $0x1, s13, s21, $0xb8;
	[tilespmem:$0x8A80] =	vst v63  }
0x50: {  	s15 =	simm.s32 $0x6480;
	s16 =	simm.s32 $0x6C80  }
0x51: {  	[tilespmem:s16], [sflag:$0x1] =	stream.indirect.gather [spmem:s4], $0x1, s15, s21, $0xb8;
	[tilespmem:$0x8A80] =	vst v63  }
0x52: {  	s17 =	simm.s32 $0x6500;
	s23 =	simm.s32 $0x6D00  }
0x53: {  	[tilespmem:s23], [sflag:$0x1] =	stream.indirect.gather [spmem:s4], $0x1, s17, s21, $0xb8;
	[tilespmem:$0x8A80] =	vst v63  }
0x54: {  	s24 =	simm.s32 $0x6580;
	s25 =	simm.s32 $0x6D80  }
0x55: {  	[tilespmem:s25], [sflag:$0x1] =	stream.indirect.gather [spmem:s4], $0x1, s24, s21, $0xb8;
	[tilespmem:$0x8A80] =	vst v63  }
0x56: {  	s26 =	simm.s32 $0x6E00  }
0x57: {  	[tilespmem:s26], [sflag:$0x1] =	stream.indirect.gather [spmem:s5], $0x1, s19, s21, $0xb8;
	[tilespmem:$0x8A80] =	vst v63  }
0x58: {  	s19 =	simm.s32 $0x6E80  }
0x59: {  	[tilespmem:s19], [sflag:$0x1] =	stream.indirect.gather [spmem:s5], $0x1, s7, s21, $0xb8;
	[tilespmem:$0x8A80] =	vst v63  }
0x5a: {  	s7 =	simm.s32 $0x6F00  }
0x5b: {  	[tilespmem:s7], [sflag:$0x1] =	stream.indirect.gather [spmem:s5], $0x1, s8, s21, $0xb8;
	[tilespmem:$0x8A80] =	vst v63  }
0x5c: {  	s8 =	simm.s32 $0x6F80  }
0x5d: {  	[tilespmem:s8], [sflag:$0x1] =	stream.indirect.gather [spmem:s5], $0x1, s12, s21, $0xb8;
	[tilespmem:$0x8A80] =	vst v63  }
0x5e: {  	s11 =	simm.s32 $0x7000  }
0x5f: {  	[tilespmem:s11], [sflag:$0x1] =	stream.indirect.gather [spmem:s5], $0x1, s13, s21, $0xb8;
	[tilespmem:$0x8A80] =	vst v63  }
0x60: {  	s13 =	simm.s32 $0x7080  }
0x61: {  	[tilespmem:s13], [sflag:$0x1] =	stream.indirect.gather [spmem:s5], $0x1, s15, s21, $0xb8;
	[tilespmem:$0x8A80] =	vst v63  }
0x62: {  	s15 =	simm.s32 $0x7100  }
0x63: {  	[tilespmem:s15], [sflag:$0x1] =	stream.indirect.gather [spmem:s5], $0x1, s17, s21, $0xb8;
	[tilespmem:$0x8A80] =	vst v63  }
0x64: {  	s17 =	simm.s32 $0x7180  }
0x65: {  	[tilespmem:s17], [sflag:$0x1] =	stream.indirect.gather [spmem:s5], $0x1, s24, s21, $0xb8;
	[tilespmem:$0x8A80] =	vst v63  }
0x66: {  	_ =	swait.ge [sflag:s22], $0x80  }
0x67: {  	[sflag:s22] =	ssyncset.done $0x0  }
0x68: {  	[sflag:s22] =	ssyncadd.s32 $0xFFFFFF80  }
0x69: {  	_ =	swait.ge [sflag:s22], $0x80  }
0x6a: {  	[sflag:s22] =	ssyncset.done $0x0  }
0x6b: {  	[sflag:s22] =	ssyncadd.s32 $0xFFFFFF80  }
0x6c: {  	_ =	swait.ge [sflag:s22], $0x80  }
0x6d: {  	[sflag:s22] =	ssyncset.done $0x0  }
0x6e: {  	[sflag:s22] =	ssyncadd.s32 $0xFFFFFF80  }
0x6f: {  	_ =	swait.ge [sflag:s22], $0x80  }
0x70: {  	[sflag:s22] =	ssyncset.done $0x0  }
0x71: {  	[sflag:s22] =	ssyncadd.s32 $0xFFFFFF80  }
0x72: {  	_ =	swait.ge [sflag:s22], $0x80  }
0x73: {  	[sflag:s22] =	ssyncset.done $0x0  }
0x74: {  	[sflag:s22] =	ssyncadd.s32 $0xFFFFFF80  }
0x75: {  	_ =	swait.ge [sflag:s22], $0x80  }
0x76: {  	[sflag:s22] =	ssyncset.done $0x0  }
0x77: {  	[sflag:s22] =	ssyncadd.s32 $0xFFFFFF80  }
0x78: {  	_ =	swait.ge [sflag:s22], $0x80  }
0x79: {  	[sflag:s22] =	ssyncset.done $0x0  }
0x7a: {  	[sflag:s22] =	ssyncadd.s32 $0xFFFFFF80  }
0x7b: {  	_ =	swait.ge [sflag:s22], $0x80  }
0x7c: {  	[sflag:s22] =	ssyncset.done $0x0  }
0x7d: {  	[sflag:s22] =	ssyncadd.s32 $0xFFFFFF80  }
0x7e: {  	_ =	swait.ge [sflag:s22], $0x80  }
0x7f: {  	[sflag:s22] =	ssyncset.done $0x0  }
0x80: {  	[sflag:s22] =	ssyncadd.s32 $0xFFFFFF80  }
0x81: {  	_ =	swait.ge [sflag:s22], $0x80  }
0x82: {  	[sflag:s22] =	ssyncset.done $0x0  }
0x83: {  	[sflag:s22] =	ssyncadd.s32 $0xFFFFFF80  }
0x84: {  	_ =	swait.ge [sflag:s22], $0x80  }
0x85: {  	[sflag:s22] =	ssyncset.done $0x0  }
0x86: {  	[sflag:s22] =	ssyncadd.s32 $0xFFFFFF80  }
0x87: {  	_ =	swait.ge [sflag:s22], $0x80  }
0x88: {  	[sflag:s22] =	ssyncset.done $0x0  }
0x89: {  	[sflag:s22] =	ssyncadd.s32 $0xFFFFFF80  }
0x8a: {  	_ =	swait.ge [sflag:s22], $0x80  }
0x8b: {  	[sflag:s22] =	ssyncset.done $0x0  }
0x8c: {  	[sflag:s22] =	ssyncadd.s32 $0xFFFFFF80  }
0x8d: {  	_ =	swait.ge [sflag:s22], $0x80  }
0x8e: {  	[sflag:s22] =	ssyncset.done $0x0  }
0x8f: {  	[sflag:s22] =	ssyncadd.s32 $0xFFFFFF80  }
0x90: {  	_ =	swait.ge [sflag:s22], $0x80  }
0x91: {  	[sflag:s22] =	ssyncset.done $0x0  }
0x92: {  	[sflag:s22] =	ssyncadd.s32 $0xFFFFFF80  }
0x93: {  	_ =	swait.ge [sflag:s22], $0x80  }
0x94: {  	[sflag:s22] =	ssyncset.done $0x0  }
0x95: {  	[sflag:s22] =	ssyncadd.s32 $0xFFFFFF80  }
0x96: {  	[spmem:s1] =	stream.indirect.scatter.add.f32 [tilespmem:s6], [sflag:$0x2], $0x1, s29, s21, $0xb8;
	[tilespmem:$0x8A80] =	vst v63  }
0x97: {  	s6 =	simm.s32 $0x6680  }
0x98: {  	[spmem:s1] =	stream.indirect.scatter.add.f32 [tilespmem:s9], [sflag:$0x2], $0x1, s6, s21, $0xb8;
	[tilespmem:$0x8A80] =	vst v63  }
0x99: {  	s9 =	simm.s32 $0x6700  }
0x9a: {  	[spmem:s1] =	stream.indirect.scatter.add.f32 [tilespmem:s3], [sflag:$0x2], $0x1, s9, s21, $0xb8;
	[tilespmem:$0x8A80] =	vst v63  }
0x9b: {  	s3 =	simm.s32 $0x6780  }
0x9c: {  	[spmem:s1] =	stream.indirect.scatter.add.f32 [tilespmem:s30], [sflag:$0x2], $0x1, s3, s21, $0xb8;
	[tilespmem:$0x8A80] =	vst v63  }
0x9d: {  	s12 =	simm.s32 $0x6800  }
0x9e: {  	[spmem:s1] =	stream.indirect.scatter.add.f32 [tilespmem:s14], [sflag:$0x2], $0x1, s12, s21, $0xb8;
	[tilespmem:$0x8A80] =	vst v63  }
0x9f: {  	s14 =	simm.s32 $0x6880  }
0xa0: {  	[spmem:s1] =	stream.indirect.scatter.add.f32 [tilespmem:s16], [sflag:$0x2], $0x1, s14, s21, $0xb8;
	[tilespmem:$0x8A80] =	vst v63  }
0xa1: {  	s30 =	simm.s32 $0x6900  }
0xa2: {  	[spmem:s1] =	stream.indirect.scatter.add.f32 [tilespmem:s23], [sflag:$0x2], $0x1, s30, s21, $0xb8;
	[tilespmem:$0x8A80] =	vst v63  }
0xa3: {  	s24 =	simm.s32 $0x6980  }
0xa4: {  	[spmem:s1] =	stream.indirect.scatter.add.f32 [tilespmem:s25], [sflag:$0x2], $0x1, s24, s21, $0xb8;
	[tilespmem:$0x8A80] =	vst v63  }
0xa5: {  	_ = 	snop  }
0xa6: {  	[spmem:s2] =	stream.indirect.scatter.add.f32 [tilespmem:s26], [sflag:$0x2], $0x1, s29, s21, $0xb8;
	[tilespmem:$0x8A80] =	vst v63  }
0xa7: {  	_ = 	snop  }
0xa8: {  	[spmem:s2] =	stream.indirect.scatter.add.f32 [tilespmem:s19], [sflag:$0x2], $0x1, s6, s21, $0xb8;
	[tilespmem:$0x8A80] =	vst v63  }
0xa9: {  	_ = 	snop  }
0xaa: {  	[spmem:s2] =	stream.indirect.scatter.add.f32 [tilespmem:s7], [sflag:$0x2], $0x1, s9, s21, $0xb8;
	[tilespmem:$0x8A80] =	vst v63  }
0xab: {  	_ = 	snop  }
0xac: {  	[spmem:s2] =	stream.indirect.scatter.add.f32 [tilespmem:s8], [sflag:$0x2], $0x1, s3, s21, $0xb8;
	[tilespmem:$0x8A80] =	vst v63  }
0xad: {  	_ = 	snop  }
0xae: {  	[spmem:s2] =	stream.indirect.scatter.add.f32 [tilespmem:s11], [sflag:$0x2], $0x1, s12, s21, $0xb8;
	[tilespmem:$0x8A80] =	vst v63  }
0xaf: {  	_ = 	snop  }
0xb0: {  	[spmem:s2] =	stream.indirect.scatter.add.f32 [tilespmem:s13], [sflag:$0x2], $0x1, s14, s21, $0xb8;
	[tilespmem:$0x8A80] =	vst v63  }
0xb1: {  	_ = 	snop  }
0xb2: {  	[spmem:s2] =	stream.indirect.scatter.add.f32 [tilespmem:s15], [sflag:$0x2], $0x1, s30, s21, $0xb8;
	[tilespmem:$0x8A80] =	vst v63  }
0xb3: {  	_ = 	snop  }
0xb4: {  	[spmem:s2] =	stream.indirect.scatter.add.f32 [tilespmem:s17], [sflag:$0x2], $0x1, s24, s21, $0xb8;
	[tilespmem:$0x8A80] =	vst v63  }
0xb5: {  	_ =	swait.ge [sflag:s0], $0x80  }
0xb6: {  	[sflag:s0] =	ssyncset.done $0x0  }
0xb7: {  	[sflag:s0] =	ssyncadd.s32 $0xFFFFFF80  }
0xb8: {  	_ =	swait.ge [sflag:s0], $0x80  }
0xb9: {  	[sflag:s0] =	ssyncset.done $0x0  }
0xba: {  	[sflag:s0] =	ssyncadd.s32 $0xFFFFFF80  }
0xbb: {  	_ =	swait.ge [sflag:s0], $0x80  }
0xbc: {  	[sflag:s0] =	ssyncset.done $0x0  }
0xbd: {  	[sflag:s0] =	ssyncadd.s32 $0xFFFFFF80  }
0xbe: {  	_ =	swait.ge [sflag:s0], $0x80  }
0xbf: {  	[sflag:s0] =	ssyncset.done $0x0  }
0xc0: {  	[sflag:s0] =	ssyncadd.s32 $0xFFFFFF80  }
0xc1: {  	_ =	swait.ge [sflag:s0], $0x80  }
0xc2: {  	[sflag:s0] =	ssyncset.done $0x0  }
0xc3: {  	[sflag:s0] =	ssyncadd.s32 $0xFFFFFF80  }
0xc4: {  	_ =	swait.ge [sflag:s0], $0x80  }
0xc5: {  	[sflag:s0] =	ssyncset.done $0x0  }
0xc6: {  	[sflag:s0] =	ssyncadd.s32 $0xFFFFFF80  }
0xc7: {  	_ =	swait.ge [sflag:s0], $0x80  }
0xc8: {  	[sflag:s0] =	ssyncset.done $0x0  }
0xc9: {  	[sflag:s0] =	ssyncadd.s32 $0xFFFFFF80  }
0xca: {  	_ =	swait.ge [sflag:s0], $0x80  }
0xcb: {  	[sflag:s0] =	ssyncset.done $0x0  }
0xcc: {  	[sflag:s0] =	ssyncadd.s32 $0xFFFFFF80  }
0xcd: {  	_ =	swait.ge [sflag:s0], $0x80  }
0xce: {  	[sflag:s0] =	ssyncset.done $0x0  }
0xcf: {  	[sflag:s0] =	ssyncadd.s32 $0xFFFFFF80  }
0xd0: {  	_ =	swait.ge [sflag:s0], $0x80  }
0xd1: {  	[sflag:s0] =	ssyncset.done $0x0  }
0xd2: {  	[sflag:s0] =	ssyncadd.s32 $0xFFFFFF80  }
0xd3: {  	_ =	swait.ge [sflag:s0], $0x80  }
0xd4: {  	[sflag:s0] =	ssyncset.done $0x0  }
0xd5: {  	[sflag:s0] =	ssyncadd.s32 $0xFFFFFF80  }
0xd6: {  	_ =	swait.ge [sflag:s0], $0x80  }
0xd7: {  	[sflag:s0] =	ssyncset.done $0x0  }
0xd8: {  	[sflag:s0] =	ssyncadd.s32 $0xFFFFFF80  }
0xd9: {  	_ =	swait.ge [sflag:s0], $0x80  }
0xda: {  	[sflag:s0] =	ssyncset.done $0x0  }
0xdb: {  	[sflag:s0] =	ssyncadd.s32 $0xFFFFFF80  }
0xdc: {  	_ =	swait.ge [sflag:s0], $0x80  }
0xdd: {  	[sflag:s0] =	ssyncset.done $0x0  }
0xde: {  	[sflag:s0] =	ssyncadd.s32 $0xFFFFFF80  }
0xdf: {  	_ =	swait.ge [sflag:s0], $0x80  }
0xe0: {  	s30 =	rddreg [dreg:$0xd]  }
0xe1: {  	p0 =	sne.s32 s30, $0x1  }
.Ltmp2:
0xe2: {  	_ = 	snop;
	(pc) =	sbr.rel @!p0 .LBB2_7-.Ltmp2, $4  }
0xe3: {  	[sflag:s0] =	ssyncset.done $0x0  }
0xe4: {  	[sflag:s0] =	ssyncadd.s32 $0xFFFFFF80  }
0xe5: {  	s12 =	simm.s32 $0x0;
	_ =	swait.ge [sflag:s0], $0x80  }
0xe6: {  	s11 =	smov.u32 s28;
	s9 =	sadd.s32 $0xFFFFFFFF, s30;
	[sflag:s0] =	ssyncset.done $0x0  }
.LBB2_6:
0xe7: {  	[sflag:s0] =	ssyncadd.s32 $0xFFFFFF80;
	s10 =	sadd.s32 $0x80, s10;
	s11 =	sadd.s32 $0x80, s11  }
0xe8: {  	[tilespmem:s20], [sflag:$0x3] =	stream.linear.gather [hbm4b:s10+s12], $0x400, $0x38;
	[tilespmem:$0x8A80] =	vst v63  }
0xe9: {  	p0 =	sne.s32 s9, $0x1;
	s9 =	sadd.s32 $0xFFFFFFFF, s9;
	_ =	swait.ge [sflag:s18], $0x400  }
0xea: {  	[sflag:s18] =	ssyncset.done $0x0  }
0xeb: {  	[sflag:s18] =	ssyncadd.s32 $0xFFFFFC00  }
0xec: {  	[tilespmem:s29], [sflag:$0x3] =	stream.linear.gather [hbm4b:s11+s12], $0x400, $0x38;
	[tilespmem:$0x8A80] =	vst v63  }
0xed: {  	_ =	swait.ge [sflag:s18], $0x400  }
0xee: {  	[sflag:s18] =	ssyncset.done $0x0  }
0xef: {  	s6 =	simm.s32 $0x6600;
	s29 =	simm.s32 $0x6A00;
	[sflag:s18] =	ssyncadd.s32 $0xFFFFFC00  }
0xf0: {  	[tilespmem:s29], [sflag:$0x1] =	stream.indirect.gather [spmem:s4], $0x1, s20, s21, $0xb8;
	[tilespmem:$0x8A80] =	vst v63  }
0xf1: {  	s30 =	simm.s32 $0x6280  }
0xf2: {  	[tilespmem:s31], [sflag:$0x1] =	stream.indirect.gather [spmem:s4], $0x1, s30, s21, $0xb8;
	[tilespmem:$0x8A80] =	vst v63  }
0xf3: {  	s3 =	simm.s32 $0x6300;
	s14 =	simm.s32 $0x6B00  }
0xf4: {  	[tilespmem:s14], [sflag:$0x1] =	stream.indirect.gather [spmem:s4], $0x1, s3, s21, $0xb8;
	[tilespmem:$0x8A80] =	vst v63  }
0xf5: {  	s23 =	simm.s32 $0x6380;
	s24 =	simm.s32 $0x6B80  }
0xf6: {  	[tilespmem:s24], [sflag:$0x1] =	stream.indirect.gather [spmem:s4], $0x1, s23, s21, $0xb8;
	[tilespmem:$0x8A80] =	vst v63  }
0xf7: {  	s7 =	simm.s32 $0x6400;
	s8 =	simm.s32 $0x6C00  }
0xf8: {  	[tilespmem:s8], [sflag:$0x1] =	stream.indirect.gather [spmem:s4], $0x1, s7, s21, $0xb8;
	[tilespmem:$0x8A80] =	vst v63  }
0xf9: {  	s15 =	simm.s32 $0x6480;
	s16 =	simm.s32 $0x6C80  }
0xfa: {  	[tilespmem:s16], [sflag:$0x1] =	stream.indirect.gather [spmem:s4], $0x1, s15, s21, $0xb8;
	[tilespmem:$0x8A80] =	vst v63  }
0xfb: {  	s13 =	simm.s32 $0x6500;
	s17 =	simm.s32 $0x6D00  }
0xfc: {  	[tilespmem:s17], [sflag:$0x1] =	stream.indirect.gather [spmem:s4], $0x1, s13, s21, $0xb8;
	[tilespmem:$0x8A80] =	vst v63  }
0xfd: {  	s19 =	simm.s32 $0x6580;
	s25 =	simm.s32 $0x6D80  }
0xfe: {  	[tilespmem:s25], [sflag:$0x1] =	stream.indirect.gather [spmem:s4], $0x1, s19, s21, $0xb8;
	[tilespmem:$0x8A80] =	vst v63  }
0xff: {  	s26 =	simm.s32 $0x6E00  }
0x100: {  	[tilespmem:s26], [sflag:$0x1] =	stream.indirect.gather [spmem:s5], $0x1, s20, s21, $0xb8;
	[tilespmem:$0x8A80] =	vst v63  }
0x101: {  	s28 =	simm.s32 $0x6E80  }
0x102: {  	[tilespmem:s28], [sflag:$0x1] =	stream.indirect.gather [spmem:s5], $0x1, s30, s21, $0xb8;
	[tilespmem:$0x8A80] =	vst v63  }
0x103: {  	s30 =	simm.s32 $0x6F00  }
0x104: {  	[tilespmem:s30], [sflag:$0x1] =	stream.indirect.gather [spmem:s5], $0x1, s3, s21, $0xb8;
	[tilespmem:$0x8A80] =	vst v63  }
0x105: {  	s3 =	simm.s32 $0x6F80  }
0x106: {  	[tilespmem:s3], [sflag:$0x1] =	stream.indirect.gather [spmem:s5], $0x1, s23, s21, $0xb8;
	[tilespmem:$0x8A80] =	vst v63  }
0x107: {  	s23 =	simm.s32 $0x7000  }
0x108: {  	[tilespmem:s23], [sflag:$0x1] =	stream.indirect.gather [spmem:s5], $0x1, s7, s21, $0xb8;
	[tilespmem:$0x8A80] =	vst v63  }
0x109: {  	s7 =	simm.s32 $0x7080  }
0x10a: {  	[tilespmem:s7], [sflag:$0x1] =	stream.indirect.gather [spmem:s5], $0x1, s15, s21, $0xb8;
	[tilespmem:$0x8A80] =	vst v63  }
0x10b: {  	s15 =	simm.s32 $0x7100  }
0x10c: {  	[tilespmem:s15], [sflag:$0x1] =	stream.indirect.gather [spmem:s5], $0x1, s13, s21, $0xb8;
	[tilespmem:$0x8A80] =	vst v63  }
0x10d: {  	s13 =	simm.s32 $0x7180  }
0x10e: {  	[tilespmem:s13], [sflag:$0x1] =	stream.indirect.gather [spmem:s5], $0x1, s19, s21, $0xb8;
	[tilespmem:$0x8A80] =	vst v63  }
0x10f: {  	_ =	swait.ge [sflag:s22], $0x80  }
0x110: {  	[sflag:s22] =	ssyncset.done $0x0  }
0x111: {  	[sflag:s22] =	ssyncadd.s32 $0xFFFFFF80  }
0x112: {  	_ =	swait.ge [sflag:s22], $0x80  }
0x113: {  	[sflag:s22] =	ssyncset.done $0x0  }
0x114: {  	[sflag:s22] =	ssyncadd.s32 $0xFFFFFF80  }
0x115: {  	_ =	swait.ge [sflag:s22], $0x80  }
0x116: {  	[sflag:s22] =	ssyncset.done $0x0  }
0x117: {  	[sflag:s22] =	ssyncadd.s32 $0xFFFFFF80  }
0x118: {  	_ =	swait.ge [sflag:s22], $0x80  }
0x119: {  	[sflag:s22] =	ssyncset.done $0x0  }
0x11a: {  	[sflag:s22] =	ssyncadd.s32 $0xFFFFFF80  }
0x11b: {  	_ =	swait.ge [sflag:s22], $0x80  }
0x11c: {  	[sflag:s22] =	ssyncset.done $0x0  }
0x11d: {  	[sflag:s22] =	ssyncadd.s32 $0xFFFFFF80  }
0x11e: {  	_ =	swait.ge [sflag:s22], $0x80  }
0x11f: {  	[sflag:s22] =	ssyncset.done $0x0  }
0x120: {  	[sflag:s22] =	ssyncadd.s32 $0xFFFFFF80  }
0x121: {  	_ =	swait.ge [sflag:s22], $0x80  }
0x122: {  	[sflag:s22] =	ssyncset.done $0x0  }
0x123: {  	[sflag:s22] =	ssyncadd.s32 $0xFFFFFF80  }
0x124: {  	_ =	swait.ge [sflag:s22], $0x80  }
0x125: {  	[sflag:s22] =	ssyncset.done $0x0  }
0x126: {  	[sflag:s22] =	ssyncadd.s32 $0xFFFFFF80  }
0x127: {  	_ =	swait.ge [sflag:s22], $0x80  }
0x128: {  	[sflag:s22] =	ssyncset.done $0x0  }
0x129: {  	[sflag:s22] =	ssyncadd.s32 $0xFFFFFF80  }
0x12a: {  	_ =	swait.ge [sflag:s22], $0x80  }
0x12b: {  	[sflag:s22] =	ssyncset.done $0x0  }
0x12c: {  	[sflag:s22] =	ssyncadd.s32 $0xFFFFFF80  }
0x12d: {  	_ =	swait.ge [sflag:s22], $0x80  }
0x12e: {  	[sflag:s22] =	ssyncset.done $0x0  }
0x12f: {  	[sflag:s22] =	ssyncadd.s32 $0xFFFFFF80  }
0x130: {  	_ =	swait.ge [sflag:s22], $0x80  }
0x131: {  	[sflag:s22] =	ssyncset.done $0x0  }
0x132: {  	[sflag:s22] =	ssyncadd.s32 $0xFFFFFF80  }
0x133: {  	_ =	swait.ge [sflag:s22], $0x80  }
0x134: {  	[sflag:s22] =	ssyncset.done $0x0  }
0x135: {  	[sflag:s22] =	ssyncadd.s32 $0xFFFFFF80  }
0x136: {  	_ =	swait.ge [sflag:s22], $0x80  }
0x137: {  	[sflag:s22] =	ssyncset.done $0x0  }
0x138: {  	[sflag:s22] =	ssyncadd.s32 $0xFFFFFF80  }
0x139: {  	_ =	swait.ge [sflag:s22], $0x80  }
0x13a: {  	[sflag:s22] =	ssyncset.done $0x0  }
0x13b: {  	[sflag:s22] =	ssyncadd.s32 $0xFFFFFF80  }
0x13c: {  	_ =	swait.ge [sflag:s22], $0x80  }
0x13d: {  	[sflag:s22] =	ssyncset.done $0x0  }
0x13e: {  	[sflag:s22] =	ssyncadd.s32 $0xFFFFFF80  }
0x13f: {  	[spmem:s1] =	stream.indirect.scatter.add.f32 [tilespmem:s29], [sflag:$0x2], $0x1, s6, s21, $0xb8;
	[tilespmem:$0x8A80] =	vst v63  }
0x140: {  	s29 =	simm.s32 $0x6600  }
0x141: {  	s6 =	simm.s32 $0x6680  }
0x142: {  	[spmem:s1] =	stream.indirect.scatter.add.f32 [tilespmem:s31], [sflag:$0x2], $0x1, s6, s21, $0xb8;
	[tilespmem:$0x8A80] =	vst v63  }
0x143: {  	s19 =	simm.s32 $0x6700  }
0x144: {  	[spmem:s1] =	stream.indirect.scatter.add.f32 [tilespmem:s14], [sflag:$0x2], $0x1, s19, s21, $0xb8;
	[tilespmem:$0x8A80] =	vst v63  }
0x145: {  	s14 =	simm.s32 $0x6780  }
0x146: {  	[spmem:s1] =	stream.indirect.scatter.add.f32 [tilespmem:s24], [sflag:$0x2], $0x1, s14, s21, $0xb8;
	[tilespmem:$0x8A80] =	vst v63  }
0x147: {  	s24 =	simm.s32 $0x6800  }
0x148: {  	[spmem:s1] =	stream.indirect.scatter.add.f32 [tilespmem:s8], [sflag:$0x2], $0x1, s24, s21, $0xb8;
	[tilespmem:$0x8A80] =	vst v63  }
0x149: {  	s8 =	simm.s32 $0x6880  }
0x14a: {  	[spmem:s1] =	stream.indirect.scatter.add.f32 [tilespmem:s16], [sflag:$0x2], $0x1, s8, s21, $0xb8;
	[tilespmem:$0x8A80] =	vst v63  }
0x14b: {  	s16 =	simm.s32 $0x6900  }
0x14c: {  	[spmem:s1] =	stream.indirect.scatter.add.f32 [tilespmem:s17], [sflag:$0x2], $0x1, s16, s21, $0xb8;
	[tilespmem:$0x8A80] =	vst v63  }
0x14d: {  	s17 =	simm.s32 $0x6980  }
0x14e: {  	[spmem:s1] =	stream.indirect.scatter.add.f32 [tilespmem:s25], [sflag:$0x2], $0x1, s17, s21, $0xb8;
	[tilespmem:$0x8A80] =	vst v63  }
0x14f: {  	_ = 	snop  }
0x150: {  	[spmem:s2] =	stream.indirect.scatter.add.f32 [tilespmem:s26], [sflag:$0x2], $0x1, s29, s21, $0xb8;
	[tilespmem:$0x8A80] =	vst v63  }
0x151: {  	_ = 	snop  }
0x152: {  	[spmem:s2] =	stream.indirect.scatter.add.f32 [tilespmem:s28], [sflag:$0x2], $0x1, s6, s21, $0xb8;
	[tilespmem:$0x8A80] =	vst v63  }
0x153: {  	_ = 	snop  }
0x154: {  	[spmem:s2] =	stream.indirect.scatter.add.f32 [tilespmem:s30], [sflag:$0x2], $0x1, s19, s21, $0xb8;
	[tilespmem:$0x8A80] =	vst v63  }
0x155: {  	_ = 	snop  }
0x156: {  	[spmem:s2] =	stream.indirect.scatter.add.f32 [tilespmem:s3], [sflag:$0x2], $0x1, s14, s21, $0xb8;
	[tilespmem:$0x8A80] =	vst v63  }
0x157: {  	_ = 	snop  }
0x158: {  	[spmem:s2] =	stream.indirect.scatter.add.f32 [tilespmem:s23], [sflag:$0x2], $0x1, s24, s21, $0xb8;
	[tilespmem:$0x8A80] =	vst v63  }
0x159: {  	_ = 	snop  }
0x15a: {  	[spmem:s2] =	stream.indirect.scatter.add.f32 [tilespmem:s7], [sflag:$0x2], $0x1, s8, s21, $0xb8;
	[tilespmem:$0x8A80] =	vst v63  }
0x15b: {  	_ = 	snop  }
0x15c: {  	[spmem:s2] =	stream.indirect.scatter.add.f32 [tilespmem:s15], [sflag:$0x2], $0x1, s16, s21, $0xb8;
	[tilespmem:$0x8A80] =	vst v63  }
0x15d: {  	_ = 	snop  }
0x15e: {  	[spmem:s2] =	stream.indirect.scatter.add.f32 [tilespmem:s13], [sflag:$0x2], $0x1, s17, s21, $0xb8;
	[tilespmem:$0x8A80] =	vst v63  }
0x15f: {  	_ =	swait.ge [sflag:s0], $0x80  }
0x160: {  	[sflag:s0] =	ssyncset.done $0x0  }
0x161: {  	[sflag:s0] =	ssyncadd.s32 $0xFFFFFF80  }
0x162: {  	_ =	swait.ge [sflag:s0], $0x80  }
0x163: {  	[sflag:s0] =	ssyncset.done $0x0  }
0x164: {  	[sflag:s0] =	ssyncadd.s32 $0xFFFFFF80  }
0x165: {  	_ =	swait.ge [sflag:s0], $0x80  }
0x166: {  	[sflag:s0] =	ssyncset.done $0x0  }
0x167: {  	[sflag:s0] =	ssyncadd.s32 $0xFFFFFF80  }
0x168: {  	_ =	swait.ge [sflag:s0], $0x80  }
0x169: {  	[sflag:s0] =	ssyncset.done $0x0  }
0x16a: {  	[sflag:s0] =	ssyncadd.s32 $0xFFFFFF80  }
0x16b: {  	_ =	swait.ge [sflag:s0], $0x80  }
0x16c: {  	[sflag:s0] =	ssyncset.done $0x0  }
0x16d: {  	[sflag:s0] =	ssyncadd.s32 $0xFFFFFF80  }
0x16e: {  	_ =	swait.ge [sflag:s0], $0x80  }
0x16f: {  	[sflag:s0] =	ssyncset.done $0x0  }
0x170: {  	[sflag:s0] =	ssyncadd.s32 $0xFFFFFF80  }
0x171: {  	_ =	swait.ge [sflag:s0], $0x80  }
0x172: {  	[sflag:s0] =	ssyncset.done $0x0  }
0x173: {  	[sflag:s0] =	ssyncadd.s32 $0xFFFFFF80  }
0x174: {  	_ =	swait.ge [sflag:s0], $0x80  }
0x175: {  	[sflag:s0] =	ssyncset.done $0x0  }
0x176: {  	[sflag:s0] =	ssyncadd.s32 $0xFFFFFF80  }
0x177: {  	_ =	swait.ge [sflag:s0], $0x80  }
0x178: {  	[sflag:s0] =	ssyncset.done $0x0  }
0x179: {  	[sflag:s0] =	ssyncadd.s32 $0xFFFFFF80  }
0x17a: {  	_ =	swait.ge [sflag:s0], $0x80  }
0x17b: {  	[sflag:s0] =	ssyncset.done $0x0  }
0x17c: {  	[sflag:s0] =	ssyncadd.s32 $0xFFFFFF80  }
0x17d: {  	_ =	swait.ge [sflag:s0], $0x80  }
0x17e: {  	[sflag:s0] =	ssyncset.done $0x0  }
0x17f: {  	[sflag:s0] =	ssyncadd.s32 $0xFFFFFF80  }
0x180: {  	_ =	swait.ge [sflag:s0], $0x80  }
0x181: {  	[sflag:s0] =	ssyncset.done $0x0  }
0x182: {  	[sflag:s0] =	ssyncadd.s32 $0xFFFFFF80  }
0x183: {  	_ =	swait.ge [sflag:s0], $0x80  }
0x184: {  	[sflag:s0] =	ssyncset.done $0x0  }
0x185: {  	[sflag:s0] =	ssyncadd.s32 $0xFFFFFF80  }
0x186: {  	_ =	swait.ge [sflag:s0], $0x80  }
0x187: {  	[sflag:s0] =	ssyncset.done $0x0  }
0x188: {  	[sflag:s0] =	ssyncadd.s32 $0xFFFFFF80  }
.Ltmp3:
0x189: {  	_ =	swait.ge [sflag:s0], $0x80;
	(pc) =	sbr.rel @p0 .LBB2_6-.Ltmp3, $4  }
0x18a: {  	[sflag:s0] =	ssyncset.done $0x0  }
0x18b: {  	[sflag:s0] =	ssyncadd.s32 $0xFFFFFF80  }
0x18c: {  	_ =	swait.ge [sflag:s0], $0x80  }
0x18d: {  	[sflag:s0] =	ssyncset.done $0x0  }
.LBB2_7:
0x18e: {  	[sflag:s0] =	ssyncadd.s32 $0xFFFFFF80  }
0x18f: {  	[bflag:$0x0] =	sbarrier.arrive $0xFFFF  }
0x190: {  	s12 =	simm.s32 $0x7200;
	s9 =	rddreg [dreg:$0x7]  }
0x191: {  	[tilespmem:s12], [sflag:$0x3] =	stream.linear.gather [spmem:s9], $0x1880, $0x38;
	[tilespmem:$0x8A80] =	vst v63  }
0x192: {  	_ =	swait.ge [sflag:s18], $0x1880  }
0x193: {  	[sflag:s18] =	ssyncset.done $0x0  }
0x194: {  	s3 =	simm.s32 $0x100;
	s24 =	rddreg [dreg:$0x11];
	[sflag:s18] =	ssyncadd.s32 $0xFFFFE780  }
0x195: {  	[hbm4b:s24+s21] =	stream.strided.scatter [tilespmem:s12], [sflag:$0x3], $0x1880, s3, s21, $0x38;
	[tilespmem:$0x8A80] =	vst v63  }
0x196: {  	_ =	swait.ge [sflag:s18], $0x1880  }
0x197: {  	[sflag:s18] =	ssyncset.done $0x0  }
0x198: {  	s25 =	rddreg [dreg:$0x8];
	[sflag:s18] =	ssyncadd.s32 $0xFFFFE780  }
0x199: {  	[tilespmem:s12], [sflag:$0x3] =	stream.linear.gather [spmem:s25], $0x1880, $0x38;
	[tilespmem:$0x8A80] =	vst v63  }
0x19a: {  	_ =	swait.ge [sflag:s18], $0x1880  }
0x19b: {  	[sflag:s18] =	ssyncset.done $0x0  }
0x19c: {  	s26 =	rddreg [dreg:$0x12];
	[sflag:s18] =	ssyncadd.s32 $0xFFFFE780  }
0x19d: {  	[hbm4b:s26+s21] =	stream.strided.scatter [tilespmem:s12], [sflag:$0x3], $0x1880, s3, s21, $0x38;
	[tilespmem:$0x8A80] =	vst v63  }
0x19e: {  	_ =	swait.ge [sflag:s18], $0x1880  }
0x19f: {  	s28 =	rddreg [dreg:$0x13]  }
0x1a0: {  	s30 =	rddreg [dreg:$0xe];
	s3 =	sadd.s32 $0x1, s28  }
0x1a1: {  	p0 =	sne.s32 s3, s30  }
.Ltmp4:
0x1a2: {  	_ = 	snop;
	(pc) =	sbr.rel @p0 .LBB2_1-.Ltmp4, $3  }
0x1a3: {  	_ =	sdelay $0x1  }
0x1a4: {  	[sflag:s18] =	ssyncset.done $0x0  }
0x1a5: {  	s19 =	simm.s32 $0x6200;
	[sflag:s18] =	ssyncadd.s32 $0xFFFFE780  }
0x1a6: {  	_ =	sfence.sel $0x180000  }
0x1a7: {  	[bflag:$0x0] =	sbarrier.arrive $0xFFFF  }
0x1a8: {  	_ =	strace $0x9000004D  }
0x1a9: {  	s0 =	stileid.u32;
	[bflag:$0x2] =	sbarrier.arrive $0xFFFF  }
0x1aa: {  	p0 =	sne.s32 s0, $0x0;
	s0 =	rddreg [dreg:$0x6]  }
0x1ab: {  	s0 =	sadd.s32 @!p0 $0x100000, s0  }
0x1ac: {  	[sflag:s0] =	ssyncadd.tile.s32 @!p0 $0x1;
	_ =	shalt  }
.Lfunc_end2:
_tile_overlayer_lowered:
.L_overlay_start_2:
0x1ad: {  	(tag) =	ssettag $0x2  }
0x1ae: {  	s0 =	rddreg [dreg:$0x0];
	s2 =	stileid.u32  }
0x1af: {  	s1 =	rddreg [dreg:$0x1];
	p0 =	sne.s32 s2, $0x0  }
0x1b0: {  	s3 =	rddreg [dreg:$0x2];
	[bflag:$0x3] =	sbarrier.arrive $0xFFFF;
	s2 =	simm.s32 @!p0 $0x1C03  }
0x1b1: {  	[timem:s3], [sflag:s2] =	dma.local @!p0 [hbm:s0], s1  }
0x1b2: {  	s0 =	simm.s32 @!p0 $0x3  }
0x1b3: {  	_ =	swait.ge @!p0 [sflag:s0], s1  }
0x1b4: {  	s1 =	ssub.s32 @!p0 $0x0, s1;
	[sflag:s0] =	ssyncset.done @!p0 $0x0  }
0x1b5: {  	[sflag:s0] =	ssyncadd.s32 @!p0 s1  }
0x1b6: {  	[bflag:$0x3] =	sbarrier.arrive $0xFFFF  }
0x1b7: {  	_ =	shalt  }

// kernel: kernel.8.cloned.1.call-start
scs
__scs_entry_jumppad:
0x0: {  	(pc) =	sbr.rel $0x88, $3  }
0x1: {  	(tag) =	ssettag $0x0;
	lr =	simm.s32 $0x1  }
0x2: {  	[smem:$0x3F9B] =	sst lr;
	_ =	strace $0xD0000000  }
0x3: {  	_ = 	snop  }
0x4: {  	_ = 	snop  }
0x5: {  	_ = 	snop  }
0x6: {  	_ = 	snop  }
0x7: {  	_ = 	snop  }
__scs_overlays_trampoline_lowered:
0x8: {  	[smem:$0x3FAA] =	sst s0  }
0x9: {  	[smem:$0x3FAB] =	sst s1  }
0xa: {  	[smem:$0x3FAC] =	sst s2  }
0xb: {  	[smem:$0x3FAD] =	sst s3  }
0xc: {  	[smem:$0x3FAE] =	sst s4  }
0xd: {  	[smem:$0x3FAF] =	sst s5  }
0xe: {  	[smem:$0x3FB0] =	sst s6  }
0xf: {  	[smem:$0x3FB1] =	sst s7  }
0x10: {  	[smem:$0x3FB2] =	sst s8  }
0x11: {  	[smem:$0x3FB3] =	sst s9;
	s0 =	simm.s32 @!p0 $0x0  }
0x12: {  	s1 =	sld [smem:$0x3F99];
	s0 =	simm.s32 @p0 $0x1  }
0x13: {  	[smem:$0x3FB4] =	sst s0;
	s0 =	simm.s32 @!p1 $0x0  }
0x14: {  	s2 =	sld [smem:$0x3F98];
	s0 =	simm.s32 @p1 $0x1  }
0x15: {  	[smem:$0x3FB5] =	sst s0;
	s0 =	simm.s32 @!p2 $0x0  }
0x16: {  	s3 =	sld [smem:$0x3FDB];
	s0 =	simm.s32 @p2 $0x1  }
0x17: {  	s4 =	simm.s32 $0x1BF5;
	[smem:$0x3FB7] =	sst s0  }
0x18: {  	s0 =	sld [smem:$0x3F9A];
	_ =	swait.ge [sflag:s4], $0x0  }
0x19: {  	s7 =	sld [smem:$0x3F9B]  }
0x1a: {  	s8 =	sadd.s32 $0xFFFFE003, lr  }
0x1b: {  	s9 =	sadd.s32 $0xFFFFFEF7, lr;
	s5 =	simm.s32 $0xFFFFFFFF;
	p2 =	slt.u32 s8, $0xFFFFF086  }
0x1c: {  	p1 =	slt.u32 s9, $0xF7A;
	s5 =	simm.s32 @!p2 $0x0  }
0x1d: {  	s5 =	simm.s32 @p1 $0x1;
	p0 =	seq.s32 s7, s2  }
0x1e: {  	s7 =	smul.u32 @!p0 $0xF7A, s2;
	p2 =	seq.s32 @!p0 s5, $0x0  }
0x1f: {  	s9 =	smul.u32 $0xF7A, s1;
	s8 =	simm.s32 @!p0 $0x1BF5;
	p2 =	por !p2, p0  }
0x20: {  	[sflag:s8] =	ssyncset.s32 @!p0 $0xFFFFF086;
	s6 =	sadd.s32 @!p0 s3, s7;
	s7 =	simm.s32 @!p0 $0x108  }
0x21: {  	s3 =	sadd.s32 s3, s9;
	s6 =	sadd.s32 @!p0 $0x88, s6;
	s7 =	simm.s32 @p2 $0x1082  }
0x22: {  	[simem:s7], [sflag:s8] =	dma.local @!p0 [hbm:s6], $0xF7A  }
0x23: {  	s9 =	sor.u32 $0xD0000000, s2;
	s6 =	simm.s32 $0x108;
	_ =	swait.ge @!p0 [sflag:s8], $0x0  }
0x24: {  	s3 =	sadd.s32 $0x88, s3;
	s6 =	simm.s32 @!p1 $0x1082;
	[sflag:s4] =	ssyncset.s32 $0xFFFFF086  }
0x25: {  	[simem:s6], [sflag:s4] =	dma.local [hbm:s3], $0xF7A  }
0x26: {  	[smem:$0x3F9B] =	sst s1;
	(tag) =	ssettag s2;
	_ =	strace s9  }
0x27: {  	s1 =	sld [smem:$0x3FAB]  }
0x28: {  	s2 =	sld [smem:$0x3FAC]  }
0x29: {  	s4 =	sld [smem:$0x3FAE]  }
0x2a: {  	p0 =	seq.s32 s5, $0x0;
	s5 =	sld [smem:$0x3FAF]  }
0x2b: {  	s6 =	sld [smem:$0x3FB0]  }
0x2c: {  	s7 =	sld [smem:$0x3FB1]  }
0x2d: {  	s3 =	simm.s32 $0x108;
	s8 =	sld [smem:$0x3FB2]  }
0x2e: {  	s3 =	simm.s32 @!p0 $0x1082;
	s9 =	sld [smem:$0x3FB3]  }
0x2f: {  	lr =	sadd.s32 s0, s3;
	s0 =	sld [smem:$0x3FAA]  }
0x30: {  	s3 =	sld [smem:$0x3FAD]  }
0x31: {  	[smem:$0x3FB6] =	sst s10  }
0x32: {  	s10 =	sld [smem:$0x3FB4];
	_ =	sdelay $0x3  }
0x33: {  	p0 =	seq.s32 s10, $0x1;
	s10 =	sld [smem:$0x3FB6];
	_ =	sdelay $0x3  }
0x34: {  	[smem:$0x3FB6] =	sst s10  }
0x35: {  	s10 =	sld [smem:$0x3FB5];
	_ =	sdelay $0x3  }
0x36: {  	p1 =	seq.s32 s10, $0x1;
	s10 =	sld [smem:$0x3FB6];
	_ =	sdelay $0x3  }
0x37: {  	[smem:$0x3FB6] =	sst s10  }
0x38: {  	s10 =	sld [smem:$0x3FB7]  }
0x39: {  	_ = 	snop;
	(pc) =	sbr.ind lr, $3  }
0x3a: {  	_ = 	snop  }
0x3b: {  	_ = 	snop  }
0x3c: {  	p2 =	seq.s32 s10, $0x1;
	s10 =	sld [smem:$0x3FB6]  }
0x3d: {  	_ =	shalt  }
0x3e: {  	_ =	shalt  }
0x3f: {  	_ =	shalt  }
0x40: {  	_ =	shalt  }
0x41: {  	_ =	shalt  }
0x42: {  	_ =	shalt  }
0x43: {  	_ =	shalt  }
0x44: {  	_ =	shalt  }
0x45: {  	_ =	shalt  }
0x46: {  	_ =	shalt  }
0x47: {  	_ =	shalt  }
0x48: {  	_ =	shalt  }
0x49: {  	_ =	shalt  }
0x4a: {  	_ =	shalt  }
0x4b: {  	_ =	shalt  }
0x4c: {  	_ =	shalt  }
0x4d: {  	_ =	shalt  }
0x4e: {  	_ =	shalt  }
0x4f: {  	_ =	shalt  }
0x50: {  	_ =	shalt  }
0x51: {  	_ =	shalt  }
0x52: {  	_ =	shalt  }
0x53: {  	_ =	shalt  }
0x54: {  	_ =	shalt  }
0x55: {  	_ =	shalt  }
0x56: {  	_ =	shalt  }
0x57: {  	_ =	shalt  }
0x58: {  	_ =	shalt  }
0x59: {  	_ =	shalt  }
0x5a: {  	_ =	shalt  }
0x5b: {  	_ =	shalt  }
0x5c: {  	_ =	shalt  }
0x5d: {  	_ =	shalt  }
0x5e: {  	_ =	shalt  }
0x5f: {  	_ =	shalt  }
0x60: {  	_ =	shalt  }
0x61: {  	_ =	shalt  }
0x62: {  	_ =	shalt  }
0x63: {  	_ =	shalt  }
0x64: {  	_ =	shalt  }
0x65: {  	_ =	shalt  }
0x66: {  	_ =	shalt  }
0x67: {  	_ =	shalt  }
0x68: {  	_ =	shalt  }
0x69: {  	_ =	shalt  }
0x6a: {  	_ =	shalt  }
0x6b: {  	_ =	shalt  }
0x6c: {  	_ =	shalt  }
0x6d: {  	_ =	shalt  }
0x6e: {  	_ =	shalt  }
0x6f: {  	_ =	shalt  }
0x70: {  	_ =	shalt  }
0x71: {  	_ =	shalt  }
0x72: {  	_ =	shalt  }
0x73: {  	_ =	shalt  }
0x74: {  	_ =	shalt  }
0x75: {  	_ =	shalt  }
0x76: {  	_ =	shalt  }
0x77: {  	_ =	shalt  }
0x78: {  	_ =	shalt  }
0x79: {  	_ =	shalt  }
0x7a: {  	_ =	shalt  }
0x7b: {  	_ =	shalt  }
0x7c: {  	_ =	shalt  }
0x7d: {  	_ =	shalt  }
0x7e: {  	_ =	shalt  }
0x7f: {  	_ =	shalt  }
0x80: {  	_ =	shalt  }
0x81: {  	_ =	shalt  }
0x82: {  	_ =	shalt  }
0x83: {  	_ =	shalt  }
0x84: {  	_ =	shalt  }
0x85: {  	_ =	shalt  }
0x86: {  	_ =	shalt  }
0x87: {  	_ =	shalt  }
.Lfunc_end0:
.L_simem_size_0:
called_computation_lowered:
.L_overlay_start_0:
0x88: {  	s2 =	sld [smem:$0x3FD9]  }
0x89: {  	s3 =	sld [smem:$0x3FFE];
	_ =	sdelay $0x1  }
0x8a: {  	s1 =	srdreg.scid  }
0x8b: {  	s0 =	sand.u32 $0x1, s1  }
0x8c: {  	s16 =	sshll.u32 s0, $0xA;
	s2 =	sadd.s32 s3, s2  }
0x8d: {  	s2 =	sadd.s32 s2, s16  }
0x8e: {  	[smem:$0x3FC2] =	sst s2  }
0x8f: {  	_ = 	snop  }
0x90: {  	(tm) =	ssettm $0x1  }
0x91: {  	s17 =	sld [smem:$0x3FFB];
	_ =	sdelay $0x3  }
0x92: {  	_ =	strace s17  }
0x93: {  	s2 =	sld [smem:$0x3FFC];
	_ =	sdelay $0x3  }
0x94: {  	_ =	strace s2  }
0x95: {  	s2 =	sld [smem:$0x3FFD];
	_ =	sdelay $0x3  }
0x96: {  	_ =	strace s2  }
0x97: {  	_ =	strace $0x8FFFFFFF  }
0x98: {  	s18 =	sld [smem:$0x3FDB];
	_ =	sdelay $0x1  }
0x99: {  	s19 =	simm.s32 $_scs_section_size  }
0x9a: {  	s4 =	simm.s32 $_size__tile_overlayer_lowered;
	s5 =	simm.s32 $_tile_overlayer_lowered  }
0x9b: {  	s22 =	simm.s32 $0x1BFF;
	s21 =	sshll.u32 s5, $0x1;
	s2 =	sadd.s32 s19, s18  }
0x9c: {  	s6 =	simm.s32 $0x0;
	s20 =	sshll.u32 s4, $0x1;
	s4 =	sadd.s32 s21, s2  }
0x9d: {  	[timem:s6], [sflag:s22] =	dma.local [hbm:s4], s20  }
0x9e: {  	_ =	swait.ge [sflag:s22], s20  }
0x9f: {  	s3 =	ssub.s32 $0x0, s20;
	[sflag:s22] =	ssyncset.done $0x0  }
0xa0: {  	[sflag:s22] =	ssyncadd.s32 s3;
	_ =	sdelay $0x1  }
0xa1: {  	s23 =	simm.s32 $0x1B8B  }
0xa2: {  	_ =	swait.ge [sflag:s23], $0x1  }
0xa3: {  	[sflag:s23] =	ssyncset.done $0x0  }
0xa4: {  	s25 =	simm.s32 $0x1B8E;
	s24 =	sld [smem:$0x3FFE];
	[sflag:s23] =	ssyncadd.s32 $0xFFFFFFFF  }
0xa5: {  	s26 =	simm.s32 $execute0_lowered;
	[smem:$0x3FD2] =	sst s25  }
0xa6: {  	s4 =	sshll.u32 s26, $0x1;
	_ =	strace $0x80000046;
	[dreg:$0x1] =	wrdreg $0xFFFFFFFF  }
0xa7: {  	s28 =	simm.s32 $_size_execute0_lowered;
	s2 =	sadd.s32 s2, s4;
	[dreg:$0x0] =	wrdreg $0x0  }
0xa8: {  	s4 =	sshll.u32 s28, $0x1;
	[dreg:$0x2] =	wrdreg s2  }
0xa9: {  	[dreg:$0x3] =	wrdreg s4  }
0xaa: {  	[dreg:$0x4] =	wrdreg $0xC0  }
0xab: {  	_ =	task [dreg:s6], $0x5FFFF  }
0xac: {  	[dreg:$0x1] =	wrdreg $0xFFFFFFFF  }
0xad: {  	[dreg:$0x0] =	wrdreg $0x60  }
0xae: {  	[dreg:$0x2] =	wrdreg s24  }
0xaf: {  	[dreg:$0x3] =	wrdreg $0x0  }
0xb0: {  	[dreg:$0x4] =	wrdreg $0x9  }
0xb1: {  	_ =	task.clear_ibuf [dreg:s6], $0x5FFFF;
	_ =	strace $0x90000046  }
0xb2: {  	s29 =	simm.s32 $0x9;
	_ =	strace $0x80000048  }
0xb3: {  	_ =	swait.ge [sflag:s29], $0x1  }
0xb4: {  	[sflag:s29] =	ssyncadd.s32 $0xFFFFFFFF  }
0xb5: {  	_ =	strace $0x90000048  }
0xb6: {  	_ =	sfence  }
0xb7: {  	s30 =	sld [smem:$0x0];
	_ =	sdelay $0x2  }
0xb8: {  	s31 =	sshll.u32 s1, $0xD;
	s1 =	sshrl.u32 s1, $0x2  }
0xb9: {  	s3 =	sand.u32 $0x4000, s31;
	s1 =	sadd.s32 s1, s30  }
0xba: {  	s0 =	sor.u32 s3, s0;
	s1 =	sshll.u32 s1, $0x11  }
0xbb: {  	s0 =	sor.u32 s1, s0  }
0xbc: {  	s0 =	sadd.s32 $0x8F2B, s0  }
0xbd: {  	[sflag:s0] =	ssyncadd.remote.s32 $0x1  }
0xbe: {  	_ =	sfence.sel $0xFFFF  }
0xbf: {  	[dreg:$0x0] =	wrdreg $0xFFFFFFFF;
	(pc) =	sbr.abs _section_cstart, $3  }
0xc0: {  	[dreg:$0x1] =	wrdreg $0xFFFFFFFF  }
0xc1: {  	_ =	task.clear_ibuf [dreg:s6], $0x2FFFF;
	_ =	strace $0x9FFFFFFF  }
0xc2: {  	(tm) =	ssettm $0x7FFFFFFF  }
0xc3: {  	_ =	shalt  }
tec
execute0_lowered:
.L_overlay_start_1:
0x0: {  	(tag) =	ssettag $0x1  }
0x1: {  	s1 =	srdreg.scid;
	s4 =	rddreg [dreg:$0x0]  }
0x2: {  	s0 =	stileid.u32;
	s2 =	rddreg [dreg:$0x1]  }
0x3: {  	s3 =	simm.s32 $0x0;
	s11 =	simm.s32 $0x80;
	s12 =	simm.s32 $0x1C80  }
0x4: {  	s13 =	simm.s32 $0x1900;
	s14 =	simm.s32 $0x1980;
	s15 =	simm.s32 $0x1A00  }
0x5: {  	s16 =	simm.s32 $0x1A80;
	s17 =	simm.s32 $0x1B00;
	s18 =	simm.s32 $0x1B80  }
0x6: {  	s19 =	simm.s32 $0x1C00;
	s20 =	simm.s32 $0x1;
	s6 =	smul.u32 $0x186, s0  }
0x7: {  	s23 =	simm.s32 $0x0;
	s5 =	sand.u32 $0x1, s1;
	s29 =	smul.u32 $0x6200, s0  }
0x8: {  	s7 =	sshll.u32 s0, $0x1;
	s1 =	rddreg [dreg:$0x2];
	s22 =	smul.u32 $0x620, s0  }
0x9: {  	[smem:$0x7FF] =	sst s3;
	p0 =	slt.u32 s0, $0x5;
	s8 =	smul.u32 $0xC3, s5  }
0xa: {  	s7 =	sor.u32 s5, s7;
	_ =	strace $0x80000047;
	s28 =	ssub.s32 $0x2, s5  }
0xb: {  	s5 =	sshll.u32 s5, $0x4;
	s7 =	smin.u32 s7, $0xA;
	s30 =	sshrl.u32 s28, $0x1  }
0xc: {  	s10 =	sadd.s32 s5, s4;
	s31 =	sshrl.u32 s29, $0x2;
	s5 =	simm.s32 $0xC4  }
0xd: {  	s6 =	sadd.s32 s8, s6;
	s5 =	simm.s32 @!p0 $0xC3;
	s21 =	sadd.s32 $0x189800, s10  }
0xe: {  	s8 =	simm.s32 $0x1D00;
	s10 =	simm.s32 $0x1880;
	s6 =	sadd.s32 s7, s6  }
0xf: {  	s21 =	sadd.s32 s22, s21;
	s22 =	simm.s32 $0x100;
	s6 =	sshll.u32 s6, $0x7  }
0x10: {  	s9 =	sadd.s32 s6, s4;
	s6 =	ssub.s32 s28, s30;
	s4 =	sadd.s32 s31, s2  }
0x11: {  	v0 =	vimm.f32 $0.0e+00;
	v1 =	vimm.f32 $1.000000000e+00;
	s6 =	smax.u32 s6, $0x1;
	s7 =	sadd.s32 $0xC6200, s9;
	s9 =	simm.s32 $0x2  }
.LBB2_1:
0x12: {  	s24 =	simm.s32 $0x40;
	s25 =	simm.s32 $0x0  }
.LBB2_2:
0x13: {  	p0 =	sne.s32 s24, $0x61C0;
	[tilespmem:s25+$0x1D00] =	vst v0;
	s25 =	smov.u32 s24;
	s24 =	sadd.s32 $0x40, s24  }
.Ltmp0:
0x14: {  	(pc) =	sbr.rel @p0 .LBB2_2-.Ltmp0, $2  }
0x15: {  	_ =	sdelay $0x2  }
0x16: {  	s25 =	sshra.s32 s25, $0x2  }
0x17: {  	[tilespmem:s25+$0x1D00] =	vst v0  }
0x18: {  	[spmem:s4] =	stream.linear.scatter [tilespmem:s8], [sflag:$0x2], $0x1880, $0x38;
	[tilespmem:$0x3580] =	vst v63  }
0x19: {  	_ =	swait.ge [sflag:s9], $0x1880  }
0x1a: {  	[sflag:s9] =	ssyncset.done $0x0  }
0x1b: {  	[sflag:s9] =	ssyncadd.s32 $0xFFFFE780  }
0x1c: {  	[tilespmem:$0x1C80] =	vst v1  }
0x1d: {  	[tilespmem:$0x1C90] =	vst v1  }
0x1e: {  	[tilespmem:$0x1CA0] =	vst v1  }
0x1f: {  	[tilespmem:$0x1CB0] =	vst v1  }
0x20: {  	[tilespmem:$0x1CC0] =	vst v1  }
0x21: {  	[tilespmem:$0x1CD0] =	vst v1  }
0x22: {  	[tilespmem:$0x1CE0] =	vst v1  }
0x23: {  	[tilespmem:$0x1CF0] =	vst v1  }
0x24: {  	[bflag:$0x0] =	sbarrier.arrive $0xFFFF  }
0x25: {  	[tilespmem:s10], [sflag:$0x2] =	stream.linear.gather [hbm4b:s7+s3], $0x400, $0x38;
	[tilespmem:$0x3580] =	vst v63  }
0x26: {  	_ =	swait.ge [sflag:s9], $0x400  }
0x27: {  	[sflag:s9] =	ssyncset.done $0x0  }
0x28: {  	[sflag:s9] =	ssyncadd.s32 $0xFFFFFC00  }
0x29: {  	[spmem:s2] =	stream.indirect.scatter.add.f32 [tilespmem:s12], [sflag:$0x1], $0x1, s10, s11, $0xb8;
	[tilespmem:$0x3580] =	vst v63  }
0x2a: {  	_ = 	snop  }
0x2b: {  	[spmem:s2] =	stream.indirect.scatter.add.f32 [tilespmem:s12], [sflag:$0x1], $0x1, s13, s11, $0xb8;
	[tilespmem:$0x3580] =	vst v63  }
0x2c: {  	_ = 	snop  }
0x2d: {  	[spmem:s2] =	stream.indirect.scatter.add.f32 [tilespmem:s12], [sflag:$0x1], $0x1, s14, s11, $0xb8;
	[tilespmem:$0x3580] =	vst v63  }
0x2e: {  	_ = 	snop  }
0x2f: {  	[spmem:s2] =	stream.indirect.scatter.add.f32 [tilespmem:s12], [sflag:$0x1], $0x1, s15, s11, $0xb8;
	[tilespmem:$0x3580] =	vst v63  }
0x30: {  	_ = 	snop  }
0x31: {  	[spmem:s2] =	stream.indirect.scatter.add.f32 [tilespmem:s12], [sflag:$0x1], $0x1, s16, s11, $0xb8;
	[tilespmem:$0x3580] =	vst v63  }
0x32: {  	_ = 	snop  }
0x33: {  	[spmem:s2] =	stream.indirect.scatter.add.f32 [tilespmem:s12], [sflag:$0x1], $0x1, s17, s11, $0xb8;
	[tilespmem:$0x3580] =	vst v63  }
0x34: {  	_ = 	snop  }
0x35: {  	[spmem:s2] =	stream.indirect.scatter.add.f32 [tilespmem:s12], [sflag:$0x1], $0x1, s18, s11, $0xb8;
	[tilespmem:$0x3580] =	vst v63  }
0x36: {  	_ = 	snop  }
0x37: {  	[spmem:s2] =	stream.indirect.scatter.add.f32 [tilespmem:s12], [sflag:$0x1], $0x1, s19, s11, $0xb8;
	[tilespmem:$0x3580] =	vst v63  }
0x38: {  	_ =	swait.ge [sflag:s20], $0x80  }
0x39: {  	[sflag:s20] =	ssyncset.done $0x0  }
0x3a: {  	[sflag:s20] =	ssyncadd.s32 $0xFFFFFF80  }
0x3b: {  	_ =	swait.ge [sflag:s20], $0x80  }
0x3c: {  	[sflag:s20] =	ssyncset.done $0x0  }
0x3d: {  	[sflag:s20] =	ssyncadd.s32 $0xFFFFFF80  }
0x3e: {  	_ =	swait.ge [sflag:s20], $0x80  }
0x3f: {  	[sflag:s20] =	ssyncset.done $0x0  }
0x40: {  	[sflag:s20] =	ssyncadd.s32 $0xFFFFFF80  }
0x41: {  	_ =	swait.ge [sflag:s20], $0x80  }
0x42: {  	[sflag:s20] =	ssyncset.done $0x0  }
0x43: {  	[sflag:s20] =	ssyncadd.s32 $0xFFFFFF80  }
0x44: {  	_ =	swait.ge [sflag:s20], $0x80  }
0x45: {  	[sflag:s20] =	ssyncset.done $0x0  }
0x46: {  	[sflag:s20] =	ssyncadd.s32 $0xFFFFFF80  }
0x47: {  	_ =	swait.ge [sflag:s20], $0x80  }
0x48: {  	[sflag:s20] =	ssyncset.done $0x0  }
0x49: {  	p0 =	sne.s32 s5, $0x1;
	[sflag:s20] =	ssyncadd.s32 $0xFFFFFF80  }
.Ltmp1:
0x4a: {  	_ =	swait.ge [sflag:s20], $0x80;
	(pc) =	sbr.rel @!p0 .LBB2_5-.Ltmp1, $4  }
0x4b: {  	[sflag:s20] =	ssyncset.done $0x0  }
0x4c: {  	[sflag:s20] =	ssyncadd.s32 $0xFFFFFF80  }
0x4d: {  	_ =	swait.ge [sflag:s20], $0x80  }
0x4e: {  	s24 =	sadd.s32 $0xFFFFFFFF, s5;
	s25 =	smov.u32 s7;
	[sflag:s20] =	ssyncset.done $0x0  }
.LBB2_4:
0x4f: {  	p0 =	sne.s32 s24, $0x1;
	[sflag:s20] =	ssyncadd.s32 $0xFFFFFF80;
	s25 =	sadd.s32 $0x80, s25  }
0x50: {  	[tilespmem:s10], [sflag:$0x2] =	stream.linear.gather [hbm4b:s25+s3], $0x400, $0x38;
	[tilespmem:$0x3580] =	vst v63  }
0x51: {  	s24 =	sadd.s32 $0xFFFFFFFF, s24;
	_ =	swait.ge [sflag:s9], $0x400  }
0x52: {  	[sflag:s9] =	ssyncset.done $0x0  }
0x53: {  	[sflag:s9] =	ssyncadd.s32 $0xFFFFFC00  }
0x54: {  	[spmem:s2] =	stream.indirect.scatter.add.f32 [tilespmem:s12], [sflag:$0x1], $0x1, s10, s11, $0xb8;
	[tilespmem:$0x3580] =	vst v63  }
0x55: {  	_ = 	snop  }
0x56: {  	[spmem:s2] =	stream.indirect.scatter.add.f32 [tilespmem:s12], [sflag:$0x1], $0x1, s13, s11, $0xb8;
	[tilespmem:$0x3580] =	vst v63  }
0x57: {  	_ = 	snop  }
0x58: {  	[spmem:s2] =	stream.indirect.scatter.add.f32 [tilespmem:s12], [sflag:$0x1], $0x1, s14, s11, $0xb8;
	[tilespmem:$0x3580] =	vst v63  }
0x59: {  	_ = 	snop  }
0x5a: {  	[spmem:s2] =	stream.indirect.scatter.add.f32 [tilespmem:s12], [sflag:$0x1], $0x1, s15, s11, $0xb8;
	[tilespmem:$0x3580] =	vst v63  }
0x5b: {  	_ = 	snop  }
0x5c: {  	[spmem:s2] =	stream.indirect.scatter.add.f32 [tilespmem:s12], [sflag:$0x1], $0x1, s16, s11, $0xb8;
	[tilespmem:$0x3580] =	vst v63  }
0x5d: {  	_ = 	snop  }
0x5e: {  	[spmem:s2] =	stream.indirect.scatter.add.f32 [tilespmem:s12], [sflag:$0x1], $0x1, s17, s11, $0xb8;
	[tilespmem:$0x3580] =	vst v63  }
0x5f: {  	_ = 	snop  }
0x60: {  	[spmem:s2] =	stream.indirect.scatter.add.f32 [tilespmem:s12], [sflag:$0x1], $0x1, s18, s11, $0xb8;
	[tilespmem:$0x3580] =	vst v63  }
0x61: {  	_ = 	snop  }
0x62: {  	[spmem:s2] =	stream.indirect.scatter.add.f32 [tilespmem:s12], [sflag:$0x1], $0x1, s19, s11, $0xb8;
	[tilespmem:$0x3580] =	vst v63  }
0x63: {  	_ =	swait.ge [sflag:s20], $0x80  }
0x64: {  	[sflag:s20] =	ssyncset.done $0x0  }
0x65: {  	[sflag:s20] =	ssyncadd.s32 $0xFFFFFF80  }
0x66: {  	_ =	swait.ge [sflag:s20], $0x80  }
0x67: {  	[sflag:s20] =	ssyncset.done $0x0  }
0x68: {  	[sflag:s20] =	ssyncadd.s32 $0xFFFFFF80  }
0x69: {  	_ =	swait.ge [sflag:s20], $0x80  }
0x6a: {  	[sflag:s20] =	ssyncset.done $0x0  }
0x6b: {  	[sflag:s20] =	ssyncadd.s32 $0xFFFFFF80  }
0x6c: {  	_ =	swait.ge [sflag:s20], $0x80  }
0x6d: {  	[sflag:s20] =	ssyncset.done $0x0  }
0x6e: {  	[sflag:s20] =	ssyncadd.s32 $0xFFFFFF80  }
0x6f: {  	_ =	swait.ge [sflag:s20], $0x80  }
0x70: {  	[sflag:s20] =	ssyncset.done $0x0  }
0x71: {  	[sflag:s20] =	ssyncadd.s32 $0xFFFFFF80  }
0x72: {  	_ =	swait.ge [sflag:s20], $0x80  }
0x73: {  	[sflag:s20] =	ssyncset.done $0x0  }
0x74: {  	[sflag:s20] =	ssyncadd.s32 $0xFFFFFF80  }
.Ltmp2:
0x75: {  	_ =	swait.ge [sflag:s20], $0x80;
	(pc) =	sbr.rel @p0 .LBB2_4-.Ltmp2, $4  }
0x76: {  	[sflag:s20] =	ssyncset.done $0x0  }
0x77: {  	[sflag:s20] =	ssyncadd.s32 $0xFFFFFF80  }
0x78: {  	_ =	swait.ge [sflag:s20], $0x80  }
0x79: {  	[sflag:s20] =	ssyncset.done $0x0  }
.LBB2_5:
0x7a: {  	[sflag:s20] =	ssyncadd.s32 $0xFFFFFF80  }
0x7b: {  	[bflag:$0x0] =	sbarrier.arrive $0xFFFF  }
0x7c: {  	[tilespmem:s8], [sflag:$0x2] =	stream.linear.gather [spmem:s4], $0x1880, $0x38;
	[tilespmem:$0x3580] =	vst v63  }
0x7d: {  	s23 =	sadd.s32 $0x1, s23;
	_ =	swait.ge [sflag:s9], $0x1880  }
0x7e: {  	p0 =	sne.s32 s23, s6;
	[sflag:s9] =	ssyncset.done $0x0  }
.Ltmp3:
0x7f: {  	[sflag:s9] =	ssyncadd.s32 $0xFFFFE780;
	(pc) =	sbr.rel @p0 .LBB2_1-.Ltmp3, $4  }
0x80: {  	[hbm4b:s21+s11] =	stream.strided.scatter [tilespmem:s8], [sflag:$0x2], $0x1880, s22, s11, $0x38;
	[tilespmem:$0x3580] =	vst v63  }
0x81: {  	_ =	swait.ge [sflag:s9], $0x1880  }
0x82: {  	[sflag:s9] =	ssyncset.done $0x0  }
0x83: {  	[sflag:s9] =	ssyncadd.s32 $0xFFFFE780  }
0x84: {  	_ =	sfence.sel $0x180000  }
0x85: {  	[bflag:$0x0] =	sbarrier.arrive $0xFFFF  }
0x86: {  	p0 =	sne.s32 s0, $0x0;
	_ =	strace $0x90000047  }
0x87: {  	s0 =	sadd.s32 @!p0 $0x100000, s1;
	[bflag:$0x2] =	sbarrier.arrive $0xFFFF  }
0x88: {  	[sflag:s0] =	ssyncadd.tile.s32 @!p0 $0x1;
	_ =	shalt  }
.Lfunc_end2:
_tile_overlayer_lowered:
.L_overlay_start_2:
0x89: {  	(tag) =	ssettag $0x2  }
0x8a: {  	s0 =	rddreg [dreg:$0x0];
	s2 =	stileid.u32  }
0x8b: {  	s1 =	rddreg [dreg:$0x1];
	p0 =	sne.s32 s2, $0x0  }
0x8c: {  	s3 =	rddreg [dreg:$0x2];
	[bflag:$0x3] =	sbarrier.arrive $0xFFFF;
	s2 =	simm.s32 @!p0 $0x1C02  }
0x8d: {  	[timem:s3], [sflag:s2] =	dma.local @!p0 [hbm:s0], s1  }
0x8e: {  	s0 =	simm.s32 @!p0 $0x2  }
0x8f: {  	_ =	swait.ge @!p0 [sflag:s0], s1  }
0x90: {  	s1 =	ssub.s32 @!p0 $0x0, s1;
	[sflag:s0] =	ssyncset.done @!p0 $0x0  }
0x91: {  	[sflag:s0] =	ssyncadd.s32 @!p0 s1  }
0x92: {  	[bflag:$0x3] =	sbarrier.arrive $0xFFFF  }
0x93: {  	_ =	shalt  }

</sc_bundles>
